<compile_context>
chip_gen: v7x
topology: tpu7x:2x2x1
jax: 0.10.2.dev20260603
libtpu: 0.0.44.dev20260713+nightly
codegen_flags: <defaults>
</compile_context>

<pallas_src>
import jax
import jax.numpy as jnp
from jax import lax
from jax.experimental import pallas as pl
from jax.experimental.pallas import tpu as pltpu
from jax.experimental.pallas import tpu_sc as plsc


_BK = 512
_NK = 65536
_NQ = 1024
_NBLK = _NK // _BK
_NWORK = 32
_QPW = _NQ // _NWORK
_BIG = 2**30


def _phase1_body(q_ref, kt_ref, dist_ref, hi_ref, mb_ref, y2_ref, x2_ref,
                 m_ref):
    i = pl.program_id(0)
    nblk = pl.num_programs(0)

    qx = q_ref[:, 0:1]
    qy = q_ref[:, 1:2]
    qz = q_ref[:, 2:3]
    x2 = (qx * qx + qy * qy) + qz * qz

    kx = kt_ref[0:1, :]
    ky = kt_ref[1:2, :]
    kz = kt_ref[2:3, :]
    y2 = (kx * kx + ky * ky) + kz * kz

    qb = q_ref[...].astype(jnp.bfloat16) * jnp.bfloat16(-2)
    kb = kt_ref[...].astype(jnp.bfloat16)
    t = jax.lax.dot_general(
        qb, kb, (((1,), (0,)), ((), ())),
        preferred_element_type=jnp.float32)
    d2 = (x2 + y2) + t

    bm = jnp.min(d2, axis=1, keepdims=True)
    mb_ref[...] = bm[None]
    y2_ref[...] = y2[None]
    x2_ref[...] = x2

    @pl.when(i == 0)
    def _init():
        m_ref[...] = bm

    @pl.when(i > 0)
    def _update():
        m_ref[...] = jnp.minimum(m_ref[...], bm)

    @pl.when(i == nblk - 1)
    def _finalize():
        m = m_ref[...]
        mc = jnp.maximum(m, 1e-12)
        s = jnp.sqrt(mc)
        dist_ref[...] = s
        p = s * s
        pi = lax.bitcast_convert_type(p, jnp.int32)
        hi = mc
        for u in range(-4, 5):
            xu = lax.bitcast_convert_type(pi + u, jnp.float32)
            ok = jnp.sqrt(xu) <= s
            hi = jnp.maximum(hi, jnp.where(ok, xu, mc))
        hi_ref[...] = hi


def _phase2_body(hi_hbm, mb_hbm, qtm_hbm, kc_hbm, x2_hbm, y2_hbm, out_hbm,
                 hi_v, mb_v, qtm_v, x2_v, kc_v, y2_v, res_v):
    c = lax.axis_index("c")
    s_ = lax.axis_index("s")
    wid = s_ * 2 + c
    base = wid * _QPW

    pltpu.sync_copy(hi_hbm.at[pl.ds(base, _QPW)], hi_v.at[pl.ds(0, _QPW)])
    pltpu.sync_copy(mb_hbm.at[pl.ds(base, _QPW)], mb_v)
    pltpu.sync_copy(qtm_hbm.at[:, pl.ds(base, _QPW)],
                    qtm_v.at[:, pl.ds(0, _QPW)])
    pltpu.sync_copy(x2_hbm.at[pl.ds(base, _QPW)], x2_v.at[pl.ds(0, _QPW)])

    iota = lax.iota(jnp.int32, 16)
    iotaf = iota.astype(jnp.float32)
    bigf = jnp.full((16,), 16777216.0, jnp.float32)
    clipv = jnp.full((16,), 1e-12, jnp.float32)

    def qbody(i, carry):
        r0, r1 = carry
        hi_q = hi_v[pl.ds(i, 16)][0]
        bhi = jnp.full((16,), hi_q, jnp.float32)

        bmin = bigf
        for cch in range(_NBLK // 16):
            mbv = mb_v[i, pl.ds(cch * 16, 16)]
            mbc = jnp.maximum(mbv, clipv)
            cand = jnp.where(mbc <= bhi, cch * 16 + iotaf, bigf)
            bmin = jnp.minimum(bmin, cand)
        bstar = jnp.min(bmin).astype(jnp.int32)

        off = pl.multiple_of(bstar * _BK, _BK)
        pltpu.sync_copy(kc_hbm.at[:, pl.ds(off, _BK)], kc_v)
        pltpu.sync_copy(y2_hbm.at[bstar], y2_v)

        def bfr(x):
            u = lax.bitcast_convert_type(x, jnp.int32)
            r = (u + 0x7FFF + ((u >> 16) & 1)) & (-65536)
            return lax.bitcast_convert_type(r, jnp.float32)

        bqxm = bfr(jnp.full((16,), qtm_v[0, pl.ds(i, 16)][0], jnp.float32)) * -2.0
        bqym = bfr(jnp.full((16,), qtm_v[1, pl.ds(i, 16)][0], jnp.float32)) * -2.0
        bqzm = bfr(jnp.full((16,), qtm_v[2, pl.ds(i, 16)][0], jnp.float32)) * -2.0
        bx2 = jnp.full((16,), x2_v[pl.ds(i, 16)][0], jnp.float32)
        amask = bx2 == bx2

        rmin = bigf
        for j in range(_BK // 16):
            sl = pl.ds(j * 16, 16)
            kxv = kc_v[0, sl]
            kyv = kc_v[1, sl]
            kzv = kc_v[2, sl]
            y2 = y2_v[sl]
            def armor(x):
                return jnp.where(amask, x, bigf)

            p0 = bqxm * bfr(kxv)
            p1 = bqym * bfr(kyv)
            p2 = bqzm * bfr(kzv)
            s1 = armor(p0 + p1)
            bb1 = armor(s1 - p0)
            e1 = armor(p0 - (s1 - bb1)) + armor(p1 - bb1)
            s2 = armor(s1 + p2)
            bb2 = armor(s2 - s1)
            e2 = armor(s1 - (s2 - bb2)) + armor(p2 - bb2)
            t = s2 + armor(e1 + e2)
            d2 = (bx2 + y2) + t
            d2c = jnp.maximum(d2, clipv)
            cand = jnp.where(d2c <= bhi, j * 16 + iotaf, bigf)
            rmin = jnp.minimum(rmin, cand)
        fi = jnp.min(rmin).astype(jnp.int32)
        res = bstar * _BK + fi

        lane = jnp.where(iota == (i & 15), res, 0)
        grp = i >> 4
        r0 = jnp.where(jnp.full((16,), grp == 0), r0 | lane, r0)
        r1 = jnp.where(jnp.full((16,), grp == 1), r1 | lane, r1)
        return (r0, r1)

    z = jnp.zeros((16,), jnp.int32)
    r0, r1 = lax.fori_loop(0, _QPW, qbody, (z, z))
    res_v[pl.ds(0, 16)] = r0
    res_v[pl.ds(16, 16)] = r1
    pltpu.sync_copy(res_v, out_hbm.at[pl.ds(base, _QPW)])


def kernel(queries, keys, k):
    q, dim = queries.shape
    pdim = 8
    queries_p = jnp.pad(queries, ((0, 0), (0, pdim - dim)))
    keys_t = jnp.pad(keys.T, ((0, pdim - dim), (0, 0)))

    dist, hi, mb, y2a, x2o = pl.pallas_call(
        _phase1_body,
        grid=(_NBLK,),
        in_specs=[
            pl.BlockSpec((q, pdim), lambda i: (0, 0)),
            pl.BlockSpec((pdim, _BK), lambda i: (0, i)),
        ],
        out_specs=[
            pl.BlockSpec((q, 1), lambda i: (0, 0)),
            pl.BlockSpec((q, 1), lambda i: (0, 0)),
            pl.BlockSpec((1, q, 1), lambda i: (i, 0, 0)),
            pl.BlockSpec((1, 1, _BK), lambda i: (i, 0, 0)),
            pl.BlockSpec((q, 1), lambda i: (0, 0)),
        ],
        out_shape=[
            jax.ShapeDtypeStruct((q, 1), jnp.float32),
            jax.ShapeDtypeStruct((q, 1), jnp.float32),
            jax.ShapeDtypeStruct((_NBLK, q, 1), jnp.float32),
            jax.ShapeDtypeStruct((_NBLK, 1, _BK), jnp.float32),
            jax.ShapeDtypeStruct((q, 1), jnp.float32),
        ],
        scratch_shapes=[
            pltpu.VMEM((q, 1), jnp.float32),
        ],
    )(queries_p, keys_t)

    kcomb = keys.T
    qtm = queries.T

    mesh = plsc.VectorSubcoreMesh(core_axis_name="c", subcore_axis_name="s")
    phase2 = pl.kernel(
        _phase2_body,
        mesh=mesh,
        out_type=jax.ShapeDtypeStruct((q,), jnp.int32),
        compiler_params=pltpu.CompilerParams(needs_layout_passes=False),
        scratch_types=[
            pltpu.VMEM((_QPW + 16,), jnp.float32),
            pltpu.VMEM((_QPW, _NBLK), jnp.float32),
            pltpu.VMEM((3, _QPW + 16), jnp.float32),
            pltpu.VMEM((_QPW + 16,), jnp.float32),
            pltpu.VMEM((3, _BK), jnp.float32),
            pltpu.VMEM((_BK,), jnp.float32),
            pltpu.VMEM((_QPW,), jnp.int32),
        ],
    )
    mb_t = mb.reshape(_NBLK, q).T
    idxs = phase2(hi[:, 0], mb_t, qtm, kcomb,
                  x2o[:, 0], y2a.reshape(_NBLK, _BK))

    idx = idxs[:, None] + (jnp.asarray(k, dtype=idxs.dtype) - 1)
    return (dist, idx, idx[:, 0])

# --- scband reference (transcript-rebuilt; emitter-appended) ---
"""Pipeline reference for scband-geo-transformer-26577257627872 (READ-ONLY COPY).

The authoritative reference and input builder live on the scoring server;
editing this copy changes nothing except your own understanding.
"""

import jax, jax.numpy as jnp
import numpy as np


def setup_inputs(seed: int = 0) -> dict:
    key = jax.random.key(seed)
    k1, k2 = jax.random.split(key)
    queries = jax.random.normal(k1, (1024, 3), dtype=jnp.float32)
    keys = jax.random.normal(k2, (65536, 3), dtype=jnp.float32)
    return {"queries": queries, "keys": keys, "k": 1}


def pairwise_distance(x, y):
    # squared euclidean distance matrix, matches GeoTransformer's pairwise_distance
    x2 = jnp.sum(x * x, axis=-1, keepdims=True)          # [Q, 1]
    y2 = jnp.sum(y * y, axis=-1, keepdims=True).T        # [1, K]
    d2 = x2 + y2 - 2.0 * (x @ y.T)                        # [Q, K]
    return jnp.clip(d2, 1e-12, None)


def reference(queries, keys, k):
    # dist_map = sqrt(pairwise_distance(prior_corr_points, points_f))
    # est_idx = dist_map.topk(k, largest=False) -> nearest-neighbor retrieval
    d = jnp.sqrt(pairwise_distance(queries, keys))        # [Q, K]
    k_static = 1
    neg_vals, idx = jax.lax.top_k(-d, k_static)           # smallest-k via top_k on negated dists
    idx = idx + (jnp.asarray(k, dtype=idx.dtype) - k_static)
    topk_dists = -neg_vals                                # [Q, k]
    nn_idx = idx[:, 0]                                    # [Q] nearest index, as in topk(...)[1][0, :, 0]
    return (topk_dists, idx, nn_idx)

if __name__ == "__main__":
    import jax
    _d = setup_inputs()
    print(jax.jit(kernel)(*tuple(_d.values())))

</pallas_src>

<mosaic_0001>
#map = affine_map<(d0, d1) -> (0)>
#map1 = affine_map<(d0, d1) -> (0, 0)>
module attributes {stable_mosaic.version = 14 : i64} {
  func.func @_phase2_body(%arg0: i32, %arg1: i32, %arg2: memref<1024xf32, #tpu.memory_space<hbm>>, %arg3: memref<1024x128xf32, #tpu.memory_space<hbm>>, %arg4: memref<3x1024xf32, #tpu.memory_space<hbm>>, %arg5: memref<3x65536xf32, #tpu.memory_space<hbm>>, %arg6: memref<1024xf32, #tpu.memory_space<hbm>>, %arg7: memref<128x512xf32, #tpu.memory_space<hbm>>, %arg8: memref<1024xi32, #tpu.memory_space<hbm>>, %arg9: memref<48xf32, #tpu.memory_space<vmem>>, %arg10: memref<32x128xf32, #tpu.memory_space<vmem>>, %arg11: memref<3x48xf32, #tpu.memory_space<vmem>>, %arg12: memref<48xf32, #tpu.memory_space<vmem>>, %arg13: memref<3x512xf32, #tpu.memory_space<vmem>>, %arg14: memref<512xf32, #tpu.memory_space<vmem>>, %arg15: memref<32xi32, #tpu.memory_space<vmem>>) attributes {dimension_semantics = [#tpu.dimension_semantics<core_parallel>, #tpu.dimension_semantics<subcore_parallel>], iteration_bounds = array<i64: 2, 16>, scalar_prefetch = 0 : i64, scratch_operands = 7 : i64, tpu.core_type = #tpu.core_type<sc_vector_subcore>, window_params = [{transform_indices = #map}, {transform_indices = #map1}, {transform_indices = #map1}, {transform_indices = #map1}, {transform_indices = #map}, {transform_indices = #map1}, {transform_indices = #map}]} {
    %mul3A = arith.constant 2 : i32
    %mul3A_0 = arith.muli %arg1, %mul3A : i32
    %add3A = arith.addi %mul3A_0, %arg0 : i32
    %mul3A_1 = arith.constant 32 : i32
    %mul3A_2 = arith.muli %add3A, %mul3A_1 : i32
    "tpu.region"() ({
      %run_scoped3A = tpu.sem_alloc : memref<!tpu.dma_semaphore, #tpu.memory_space<semaphore_mem>>
      %dma_start3A = arith.constant 0 : i32
      %dma_start3A_16 = tpu.memref_slice %arg9[%dma_start3A] : memref<48xf32, #tpu.memory_space<vmem>> -> memref<32xf32, #tpu.memory_space<vmem>>
      %dma_start3A_17 = tpu.memref_slice %arg2[%mul3A_2] : memref<1024xf32, #tpu.memory_space<hbm>> -> memref<32xf32, #tpu.memory_space<hbm>>
      %dma_start3A_18 = arith.constant 0 : i32
      %dma_start3A_19 = tpu.memref_slice %arg9[%dma_start3A_18] : memref<48xf32, #tpu.memory_space<vmem>> -> memref<32xf32, #tpu.memory_space<vmem>>
      %dma_start3A_20 = tpu.memref_slice %arg2[%mul3A_2] : memref<1024xf32, #tpu.memory_space<hbm>> -> memref<32xf32, #tpu.memory_space<hbm>>
      tpu.enqueue_dma source(%dma_start3A_20 : memref<32xf32, #tpu.memory_space<hbm>>) target(%dma_start3A_19 : memref<32xf32, #tpu.memory_space<vmem>>) target_semaphore(%run_scoped3A : memref<!tpu.dma_semaphore, #tpu.memory_space<semaphore_mem>>)
      %dma_wait3A = arith.constant 0 : i32
      %dma_wait3A_21 = tpu.memref_slice %arg9[%dma_wait3A] : memref<48xf32, #tpu.memory_space<vmem>> -> memref<32xf32, #tpu.memory_space<vmem>>
      %dma_wait3A_22 = tpu.memref_slice %arg2[%mul3A_2] : memref<1024xf32, #tpu.memory_space<hbm>> -> memref<32xf32, #tpu.memory_space<hbm>>
      %dma_wait3A_23 = arith.constant 0 : i32
      %dma_wait3A_24 = tpu.memref_slice %arg9[%dma_wait3A_23] : memref<48xf32, #tpu.memory_space<vmem>> -> memref<32xf32, #tpu.memory_space<vmem>>
      %dma_wait3A_25 = tpu.memref_slice %arg2[%mul3A_2] : memref<1024xf32, #tpu.memory_space<hbm>> -> memref<32xf32, #tpu.memory_space<hbm>>
      tpu.wait_dma2 semaphore(%run_scoped3A : memref<!tpu.dma_semaphore, #tpu.memory_space<semaphore_mem>>) src(%dma_wait3A_25 : memref<32xf32, #tpu.memory_space<hbm>>) dst(%dma_wait3A_24 : memref<32xf32, #tpu.memory_space<vmem>>)
      tpu.yield
    }) : () -> ()
    "tpu.region"() ({
      %run_scoped3A = tpu.sem_alloc : memref<!tpu.dma_semaphore, #tpu.memory_space<semaphore_mem>>
      %dma_start3A = arith.constant 0 : i32
      %dma_start3A_16 = tpu.memref_slice %arg3[%mul3A_2, %dma_start3A] : memref<1024x128xf32, #tpu.memory_space<hbm>> -> memref<32x128xf32, #tpu.memory_space<hbm>>
      %dma_start3A_17 = arith.constant 0 : i32
      %dma_start3A_18 = tpu.memref_slice %arg3[%mul3A_2, %dma_start3A_17] : memref<1024x128xf32, #tpu.memory_space<hbm>> -> memref<32x128xf32, #tpu.memory_space<hbm>>
      tpu.enqueue_dma source(%dma_start3A_18 : memref<32x128xf32, #tpu.memory_space<hbm>>) target(%arg10 : memref<32x128xf32, #tpu.memory_space<vmem>>) target_semaphore(%run_scoped3A : memref<!tpu.dma_semaphore, #tpu.memory_space<semaphore_mem>>)
      %dma_wait3A = arith.constant 0 : i32
      %dma_wait3A_19 = tpu.memref_slice %arg3[%mul3A_2, %dma_wait3A] : memref<1024x128xf32, #tpu.memory_space<hbm>> -> memref<32x128xf32, #tpu.memory_space<hbm>>
      %dma_wait3A_20 = arith.constant 0 : i32
      %dma_wait3A_21 = tpu.memref_slice %arg3[%mul3A_2, %dma_wait3A_20] : memref<1024x128xf32, #tpu.memory_space<hbm>> -> memref<32x128xf32, #tpu.memory_space<hbm>>
      tpu.wait_dma2 semaphore(%run_scoped3A : memref<!tpu.dma_semaphore, #tpu.memory_space<semaphore_mem>>) src(%dma_wait3A_21 : memref<32x128xf32, #tpu.memory_space<hbm>>) dst(%arg10 : memref<32x128xf32, #tpu.memory_space<vmem>>)
      tpu.yield
    }) : () -> ()
    "tpu.region"() ({
      %run_scoped3A = tpu.sem_alloc : memref<!tpu.dma_semaphore, #tpu.memory_space<semaphore_mem>>
      %dma_start3A = arith.constant 0 : i32
      %dma_start3A_16 = arith.constant 0 : i32
      %dma_start3A_17 = tpu.memref_slice %arg11[%dma_start3A, %dma_start3A_16] : memref<3x48xf32, #tpu.memory_space<vmem>> -> memref<3x32xf32, #tpu.memory_space<vmem>>
      %dma_start3A_18 = arith.constant 0 : i32
      %dma_start3A_19 = tpu.memref_slice %arg4[%dma_start3A_18, %mul3A_2] : memref<3x1024xf32, #tpu.memory_space<hbm>> -> memref<3x32xf32, #tpu.memory_space<hbm>>
      %dma_start3A_20 = arith.constant 0 : i32
      %dma_start3A_21 = arith.constant 0 : i32
      %dma_start3A_22 = tpu.memref_slice %arg11[%dma_start3A_20, %dma_start3A_21] : memref<3x48xf32, #tpu.memory_space<vmem>> -> memref<3x32xf32, #tpu.memory_space<vmem>>
      %dma_start3A_23 = arith.constant 0 : i32
      %dma_start3A_24 = tpu.memref_slice %arg4[%dma_start3A_23, %mul3A_2] : memref<3x1024xf32, #tpu.memory_space<hbm>> -> memref<3x32xf32, #tpu.memory_space<hbm>>
      tpu.enqueue_dma source(%dma_start3A_24 : memref<3x32xf32, #tpu.memory_space<hbm>>) target(%dma_start3A_22 : memref<3x32xf32, #tpu.memory_space<vmem>>) target_semaphore(%run_scoped3A : memref<!tpu.dma_semaphore, #tpu.memory_space<semaphore_mem>>)
      %dma_wait3A = arith.constant 0 : i32
      %dma_wait3A_25 = arith.constant 0 : i32
      %dma_wait3A_26 = tpu.memref_slice %arg11[%dma_wait3A, %dma_wait3A_25] : memref<3x48xf32, #tpu.memory_space<vmem>> -> memref<3x32xf32, #tpu.memory_space<vmem>>
      %dma_wait3A_27 = arith.constant 0 : i32
      %dma_wait3A_28 = tpu.memref_slice %arg4[%dma_wait3A_27, %mul3A_2] : memref<3x1024xf32, #tpu.memory_space<hbm>> -> memref<3x32xf32, #tpu.memory_space<hbm>>
      %dma_wait3A_29 = arith.constant 0 : i32
      %dma_wait3A_30 = arith.constant 0 : i32
      %dma_wait3A_31 = tpu.memref_slice %arg11[%dma_wait3A_29, %dma_wait3A_30] : memref<3x48xf32, #tpu.memory_space<vmem>> -> memref<3x32xf32, #tpu.memory_space<vmem>>
      %dma_wait3A_32 = arith.constant 0 : i32
      %dma_wait3A_33 = tpu.memref_slice %arg4[%dma_wait3A_32, %mul3A_2] : memref<3x1024xf32, #tpu.memory_space<hbm>> -> memref<3x32xf32, #tpu.memory_space<hbm>>
      tpu.wait_dma2 semaphore(%run_scoped3A : memref<!tpu.dma_semaphore, #tpu.memory_space<semaphore_mem>>) src(%dma_wait3A_33 : memref<3x32xf32, #tpu.memory_space<hbm>>) dst(%dma_wait3A_31 : memref<3x32xf32, #tpu.memory_space<vmem>>)
      tpu.yield
    }) : () -> ()
    "tpu.region"() ({
      %run_scoped3A = tpu.sem_alloc : memref<!tpu.dma_semaphore, #tpu.memory_space<semaphore_mem>>
      %dma_start3A = arith.constant 0 : i32
      %dma_start3A_16 = tpu.memref_slice %arg12[%dma_start3A] : memref<48xf32, #tpu.memory_space<vmem>> -> memref<32xf32, #tpu.memory_space<vmem>>
      %dma_start3A_17 = tpu.memref_slice %arg6[%mul3A_2] : memref<1024xf32, #tpu.memory_space<hbm>> -> memref<32xf32, #tpu.memory_space<hbm>>
      %dma_start3A_18 = arith.constant 0 : i32
      %dma_start3A_19 = tpu.memref_slice %arg12[%dma_start3A_18] : memref<48xf32, #tpu.memory_space<vmem>> -> memref<32xf32, #tpu.memory_space<vmem>>
      %dma_start3A_20 = tpu.memref_slice %arg6[%mul3A_2] : memref<1024xf32, #tpu.memory_space<hbm>> -> memref<32xf32, #tpu.memory_space<hbm>>
      tpu.enqueue_dma source(%dma_start3A_20 : memref<32xf32, #tpu.memory_space<hbm>>) target(%dma_start3A_19 : memref<32xf32, #tpu.memory_space<vmem>>) target_semaphore(%run_scoped3A : memref<!tpu.dma_semaphore, #tpu.memory_space<semaphore_mem>>)
      %dma_wait3A = arith.constant 0 : i32
      %dma_wait3A_21 = tpu.memref_slice %arg12[%dma_wait3A] : memref<48xf32, #tpu.memory_space<vmem>> -> memref<32xf32, #tpu.memory_space<vmem>>
      %dma_wait3A_22 = tpu.memref_slice %arg6[%mul3A_2] : memref<1024xf32, #tpu.memory_space<hbm>> -> memref<32xf32, #tpu.memory_space<hbm>>
      %dma_wait3A_23 = arith.constant 0 : i32
      %dma_wait3A_24 = tpu.memref_slice %arg12[%dma_wait3A_23] : memref<48xf32, #tpu.memory_space<vmem>> -> memref<32xf32, #tpu.memory_space<vmem>>
      %dma_wait3A_25 = tpu.memref_slice %arg6[%mul3A_2] : memref<1024xf32, #tpu.memory_space<hbm>> -> memref<32xf32, #tpu.memory_space<hbm>>
      tpu.wait_dma2 semaphore(%run_scoped3A : memref<!tpu.dma_semaphore, #tpu.memory_space<semaphore_mem>>) src(%dma_wait3A_25 : memref<32xf32, #tpu.memory_space<hbm>>) dst(%dma_wait3A_24 : memref<32xf32, #tpu.memory_space<vmem>>)
      tpu.yield
    }) : () -> ()
    %iota3A = tpu.iota {dimensions = array<i32: 0>} : vector<16xi32>
    %convert_element_type3A = arith.sitofp %iota3A : vector<16xi32> to vector<16xf32>
    %broadcast_in_dim3A = arith.constant 0x4B800000 : f32
    %broadcast_in_dim3A_3 = vector.broadcast %broadcast_in_dim3A : f32 to vector<16xf32>
    %broadcast_in_dim3A_4 = arith.constant 9.99999996E-13 : f32
    %broadcast_in_dim3A_5 = vector.broadcast %broadcast_in_dim3A_4 : f32 to vector<16xf32>
    %broadcast_in_dim3A_6 = arith.constant 0 : i32
    %broadcast_in_dim3A_7 = vector.broadcast %broadcast_in_dim3A_6 : i32 to vector<16xi32>
    %scan3A = arith.constant 0 : i32
    %scan3A_8 = arith.constant 32 : i32
    %scan3A_9 = arith.addi %scan3A, %scan3A_8 : i32
    %scan3A_10 = arith.constant 1 : i32
    %scan3A_11:2 = scf.for %scan3A_16 = %scan3A to %scan3A_9 step %scan3A_10 iter_args(%scan3A_17 = %broadcast_in_dim3A_7, %scan3A_18 = %broadcast_in_dim3A_7) -> (vector<16xi32>, vector<16xi32>)  : i32 {
      %get3A = arith.index_cast %scan3A_16 : i32 to index
      %get3A_19 = tpu.vector_load %arg9[%get3A] {strides = array<i32>} : memref<48xf32, #tpu.memory_space<vmem>>, vector<16xf32>,
      %slice3A = vector.extract_strided_slice %get3A_19 {offsets = [0], sizes = [1], strides = [1]} : vector<16xf32> to vector<1xf32>
      %squeeze3A = vector.extract %slice3A[0] : f32 from vector<1xf32>
      %broadcast_in_dim3A_20 = vector.broadcast %squeeze3A : f32 to vector<16xf32>
      %get3A_21 = arith.index_cast %scan3A_16 : i32 to index
      %get3A_22 = arith.constant 0 : index
      %get3A_23 = tpu.vector_load %arg10[%get3A_21, %get3A_22] {strides = array<i32>} : memref<32x128xf32, #tpu.memory_space<vmem>>, vector<16xf32>,
      %max3A = arith.maximumf %get3A_23, %broadcast_in_dim3A_5 : vector<16xf32>
      %le3A = arith.cmpf ole, %max3A, %broadcast_in_dim3A_20 : vector<16xf32>
      %add3A_24 = arith.constant 0.000000e+00 : f32
      %add3A_25 = vector.broadcast %add3A_24 : f32 to vector<16xf32>
      %add3A_26 = arith.addf %add3A_25, %convert_element_type3A : vector<16xf32>
      %select_n3A = arith.select %le3A, %add3A_26, %broadcast_in_dim3A_3 : vector<16xi1>, vector<16xf32>
      %min3A = arith.minimumf %broadcast_in_dim3A_3, %select_n3A : vector<16xf32>
      %get3A_27 = arith.index_cast %scan3A_16 : i32 to index
      %get3A_28 = arith.constant 16 : index
      %get3A_29 = tpu.vector_load %arg10[%get3A_27, %get3A_28] {strides = array<i32>} : memref<32x128xf32, #tpu.memory_space<vmem>>, vector<16xf32>,
      %max3A_30 = arith.maximumf %get3A_29, %broadcast_in_dim3A_5 : vector<16xf32>
      %le3A_31 = arith.cmpf ole, %max3A_30, %broadcast_in_dim3A_20 : vector<16xf32>
      %add3A_32 = arith.constant 1.600000e+01 : f32
      %add3A_33 = vector.broadcast %add3A_32 : f32 to vector<16xf32>
      %add3A_34 = arith.addf %add3A_33, %convert_element_type3A : vector<16xf32>
      %select_n3A_35 = arith.select %le3A_31, %add3A_34, %broadcast_in_dim3A_3 : vector<16xi1>, vector<16xf32>
      %min3A_36 = arith.minimumf %min3A, %select_n3A_35 : vector<16xf32>
      %get3A_37 = arith.index_cast %scan3A_16 : i32 to index
      %get3A_38 = arith.constant 32 : index
      %get3A_39 = tpu.vector_load %arg10[%get3A_37, %get3A_38] {strides = array<i32>} : memref<32x128xf32, #tpu.memory_space<vmem>>, vector<16xf32>,
      %max3A_40 = arith.maximumf %get3A_39, %broadcast_in_dim3A_5 : vector<16xf32>
      %le3A_41 = arith.cmpf ole, %max3A_40, %broadcast_in_dim3A_20 : vector<16xf32>
      %add3A_42 = arith.constant 3.200000e+01 : f32
      %add3A_43 = vector.broadcast %add3A_42 : f32 to vector<16xf32>
      %add3A_44 = arith.addf %add3A_43, %convert_element_type3A : vector<16xf32>
      %select_n3A_45 = arith.select %le3A_41, %add3A_44, %broadcast_in_dim3A_3 : vector<16xi1>, vector<16xf32>
      %min3A_46 = arith.minimumf %min3A_36, %select_n3A_45 : vector<16xf32>
      %get3A_47 = arith.index_cast %scan3A_16 : i32 to index
      %get3A_48 = arith.constant 48 : index
      %get3A_49 = tpu.vector_load %arg10[%get3A_47, %get3A_48] {strides = array<i32>} : memref<32x128xf32, #tpu.memory_space<vmem>>, vector<16xf32>,
      %max3A_50 = arith.maximumf %get3A_49, %broadcast_in_dim3A_5 : vector<16xf32>
      %le3A_51 = arith.cmpf ole, %max3A_50, %broadcast_in_dim3A_20 : vector<16xf32>
      %add3A_52 = arith.constant 4.800000e+01 : f32
      %add3A_53 = vector.broadcast %add3A_52 : f32 to vector<16xf32>
      %add3A_54 = arith.addf %add3A_53, %convert_element_type3A : vector<16xf32>
      %select_n3A_55 = arith.select %le3A_51, %add3A_54, %broadcast_in_dim3A_3 : vector<16xi1>, vector<16xf32>
      %min3A_56 = arith.minimumf %min3A_46, %select_n3A_55 : vector<16xf32>
      %get3A_57 = arith.index_cast %scan3A_16 : i32 to index
      %get3A_58 = arith.constant 64 : index
      %get3A_59 = tpu.vector_load %arg10[%get3A_57, %get3A_58] {strides = array<i32>} : memref<32x128xf32, #tpu.memory_space<vmem>>, vector<16xf32>,
      %max3A_60 = arith.maximumf %get3A_59, %broadcast_in_dim3A_5 : vector<16xf32>
      %le3A_61 = arith.cmpf ole, %max3A_60, %broadcast_in_dim3A_20 : vector<16xf32>
      %add3A_62 = arith.constant 6.400000e+01 : f32
      %add3A_63 = vector.broadcast %add3A_62 : f32 to vector<16xf32>
      %add3A_64 = arith.addf %add3A_63, %convert_element_type3A : vector<16xf32>
      %select_n3A_65 = arith.select %le3A_61, %add3A_64, %broadcast_in_dim3A_3 : vector<16xi1>, vector<16xf32>
      %min3A_66 = arith.minimumf %min3A_56, %select_n3A_65 : vector<16xf32>
      %get3A_67 = arith.index_cast %scan3A_16 : i32 to index
      %get3A_68 = arith.constant 80 : index
      %get3A_69 = tpu.vector_load %arg10[%get3A_67, %get3A_68] {strides = array<i32>} : memref<32x128xf32, #tpu.memory_space<vmem>>, vector<16xf32>,
      %max3A_70 = arith.maximumf %get3A_69, %broadcast_in_dim3A_5 : vector<16xf32>
      %le3A_71 = arith.cmpf ole, %max3A_70, %broadcast_in_dim3A_20 : vector<16xf32>
      %add3A_72 = arith.constant 8.000000e+01 : f32
      %add3A_73 = vector.broadcast %add3A_72 : f32 to vector<16xf32>
      %add3A_74 = arith.addf %add3A_73, %convert_element_type3A : vector<16xf32>
      %select_n3A_75 = arith.select %le3A_71, %add3A_74, %broadcast_in_dim3A_3 : vector<16xi1>, vector<16xf32>
      %min3A_76 = arith.minimumf %min3A_66, %select_n3A_75 : vector<16xf32>
      %get3A_77 = arith.index_cast %scan3A_16 : i32 to index
      %get3A_78 = arith.constant 96 : index
      %get3A_79 = tpu.vector_load %arg10[%get3A_77, %get3A_78] {strides = array<i32>} : memref<32x128xf32, #tpu.memory_space<vmem>>, vector<16xf32>,
      %max3A_80 = arith.maximumf %get3A_79, %broadcast_in_dim3A_5 : vector<16xf32>
      %le3A_81 = arith.cmpf ole, %max3A_80, %broadcast_in_dim3A_20 : vector<16xf32>
      %add3A_82 = arith.constant 9.600000e+01 : f32
      %add3A_83 = vector.broadcast %add3A_82 : f32 to vector<16xf32>
      %add3A_84 = arith.addf %add3A_83, %convert_element_type3A : vector<16xf32>
      %select_n3A_85 = arith.select %le3A_81, %add3A_84, %broadcast_in_dim3A_3 : vector<16xi1>, vector<16xf32>
      %min3A_86 = arith.minimumf %min3A_76, %select_n3A_85 : vector<16xf32>
      %get3A_87 = arith.index_cast %scan3A_16 : i32 to index
      %get3A_88 = arith.constant 112 : index
      %get3A_89 = tpu.vector_load %arg10[%get3A_87, %get3A_88] {strides = array<i32>} : memref<32x128xf32, #tpu.memory_space<vmem>>, vector<16xf32>,
      %max3A_90 = arith.maximumf %get3A_89, %broadcast_in_dim3A_5 : vector<16xf32>
      %le3A_91 = arith.cmpf ole, %max3A_90, %broadcast_in_dim3A_20 : vector<16xf32>
      %add3A_92 = arith.constant 1.120000e+02 : f32
      %add3A_93 = vector.broadcast %add3A_92 : f32 to vector<16xf32>
      %add3A_94 = arith.addf %add3A_93, %convert_element_type3A : vector<16xf32>
      %select_n3A_95 = arith.select %le3A_91, %add3A_94, %broadcast_in_dim3A_3 : vector<16xi1>, vector<16xf32>
      %min3A_96 = arith.minimumf %min3A_86, %select_n3A_95 : vector<16xf32>
      %reduce_min3A = arith.constant true
      %reduce_min3A_97 = vector.broadcast %reduce_min3A : i1 to vector<16xi1>
      %reduce_min3A_98 = tpu.scan <min>, %min3A_96 masked %reduce_min3A_97 : vector<16xf32>, vector<16xi1> -> vector<16xf32>
      %reduce_min3A_99 = vector.extract %reduce_min3A_98[15] : f32 from vector<16xf32>
      %convert_element_type3A_100 = arith.fptosi %reduce_min3A_99 : f32 to i32
      %mul3A_101 = arith.constant 512 : i32
      %mul3A_102 = arith.muli %convert_element_type3A_100, %mul3A_101 : i32
      %multiple_of3A = tpu.assume_multiple %mul3A_102, 512 : i32
      "tpu.region"() ({
        %run_scoped3A = tpu.sem_alloc : memref<!tpu.dma_semaphore, #tpu.memory_space<semaphore_mem>>
        %dma_start3A = arith.constant 0 : i32
        %dma_start3A_3213 = tpu.memref_slice %arg5[%dma_start3A, %multiple_of3A] : memref<3x65536xf32, #tpu.memory_space<hbm>> -> memref<3x512xf32, #tpu.memory_space<hbm>>
        %dma_start3A_3214 = arith.constant 0 : i32
        %dma_start3A_3215 = tpu.memref_slice %arg5[%dma_start3A_3214, %multiple_of3A] : memref<3x65536xf32, #tpu.memory_space<hbm>> -> memref<3x512xf32, #tpu.memory_space<hbm>>
        tpu.enqueue_dma source(%dma_start3A_3215 : memref<3x512xf32, #tpu.memory_space<hbm>>) target(%arg13 : memref<3x512xf32, #tpu.memory_space<vmem>>) target_semaphore(%run_scoped3A : memref<!tpu.dma_semaphore, #tpu.memory_space<semaphore_mem>>)
        %dma_wait3A = arith.constant 0 : i32
        %dma_wait3A_3216 = tpu.memref_slice %arg5[%dma_wait3A, %multiple_of3A] : memref<3x65536xf32, #tpu.memory_space<hbm>> -> memref<3x512xf32, #tpu.memory_space<hbm>>
        %dma_wait3A_3217 = arith.constant 0 : i32
        %dma_wait3A_3218 = tpu.memref_slice %arg5[%dma_wait3A_3217, %multiple_of3A] : memref<3x65536xf32, #tpu.memory_space<hbm>> -> memref<3x512xf32, #tpu.memory_space<hbm>>
        tpu.wait_dma2 semaphore(%run_scoped3A : memref<!tpu.dma_semaphore, #tpu.memory_space<semaphore_mem>>) src(%dma_wait3A_3218 : memref<3x512xf32, #tpu.memory_space<hbm>>) dst(%arg13 : memref<3x512xf32, #tpu.memory_space<vmem>>)
        tpu.yield
      }) : () -> ()
      "tpu.region"() ({
        %run_scoped3A = tpu.sem_alloc : memref<!tpu.dma_semaphore, #tpu.memory_space<semaphore_mem>>
        %dma_start3A = arith.constant 0 : i32
        %dma_start3A_3213 = tpu.memref_slice %arg7[%convert_element_type3A_100, %dma_start3A] : memref<128x512xf32, #tpu.memory_space<hbm>> -> memref<1x512xf32, #tpu.memory_space<hbm>>
        %dma_start3A_3214 = tpu.memref_squeeze %dma_start3A_3213 : memref<1x512xf32, #tpu.memory_space<hbm>> -> memref<512xf32, #tpu.memory_space<hbm>>
        %dma_start3A_3215 = arith.constant 0 : i32
        %dma_start3A_3216 = tpu.memref_slice %arg7[%convert_element_type3A_100, %dma_start3A_3215] : memref<128x512xf32, #tpu.memory_space<hbm>> -> memref<1x512xf32, #tpu.memory_space<hbm>>
        %dma_start3A_3217 = tpu.memref_squeeze %dma_start3A_3216 : memref<1x512xf32, #tpu.memory_space<hbm>> -> memref<512xf32, #tpu.memory_space<hbm>>
        tpu.enqueue_dma source(%dma_start3A_3217 : memref<512xf32, #tpu.memory_space<hbm>>) target(%arg14 : memref<512xf32, #tpu.memory_space<vmem>>) target_semaphore(%run_scoped3A : memref<!tpu.dma_semaphore, #tpu.memory_space<semaphore_mem>>)
        %dma_wait3A = arith.constant 0 : i32
        %dma_wait3A_3218 = tpu.memref_slice %arg7[%convert_element_type3A_100, %dma_wait3A] : memref<128x512xf32, #tpu.memory_space<hbm>> -> memref<1x512xf32, #tpu.memory_space<hbm>>
        %dma_wait3A_3219 = tpu.memref_squeeze %dma_wait3A_3218 : memref<1x512xf32, #tpu.memory_space<hbm>> -> memref<512xf32, #tpu.memory_space<hbm>>
        %dma_wait3A_3220 = arith.constant 0 : i32
        %dma_wait3A_3221 = tpu.memref_slice %arg7[%convert_element_type3A_100, %dma_wait3A_3220] : memref<128x512xf32, #tpu.memory_space<hbm>> -> memref<1x512xf32, #tpu.memory_space<hbm>>
        %dma_wait3A_3222 = tpu.memref_squeeze %dma_wait3A_3221 : memref<1x512xf32, #tpu.memory_space<hbm>> -> memref<512xf32, #tpu.memory_space<hbm>>
        tpu.wait_dma2 semaphore(%run_scoped3A : memref<!tpu.dma_semaphore, #tpu.memory_space<semaphore_mem>>) src(%dma_wait3A_3222 : memref<512xf32, #tpu.memory_space<hbm>>) dst(%arg14 : memref<512xf32, #tpu.memory_space<vmem>>)
        tpu.yield
      }) : () -> ()
      %get3A_103 = arith.constant 0 : i32
      %get3A_104 = arith.index_cast %get3A_103 : i32 to index
      %get3A_105 = arith.index_cast %scan3A_16 : i32 to index
      %get3A_106 = tpu.vector_load %arg11[%get3A_104, %get3A_105] {strides = array<i32>} : memref<3x48xf32, #tpu.memory_space<vmem>>, vector<16xf32>,
      %slice3A_107 = vector.extract_strided_slice %get3A_106 {offsets = [0], sizes = [1], strides = [1]} : vector<16xf32> to vector<1xf32>
      %squeeze3A_108 = vector.extract %slice3A_107[0] : f32 from vector<1xf32>
      %broadcast_in_dim3A_109 = vector.broadcast %squeeze3A_108 : f32 to vector<16xf32>
      %bitcast_convert_type3A = tpu.bitcast %broadcast_in_dim3A_109 : vector<16xf32> -> vector<16xi32>
      %add3A_110 = arith.constant 32767 : i32
      %add3A_111 = vector.broadcast %add3A_110 : i32 to vector<16xi32>
      %add3A_112 = arith.addi %bitcast_convert_type3A, %add3A_111 : vector<16xi32>
      %shift_right_arithmetic3A = arith.constant 16 : i32
      %shift_right_arithmetic3A_113 = vector.broadcast %shift_right_arithmetic3A : i32 to vector<16xi32>
      %shift_right_arithmetic3A_114 = arith.shrsi %bitcast_convert_type3A, %shift_right_arithmetic3A_113 : vector<16xi32>
      %and3A = arith.constant 1 : i32
      %and3A_115 = vector.broadcast %and3A : i32 to vector<16xi32>
      %and3A_116 = arith.andi %shift_right_arithmetic3A_114, %and3A_115 : vector<16xi32>
      %add3A_117 = arith.addi %add3A_112, %and3A_116 : vector<16xi32>
      %and3A_118 = arith.constant -65536 : i32
      %and3A_119 = vector.broadcast %and3A_118 : i32 to vector<16xi32>
      %and3A_120 = arith.andi %add3A_117, %and3A_119 : vector<16xi32>
      %bitcast_convert_type3A_121 = tpu.bitcast %and3A_120 : vector<16xi32> -> vector<16xf32>
      %mul3A_122 = arith.constant -2.000000e+00 : f32
      %mul3A_123 = vector.broadcast %mul3A_122 : f32 to vector<16xf32>
      %mul3A_124 = arith.mulf %bitcast_convert_type3A_121, %mul3A_123 : vector<16xf32>
      %get3A_125 = arith.constant 1 : i32
      %get3A_126 = arith.index_cast %get3A_125 : i32 to index
      %get3A_127 = arith.index_cast %scan3A_16 : i32 to index
      %get3A_128 = tpu.vector_load %arg11[%get3A_126, %get3A_127] {strides = array<i32>} : memref<3x48xf32, #tpu.memory_space<vmem>>, vector<16xf32>,
      %slice3A_129 = vector.extract_strided_slice %get3A_128 {offsets = [0], sizes = [1], strides = [1]} : vector<16xf32> to vector<1xf32>
      %squeeze3A_130 = vector.extract %slice3A_129[0] : f32 from vector<1xf32>
      %broadcast_in_dim3A_131 = vector.broadcast %squeeze3A_130 : f32 to vector<16xf32>
      %bitcast_convert_type3A_132 = tpu.bitcast %broadcast_in_dim3A_131 : vector<16xf32> -> vector<16xi32>
      %add3A_133 = arith.constant 32767 : i32
      %add3A_134 = vector.broadcast %add3A_133 : i32 to vector<16xi32>
      %add3A_135 = arith.addi %bitcast_convert_type3A_132, %add3A_134 : vector<16xi32>
      %shift_right_arithmetic3A_136 = arith.constant 16 : i32
      %shift_right_arithmetic3A_137 = vector.broadcast %shift_right_arithmetic3A_136 : i32 to vector<16xi32>
      %shift_right_arithmetic3A_138 = arith.shrsi %bitcast_convert_type3A_132, %shift_right_arithmetic3A_137 : vector<16xi32>
      %and3A_139 = arith.constant 1 : i32
      %and3A_140 = vector.broadcast %and3A_139 : i32 to vector<16xi32>
      %and3A_141 = arith.andi %shift_right_arithmetic3A_138, %and3A_140 : vector<16xi32>
      %add3A_142 = arith.addi %add3A_135, %and3A_141 : vector<16xi32>
      %and3A_143 = arith.constant -65536 : i32
      %and3A_144 = vector.broadcast %and3A_143 : i32 to vector<16xi32>
      %and3A_145 = arith.andi %add3A_142, %and3A_144 : vector<16xi32>
      %bitcast_convert_type3A_146 = tpu.bitcast %and3A_145 : vector<16xi32> -> vector<16xf32>
      %mul3A_147 = arith.constant -2.000000e+00 : f32
      %mul3A_148 = vector.broadcast %mul3A_147 : f32 to vector<16xf32>
      %mul3A_149 = arith.mulf %bitcast_convert_type3A_146, %mul3A_148 : vector<16xf32>
      %get3A_150 = arith.constant 2 : i32
      %get3A_151 = arith.index_cast %get3A_150 : i32 to index
      %get3A_152 = arith.index_cast %scan3A_16 : i32 to index
      %get3A_153 = tpu.vector_load %arg11[%get3A_151, %get3A_152] {strides = array<i32>} : memref<3x48xf32, #tpu.memory_space<vmem>>, vector<16xf32>,
      %slice3A_154 = vector.extract_strided_slice %get3A_153 {offsets = [0], sizes = [1], strides = [1]} : vector<16xf32> to vector<1xf32>
      %squeeze3A_155 = vector.extract %slice3A_154[0] : f32 from vector<1xf32>
      %broadcast_in_dim3A_156 = vector.broadcast %squeeze3A_155 : f32 to vector<16xf32>
      %bitcast_convert_type3A_157 = tpu.bitcast %broadcast_in_dim3A_156 : vector<16xf32> -> vector<16xi32>
      %add3A_158 = arith.constant 32767 : i32
      %add3A_159 = vector.broadcast %add3A_158 : i32 to vector<16xi32>
      %add3A_160 = arith.addi %bitcast_convert_type3A_157, %add3A_159 : vector<16xi32>
      %shift_right_arithmetic3A_161 = arith.constant 16 : i32
      %shift_right_arithmetic3A_162 = vector.broadcast %shift_right_arithmetic3A_161 : i32 to vector<16xi32>
      %shift_right_arithmetic3A_163 = arith.shrsi %bitcast_convert_type3A_157, %shift_right_arithmetic3A_162 : vector<16xi32>
      %and3A_164 = arith.constant 1 : i32
      %and3A_165 = vector.broadcast %and3A_164 : i32 to vector<16xi32>
      %and3A_166 = arith.andi %shift_right_arithmetic3A_163, %and3A_165 : vector<16xi32>
      %add3A_167 = arith.addi %add3A_160, %and3A_166 : vector<16xi32>
      %and3A_168 = arith.constant -65536 : i32
      %and3A_169 = vector.broadcast %and3A_168 : i32 to vector<16xi32>
      %and3A_170 = arith.andi %add3A_167, %and3A_169 : vector<16xi32>
      %bitcast_convert_type3A_171 = tpu.bitcast %and3A_170 : vector<16xi32> -> vector<16xf32>
      %mul3A_172 = arith.constant -2.000000e+00 : f32
      %mul3A_173 = vector.broadcast %mul3A_172 : f32 to vector<16xf32>
      %mul3A_174 = arith.mulf %bitcast_convert_type3A_171, %mul3A_173 : vector<16xf32>
      %get3A_175 = arith.index_cast %scan3A_16 : i32 to index
      %get3A_176 = tpu.vector_load %arg12[%get3A_175] {strides = array<i32>} : memref<48xf32, #tpu.memory_space<vmem>>, vector<16xf32>,
      %slice3A_177 = vector.extract_strided_slice %get3A_176 {offsets = [0], sizes = [1], strides = [1]} : vector<16xf32> to vector<1xf32>
      %squeeze3A_178 = vector.extract %slice3A_177[0] : f32 from vector<1xf32>
      %broadcast_in_dim3A_179 = vector.broadcast %squeeze3A_178 : f32 to vector<16xf32>
      %eq3A = arith.cmpf oeq, %broadcast_in_dim3A_179, %broadcast_in_dim3A_179 : vector<16xf32>
      %get3A_180 = arith.constant 0 : i32
      %get3A_181 = arith.index_cast %get3A_180 : i32 to index
      %get3A_182 = arith.constant 0 : index
      %get3A_183 = tpu.vector_load %arg13[%get3A_181, %get3A_182] {strides = array<i32>} : memref<3x512xf32, #tpu.memory_space<vmem>>, vector<16xf32>,
      %get3A_184 = arith.constant 1 : i32
      %get3A_185 = arith.index_cast %get3A_184 : i32 to index
      %get3A_186 = arith.constant 0 : index
      %get3A_187 = tpu.vector_load %arg13[%get3A_185, %get3A_186] {strides = array<i32>} : memref<3x512xf32, #tpu.memory_space<vmem>>, vector<16xf32>,
      %get3A_188 = arith.constant 2 : i32
      %get3A_189 = arith.index_cast %get3A_188 : i32 to index
      %get3A_190 = arith.constant 0 : index
      %get3A_191 = tpu.vector_load %arg13[%get3A_189, %get3A_190] {strides = array<i32>} : memref<3x512xf32, #tpu.memory_space<vmem>>, vector<16xf32>,
      %get3A_192 = arith.constant 0 : index
      %get3A_193 = tpu.vector_load %arg14[%get3A_192] {strides = array<i32>} : memref<512xf32, #tpu.memory_space<vmem>>, vector<16xf32>,
      %bitcast_convert_type3A_194 = tpu.bitcast %get3A_183 : vector<16xf32> -> vector<16xi32>
      %add3A_195 = arith.constant 32767 : i32
      %add3A_196 = vector.broadcast %add3A_195 : i32 to vector<16xi32>
      %add3A_197 = arith.addi %bitcast_convert_type3A_194, %add3A_196 : vector<16xi32>
      %shift_right_arithmetic3A_198 = arith.constant 16 : i32
      %shift_right_arithmetic3A_199 = vector.broadcast %shift_right_arithmetic3A_198 : i32 to vector<16xi32>
      %shift_right_arithmetic3A_200 = arith.shrsi %bitcast_convert_type3A_194, %shift_right_arithmetic3A_199 : vector<16xi32>
      %and3A_201 = arith.constant 1 : i32
      %and3A_202 = vector.broadcast %and3A_201 : i32 to vector<16xi32>
      %and3A_203 = arith.andi %shift_right_arithmetic3A_200, %and3A_202 : vector<16xi32>
      %add3A_204 = arith.addi %add3A_197, %and3A_203 : vector<16xi32>
      %and3A_205 = arith.constant -65536 : i32
      %and3A_206 = vector.broadcast %and3A_205 : i32 to vector<16xi32>
      %and3A_207 = arith.andi %add3A_204, %and3A_206 : vector<16xi32>
      %bitcast_convert_type3A_208 = tpu.bitcast %and3A_207 : vector<16xi32> -> vector<16xf32>
      %mul3A_209 = arith.mulf %mul3A_124, %bitcast_convert_type3A_208 : vector<16xf32>
      %bitcast_convert_type3A_210 = tpu.bitcast %get3A_187 : vector<16xf32> -> vector<16xi32>
      %add3A_211 = arith.constant 32767 : i32
      %add3A_212 = vector.broadcast %add3A_211 : i32 to vector<16xi32>
      %add3A_213 = arith.addi %bitcast_convert_type3A_210, %add3A_212 : vector<16xi32>
      %shift_right_arithmetic3A_214 = arith.constant 16 : i32
      %shift_right_arithmetic3A_215 = vector.broadcast %shift_right_arithmetic3A_214 : i32 to vector<16xi32>
      %shift_right_arithmetic3A_216 = arith.shrsi %bitcast_convert_type3A_210, %shift_right_arithmetic3A_215 : vector<16xi32>
      %and3A_217 = arith.constant 1 : i32
      %and3A_218 = vector.broadcast %and3A_217 : i32 to vector<16xi32>
      %and3A_219 = arith.andi %shift_right_arithmetic3A_216, %and3A_218 : vector<16xi32>
      %add3A_220 = arith.addi %add3A_213, %and3A_219 : vector<16xi32>
      %and3A_221 = arith.constant -65536 : i32
      %and3A_222 = vector.broadcast %and3A_221 : i32 to vector<16xi32>
      %and3A_223 = arith.andi %add3A_220, %and3A_222 : vector<16xi32>
      %bitcast_convert_type3A_224 = tpu.bitcast %and3A_223 : vector<16xi32> -> vector<16xf32>
      %mul3A_225 = arith.mulf %mul3A_149, %bitcast_convert_type3A_224 : vector<16xf32>
      %bitcast_convert_type3A_226 = tpu.bitcast %get3A_191 : vector<16xf32> -> vector<16xi32>
      %add3A_227 = arith.constant 32767 : i32
      %add3A_228 = vector.broadcast %add3A_227 : i32 to vector<16xi32>
      %add3A_229 = arith.addi %bitcast_convert_type3A_226, %add3A_228 : vector<16xi32>
      %shift_right_arithmetic3A_230 = arith.constant 16 : i32
      %shift_right_arithmetic3A_231 = vector.broadcast %shift_right_arithmetic3A_230 : i32 to vector<16xi32>
      %shift_right_arithmetic3A_232 = arith.shrsi %bitcast_convert_type3A_226, %shift_right_arithmetic3A_231 : vector<16xi32>
      %and3A_233 = arith.constant 1 : i32
      %and3A_234 = vector.broadcast %and3A_233 : i32 to vector<16xi32>
      %and3A_235 = arith.andi %shift_right_arithmetic3A_232, %and3A_234 : vector<16xi32>
      %add3A_236 = arith.addi %add3A_229, %and3A_235 : vector<16xi32>
      %and3A_237 = arith.constant -65536 : i32
      %and3A_238 = vector.broadcast %and3A_237 : i32 to vector<16xi32>
      %and3A_239 = arith.andi %add3A_236, %and3A_238 : vector<16xi32>
      %bitcast_convert_type3A_240 = tpu.bitcast %and3A_239 : vector<16xi32> -> vector<16xf32>
      %mul3A_241 = arith.mulf %mul3A_174, %bitcast_convert_type3A_240 : vector<16xf32>
      %add3A_242 = arith.addf %mul3A_209, %mul3A_225 : vector<16xf32>
      %select_n3A_243 = arith.select %eq3A, %add3A_242, %broadcast_in_dim3A_3 : vector<16xi1>, vector<16xf32>
      %sub3A = arith.subf %select_n3A_243, %mul3A_209 : vector<16xf32>
      %select_n3A_244 = arith.select %eq3A, %sub3A, %broadcast_in_dim3A_3 : vector<16xi1>, vector<16xf32>
      %sub3A_245 = arith.subf %select_n3A_243, %select_n3A_244 : vector<16xf32>
      %sub3A_246 = arith.subf %mul3A_209, %sub3A_245 : vector<16xf32>
      %select_n3A_247 = arith.select %eq3A, %sub3A_246, %broadcast_in_dim3A_3 : vector<16xi1>, vector<16xf32>
      %sub3A_248 = arith.subf %mul3A_225, %select_n3A_244 : vector<16xf32>
      %select_n3A_249 = arith.select %eq3A, %sub3A_248, %broadcast_in_dim3A_3 : vector<16xi1>, vector<16xf32>
      %add3A_250 = arith.addf %select_n3A_247, %select_n3A_249 : vector<16xf32>
      %add3A_251 = arith.addf %select_n3A_243, %mul3A_241 : vector<16xf32>
      %select_n3A_252 = arith.select %eq3A, %add3A_251, %broadcast_in_dim3A_3 : vector<16xi1>, vector<16xf32>
      %sub3A_253 = arith.subf %select_n3A_252, %select_n3A_243 : vector<16xf32>
      %select_n3A_254 = arith.select %eq3A, %sub3A_253, %broadcast_in_dim3A_3 : vector<16xi1>, vector<16xf32>
      %sub3A_255 = arith.subf %select_n3A_252, %select_n3A_254 : vector<16xf32>
      %sub3A_256 = arith.subf %select_n3A_243, %sub3A_255 : vector<16xf32>
      %select_n3A_257 = arith.select %eq3A, %sub3A_256, %broadcast_in_dim3A_3 : vector<16xi1>, vector<16xf32>
      %sub3A_258 = arith.subf %mul3A_241, %select_n3A_254 : vector<16xf32>
      %select_n3A_259 = arith.select %eq3A, %sub3A_258, %broadcast_in_dim3A_3 : vector<16xi1>, vector<16xf32>
      %add3A_260 = arith.addf %select_n3A_257, %select_n3A_259 : vector<16xf32>
      %add3A_261 = arith.addf %add3A_250, %add3A_260 : vector<16xf32>
      %select_n3A_262 = arith.select %eq3A, %add3A_261, %broadcast_in_dim3A_3 : vector<16xi1>, vector<16xf32>
      %add3A_263 = arith.addf %select_n3A_252, %select_n3A_262 : vector<16xf32>
      %add3A_264 = arith.addf %broadcast_in_dim3A_179, %get3A_193 : vector<16xf32>
      %add3A_265 = arith.addf %add3A_264, %add3A_263 : vector<16xf32>
      %max3A_266 = arith.maximumf %add3A_265, %broadcast_in_dim3A_5 : vector<16xf32>
      %le3A_267 = arith.cmpf ole, %max3A_266, %broadcast_in_dim3A_20 : vector<16xf32>
      %add3A_268 = arith.constant 0.000000e+00 : f32
      %add3A_269 = vector.broadcast %add3A_268 : f32 to vector<16xf32>
      %add3A_270 = arith.addf %add3A_269, %convert_element_type3A : vector<16xf32>
      %select_n3A_271 = arith.select %le3A_267, %add3A_270, %broadcast_in_dim3A_3 : vector<16xi1>, vector<16xf32>
      %min3A_272 = arith.minimumf %broadcast_in_dim3A_3, %select_n3A_271 : vector<16xf32>
      %get3A_273 = arith.constant 0 : i32
      %get3A_274 = arith.index_cast %get3A_273 : i32 to index
      %get3A_275 = arith.constant 16 : index
      %get3A_276 = tpu.vector_load %arg13[%get3A_274, %get3A_275] {strides = array<i32>} : memref<3x512xf32, #tpu.memory_space<vmem>>, vector<16xf32>,
      %get3A_277 = arith.constant 1 : i32
      %get3A_278 = arith.index_cast %get3A_277 : i32 to index
      %get3A_279 = arith.constant 16 : index
      %get3A_280 = tpu.vector_load %arg13[%get3A_278, %get3A_279] {strides = array<i32>} : memref<3x512xf32, #tpu.memory_space<vmem>>, vector<16xf32>,
      %get3A_281 = arith.constant 2 : i32
      %get3A_282 = arith.index_cast %get3A_281 : i32 to index
      %get3A_283 = arith.constant 16 : index
      %get3A_284 = tpu.vector_load %arg13[%get3A_282, %get3A_283] {strides = array<i32>} : memref<3x512xf32, #tpu.memory_space<vmem>>, vector<16xf32>,
      %get3A_285 = arith.constant 16 : index
      %get3A_286 = tpu.vector_load %arg14[%get3A_285] {strides = array<i32>} : memref<512xf32, #tpu.memory_space<vmem>>, vector<16xf32>,
      %bitcast_convert_type3A_287 = tpu.bitcast %get3A_276 : vector<16xf32> -> vector<16xi32>
      %add3A_288 = arith.constant 32767 : i32
      %add3A_289 = vector.broadcast %add3A_288 : i32 to vector<16xi32>
      %add3A_290 = arith.addi %bitcast_convert_type3A_287, %add3A_289 : vector<16xi32>
      %shift_right_arithmetic3A_291 = arith.constant 16 : i32
      %shift_right_arithmetic3A_292 = vector.broadcast %shift_right_arithmetic3A_291 : i32 to vector<16xi32>
      %shift_right_arithmetic3A_293 = arith.shrsi %bitcast_convert_type3A_287, %shift_right_arithmetic3A_292 : vector<16xi32>
      %and3A_294 = arith.constant 1 : i32
      %and3A_295 = vector.broadcast %and3A_294 : i32 to vector<16xi32>
      %and3A_296 = arith.andi %shift_right_arithmetic3A_293, %and3A_295 : vector<16xi32>
      %add3A_297 = arith.addi %add3A_290, %and3A_296 : vector<16xi32>
      %and3A_298 = arith.constant -65536 : i32
      %and3A_299 = vector.broadcast %and3A_298 : i32 to vector<16xi32>
      %and3A_300 = arith.andi %add3A_297, %and3A_299 : vector<16xi32>
      %bitcast_convert_type3A_301 = tpu.bitcast %and3A_300 : vector<16xi32> -> vector<16xf32>
      %mul3A_302 = arith.mulf %mul3A_124, %bitcast_convert_type3A_301 : vector<16xf32>
      %bitcast_convert_type3A_303 = tpu.bitcast %get3A_280 : vector<16xf32> -> vector<16xi32>
      %add3A_304 = arith.constant 32767 : i32
      %add3A_305 = vector.broadcast %add3A_304 : i32 to vector<16xi32>
      %add3A_306 = arith.addi %bitcast_convert_type3A_303, %add3A_305 : vector<16xi32>
      %shift_right_arithmetic3A_307 = arith.constant 16 : i32
      %shift_right_arithmetic3A_308 = vector.broadcast %shift_right_arithmetic3A_307 : i32 to vector<16xi32>
      %shift_right_arithmetic3A_309 = arith.shrsi %bitcast_convert_type3A_303, %shift_right_arithmetic3A_308 : vector<16xi32>
      %and3A_310 = arith.constant 1 : i32
      %and3A_311 = vector.broadcast %and3A_310 : i32 to vector<16xi32>
      %and3A_312 = arith.andi %shift_right_arithmetic3A_309, %and3A_311 : vector<16xi32>
      %add3A_313 = arith.addi %add3A_306, %and3A_312 : vector<16xi32>
      %and3A_314 = arith.constant -65536 : i32
      %and3A_315 = vector.broadcast %and3A_314 : i32 to vector<16xi32>
      %and3A_316 = arith.andi %add3A_313, %and3A_315 : vector<16xi32>
      %bitcast_convert_type3A_317 = tpu.bitcast %and3A_316 : vector<16xi32> -> vector<16xf32>
      %mul3A_318 = arith.mulf %mul3A_149, %bitcast_convert_type3A_317 : vector<16xf32>
      %bitcast_convert_type3A_319 = tpu.bitcast %get3A_284 : vector<16xf32> -> vector<16xi32>
      %add3A_320 = arith.constant 32767 : i32
      %add3A_321 = vector.broadcast %add3A_320 : i32 to vector<16xi32>
      %add3A_322 = arith.addi %bitcast_convert_type3A_319, %add3A_321 : vector<16xi32>
      %shift_right_arithmetic3A_323 = arith.constant 16 : i32
      %shift_right_arithmetic3A_324 = vector.broadcast %shift_right_arithmetic3A_323 : i32 to vector<16xi32>
      %shift_right_arithmetic3A_325 = arith.shrsi %bitcast_convert_type3A_319, %shift_right_arithmetic3A_324 : vector<16xi32>
      %and3A_326 = arith.constant 1 : i32
      %and3A_327 = vector.broadcast %and3A_326 : i32 to vector<16xi32>
      %and3A_328 = arith.andi %shift_right_arithmetic3A_325, %and3A_327 : vector<16xi32>
      %add3A_329 = arith.addi %add3A_322, %and3A_328 : vector<16xi32>
      %and3A_330 = arith.constant -65536 : i32
      %and3A_331 = vector.broadcast %and3A_330 : i32 to vector<16xi32>
      %and3A_332 = arith.andi %add3A_329, %and3A_331 : vector<16xi32>
      %bitcast_convert_type3A_333 = tpu.bitcast %and3A_332 : vector<16xi32> -> vector<16xf32>
      %mul3A_334 = arith.mulf %mul3A_174, %bitcast_convert_type3A_333 : vector<16xf32>
      %add3A_335 = arith.addf %mul3A_302, %mul3A_318 : vector<16xf32>
      %select_n3A_336 = arith.select %eq3A, %add3A_335, %broadcast_in_dim3A_3 : vector<16xi1>, vector<16xf32>
      %sub3A_337 = arith.subf %select_n3A_336, %mul3A_302 : vector<16xf32>
      %select_n3A_338 = arith.select %eq3A, %sub3A_337, %broadcast_in_dim3A_3 : vector<16xi1>, vector<16xf32>
      %sub3A_339 = arith.subf %select_n3A_336, %select_n3A_338 : vector<16xf32>
      %sub3A_340 = arith.subf %mul3A_302, %sub3A_339 : vector<16xf32>
      %select_n3A_341 = arith.select %eq3A, %sub3A_340, %broadcast_in_dim3A_3 : vector<16xi1>, vector<16xf32>
      %sub3A_342 = arith.subf %mul3A_318, %select_n3A_338 : vector<16xf32>
      %select_n3A_343 = arith.select %eq3A, %sub3A_342, %broadcast_in_dim3A_3 : vector<16xi1>, vector<16xf32>
      %add3A_344 = arith.addf %select_n3A_341, %select_n3A_343 : vector<16xf32>
      %add3A_345 = arith.addf %select_n3A_336, %mul3A_334 : vector<16xf32>
      %select_n3A_346 = arith.select %eq3A, %add3A_345, %broadcast_in_dim3A_3 : vector<16xi1>, vector<16xf32>
      %sub3A_347 = arith.subf %select_n3A_346, %select_n3A_336 : vector<16xf32>
      %select_n3A_348 = arith.select %eq3A, %sub3A_347, %broadcast_in_dim3A_3 : vector<16xi1>, vector<16xf32>
      %sub3A_349 = arith.subf %select_n3A_346, %select_n3A_348 : vector<16xf32>
      %sub3A_350 = arith.subf %select_n3A_336, %sub3A_349 : vector<16xf32>
      %select_n3A_351 = arith.select %eq3A, %sub3A_350, %broadcast_in_dim3A_3 : vector<16xi1>, vector<16xf32>
      %sub3A_352 = arith.subf %mul3A_334, %select_n3A_348 : vector<16xf32>
      %select_n3A_353 = arith.select %eq3A, %sub3A_352, %broadcast_in_dim3A_3 : vector<16xi1>, vector<16xf32>
      %add3A_354 = arith.addf %select_n3A_351, %select_n3A_353 : vector<16xf32>
      %add3A_355 = arith.addf %add3A_344, %add3A_354 : vector<16xf32>
      %select_n3A_356 = arith.select %eq3A, %add3A_355, %broadcast_in_dim3A_3 : vector<16xi1>, vector<16xf32>
      %add3A_357 = arith.addf %select_n3A_346, %select_n3A_356 : vector<16xf32>
      %add3A_358 = arith.addf %broadcast_in_dim3A_179, %get3A_286 : vector<16xf32>
      %add3A_359 = arith.addf %add3A_358, %add3A_357 : vector<16xf32>
      %max3A_360 = arith.maximumf %add3A_359, %broadcast_in_dim3A_5 : vector<16xf32>
      %le3A_361 = arith.cmpf ole, %max3A_360, %broadcast_in_dim3A_20 : vector<16xf32>
      %add3A_362 = arith.constant 1.600000e+01 : f32
      %add3A_363 = vector.broadcast %add3A_362 : f32 to vector<16xf32>
      %add3A_364 = arith.addf %add3A_363, %convert_element_type3A : vector<16xf32>
      %select_n3A_365 = arith.select %le3A_361, %add3A_364, %broadcast_in_dim3A_3 : vector<16xi1>, vector<16xf32>
      %min3A_366 = arith.minimumf %min3A_272, %select_n3A_365 : vector<16xf32>
      %get3A_367 = arith.constant 0 : i32
      %get3A_368 = arith.index_cast %get3A_367 : i32 to index
      %get3A_369 = arith.constant 32 : index
      %get3A_370 = tpu.vector_load %arg13[%get3A_368, %get3A_369] {strides = array<i32>} : memref<3x512xf32, #tpu.memory_space<vmem>>, vector<16xf32>,
      %get3A_371 = arith.constant 1 : i32
      %get3A_372 = arith.index_cast %get3A_371 : i32 to index
      %get3A_373 = arith.constant 32 : index
      %get3A_374 = tpu.vector_load %arg13[%get3A_372, %get3A_373] {strides = array<i32>} : memref<3x512xf32, #tpu.memory_space<vmem>>, vector<16xf32>,
      %get3A_375 = arith.constant 2 : i32
      %get3A_376 = arith.index_cast %get3A_375 : i32 to index
      %get3A_377 = arith.constant 32 : index
      %get3A_378 = tpu.vector_load %arg13[%get3A_376, %get3A_377] {strides = array<i32>} : memref<3x512xf32, #tpu.memory_space<vmem>>, vector<16xf32>,
      %get3A_379 = arith.constant 32 : index
      %get3A_380 = tpu.vector_load %arg14[%get3A_379] {strides = array<i32>} : memref<512xf32, #tpu.memory_space<vmem>>, vector<16xf32>,
      %bitcast_convert_type3A_381 = tpu.bitcast %get3A_370 : vector<16xf32> -> vector<16xi32>
      %add3A_382 = arith.constant 32767 : i32
      %add3A_383 = vector.broadcast %add3A_382 : i32 to vector<16xi32>
      %add3A_384 = arith.addi %bitcast_convert_type3A_381, %add3A_383 : vector<16xi32>
      %shift_right_arithmetic3A_385 = arith.constant 16 : i32
      %shift_right_arithmetic3A_386 = vector.broadcast %shift_right_arithmetic3A_385 : i32 to vector<16xi32>
      %shift_right_arithmetic3A_387 = arith.shrsi %bitcast_convert_type3A_381, %shift_right_arithmetic3A_386 : vector<16xi32>
      %and3A_388 = arith.constant 1 : i32
      %and3A_389 = vector.broadcast %and3A_388 : i32 to vector<16xi32>
      %and3A_390 = arith.andi %shift_right_arithmetic3A_387, %and3A_389 : vector<16xi32>
      %add3A_391 = arith.addi %add3A_384, %and3A_390 : vector<16xi32>
      %and3A_392 = arith.constant -65536 : i32
      %and3A_393 = vector.broadcast %and3A_392 : i32 to vector<16xi32>
      %and3A_394 = arith.andi %add3A_391, %and3A_393 : vector<16xi32>
      %bitcast_convert_type3A_395 = tpu.bitcast %and3A_394 : vector<16xi32> -> vector<16xf32>
      %mul3A_396 = arith.mulf %mul3A_124, %bitcast_convert_type3A_395 : vector<16xf32>
      %bitcast_convert_type3A_397 = tpu.bitcast %get3A_374 : vector<16xf32> -> vector<16xi32>
      %add3A_398 = arith.constant 32767 : i32
      %add3A_399 = vector.broadcast %add3A_398 : i32 to vector<16xi32>
      %add3A_400 = arith.addi %bitcast_convert_type3A_397, %add3A_399 : vector<16xi32>
      %shift_right_arithmetic3A_401 = arith.constant 16 : i32
      %shift_right_arithmetic3A_402 = vector.broadcast %shift_right_arithmetic3A_401 : i32 to vector<16xi32>
      %shift_right_arithmetic3A_403 = arith.shrsi %bitcast_convert_type3A_397, %shift_right_arithmetic3A_402 : vector<16xi32>
      %and3A_404 = arith.constant 1 : i32
      %and3A_405 = vector.broadcast %and3A_404 : i32 to vector<16xi32>
      %and3A_406 = arith.andi %shift_right_arithmetic3A_403, %and3A_405 : vector<16xi32>
      %add3A_407 = arith.addi %add3A_400, %and3A_406 : vector<16xi32>
      %and3A_408 = arith.constant -65536 : i32
      %and3A_409 = vector.broadcast %and3A_408 : i32 to vector<16xi32>
      %and3A_410 = arith.andi %add3A_407, %and3A_409 : vector<16xi32>
      %bitcast_convert_type3A_411 = tpu.bitcast %and3A_410 : vector<16xi32> -> vector<16xf32>
      %mul3A_412 = arith.mulf %mul3A_149, %bitcast_convert_type3A_411 : vector<16xf32>
      %bitcast_convert_type3A_413 = tpu.bitcast %get3A_378 : vector<16xf32> -> vector<16xi32>
      %add3A_414 = arith.constant 32767 : i32
      %add3A_415 = vector.broadcast %add3A_414 : i32 to vector<16xi32>
      %add3A_416 = arith.addi %bitcast_convert_type3A_413, %add3A_415 : vector<16xi32>
      %shift_right_arithmetic3A_417 = arith.constant 16 : i32
      %shift_right_arithmetic3A_418 = vector.broadcast %shift_right_arithmetic3A_417 : i32 to vector<16xi32>
      %shift_right_arithmetic3A_419 = arith.shrsi %bitcast_convert_type3A_413, %shift_right_arithmetic3A_418 : vector<16xi32>
      %and3A_420 = arith.constant 1 : i32
      %and3A_421 = vector.broadcast %and3A_420 : i32 to vector<16xi32>
      %and3A_422 = arith.andi %shift_right_arithmetic3A_419, %and3A_421 : vector<16xi32>
      %add3A_423 = arith.addi %add3A_416, %and3A_422 : vector<16xi32>
      %and3A_424 = arith.constant -65536 : i32
      %and3A_425 = vector.broadcast %and3A_424 : i32 to vector<16xi32>
      %and3A_426 = arith.andi %add3A_423, %and3A_425 : vector<16xi32>
      %bitcast_convert_type3A_427 = tpu.bitcast %and3A_426 : vector<16xi32> -> vector<16xf32>
      %mul3A_428 = arith.mulf %mul3A_174, %bitcast_convert_type3A_427 : vector<16xf32>
      %add3A_429 = arith.addf %mul3A_396, %mul3A_412 : vector<16xf32>
      %select_n3A_430 = arith.select %eq3A, %add3A_429, %broadcast_in_dim3A_3 : vector<16xi1>, vector<16xf32>
      %sub3A_431 = arith.subf %select_n3A_430, %mul3A_396 : vector<16xf32>
      %select_n3A_432 = arith.select %eq3A, %sub3A_431, %broadcast_in_dim3A_3 : vector<16xi1>, vector<16xf32>
      %sub3A_433 = arith.subf %select_n3A_430, %select_n3A_432 : vector<16xf32>
      %sub3A_434 = arith.subf %mul3A_396, %sub3A_433 : vector<16xf32>
      %select_n3A_435 = arith.select %eq3A, %sub3A_434, %broadcast_in_dim3A_3 : vector<16xi1>, vector<16xf32>
      %sub3A_436 = arith.subf %mul3A_412, %select_n3A_432 : vector<16xf32>
      %select_n3A_437 = arith.select %eq3A, %sub3A_436, %broadcast_in_dim3A_3 : vector<16xi1>, vector<16xf32>
      %add3A_438 = arith.addf %select_n3A_435, %select_n3A_437 : vector<16xf32>
      %add3A_439 = arith.addf %select_n3A_430, %mul3A_428 : vector<16xf32>
      %select_n3A_440 = arith.select %eq3A, %add3A_439, %broadcast_in_dim3A_3 : vector<16xi1>, vector<16xf32>
      %sub3A_441 = arith.subf %select_n3A_440, %select_n3A_430 : vector<16xf32>
      %select_n3A_442 = arith.select %eq3A, %sub3A_441, %broadcast_in_dim3A_3 : vector<16xi1>, vector<16xf32>
      %sub3A_443 = arith.subf %select_n3A_440, %select_n3A_442 : vector<16xf32>
      %sub3A_444 = arith.subf %select_n3A_430, %sub3A_443 : vector<16xf32>
      %select_n3A_445 = arith.select %eq3A, %sub3A_444, %broadcast_in_dim3A_3 : vector<16xi1>, vector<16xf32>
      %sub3A_446 = arith.subf %mul3A_428, %select_n3A_442 : vector<16xf32>
      %select_n3A_447 = arith.select %eq3A, %sub3A_446, %broadcast_in_dim3A_3 : vector<16xi1>, vector<16xf32>
      %add3A_448 = arith.addf %select_n3A_445, %select_n3A_447 : vector<16xf32>
      %add3A_449 = arith.addf %add3A_438, %add3A_448 : vector<16xf32>
      %select_n3A_450 = arith.select %eq3A, %add3A_449, %broadcast_in_dim3A_3 : vector<16xi1>, vector<16xf32>
      %add3A_451 = arith.addf %select_n3A_440, %select_n3A_450 : vector<16xf32>
      %add3A_452 = arith.addf %broadcast_in_dim3A_179, %get3A_380 : vector<16xf32>
      %add3A_453 = arith.addf %add3A_452, %add3A_451 : vector<16xf32>
      %max3A_454 = arith.maximumf %add3A_453, %broadcast_in_dim3A_5 : vector<16xf32>
      %le3A_455 = arith.cmpf ole, %max3A_454, %broadcast_in_dim3A_20 : vector<16xf32>
      %add3A_456 = arith.constant 3.200000e+01 : f32
      %add3A_457 = vector.broadcast %add3A_456 : f32 to vector<16xf32>
      %add3A_458 = arith.addf %add3A_457, %convert_element_type3A : vector<16xf32>
      %select_n3A_459 = arith.select %le3A_455, %add3A_458, %broadcast_in_dim3A_3 : vector<16xi1>, vector<16xf32>
      %min3A_460 = arith.minimumf %min3A_366, %select_n3A_459 : vector<16xf32>
      %get3A_461 = arith.constant 0 : i32
      %get3A_462 = arith.index_cast %get3A_461 : i32 to index
      %get3A_463 = arith.constant 48 : index
      %get3A_464 = tpu.vector_load %arg13[%get3A_462, %get3A_463] {strides = array<i32>} : memref<3x512xf32, #tpu.memory_space<vmem>>, vector<16xf32>,
      %get3A_465 = arith.constant 1 : i32
      %get3A_466 = arith.index_cast %get3A_465 : i32 to index
      %get3A_467 = arith.constant 48 : index
      %get3A_468 = tpu.vector_load %arg13[%get3A_466, %get3A_467] {strides = array<i32>} : memref<3x512xf32, #tpu.memory_space<vmem>>, vector<16xf32>,
      %get3A_469 = arith.constant 2 : i32
      %get3A_470 = arith.index_cast %get3A_469 : i32 to index
      %get3A_471 = arith.constant 48 : index
      %get3A_472 = tpu.vector_load %arg13[%get3A_470, %get3A_471] {strides = array<i32>} : memref<3x512xf32, #tpu.memory_space<vmem>>, vector<16xf32>,
      %get3A_473 = arith.constant 48 : index
      %get3A_474 = tpu.vector_load %arg14[%get3A_473] {strides = array<i32>} : memref<512xf32, #tpu.memory_space<vmem>>, vector<16xf32>,
      %bitcast_convert_type3A_475 = tpu.bitcast %get3A_464 : vector<16xf32> -> vector<16xi32>
      %add3A_476 = arith.constant 32767 : i32
      %add3A_477 = vector.broadcast %add3A_476 : i32 to vector<16xi32>
      %add3A_478 = arith.addi %bitcast_convert_type3A_475, %add3A_477 : vector<16xi32>
      %shift_right_arithmetic3A_479 = arith.constant 16 : i32
      %shift_right_arithmetic3A_480 = vector.broadcast %shift_right_arithmetic3A_479 : i32 to vector<16xi32>
      %shift_right_arithmetic3A_481 = arith.shrsi %bitcast_convert_type3A_475, %shift_right_arithmetic3A_480 : vector<16xi32>
      %and3A_482 = arith.constant 1 : i32
      %and3A_483 = vector.broadcast %and3A_482 : i32 to vector<16xi32>
      %and3A_484 = arith.andi %shift_right_arithmetic3A_481, %and3A_483 : vector<16xi32>
      %add3A_485 = arith.addi %add3A_478, %and3A_484 : vector<16xi32>
      %and3A_486 = arith.constant -65536 : i32
      %and3A_487 = vector.broadcast %and3A_486 : i32 to vector<16xi32>
      %and3A_488 = arith.andi %add3A_485, %and3A_487 : vector<16xi32>
      %bitcast_convert_type3A_489 = tpu.bitcast %and3A_488 : vector<16xi32> -> vector<16xf32>
      %mul3A_490 = arith.mulf %mul3A_124, %bitcast_convert_type3A_489 : vector<16xf32>
      %bitcast_convert_type3A_491 = tpu.bitcast %get3A_468 : vector<16xf32> -> vector<16xi32>
      %add3A_492 = arith.constant 32767 : i32
      %add3A_493 = vector.broadcast %add3A_492 : i32 to vector<16xi32>
      %add3A_494 = arith.addi %bitcast_convert_type3A_491, %add3A_493 : vector<16xi32>
      %shift_right_arithmetic3A_495 = arith.constant 16 : i32
      %shift_right_arithmetic3A_496 = vector.broadcast %shift_right_arithmetic3A_495 : i32 to vector<16xi32>
      %shift_right_arithmetic3A_497 = arith.shrsi %bitcast_convert_type3A_491, %shift_right_arithmetic3A_496 : vector<16xi32>
      %and3A_498 = arith.constant 1 : i32
      %and3A_499 = vector.broadcast %and3A_498 : i32 to vector<16xi32>
      %and3A_500 = arith.andi %shift_right_arithmetic3A_497, %and3A_499 : vector<16xi32>
      %add3A_501 = arith.addi %add3A_494, %and3A_500 : vector<16xi32>
      %and3A_502 = arith.constant -65536 : i32
      %and3A_503 = vector.broadcast %and3A_502 : i32 to vector<16xi32>
      %and3A_504 = arith.andi %add3A_501, %and3A_503 : vector<16xi32>
      %bitcast_convert_type3A_505 = tpu.bitcast %and3A_504 : vector<16xi32> -> vector<16xf32>
      %mul3A_506 = arith.mulf %mul3A_149, %bitcast_convert_type3A_505 : vector<16xf32>
      %bitcast_convert_type3A_507 = tpu.bitcast %get3A_472 : vector<16xf32> -> vector<16xi32>
      %add3A_508 = arith.constant 32767 : i32
      %add3A_509 = vector.broadcast %add3A_508 : i32 to vector<16xi32>
      %add3A_510 = arith.addi %bitcast_convert_type3A_507, %add3A_509 : vector<16xi32>
      %shift_right_arithmetic3A_511 = arith.constant 16 : i32
      %shift_right_arithmetic3A_512 = vector.broadcast %shift_right_arithmetic3A_511 : i32 to vector<16xi32>
      %shift_right_arithmetic3A_513 = arith.shrsi %bitcast_convert_type3A_507, %shift_right_arithmetic3A_512 : vector<16xi32>
      %and3A_514 = arith.constant 1 : i32
      %and3A_515 = vector.broadcast %and3A_514 : i32 to vector<16xi32>
      %and3A_516 = arith.andi %shift_right_arithmetic3A_513, %and3A_515 : vector<16xi32>
      %add3A_517 = arith.addi %add3A_510, %and3A_516 : vector<16xi32>
      %and3A_518 = arith.constant -65536 : i32
      %and3A_519 = vector.broadcast %and3A_518 : i32 to vector<16xi32>
      %and3A_520 = arith.andi %add3A_517, %and3A_519 : vector<16xi32>
      %bitcast_convert_type3A_521 = tpu.bitcast %and3A_520 : vector<16xi32> -> vector<16xf32>
      %mul3A_522 = arith.mulf %mul3A_174, %bitcast_convert_type3A_521 : vector<16xf32>
      %add3A_523 = arith.addf %mul3A_490, %mul3A_506 : vector<16xf32>
      %select_n3A_524 = arith.select %eq3A, %add3A_523, %broadcast_in_dim3A_3 : vector<16xi1>, vector<16xf32>
      %sub3A_525 = arith.subf %select_n3A_524, %mul3A_490 : vector<16xf32>
      %select_n3A_526 = arith.select %eq3A, %sub3A_525, %broadcast_in_dim3A_3 : vector<16xi1>, vector<16xf32>
      %sub3A_527 = arith.subf %select_n3A_524, %select_n3A_526 : vector<16xf32>
      %sub3A_528 = arith.subf %mul3A_490, %sub3A_527 : vector<16xf32>
      %select_n3A_529 = arith.select %eq3A, %sub3A_528, %broadcast_in_dim3A_3 : vector<16xi1>, vector<16xf32>
      %sub3A_530 = arith.subf %mul3A_506, %select_n3A_526 : vector<16xf32>
      %select_n3A_531 = arith.select %eq3A, %sub3A_530, %broadcast_in_dim3A_3 : vector<16xi1>, vector<16xf32>
      %add3A_532 = arith.addf %select_n3A_529, %select_n3A_531 : vector<16xf32>
      %add3A_533 = arith.addf %select_n3A_524, %mul3A_522 : vector<16xf32>
      %select_n3A_534 = arith.select %eq3A, %add3A_533, %broadcast_in_dim3A_3 : vector<16xi1>, vector<16xf32>
      %sub3A_535 = arith.subf %select_n3A_534, %select_n3A_524 : vector<16xf32>
      %select_n3A_536 = arith.select %eq3A, %sub3A_535, %broadcast_in_dim3A_3 : vector<16xi1>, vector<16xf32>
      %sub3A_537 = arith.subf %select_n3A_534, %select_n3A_536 : vector<16xf32>
      %sub3A_538 = arith.subf %select_n3A_524, %sub3A_537 : vector<16xf32>
      %select_n3A_539 = arith.select %eq3A, %sub3A_538, %broadcast_in_dim3A_3 : vector<16xi1>, vector<16xf32>
      %sub3A_540 = arith.subf %mul3A_522, %select_n3A_536 : vector<16xf32>
      %select_n3A_541 = arith.select %eq3A, %sub3A_540, %broadcast_in_dim3A_3 : vector<16xi1>, vector<16xf32>
      %add3A_542 = arith.addf %select_n3A_539, %select_n3A_541 : vector<16xf32>
      %add3A_543 = arith.addf %add3A_532, %add3A_542 : vector<16xf32>
      %select_n3A_544 = arith.select %eq3A, %add3A_543, %broadcast_in_dim3A_3 : vector<16xi1>, vector<16xf32>
      %add3A_545 = arith.addf %select_n3A_534, %select_n3A_544 : vector<16xf32>
      %add3A_546 = arith.addf %broadcast_in_dim3A_179, %get3A_474 : vector<16xf32>
      %add3A_547 = arith.addf %add3A_546, %add3A_545 : vector<16xf32>
      %max3A_548 = arith.maximumf %add3A_547, %broadcast_in_dim3A_5 : vector<16xf32>
      %le3A_549 = arith.cmpf ole, %max3A_548, %broadcast_in_dim3A_20 : vector<16xf32>
      %add3A_550 = arith.constant 4.800000e+01 : f32
      %add3A_551 = vector.broadcast %add3A_550 : f32 to vector<16xf32>
      %add3A_552 = arith.addf %add3A_551, %convert_element_type3A : vector<16xf32>
      %select_n3A_553 = arith.select %le3A_549, %add3A_552, %broadcast_in_dim3A_3 : vector<16xi1>, vector<16xf32>
      %min3A_554 = arith.minimumf %min3A_460, %select_n3A_553 : vector<16xf32>
      %get3A_555 = arith.constant 0 : i32
      %get3A_556 = arith.index_cast %get3A_555 : i32 to index
      %get3A_557 = arith.constant 64 : index
      %get3A_558 = tpu.vector_load %arg13[%get3A_556, %get3A_557] {strides = array<i32>} : memref<3x512xf32, #tpu.memory_space<vmem>>, vector<16xf32>,
      %get3A_559 = arith.constant 1 : i32
      %get3A_560 = arith.index_cast %get3A_559 : i32 to index
      %get3A_561 = arith.constant 64 : index
      %get3A_562 = tpu.vector_load %arg13[%get3A_560, %get3A_561] {strides = array<i32>} : memref<3x512xf32, #tpu.memory_space<vmem>>, vector<16xf32>,
      %get3A_563 = arith.constant 2 : i32
      %get3A_564 = arith.index_cast %get3A_563 : i32 to index
      %get3A_565 = arith.constant 64 : index
      %get3A_566 = tpu.vector_load %arg13[%get3A_564, %get3A_565] {strides = array<i32>} : memref<3x512xf32, #tpu.memory_space<vmem>>, vector<16xf32>,
      %get3A_567 = arith.constant 64 : index
      %get3A_568 = tpu.vector_load %arg14[%get3A_567] {strides = array<i32>} : memref<512xf32, #tpu.memory_space<vmem>>, vector<16xf32>,
      %bitcast_convert_type3A_569 = tpu.bitcast %get3A_558 : vector<16xf32> -> vector<16xi32>
      %add3A_570 = arith.constant 32767 : i32
      %add3A_571 = vector.broadcast %add3A_570 : i32 to vector<16xi32>
      %add3A_572 = arith.addi %bitcast_convert_type3A_569, %add3A_571 : vector<16xi32>
      %shift_right_arithmetic3A_573 = arith.constant 16 : i32
      %shift_right_arithmetic3A_574 = vector.broadcast %shift_right_arithmetic3A_573 : i32 to vector<16xi32>
      %shift_right_arithmetic3A_575 = arith.shrsi %bitcast_convert_type3A_569, %shift_right_arithmetic3A_574 : vector<16xi32>
      %and3A_576 = arith.constant 1 : i32
      %and3A_577 = vector.broadcast %and3A_576 : i32 to vector<16xi32>
      %and3A_578 = arith.andi %shift_right_arithmetic3A_575, %and3A_577 : vector<16xi32>
      %add3A_579 = arith.addi %add3A_572, %and3A_578 : vector<16xi32>
      %and3A_580 = arith.constant -65536 : i32
      %and3A_581 = vector.broadcast %and3A_580 : i32 to vector<16xi32>
      %and3A_582 = arith.andi %add3A_579, %and3A_581 : vector<16xi32>
      %bitcast_convert_type3A_583 = tpu.bitcast %and3A_582 : vector<16xi32> -> vector<16xf32>
      %mul3A_584 = arith.mulf %mul3A_124, %bitcast_convert_type3A_583 : vector<16xf32>
      %bitcast_convert_type3A_585 = tpu.bitcast %get3A_562 : vector<16xf32> -> vector<16xi32>
      %add3A_586 = arith.constant 32767 : i32
      %add3A_587 = vector.broadcast %add3A_586 : i32 to vector<16xi32>
      %add3A_588 = arith.addi %bitcast_convert_type3A_585, %add3A_587 : vector<16xi32>
      %shift_right_arithmetic3A_589 = arith.constant 16 : i32
      %shift_right_arithmetic3A_590 = vector.broadcast %shift_right_arithmetic3A_589 : i32 to vector<16xi32>
      %shift_right_arithmetic3A_591 = arith.shrsi %bitcast_convert_type3A_585, %shift_right_arithmetic3A_590 : vector<16xi32>
      %and3A_592 = arith.constant 1 : i32
      %and3A_593 = vector.broadcast %and3A_592 : i32 to vector<16xi32>
      %and3A_594 = arith.andi %shift_right_arithmetic3A_591, %and3A_593 : vector<16xi32>
      %add3A_595 = arith.addi %add3A_588, %and3A_594 : vector<16xi32>
      %and3A_596 = arith.constant -65536 : i32
      %and3A_597 = vector.broadcast %and3A_596 : i32 to vector<16xi32>
      %and3A_598 = arith.andi %add3A_595, %and3A_597 : vector<16xi32>
      %bitcast_convert_type3A_599 = tpu.bitcast %and3A_598 : vector<16xi32> -> vector<16xf32>
      %mul3A_600 = arith.mulf %mul3A_149, %bitcast_convert_type3A_599 : vector<16xf32>
      %bitcast_convert_type3A_601 = tpu.bitcast %get3A_566 : vector<16xf32> -> vector<16xi32>
      %add3A_602 = arith.constant 32767 : i32
      %add3A_603 = vector.broadcast %add3A_602 : i32 to vector<16xi32>
      %add3A_604 = arith.addi %bitcast_convert_type3A_601, %add3A_603 : vector<16xi32>
      %shift_right_arithmetic3A_605 = arith.constant 16 : i32
      %shift_right_arithmetic3A_606 = vector.broadcast %shift_right_arithmetic3A_605 : i32 to vector<16xi32>
      %shift_right_arithmetic3A_607 = arith.shrsi %bitcast_convert_type3A_601, %shift_right_arithmetic3A_606 : vector<16xi32>
      %and3A_608 = arith.constant 1 : i32
      %and3A_609 = vector.broadcast %and3A_608 : i32 to vector<16xi32>
      %and3A_610 = arith.andi %shift_right_arithmetic3A_607, %and3A_609 : vector<16xi32>
      %add3A_611 = arith.addi %add3A_604, %and3A_610 : vector<16xi32>
      %and3A_612 = arith.constant -65536 : i32
      %and3A_613 = vector.broadcast %and3A_612 : i32 to vector<16xi32>
      %and3A_614 = arith.andi %add3A_611, %and3A_613 : vector<16xi32>
      %bitcast_convert_type3A_615 = tpu.bitcast %and3A_614 : vector<16xi32> -> vector<16xf32>
      %mul3A_616 = arith.mulf %mul3A_174, %bitcast_convert_type3A_615 : vector<16xf32>
      %add3A_617 = arith.addf %mul3A_584, %mul3A_600 : vector<16xf32>
      %select_n3A_618 = arith.select %eq3A, %add3A_617, %broadcast_in_dim3A_3 : vector<16xi1>, vector<16xf32>
      %sub3A_619 = arith.subf %select_n3A_618, %mul3A_584 : vector<16xf32>
      %select_n3A_620 = arith.select %eq3A, %sub3A_619, %broadcast_in_dim3A_3 : vector<16xi1>, vector<16xf32>
      %sub3A_621 = arith.subf %select_n3A_618, %select_n3A_620 : vector<16xf32>
      %sub3A_622 = arith.subf %mul3A_584, %sub3A_621 : vector<16xf32>
      %select_n3A_623 = arith.select %eq3A, %sub3A_622, %broadcast_in_dim3A_3 : vector<16xi1>, vector<16xf32>
      %sub3A_624 = arith.subf %mul3A_600, %select_n3A_620 : vector<16xf32>
      %select_n3A_625 = arith.select %eq3A, %sub3A_624, %broadcast_in_dim3A_3 : vector<16xi1>, vector<16xf32>
      %add3A_626 = arith.addf %select_n3A_623, %select_n3A_625 : vector<16xf32>
      %add3A_627 = arith.addf %select_n3A_618, %mul3A_616 : vector<16xf32>
      %select_n3A_628 = arith.select %eq3A, %add3A_627, %broadcast_in_dim3A_3 : vector<16xi1>, vector<16xf32>
      %sub3A_629 = arith.subf %select_n3A_628, %select_n3A_618 : vector<16xf32>
      %select_n3A_630 = arith.select %eq3A, %sub3A_629, %broadcast_in_dim3A_3 : vector<16xi1>, vector<16xf32>
      %sub3A_631 = arith.subf %select_n3A_628, %select_n3A_630 : vector<16xf32>
      %sub3A_632 = arith.subf %select_n3A_618, %sub3A_631 : vector<16xf32>
      %select_n3A_633 = arith.select %eq3A, %sub3A_632, %broadcast_in_dim3A_3 : vector<16xi1>, vector<16xf32>
      %sub3A_634 = arith.subf %mul3A_616, %select_n3A_630 : vector<16xf32>
      %select_n3A_635 = arith.select %eq3A, %sub3A_634, %broadcast_in_dim3A_3 : vector<16xi1>, vector<16xf32>
      %add3A_636 = arith.addf %select_n3A_633, %select_n3A_635 : vector<16xf32>
      %add3A_637 = arith.addf %add3A_626, %add3A_636 : vector<16xf32>
      %select_n3A_638 = arith.select %eq3A, %add3A_637, %broadcast_in_dim3A_3 : vector<16xi1>, vector<16xf32>
      %add3A_639 = arith.addf %select_n3A_628, %select_n3A_638 : vector<16xf32>
      %add3A_640 = arith.addf %broadcast_in_dim3A_179, %get3A_568 : vector<16xf32>
      %add3A_641 = arith.addf %add3A_640, %add3A_639 : vector<16xf32>
      %max3A_642 = arith.maximumf %add3A_641, %broadcast_in_dim3A_5 : vector<16xf32>
      %le3A_643 = arith.cmpf ole, %max3A_642, %broadcast_in_dim3A_20 : vector<16xf32>
      %add3A_644 = arith.constant 6.400000e+01 : f32
      %add3A_645 = vector.broadcast %add3A_644 : f32 to vector<16xf32>
      %add3A_646 = arith.addf %add3A_645, %convert_element_type3A : vector<16xf32>
      %select_n3A_647 = arith.select %le3A_643, %add3A_646, %broadcast_in_dim3A_3 : vector<16xi1>, vector<16xf32>
      %min3A_648 = arith.minimumf %min3A_554, %select_n3A_647 : vector<16xf32>
      %get3A_649 = arith.constant 0 : i32
      %get3A_650 = arith.index_cast %get3A_649 : i32 to index
      %get3A_651 = arith.constant 80 : index
      %get3A_652 = tpu.vector_load %arg13[%get3A_650, %get3A_651] {strides = array<i32>} : memref<3x512xf32, #tpu.memory_space<vmem>>, vector<16xf32>,
      %get3A_653 = arith.constant 1 : i32
      %get3A_654 = arith.index_cast %get3A_653 : i32 to index
      %get3A_655 = arith.constant 80 : index
      %get3A_656 = tpu.vector_load %arg13[%get3A_654, %get3A_655] {strides = array<i32>} : memref<3x512xf32, #tpu.memory_space<vmem>>, vector<16xf32>,
      %get3A_657 = arith.constant 2 : i32
      %get3A_658 = arith.index_cast %get3A_657 : i32 to index
      %get3A_659 = arith.constant 80 : index
      %get3A_660 = tpu.vector_load %arg13[%get3A_658, %get3A_659] {strides = array<i32>} : memref<3x512xf32, #tpu.memory_space<vmem>>, vector<16xf32>,
      %get3A_661 = arith.constant 80 : index
      %get3A_662 = tpu.vector_load %arg14[%get3A_661] {strides = array<i32>} : memref<512xf32, #tpu.memory_space<vmem>>, vector<16xf32>,
      %bitcast_convert_type3A_663 = tpu.bitcast %get3A_652 : vector<16xf32> -> vector<16xi32>
      %add3A_664 = arith.constant 32767 : i32
      %add3A_665 = vector.broadcast %add3A_664 : i32 to vector<16xi32>
      %add3A_666 = arith.addi %bitcast_convert_type3A_663, %add3A_665 : vector<16xi32>
      %shift_right_arithmetic3A_667 = arith.constant 16 : i32
      %shift_right_arithmetic3A_668 = vector.broadcast %shift_right_arithmetic3A_667 : i32 to vector<16xi32>
      %shift_right_arithmetic3A_669 = arith.shrsi %bitcast_convert_type3A_663, %shift_right_arithmetic3A_668 : vector<16xi32>
      %and3A_670 = arith.constant 1 : i32
      %and3A_671 = vector.broadcast %and3A_670 : i32 to vector<16xi32>
      %and3A_672 = arith.andi %shift_right_arithmetic3A_669, %and3A_671 : vector<16xi32>
      %add3A_673 = arith.addi %add3A_666, %and3A_672 : vector<16xi32>
      %and3A_674 = arith.constant -65536 : i32
      %and3A_675 = vector.broadcast %and3A_674 : i32 to vector<16xi32>
      %and3A_676 = arith.andi %add3A_673, %and3A_675 : vector<16xi32>
      %bitcast_convert_type3A_677 = tpu.bitcast %and3A_676 : vector<16xi32> -> vector<16xf32>
      %mul3A_678 = arith.mulf %mul3A_124, %bitcast_convert_type3A_677 : vector<16xf32>
      %bitcast_convert_type3A_679 = tpu.bitcast %get3A_656 : vector<16xf32> -> vector<16xi32>
      %add3A_680 = arith.constant 32767 : i32
      %add3A_681 = vector.broadcast %add3A_680 : i32 to vector<16xi32>
      %add3A_682 = arith.addi %bitcast_convert_type3A_679, %add3A_681 : vector<16xi32>
      %shift_right_arithmetic3A_683 = arith.constant 16 : i32
      %shift_right_arithmetic3A_684 = vector.broadcast %shift_right_arithmetic3A_683 : i32 to vector<16xi32>
      %shift_right_arithmetic3A_685 = arith.shrsi %bitcast_convert_type3A_679, %shift_right_arithmetic3A_684 : vector<16xi32>
      %and3A_686 = arith.constant 1 : i32
      %and3A_687 = vector.broadcast %and3A_686 : i32 to vector<16xi32>
      %and3A_688 = arith.andi %shift_right_arithmetic3A_685, %and3A_687 : vector<16xi32>
      %add3A_689 = arith.addi %add3A_682, %and3A_688 : vector<16xi32>
      %and3A_690 = arith.constant -65536 : i32
      %and3A_691 = vector.broadcast %and3A_690 : i32 to vector<16xi32>
      %and3A_692 = arith.andi %add3A_689, %and3A_691 : vector<16xi32>
      %bitcast_convert_type3A_693 = tpu.bitcast %and3A_692 : vector<16xi32> -> vector<16xf32>
      %mul3A_694 = arith.mulf %mul3A_149, %bitcast_convert_type3A_693 : vector<16xf32>
      %bitcast_convert_type3A_695 = tpu.bitcast %get3A_660 : vector<16xf32> -> vector<16xi32>
      %add3A_696 = arith.constant 32767 : i32
      %add3A_697 = vector.broadcast %add3A_696 : i32 to vector<16xi32>
      %add3A_698 = arith.addi %bitcast_convert_type3A_695, %add3A_697 : vector<16xi32>
      %shift_right_arithmetic3A_699 = arith.constant 16 : i32
      %shift_right_arithmetic3A_700 = vector.broadcast %shift_right_arithmetic3A_699 : i32 to vector<16xi32>
      %shift_right_arithmetic3A_701 = arith.shrsi %bitcast_convert_type3A_695, %shift_right_arithmetic3A_700 : vector<16xi32>
      %and3A_702 = arith.constant 1 : i32
      %and3A_703 = vector.broadcast %and3A_702 : i32 to vector<16xi32>
      %and3A_704 = arith.andi %shift_right_arithmetic3A_701, %and3A_703 : vector<16xi32>
      %add3A_705 = arith.addi %add3A_698, %and3A_704 : vector<16xi32>
      %and3A_706 = arith.constant -65536 : i32
      %and3A_707 = vector.broadcast %and3A_706 : i32 to vector<16xi32>
      %and3A_708 = arith.andi %add3A_705, %and3A_707 : vector<16xi32>
      %bitcast_convert_type3A_709 = tpu.bitcast %and3A_708 : vector<16xi32> -> vector<16xf32>
      %mul3A_710 = arith.mulf %mul3A_174, %bitcast_convert_type3A_709 : vector<16xf32>
      %add3A_711 = arith.addf %mul3A_678, %mul3A_694 : vector<16xf32>
      %select_n3A_712 = arith.select %eq3A, %add3A_711, %broadcast_in_dim3A_3 : vector<16xi1>, vector<16xf32>
      %sub3A_713 = arith.subf %select_n3A_712, %mul3A_678 : vector<16xf32>
      %select_n3A_714 = arith.select %eq3A, %sub3A_713, %broadcast_in_dim3A_3 : vector<16xi1>, vector<16xf32>
      %sub3A_715 = arith.subf %select_n3A_712, %select_n3A_714 : vector<16xf32>
      %sub3A_716 = arith.subf %mul3A_678, %sub3A_715 : vector<16xf32>
      %select_n3A_717 = arith.select %eq3A, %sub3A_716, %broadcast_in_dim3A_3 : vector<16xi1>, vector<16xf32>
      %sub3A_718 = arith.subf %mul3A_694, %select_n3A_714 : vector<16xf32>
      %select_n3A_719 = arith.select %eq3A, %sub3A_718, %broadcast_in_dim3A_3 : vector<16xi1>, vector<16xf32>
      %add3A_720 = arith.addf %select_n3A_717, %select_n3A_719 : vector<16xf32>
      %add3A_721 = arith.addf %select_n3A_712, %mul3A_710 : vector<16xf32>
      %select_n3A_722 = arith.select %eq3A, %add3A_721, %broadcast_in_dim3A_3 : vector<16xi1>, vector<16xf32>
      %sub3A_723 = arith.subf %select_n3A_722, %select_n3A_712 : vector<16xf32>
      %select_n3A_724 = arith.select %eq3A, %sub3A_723, %broadcast_in_dim3A_3 : vector<16xi1>, vector<16xf32>
      %sub3A_725 = arith.subf %select_n3A_722, %select_n3A_724 : vector<16xf32>
      %sub3A_726 = arith.subf %select_n3A_712, %sub3A_725 : vector<16xf32>
      %select_n3A_727 = arith.select %eq3A, %sub3A_726, %broadcast_in_dim3A_3 : vector<16xi1>, vector<16xf32>
      %sub3A_728 = arith.subf %mul3A_710, %select_n3A_724 : vector<16xf32>
      %select_n3A_729 = arith.select %eq3A, %sub3A_728, %broadcast_in_dim3A_3 : vector<16xi1>, vector<16xf32>
      %add3A_730 = arith.addf %select_n3A_727, %select_n3A_729 : vector<16xf32>
      %add3A_731 = arith.addf %add3A_720, %add3A_730 : vector<16xf32>
      %select_n3A_732 = arith.select %eq3A, %add3A_731, %broadcast_in_dim3A_3 : vector<16xi1>, vector<16xf32>
      %add3A_733 = arith.addf %select_n3A_722, %select_n3A_732 : vector<16xf32>
      %add3A_734 = arith.addf %broadcast_in_dim3A_179, %get3A_662 : vector<16xf32>
      %add3A_735 = arith.addf %add3A_734, %add3A_733 : vector<16xf32>
      %max3A_736 = arith.maximumf %add3A_735, %broadcast_in_dim3A_5 : vector<16xf32>
      %le3A_737 = arith.cmpf ole, %max3A_736, %broadcast_in_dim3A_20 : vector<16xf32>
      %add3A_738 = arith.constant 8.000000e+01 : f32
      %add3A_739 = vector.broadcast %add3A_738 : f32 to vector<16xf32>
      %add3A_740 = arith.addf %add3A_739, %convert_element_type3A : vector<16xf32>
      %select_n3A_741 = arith.select %le3A_737, %add3A_740, %broadcast_in_dim3A_3 : vector<16xi1>, vector<16xf32>
      %min3A_742 = arith.minimumf %min3A_648, %select_n3A_741 : vector<16xf32>
      %get3A_743 = arith.constant 0 : i32
      %get3A_744 = arith.index_cast %get3A_743 : i32 to index
      %get3A_745 = arith.constant 96 : index
      %get3A_746 = tpu.vector_load %arg13[%get3A_744, %get3A_745] {strides = array<i32>} : memref<3x512xf32, #tpu.memory_space<vmem>>, vector<16xf32>,
      %get3A_747 = arith.constant 1 : i32
      %get3A_748 = arith.index_cast %get3A_747 : i32 to index
      %get3A_749 = arith.constant 96 : index
      %get3A_750 = tpu.vector_load %arg13[%get3A_748, %get3A_749] {strides = array<i32>} : memref<3x512xf32, #tpu.memory_space<vmem>>, vector<16xf32>,
      %get3A_751 = arith.constant 2 : i32
      %get3A_752 = arith.index_cast %get3A_751 : i32 to index
      %get3A_753 = arith.constant 96 : index
      %get3A_754 = tpu.vector_load %arg13[%get3A_752, %get3A_753] {strides = array<i32>} : memref<3x512xf32, #tpu.memory_space<vmem>>, vector<16xf32>,
      %get3A_755 = arith.constant 96 : index
      %get3A_756 = tpu.vector_load %arg14[%get3A_755] {strides = array<i32>} : memref<512xf32, #tpu.memory_space<vmem>>, vector<16xf32>,
      %bitcast_convert_type3A_757 = tpu.bitcast %get3A_746 : vector<16xf32> -> vector<16xi32>
      %add3A_758 = arith.constant 32767 : i32
      %add3A_759 = vector.broadcast %add3A_758 : i32 to vector<16xi32>
      %add3A_760 = arith.addi %bitcast_convert_type3A_757, %add3A_759 : vector<16xi32>
      %shift_right_arithmetic3A_761 = arith.constant 16 : i32
      %shift_right_arithmetic3A_762 = vector.broadcast %shift_right_arithmetic3A_761 : i32 to vector<16xi32>
      %shift_right_arithmetic3A_763 = arith.shrsi %bitcast_convert_type3A_757, %shift_right_arithmetic3A_762 : vector<16xi32>
      %and3A_764 = arith.constant 1 : i32
      %and3A_765 = vector.broadcast %and3A_764 : i32 to vector<16xi32>
      %and3A_766 = arith.andi %shift_right_arithmetic3A_763, %and3A_765 : vector<16xi32>
      %add3A_767 = arith.addi %add3A_760, %and3A_766 : vector<16xi32>
      %and3A_768 = arith.constant -65536 : i32
      %and3A_769 = vector.broadcast %and3A_768 : i32 to vector<16xi32>
      %and3A_770 = arith.andi %add3A_767, %and3A_769 : vector<16xi32>
      %bitcast_convert_type3A_771 = tpu.bitcast %and3A_770 : vector<16xi32> -> vector<16xf32>
      %mul3A_772 = arith.mulf %mul3A_124, %bitcast_convert_type3A_771 : vector<16xf32>
      %bitcast_convert_type3A_773 = tpu.bitcast %get3A_750 : vector<16xf32> -> vector<16xi32>
      %add3A_774 = arith.constant 32767 : i32
      %add3A_775 = vector.broadcast %add3A_774 : i32 to vector<16xi32>
      %add3A_776 = arith.addi %bitcast_convert_type3A_773, %add3A_775 : vector<16xi32>
      %shift_right_arithmetic3A_777 = arith.constant 16 : i32
      %shift_right_arithmetic3A_778 = vector.broadcast %shift_right_arithmetic3A_777 : i32 to vector<16xi32>
      %shift_right_arithmetic3A_779 = arith.shrsi %bitcast_convert_type3A_773, %shift_right_arithmetic3A_778 : vector<16xi32>
      %and3A_780 = arith.constant 1 : i32
      %and3A_781 = vector.broadcast %and3A_780 : i32 to vector<16xi32>
      %and3A_782 = arith.andi %shift_right_arithmetic3A_779, %and3A_781 : vector<16xi32>
      %add3A_783 = arith.addi %add3A_776, %and3A_782 : vector<16xi32>
      %and3A_784 = arith.constant -65536 : i32
      %and3A_785 = vector.broadcast %and3A_784 : i32 to vector<16xi32>
      %and3A_786 = arith.andi %add3A_783, %and3A_785 : vector<16xi32>
      %bitcast_convert_type3A_787 = tpu.bitcast %and3A_786 : vector<16xi32> -> vector<16xf32>
      %mul3A_788 = arith.mulf %mul3A_149, %bitcast_convert_type3A_787 : vector<16xf32>
      %bitcast_convert_type3A_789 = tpu.bitcast %get3A_754 : vector<16xf32> -> vector<16xi32>
      %add3A_790 = arith.constant 32767 : i32
      %add3A_791 = vector.broadcast %add3A_790 : i32 to vector<16xi32>
      %add3A_792 = arith.addi %bitcast_convert_type3A_789, %add3A_791 : vector<16xi32>
      %shift_right_arithmetic3A_793 = arith.constant 16 : i32
      %shift_right_arithmetic3A_794 = vector.broadcast %shift_right_arithmetic3A_793 : i32 to vector<16xi32>
      %shift_right_arithmetic3A_795 = arith.shrsi %bitcast_convert_type3A_789, %shift_right_arithmetic3A_794 : vector<16xi32>
      %and3A_796 = arith.constant 1 : i32
      %and3A_797 = vector.broadcast %and3A_796 : i32 to vector<16xi32>
      %and3A_798 = arith.andi %shift_right_arithmetic3A_795, %and3A_797 : vector<16xi32>
      %add3A_799 = arith.addi %add3A_792, %and3A_798 : vector<16xi32>
      %and3A_800 = arith.constant -65536 : i32
      %and3A_801 = vector.broadcast %and3A_800 : i32 to vector<16xi32>
      %and3A_802 = arith.andi %add3A_799, %and3A_801 : vector<16xi32>
      %bitcast_convert_type3A_803 = tpu.bitcast %and3A_802 : vector<16xi32> -> vector<16xf32>
      %mul3A_804 = arith.mulf %mul3A_174, %bitcast_convert_type3A_803 : vector<16xf32>
      %add3A_805 = arith.addf %mul3A_772, %mul3A_788 : vector<16xf32>
      %select_n3A_806 = arith.select %eq3A, %add3A_805, %broadcast_in_dim3A_3 : vector<16xi1>, vector<16xf32>
      %sub3A_807 = arith.subf %select_n3A_806, %mul3A_772 : vector<16xf32>
      %select_n3A_808 = arith.select %eq3A, %sub3A_807, %broadcast_in_dim3A_3 : vector<16xi1>, vector<16xf32>
      %sub3A_809 = arith.subf %select_n3A_806, %select_n3A_808 : vector<16xf32>
      %sub3A_810 = arith.subf %mul3A_772, %sub3A_809 : vector<16xf32>
      %select_n3A_811 = arith.select %eq3A, %sub3A_810, %broadcast_in_dim3A_3 : vector<16xi1>, vector<16xf32>
      %sub3A_812 = arith.subf %mul3A_788, %select_n3A_808 : vector<16xf32>
      %select_n3A_813 = arith.select %eq3A, %sub3A_812, %broadcast_in_dim3A_3 : vector<16xi1>, vector<16xf32>
      %add3A_814 = arith.addf %select_n3A_811, %select_n3A_813 : vector<16xf32>
      %add3A_815 = arith.addf %select_n3A_806, %mul3A_804 : vector<16xf32>
      %select_n3A_816 = arith.select %eq3A, %add3A_815, %broadcast_in_dim3A_3 : vector<16xi1>, vector<16xf32>
      %sub3A_817 = arith.subf %select_n3A_816, %select_n3A_806 : vector<16xf32>
      %select_n3A_818 = arith.select %eq3A, %sub3A_817, %broadcast_in_dim3A_3 : vector<16xi1>, vector<16xf32>
      %sub3A_819 = arith.subf %select_n3A_816, %select_n3A_818 : vector<16xf32>
      %sub3A_820 = arith.subf %select_n3A_806, %sub3A_819 : vector<16xf32>
      %select_n3A_821 = arith.select %eq3A, %sub3A_820, %broadcast_in_dim3A_3 : vector<16xi1>, vector<16xf32>
      %sub3A_822 = arith.subf %mul3A_804, %select_n3A_818 : vector<16xf32>
      %select_n3A_823 = arith.select %eq3A, %sub3A_822, %broadcast_in_dim3A_3 : vector<16xi1>, vector<16xf32>
      %add3A_824 = arith.addf %select_n3A_821, %select_n3A_823 : vector<16xf32>
      %add3A_825 = arith.addf %add3A_814, %add3A_824 : vector<16xf32>
      %select_n3A_826 = arith.select %eq3A, %add3A_825, %broadcast_in_dim3A_3 : vector<16xi1>, vector<16xf32>
      %add3A_827 = arith.addf %select_n3A_816, %select_n3A_826 : vector<16xf32>
      %add3A_828 = arith.addf %broadcast_in_dim3A_179, %get3A_756 : vector<16xf32>
      %add3A_829 = arith.addf %add3A_828, %add3A_827 : vector<16xf32>
      %max3A_830 = arith.maximumf %add3A_829, %broadcast_in_dim3A_5 : vector<16xf32>
      %le3A_831 = arith.cmpf ole, %max3A_830, %broadcast_in_dim3A_20 : vector<16xf32>
      %add3A_832 = arith.constant 9.600000e+01 : f32
      %add3A_833 = vector.broadcast %add3A_832 : f32 to vector<16xf32>
      %add3A_834 = arith.addf %add3A_833, %convert_element_type3A : vector<16xf32>
      %select_n3A_835 = arith.select %le3A_831, %add3A_834, %broadcast_in_dim3A_3 : vector<16xi1>, vector<16xf32>
      %min3A_836 = arith.minimumf %min3A_742, %select_n3A_835 : vector<16xf32>
      %get3A_837 = arith.constant 0 : i32
      %get3A_838 = arith.index_cast %get3A_837 : i32 to index
      %get3A_839 = arith.constant 112 : index
      %get3A_840 = tpu.vector_load %arg13[%get3A_838, %get3A_839] {strides = array<i32>} : memref<3x512xf32, #tpu.memory_space<vmem>>, vector<16xf32>,
      %get3A_841 = arith.constant 1 : i32
      %get3A_842 = arith.index_cast %get3A_841 : i32 to index
      %get3A_843 = arith.constant 112 : index
      %get3A_844 = tpu.vector_load %arg13[%get3A_842, %get3A_843] {strides = array<i32>} : memref<3x512xf32, #tpu.memory_space<vmem>>, vector<16xf32>,
      %get3A_845 = arith.constant 2 : i32
      %get3A_846 = arith.index_cast %get3A_845 : i32 to index
      %get3A_847 = arith.constant 112 : index
      %get3A_848 = tpu.vector_load %arg13[%get3A_846, %get3A_847] {strides = array<i32>} : memref<3x512xf32, #tpu.memory_space<vmem>>, vector<16xf32>,
      %get3A_849 = arith.constant 112 : index
      %get3A_850 = tpu.vector_load %arg14[%get3A_849] {strides = array<i32>} : memref<512xf32, #tpu.memory_space<vmem>>, vector<16xf32>,
      %bitcast_convert_type3A_851 = tpu.bitcast %get3A_840 : vector<16xf32> -> vector<16xi32>
      %add3A_852 = arith.constant 32767 : i32
      %add3A_853 = vector.broadcast %add3A_852 : i32 to vector<16xi32>
      %add3A_854 = arith.addi %bitcast_convert_type3A_851, %add3A_853 : vector<16xi32>
      %shift_right_arithmetic3A_855 = arith.constant 16 : i32
      %shift_right_arithmetic3A_856 = vector.broadcast %shift_right_arithmetic3A_855 : i32 to vector<16xi32>
      %shift_right_arithmetic3A_857 = arith.shrsi %bitcast_convert_type3A_851, %shift_right_arithmetic3A_856 : vector<16xi32>
      %and3A_858 = arith.constant 1 : i32
      %and3A_859 = vector.broadcast %and3A_858 : i32 to vector<16xi32>
      %and3A_860 = arith.andi %shift_right_arithmetic3A_857, %and3A_859 : vector<16xi32>
      %add3A_861 = arith.addi %add3A_854, %and3A_860 : vector<16xi32>
      %and3A_862 = arith.constant -65536 : i32
      %and3A_863 = vector.broadcast %and3A_862 : i32 to vector<16xi32>
      %and3A_864 = arith.andi %add3A_861, %and3A_863 : vector<16xi32>
      %bitcast_convert_type3A_865 = tpu.bitcast %and3A_864 : vector<16xi32> -> vector<16xf32>
      %mul3A_866 = arith.mulf %mul3A_124, %bitcast_convert_type3A_865 : vector<16xf32>
      %bitcast_convert_type3A_867 = tpu.bitcast %get3A_844 : vector<16xf32> -> vector<16xi32>
      %add3A_868 = arith.constant 32767 : i32
      %add3A_869 = vector.broadcast %add3A_868 : i32 to vector<16xi32>
      %add3A_870 = arith.addi %bitcast_convert_type3A_867, %add3A_869 : vector<16xi32>
      %shift_right_arithmetic3A_871 = arith.constant 16 : i32
      %shift_right_arithmetic3A_872 = vector.broadcast %shift_right_arithmetic3A_871 : i32 to vector<16xi32>
      %shift_right_arithmetic3A_873 = arith.shrsi %bitcast_convert_type3A_867, %shift_right_arithmetic3A_872 : vector<16xi32>
      %and3A_874 = arith.constant 1 : i32
      %and3A_875 = vector.broadcast %and3A_874 : i32 to vector<16xi32>
      %and3A_876 = arith.andi %shift_right_arithmetic3A_873, %and3A_875 : vector<16xi32>
      %add3A_877 = arith.addi %add3A_870, %and3A_876 : vector<16xi32>
      %and3A_878 = arith.constant -65536 : i32
      %and3A_879 = vector.broadcast %and3A_878 : i32 to vector<16xi32>
      %and3A_880 = arith.andi %add3A_877, %and3A_879 : vector<16xi32>
      %bitcast_convert_type3A_881 = tpu.bitcast %and3A_880 : vector<16xi32> -> vector<16xf32>
      %mul3A_882 = arith.mulf %mul3A_149, %bitcast_convert_type3A_881 : vector<16xf32>
      %bitcast_convert_type3A_883 = tpu.bitcast %get3A_848 : vector<16xf32> -> vector<16xi32>
      %add3A_884 = arith.constant 32767 : i32
      %add3A_885 = vector.broadcast %add3A_884 : i32 to vector<16xi32>
      %add3A_886 = arith.addi %bitcast_convert_type3A_883, %add3A_885 : vector<16xi32>
      %shift_right_arithmetic3A_887 = arith.constant 16 : i32
      %shift_right_arithmetic3A_888 = vector.broadcast %shift_right_arithmetic3A_887 : i32 to vector<16xi32>
      %shift_right_arithmetic3A_889 = arith.shrsi %bitcast_convert_type3A_883, %shift_right_arithmetic3A_888 : vector<16xi32>
      %and3A_890 = arith.constant 1 : i32
      %and3A_891 = vector.broadcast %and3A_890 : i32 to vector<16xi32>
      %and3A_892 = arith.andi %shift_right_arithmetic3A_889, %and3A_891 : vector<16xi32>
      %add3A_893 = arith.addi %add3A_886, %and3A_892 : vector<16xi32>
      %and3A_894 = arith.constant -65536 : i32
      %and3A_895 = vector.broadcast %and3A_894 : i32 to vector<16xi32>
      %and3A_896 = arith.andi %add3A_893, %and3A_895 : vector<16xi32>
      %bitcast_convert_type3A_897 = tpu.bitcast %and3A_896 : vector<16xi32> -> vector<16xf32>
      %mul3A_898 = arith.mulf %mul3A_174, %bitcast_convert_type3A_897 : vector<16xf32>
      %add3A_899 = arith.addf %mul3A_866, %mul3A_882 : vector<16xf32>
      %select_n3A_900 = arith.select %eq3A, %add3A_899, %broadcast_in_dim3A_3 : vector<16xi1>, vector<16xf32>
      %sub3A_901 = arith.subf %select_n3A_900, %mul3A_866 : vector<16xf32>
      %select_n3A_902 = arith.select %eq3A, %sub3A_901, %broadcast_in_dim3A_3 : vector<16xi1>, vector<16xf32>
      %sub3A_903 = arith.subf %select_n3A_900, %select_n3A_902 : vector<16xf32>
      %sub3A_904 = arith.subf %mul3A_866, %sub3A_903 : vector<16xf32>
      %select_n3A_905 = arith.select %eq3A, %sub3A_904, %broadcast_in_dim3A_3 : vector<16xi1>, vector<16xf32>
      %sub3A_906 = arith.subf %mul3A_882, %select_n3A_902 : vector<16xf32>
      %select_n3A_907 = arith.select %eq3A, %sub3A_906, %broadcast_in_dim3A_3 : vector<16xi1>, vector<16xf32>
      %add3A_908 = arith.addf %select_n3A_905, %select_n3A_907 : vector<16xf32>
      %add3A_909 = arith.addf %select_n3A_900, %mul3A_898 : vector<16xf32>
      %select_n3A_910 = arith.select %eq3A, %add3A_909, %broadcast_in_dim3A_3 : vector<16xi1>, vector<16xf32>
      %sub3A_911 = arith.subf %select_n3A_910, %select_n3A_900 : vector<16xf32>
      %select_n3A_912 = arith.select %eq3A, %sub3A_911, %broadcast_in_dim3A_3 : vector<16xi1>, vector<16xf32>
      %sub3A_913 = arith.subf %select_n3A_910, %select_n3A_912 : vector<16xf32>
      %sub3A_914 = arith.subf %select_n3A_900, %sub3A_913 : vector<16xf32>
      %select_n3A_915 = arith.select %eq3A, %sub3A_914, %broadcast_in_dim3A_3 : vector<16xi1>, vector<16xf32>
      %sub3A_916 = arith.subf %mul3A_898, %select_n3A_912 : vector<16xf32>
      %select_n3A_917 = arith.select %eq3A, %sub3A_916, %broadcast_in_dim3A_3 : vector<16xi1>, vector<16xf32>
      %add3A_918 = arith.addf %select_n3A_915, %select_n3A_917 : vector<16xf32>
      %add3A_919 = arith.addf %add3A_908, %add3A_918 : vector<16xf32>
      %select_n3A_920 = arith.select %eq3A, %add3A_919, %broadcast_in_dim3A_3 : vector<16xi1>, vector<16xf32>
      %add3A_921 = arith.addf %select_n3A_910, %select_n3A_920 : vector<16xf32>
      %add3A_922 = arith.addf %broadcast_in_dim3A_179, %get3A_850 : vector<16xf32>
      %add3A_923 = arith.addf %add3A_922, %add3A_921 : vector<16xf32>
      %max3A_924 = arith.maximumf %add3A_923, %broadcast_in_dim3A_5 : vector<16xf32>
      %le3A_925 = arith.cmpf ole, %max3A_924, %broadcast_in_dim3A_20 : vector<16xf32>
      %add3A_926 = arith.constant 1.120000e+02 : f32
      %add3A_927 = vector.broadcast %add3A_926 : f32 to vector<16xf32>
      %add3A_928 = arith.addf %add3A_927, %convert_element_type3A : vector<16xf32>
      %select_n3A_929 = arith.select %le3A_925, %add3A_928, %broadcast_in_dim3A_3 : vector<16xi1>, vector<16xf32>
      %min3A_930 = arith.minimumf %min3A_836, %select_n3A_929 : vector<16xf32>
      %get3A_931 = arith.constant 0 : i32
      %get3A_932 = arith.index_cast %get3A_931 : i32 to index
      %get3A_933 = arith.constant 128 : index
      %get3A_934 = tpu.vector_load %arg13[%get3A_932, %get3A_933] {strides = array<i32>} : memref<3x512xf32, #tpu.memory_space<vmem>>, vector<16xf32>,
      %get3A_935 = arith.constant 1 : i32
      %get3A_936 = arith.index_cast %get3A_935 : i32 to index
      %get3A_937 = arith.constant 128 : index
      %get3A_938 = tpu.vector_load %arg13[%get3A_936, %get3A_937] {strides = array<i32>} : memref<3x512xf32, #tpu.memory_space<vmem>>, vector<16xf32>,
      %get3A_939 = arith.constant 2 : i32
      %get3A_940 = arith.index_cast %get3A_939 : i32 to index
      %get3A_941 = arith.constant 128 : index
      %get3A_942 = tpu.vector_load %arg13[%get3A_940, %get3A_941] {strides = array<i32>} : memref<3x512xf32, #tpu.memory_space<vmem>>, vector<16xf32>,
      %get3A_943 = arith.constant 128 : index
      %get3A_944 = tpu.vector_load %arg14[%get3A_943] {strides = array<i32>} : memref<512xf32, #tpu.memory_space<vmem>>, vector<16xf32>,
      %bitcast_convert_type3A_945 = tpu.bitcast %get3A_934 : vector<16xf32> -> vector<16xi32>
      %add3A_946 = arith.constant 32767 : i32
      %add3A_947 = vector.broadcast %add3A_946 : i32 to vector<16xi32>
      %add3A_948 = arith.addi %bitcast_convert_type3A_945, %add3A_947 : vector<16xi32>
      %shift_right_arithmetic3A_949 = arith.constant 16 : i32
      %shift_right_arithmetic3A_950 = vector.broadcast %shift_right_arithmetic3A_949 : i32 to vector<16xi32>
      %shift_right_arithmetic3A_951 = arith.shrsi %bitcast_convert_type3A_945, %shift_right_arithmetic3A_950 : vector<16xi32>
      %and3A_952 = arith.constant 1 : i32
      %and3A_953 = vector.broadcast %and3A_952 : i32 to vector<16xi32>
      %and3A_954 = arith.andi %shift_right_arithmetic3A_951, %and3A_953 : vector<16xi32>
      %add3A_955 = arith.addi %add3A_948, %and3A_954 : vector<16xi32>
      %and3A_956 = arith.constant -65536 : i32
      %and3A_957 = vector.broadcast %and3A_956 : i32 to vector<16xi32>
      %and3A_958 = arith.andi %add3A_955, %and3A_957 : vector<16xi32>
      %bitcast_convert_type3A_959 = tpu.bitcast %and3A_958 : vector<16xi32> -> vector<16xf32>
      %mul3A_960 = arith.mulf %mul3A_124, %bitcast_convert_type3A_959 : vector<16xf32>
      %bitcast_convert_type3A_961 = tpu.bitcast %get3A_938 : vector<16xf32> -> vector<16xi32>
      %add3A_962 = arith.constant 32767 : i32
      %add3A_963 = vector.broadcast %add3A_962 : i32 to vector<16xi32>
      %add3A_964 = arith.addi %bitcast_convert_type3A_961, %add3A_963 : vector<16xi32>
      %shift_right_arithmetic3A_965 = arith.constant 16 : i32
      %shift_right_arithmetic3A_966 = vector.broadcast %shift_right_arithmetic3A_965 : i32 to vector<16xi32>
      %shift_right_arithmetic3A_967 = arith.shrsi %bitcast_convert_type3A_961, %shift_right_arithmetic3A_966 : vector<16xi32>
      %and3A_968 = arith.constant 1 : i32
      %and3A_969 = vector.broadcast %and3A_968 : i32 to vector<16xi32>
      %and3A_970 = arith.andi %shift_right_arithmetic3A_967, %and3A_969 : vector<16xi32>
      %add3A_971 = arith.addi %add3A_964, %and3A_970 : vector<16xi32>
      %and3A_972 = arith.constant -65536 : i32
      %and3A_973 = vector.broadcast %and3A_972 : i32 to vector<16xi32>
      %and3A_974 = arith.andi %add3A_971, %and3A_973 : vector<16xi32>
      %bitcast_convert_type3A_975 = tpu.bitcast %and3A_974 : vector<16xi32> -> vector<16xf32>
      %mul3A_976 = arith.mulf %mul3A_149, %bitcast_convert_type3A_975 : vector<16xf32>
      %bitcast_convert_type3A_977 = tpu.bitcast %get3A_942 : vector<16xf32> -> vector<16xi32>
      %add3A_978 = arith.constant 32767 : i32
      %add3A_979 = vector.broadcast %add3A_978 : i32 to vector<16xi32>
      %add3A_980 = arith.addi %bitcast_convert_type3A_977, %add3A_979 : vector<16xi32>
      %shift_right_arithmetic3A_981 = arith.constant 16 : i32
      %shift_right_arithmetic3A_982 = vector.broadcast %shift_right_arithmetic3A_981 : i32 to vector<16xi32>
      %shift_right_arithmetic3A_983 = arith.shrsi %bitcast_convert_type3A_977, %shift_right_arithmetic3A_982 : vector<16xi32>
      %and3A_984 = arith.constant 1 : i32
      %and3A_985 = vector.broadcast %and3A_984 : i32 to vector<16xi32>
      %and3A_986 = arith.andi %shift_right_arithmetic3A_983, %and3A_985 : vector<16xi32>
      %add3A_987 = arith.addi %add3A_980, %and3A_986 : vector<16xi32>
      %and3A_988 = arith.constant -65536 : i32
      %and3A_989 = vector.broadcast %and3A_988 : i32 to vector<16xi32>
      %and3A_990 = arith.andi %add3A_987, %and3A_989 : vector<16xi32>
      %bitcast_convert_type3A_991 = tpu.bitcast %and3A_990 : vector<16xi32> -> vector<16xf32>
      %mul3A_992 = arith.mulf %mul3A_174, %bitcast_convert_type3A_991 : vector<16xf32>
      %add3A_993 = arith.addf %mul3A_960, %mul3A_976 : vector<16xf32>
      %select_n3A_994 = arith.select %eq3A, %add3A_993, %broadcast_in_dim3A_3 : vector<16xi1>, vector<16xf32>
      %sub3A_995 = arith.subf %select_n3A_994, %mul3A_960 : vector<16xf32>
      %select_n3A_996 = arith.select %eq3A, %sub3A_995, %broadcast_in_dim3A_3 : vector<16xi1>, vector<16xf32>
      %sub3A_997 = arith.subf %select_n3A_994, %select_n3A_996 : vector<16xf32>
      %sub3A_998 = arith.subf %mul3A_960, %sub3A_997 : vector<16xf32>
      %select_n3A_999 = arith.select %eq3A, %sub3A_998, %broadcast_in_dim3A_3 : vector<16xi1>, vector<16xf32>
      %sub3A_1000 = arith.subf %mul3A_976, %select_n3A_996 : vector<16xf32>
      %select_n3A_1001 = arith.select %eq3A, %sub3A_1000, %broadcast_in_dim3A_3 : vector<16xi1>, vector<16xf32>
      %add3A_1002 = arith.addf %select_n3A_999, %select_n3A_1001 : vector<16xf32>
      %add3A_1003 = arith.addf %select_n3A_994, %mul3A_992 : vector<16xf32>
      %select_n3A_1004 = arith.select %eq3A, %add3A_1003, %broadcast_in_dim3A_3 : vector<16xi1>, vector<16xf32>
      %sub3A_1005 = arith.subf %select_n3A_1004, %select_n3A_994 : vector<16xf32>
      %select_n3A_1006 = arith.select %eq3A, %sub3A_1005, %broadcast_in_dim3A_3 : vector<16xi1>, vector<16xf32>
      %sub3A_1007 = arith.subf %select_n3A_1004, %select_n3A_1006 : vector<16xf32>
      %sub3A_1008 = arith.subf %select_n3A_994, %sub3A_1007 : vector<16xf32>
      %select_n3A_1009 = arith.select %eq3A, %sub3A_1008, %broadcast_in_dim3A_3 : vector<16xi1>, vector<16xf32>
      %sub3A_1010 = arith.subf %mul3A_992, %select_n3A_1006 : vector<16xf32>
      %select_n3A_1011 = arith.select %eq3A, %sub3A_1010, %broadcast_in_dim3A_3 : vector<16xi1>, vector<16xf32>
      %add3A_1012 = arith.addf %select_n3A_1009, %select_n3A_1011 : vector<16xf32>
      %add3A_1013 = arith.addf %add3A_1002, %add3A_1012 : vector<16xf32>
      %select_n3A_1014 = arith.select %eq3A, %add3A_1013, %broadcast_in_dim3A_3 : vector<16xi1>, vector<16xf32>
      %add3A_1015 = arith.addf %select_n3A_1004, %select_n3A_1014 : vector<16xf32>
      %add3A_1016 = arith.addf %broadcast_in_dim3A_179, %get3A_944 : vector<16xf32>
      %add3A_1017 = arith.addf %add3A_1016, %add3A_1015 : vector<16xf32>
      %max3A_1018 = arith.maximumf %add3A_1017, %broadcast_in_dim3A_5 : vector<16xf32>
      %le3A_1019 = arith.cmpf ole, %max3A_1018, %broadcast_in_dim3A_20 : vector<16xf32>
      %add3A_1020 = arith.constant 1.280000e+02 : f32
      %add3A_1021 = vector.broadcast %add3A_1020 : f32 to vector<16xf32>
      %add3A_1022 = arith.addf %add3A_1021, %convert_element_type3A : vector<16xf32>
      %select_n3A_1023 = arith.select %le3A_1019, %add3A_1022, %broadcast_in_dim3A_3 : vector<16xi1>, vector<16xf32>
      %min3A_1024 = arith.minimumf %min3A_930, %select_n3A_1023 : vector<16xf32>
      %get3A_1025 = arith.constant 0 : i32
      %get3A_1026 = arith.index_cast %get3A_1025 : i32 to index
      %get3A_1027 = arith.constant 144 : index
      %get3A_1028 = tpu.vector_load %arg13[%get3A_1026, %get3A_1027] {strides = array<i32>} : memref<3x512xf32, #tpu.memory_space<vmem>>, vector<16xf32>,
      %get3A_1029 = arith.constant 1 : i32
      %get3A_1030 = arith.index_cast %get3A_1029 : i32 to index
      %get3A_1031 = arith.constant 144 : index
      %get3A_1032 = tpu.vector_load %arg13[%get3A_1030, %get3A_1031] {strides = array<i32>} : memref<3x512xf32, #tpu.memory_space<vmem>>, vector<16xf32>,
      %get3A_1033 = arith.constant 2 : i32
      %get3A_1034 = arith.index_cast %get3A_1033 : i32 to index
      %get3A_1035 = arith.constant 144 : index
      %get3A_1036 = tpu.vector_load %arg13[%get3A_1034, %get3A_1035] {strides = array<i32>} : memref<3x512xf32, #tpu.memory_space<vmem>>, vector<16xf32>,
      %get3A_1037 = arith.constant 144 : index
      %get3A_1038 = tpu.vector_load %arg14[%get3A_1037] {strides = array<i32>} : memref<512xf32, #tpu.memory_space<vmem>>, vector<16xf32>,
      %bitcast_convert_type3A_1039 = tpu.bitcast %get3A_1028 : vector<16xf32> -> vector<16xi32>
      %add3A_1040 = arith.constant 32767 : i32
      %add3A_1041 = vector.broadcast %add3A_1040 : i32 to vector<16xi32>
      %add3A_1042 = arith.addi %bitcast_convert_type3A_1039, %add3A_1041 : vector<16xi32>
      %shift_right_arithmetic3A_1043 = arith.constant 16 : i32
      %shift_right_arithmetic3A_1044 = vector.broadcast %shift_right_arithmetic3A_1043 : i32 to vector<16xi32>
      %shift_right_arithmetic3A_1045 = arith.shrsi %bitcast_convert_type3A_1039, %shift_right_arithmetic3A_1044 : vector<16xi32>
      %and3A_1046 = arith.constant 1 : i32
      %and3A_1047 = vector.broadcast %and3A_1046 : i32 to vector<16xi32>
      %and3A_1048 = arith.andi %shift_right_arithmetic3A_1045, %and3A_1047 : vector<16xi32>
      %add3A_1049 = arith.addi %add3A_1042, %and3A_1048 : vector<16xi32>
      %and3A_1050 = arith.constant -65536 : i32
      %and3A_1051 = vector.broadcast %and3A_1050 : i32 to vector<16xi32>
      %and3A_1052 = arith.andi %add3A_1049, %and3A_1051 : vector<16xi32>
      %bitcast_convert_type3A_1053 = tpu.bitcast %and3A_1052 : vector<16xi32> -> vector<16xf32>
      %mul3A_1054 = arith.mulf %mul3A_124, %bitcast_convert_type3A_1053 : vector<16xf32>
      %bitcast_convert_type3A_1055 = tpu.bitcast %get3A_1032 : vector<16xf32> -> vector<16xi32>
      %add3A_1056 = arith.constant 32767 : i32
      %add3A_1057 = vector.broadcast %add3A_1056 : i32 to vector<16xi32>
      %add3A_1058 = arith.addi %bitcast_convert_type3A_1055, %add3A_1057 : vector<16xi32>
      %shift_right_arithmetic3A_1059 = arith.constant 16 : i32
      %shift_right_arithmetic3A_1060 = vector.broadcast %shift_right_arithmetic3A_1059 : i32 to vector<16xi32>
      %shift_right_arithmetic3A_1061 = arith.shrsi %bitcast_convert_type3A_1055, %shift_right_arithmetic3A_1060 : vector<16xi32>
      %and3A_1062 = arith.constant 1 : i32
      %and3A_1063 = vector.broadcast %and3A_1062 : i32 to vector<16xi32>
      %and3A_1064 = arith.andi %shift_right_arithmetic3A_1061, %and3A_1063 : vector<16xi32>
      %add3A_1065 = arith.addi %add3A_1058, %and3A_1064 : vector<16xi32>
      %and3A_1066 = arith.constant -65536 : i32
      %and3A_1067 = vector.broadcast %and3A_1066 : i32 to vector<16xi32>
      %and3A_1068 = arith.andi %add3A_1065, %and3A_1067 : vector<16xi32>
      %bitcast_convert_type3A_1069 = tpu.bitcast %and3A_1068 : vector<16xi32> -> vector<16xf32>
      %mul3A_1070 = arith.mulf %mul3A_149, %bitcast_convert_type3A_1069 : vector<16xf32>
      %bitcast_convert_type3A_1071 = tpu.bitcast %get3A_1036 : vector<16xf32> -> vector<16xi32>
      %add3A_1072 = arith.constant 32767 : i32
      %add3A_1073 = vector.broadcast %add3A_1072 : i32 to vector<16xi32>
      %add3A_1074 = arith.addi %bitcast_convert_type3A_1071, %add3A_1073 : vector<16xi32>
      %shift_right_arithmetic3A_1075 = arith.constant 16 : i32
      %shift_right_arithmetic3A_1076 = vector.broadcast %shift_right_arithmetic3A_1075 : i32 to vector<16xi32>
      %shift_right_arithmetic3A_1077 = arith.shrsi %bitcast_convert_type3A_1071, %shift_right_arithmetic3A_1076 : vector<16xi32>
      %and3A_1078 = arith.constant 1 : i32
      %and3A_1079 = vector.broadcast %and3A_1078 : i32 to vector<16xi32>
      %and3A_1080 = arith.andi %shift_right_arithmetic3A_1077, %and3A_1079 : vector<16xi32>
      %add3A_1081 = arith.addi %add3A_1074, %and3A_1080 : vector<16xi32>
      %and3A_1082 = arith.constant -65536 : i32
      %and3A_1083 = vector.broadcast %and3A_1082 : i32 to vector<16xi32>
      %and3A_1084 = arith.andi %add3A_1081, %and3A_1083 : vector<16xi32>
      %bitcast_convert_type3A_1085 = tpu.bitcast %and3A_1084 : vector<16xi32> -> vector<16xf32>
      %mul3A_1086 = arith.mulf %mul3A_174, %bitcast_convert_type3A_1085 : vector<16xf32>
      %add3A_1087 = arith.addf %mul3A_1054, %mul3A_1070 : vector<16xf32>
      %select_n3A_1088 = arith.select %eq3A, %add3A_1087, %broadcast_in_dim3A_3 : vector<16xi1>, vector<16xf32>
      %sub3A_1089 = arith.subf %select_n3A_1088, %mul3A_1054 : vector<16xf32>
      %select_n3A_1090 = arith.select %eq3A, %sub3A_1089, %broadcast_in_dim3A_3 : vector<16xi1>, vector<16xf32>
      %sub3A_1091 = arith.subf %select_n3A_1088, %select_n3A_1090 : vector<16xf32>
      %sub3A_1092 = arith.subf %mul3A_1054, %sub3A_1091 : vector<16xf32>
      %select_n3A_1093 = arith.select %eq3A, %sub3A_1092, %broadcast_in_dim3A_3 : vector<16xi1>, vector<16xf32>
      %sub3A_1094 = arith.subf %mul3A_1070, %select_n3A_1090 : vector<16xf32>
      %select_n3A_1095 = arith.select %eq3A, %sub3A_1094, %broadcast_in_dim3A_3 : vector<16xi1>, vector<16xf32>
      %add3A_1096 = arith.addf %select_n3A_1093, %select_n3A_1095 : vector<16xf32>
      %add3A_1097 = arith.addf %select_n3A_1088, %mul3A_1086 : vector<16xf32>
      %select_n3A_1098 = arith.select %eq3A, %add3A_1097, %broadcast_in_dim3A_3 : vector<16xi1>, vector<16xf32>
      %sub3A_1099 = arith.subf %select_n3A_1098, %select_n3A_1088 : vector<16xf32>
      %select_n3A_1100 = arith.select %eq3A, %sub3A_1099, %broadcast_in_dim3A_3 : vector<16xi1>, vector<16xf32>
      %sub3A_1101 = arith.subf %select_n3A_1098, %select_n3A_1100 : vector<16xf32>
      %sub3A_1102 = arith.subf %select_n3A_1088, %sub3A_1101 : vector<16xf32>
      %select_n3A_1103 = arith.select %eq3A, %sub3A_1102, %broadcast_in_dim3A_3 : vector<16xi1>, vector<16xf32>
      %sub3A_1104 = arith.subf %mul3A_1086, %select_n3A_1100 : vector<16xf32>
      %select_n3A_1105 = arith.select %eq3A, %sub3A_1104, %broadcast_in_dim3A_3 : vector<16xi1>, vector<16xf32>
      %add3A_1106 = arith.addf %select_n3A_1103, %select_n3A_1105 : vector<16xf32>
      %add3A_1107 = arith.addf %add3A_1096, %add3A_1106 : vector<16xf32>
      %select_n3A_1108 = arith.select %eq3A, %add3A_1107, %broadcast_in_dim3A_3 : vector<16xi1>, vector<16xf32>
      %add3A_1109 = arith.addf %select_n3A_1098, %select_n3A_1108 : vector<16xf32>
      %add3A_1110 = arith.addf %broadcast_in_dim3A_179, %get3A_1038 : vector<16xf32>
      %add3A_1111 = arith.addf %add3A_1110, %add3A_1109 : vector<16xf32>
      %max3A_1112 = arith.maximumf %add3A_1111, %broadcast_in_dim3A_5 : vector<16xf32>
      %le3A_1113 = arith.cmpf ole, %max3A_1112, %broadcast_in_dim3A_20 : vector<16xf32>
      %add3A_1114 = arith.constant 1.440000e+02 : f32
      %add3A_1115 = vector.broadcast %add3A_1114 : f32 to vector<16xf32>
      %add3A_1116 = arith.addf %add3A_1115, %convert_element_type3A : vector<16xf32>
      %select_n3A_1117 = arith.select %le3A_1113, %add3A_1116, %broadcast_in_dim3A_3 : vector<16xi1>, vector<16xf32>
      %min3A_1118 = arith.minimumf %min3A_1024, %select_n3A_1117 : vector<16xf32>
      %get3A_1119 = arith.constant 0 : i32
      %get3A_1120 = arith.index_cast %get3A_1119 : i32 to index
      %get3A_1121 = arith.constant 160 : index
      %get3A_1122 = tpu.vector_load %arg13[%get3A_1120, %get3A_1121] {strides = array<i32>} : memref<3x512xf32, #tpu.memory_space<vmem>>, vector<16xf32>,
      %get3A_1123 = arith.constant 1 : i32
      %get3A_1124 = arith.index_cast %get3A_1123 : i32 to index
      %get3A_1125 = arith.constant 160 : index
      %get3A_1126 = tpu.vector_load %arg13[%get3A_1124, %get3A_1125] {strides = array<i32>} : memref<3x512xf32, #tpu.memory_space<vmem>>, vector<16xf32>,
      %get3A_1127 = arith.constant 2 : i32
      %get3A_1128 = arith.index_cast %get3A_1127 : i32 to index
      %get3A_1129 = arith.constant 160 : index
      %get3A_1130 = tpu.vector_load %arg13[%get3A_1128, %get3A_1129] {strides = array<i32>} : memref<3x512xf32, #tpu.memory_space<vmem>>, vector<16xf32>,
      %get3A_1131 = arith.constant 160 : index
      %get3A_1132 = tpu.vector_load %arg14[%get3A_1131] {strides = array<i32>} : memref<512xf32, #tpu.memory_space<vmem>>, vector<16xf32>,
      %bitcast_convert_type3A_1133 = tpu.bitcast %get3A_1122 : vector<16xf32> -> vector<16xi32>
      %add3A_1134 = arith.constant 32767 : i32
      %add3A_1135 = vector.broadcast %add3A_1134 : i32 to vector<16xi32>
      %add3A_1136 = arith.addi %bitcast_convert_type3A_1133, %add3A_1135 : vector<16xi32>
      %shift_right_arithmetic3A_1137 = arith.constant 16 : i32
      %shift_right_arithmetic3A_1138 = vector.broadcast %shift_right_arithmetic3A_1137 : i32 to vector<16xi32>
      %shift_right_arithmetic3A_1139 = arith.shrsi %bitcast_convert_type3A_1133, %shift_right_arithmetic3A_1138 : vector<16xi32>
      %and3A_1140 = arith.constant 1 : i32
      %and3A_1141 = vector.broadcast %and3A_1140 : i32 to vector<16xi32>
      %and3A_1142 = arith.andi %shift_right_arithmetic3A_1139, %and3A_1141 : vector<16xi32>
      %add3A_1143 = arith.addi %add3A_1136, %and3A_1142 : vector<16xi32>
      %and3A_1144 = arith.constant -65536 : i32
      %and3A_1145 = vector.broadcast %and3A_1144 : i32 to vector<16xi32>
      %and3A_1146 = arith.andi %add3A_1143, %and3A_1145 : vector<16xi32>
      %bitcast_convert_type3A_1147 = tpu.bitcast %and3A_1146 : vector<16xi32> -> vector<16xf32>
      %mul3A_1148 = arith.mulf %mul3A_124, %bitcast_convert_type3A_1147 : vector<16xf32>
      %bitcast_convert_type3A_1149 = tpu.bitcast %get3A_1126 : vector<16xf32> -> vector<16xi32>
      %add3A_1150 = arith.constant 32767 : i32
      %add3A_1151 = vector.broadcast %add3A_1150 : i32 to vector<16xi32>
      %add3A_1152 = arith.addi %bitcast_convert_type3A_1149, %add3A_1151 : vector<16xi32>
      %shift_right_arithmetic3A_1153 = arith.constant 16 : i32
      %shift_right_arithmetic3A_1154 = vector.broadcast %shift_right_arithmetic3A_1153 : i32 to vector<16xi32>
      %shift_right_arithmetic3A_1155 = arith.shrsi %bitcast_convert_type3A_1149, %shift_right_arithmetic3A_1154 : vector<16xi32>
      %and3A_1156 = arith.constant 1 : i32
      %and3A_1157 = vector.broadcast %and3A_1156 : i32 to vector<16xi32>
      %and3A_1158 = arith.andi %shift_right_arithmetic3A_1155, %and3A_1157 : vector<16xi32>
      %add3A_1159 = arith.addi %add3A_1152, %and3A_1158 : vector<16xi32>
      %and3A_1160 = arith.constant -65536 : i32
      %and3A_1161 = vector.broadcast %and3A_1160 : i32 to vector<16xi32>
      %and3A_1162 = arith.andi %add3A_1159, %and3A_1161 : vector<16xi32>
      %bitcast_convert_type3A_1163 = tpu.bitcast %and3A_1162 : vector<16xi32> -> vector<16xf32>
      %mul3A_1164 = arith.mulf %mul3A_149, %bitcast_convert_type3A_1163 : vector<16xf32>
      %bitcast_convert_type3A_1165 = tpu.bitcast %get3A_1130 : vector<16xf32> -> vector<16xi32>
      %add3A_1166 = arith.constant 32767 : i32
      %add3A_1167 = vector.broadcast %add3A_1166 : i32 to vector<16xi32>
      %add3A_1168 = arith.addi %bitcast_convert_type3A_1165, %add3A_1167 : vector<16xi32>
      %shift_right_arithmetic3A_1169 = arith.constant 16 : i32
      %shift_right_arithmetic3A_1170 = vector.broadcast %shift_right_arithmetic3A_1169 : i32 to vector<16xi32>
      %shift_right_arithmetic3A_1171 = arith.shrsi %bitcast_convert_type3A_1165, %shift_right_arithmetic3A_1170 : vector<16xi32>
      %and3A_1172 = arith.constant 1 : i32
      %and3A_1173 = vector.broadcast %and3A_1172 : i32 to vector<16xi32>
      %and3A_1174 = arith.andi %shift_right_arithmetic3A_1171, %and3A_1173 : vector<16xi32>
      %add3A_1175 = arith.addi %add3A_1168, %and3A_1174 : vector<16xi32>
      %and3A_1176 = arith.constant -65536 : i32
      %and3A_1177 = vector.broadcast %and3A_1176 : i32 to vector<16xi32>
      %and3A_1178 = arith.andi %add3A_1175, %and3A_1177 : vector<16xi32>
      %bitcast_convert_type3A_1179 = tpu.bitcast %and3A_1178 : vector<16xi32> -> vector<16xf32>
      %mul3A_1180 = arith.mulf %mul3A_174, %bitcast_convert_type3A_1179 : vector<16xf32>
      %add3A_1181 = arith.addf %mul3A_1148, %mul3A_1164 : vector<16xf32>
      %select_n3A_1182 = arith.select %eq3A, %add3A_1181, %broadcast_in_dim3A_3 : vector<16xi1>, vector<16xf32>
      %sub3A_1183 = arith.subf %select_n3A_1182, %mul3A_1148 : vector<16xf32>
      %select_n3A_1184 = arith.select %eq3A, %sub3A_1183, %broadcast_in_dim3A_3 : vector<16xi1>, vector<16xf32>
      %sub3A_1185 = arith.subf %select_n3A_1182, %select_n3A_1184 : vector<16xf32>
      %sub3A_1186 = arith.subf %mul3A_1148, %sub3A_1185 : vector<16xf32>
      %select_n3A_1187 = arith.select %eq3A, %sub3A_1186, %broadcast_in_dim3A_3 : vector<16xi1>, vector<16xf32>
      %sub3A_1188 = arith.subf %mul3A_1164, %select_n3A_1184 : vector<16xf32>
      %select_n3A_1189 = arith.select %eq3A, %sub3A_1188, %broadcast_in_dim3A_3 : vector<16xi1>, vector<16xf32>
      %add3A_1190 = arith.addf %select_n3A_1187, %select_n3A_1189 : vector<16xf32>
      %add3A_1191 = arith.addf %select_n3A_1182, %mul3A_1180 : vector<16xf32>
      %select_n3A_1192 = arith.select %eq3A, %add3A_1191, %broadcast_in_dim3A_3 : vector<16xi1>, vector<16xf32>
      %sub3A_1193 = arith.subf %select_n3A_1192, %select_n3A_1182 : vector<16xf32>
      %select_n3A_1194 = arith.select %eq3A, %sub3A_1193, %broadcast_in_dim3A_3 : vector<16xi1>, vector<16xf32>
      %sub3A_1195 = arith.subf %select_n3A_1192, %select_n3A_1194 : vector<16xf32>
      %sub3A_1196 = arith.subf %select_n3A_1182, %sub3A_1195 : vector<16xf32>
      %select_n3A_1197 = arith.select %eq3A, %sub3A_1196, %broadcast_in_dim3A_3 : vector<16xi1>, vector<16xf32>
      %sub3A_1198 = arith.subf %mul3A_1180, %select_n3A_1194 : vector<16xf32>
      %select_n3A_1199 = arith.select %eq3A, %sub3A_1198, %broadcast_in_dim3A_3 : vector<16xi1>, vector<16xf32>
      %add3A_1200 = arith.addf %select_n3A_1197, %select_n3A_1199 : vector<16xf32>
      %add3A_1201 = arith.addf %add3A_1190, %add3A_1200 : vector<16xf32>
      %select_n3A_1202 = arith.select %eq3A, %add3A_1201, %broadcast_in_dim3A_3 : vector<16xi1>, vector<16xf32>
      %add3A_1203 = arith.addf %select_n3A_1192, %select_n3A_1202 : vector<16xf32>
      %add3A_1204 = arith.addf %broadcast_in_dim3A_179, %get3A_1132 : vector<16xf32>
      %add3A_1205 = arith.addf %add3A_1204, %add3A_1203 : vector<16xf32>
      %max3A_1206 = arith.maximumf %add3A_1205, %broadcast_in_dim3A_5 : vector<16xf32>
      %le3A_1207 = arith.cmpf ole, %max3A_1206, %broadcast_in_dim3A_20 : vector<16xf32>
      %add3A_1208 = arith.constant 1.600000e+02 : f32
      %add3A_1209 = vector.broadcast %add3A_1208 : f32 to vector<16xf32>
      %add3A_1210 = arith.addf %add3A_1209, %convert_element_type3A : vector<16xf32>
      %select_n3A_1211 = arith.select %le3A_1207, %add3A_1210, %broadcast_in_dim3A_3 : vector<16xi1>, vector<16xf32>
      %min3A_1212 = arith.minimumf %min3A_1118, %select_n3A_1211 : vector<16xf32>
      %get3A_1213 = arith.constant 0 : i32
      %get3A_1214 = arith.index_cast %get3A_1213 : i32 to index
      %get3A_1215 = arith.constant 176 : index
      %get3A_1216 = tpu.vector_load %arg13[%get3A_1214, %get3A_1215] {strides = array<i32>} : memref<3x512xf32, #tpu.memory_space<vmem>>, vector<16xf32>,
      %get3A_1217 = arith.constant 1 : i32
      %get3A_1218 = arith.index_cast %get3A_1217 : i32 to index
      %get3A_1219 = arith.constant 176 : index
      %get3A_1220 = tpu.vector_load %arg13[%get3A_1218, %get3A_1219] {strides = array<i32>} : memref<3x512xf32, #tpu.memory_space<vmem>>, vector<16xf32>,
      %get3A_1221 = arith.constant 2 : i32
      %get3A_1222 = arith.index_cast %get3A_1221 : i32 to index
      %get3A_1223 = arith.constant 176 : index
      %get3A_1224 = tpu.vector_load %arg13[%get3A_1222, %get3A_1223] {strides = array<i32>} : memref<3x512xf32, #tpu.memory_space<vmem>>, vector<16xf32>,
      %get3A_1225 = arith.constant 176 : index
      %get3A_1226 = tpu.vector_load %arg14[%get3A_1225] {strides = array<i32>} : memref<512xf32, #tpu.memory_space<vmem>>, vector<16xf32>,
      %bitcast_convert_type3A_1227 = tpu.bitcast %get3A_1216 : vector<16xf32> -> vector<16xi32>
      %add3A_1228 = arith.constant 32767 : i32
      %add3A_1229 = vector.broadcast %add3A_1228 : i32 to vector<16xi32>
      %add3A_1230 = arith.addi %bitcast_convert_type3A_1227, %add3A_1229 : vector<16xi32>
      %shift_right_arithmetic3A_1231 = arith.constant 16 : i32
      %shift_right_arithmetic3A_1232 = vector.broadcast %shift_right_arithmetic3A_1231 : i32 to vector<16xi32>
      %shift_right_arithmetic3A_1233 = arith.shrsi %bitcast_convert_type3A_1227, %shift_right_arithmetic3A_1232 : vector<16xi32>
      %and3A_1234 = arith.constant 1 : i32
      %and3A_1235 = vector.broadcast %and3A_1234 : i32 to vector<16xi32>
      %and3A_1236 = arith.andi %shift_right_arithmetic3A_1233, %and3A_1235 : vector<16xi32>
      %add3A_1237 = arith.addi %add3A_1230, %and3A_1236 : vector<16xi32>
      %and3A_1238 = arith.constant -65536 : i32
      %and3A_1239 = vector.broadcast %and3A_1238 : i32 to vector<16xi32>
      %and3A_1240 = arith.andi %add3A_1237, %and3A_1239 : vector<16xi32>
      %bitcast_convert_type3A_1241 = tpu.bitcast %and3A_1240 : vector<16xi32> -> vector<16xf32>
      %mul3A_1242 = arith.mulf %mul3A_124, %bitcast_convert_type3A_1241 : vector<16xf32>
      %bitcast_convert_type3A_1243 = tpu.bitcast %get3A_1220 : vector<16xf32> -> vector<16xi32>
      %add3A_1244 = arith.constant 32767 : i32
      %add3A_1245 = vector.broadcast %add3A_1244 : i32 to vector<16xi32>
      %add3A_1246 = arith.addi %bitcast_convert_type3A_1243, %add3A_1245 : vector<16xi32>
      %shift_right_arithmetic3A_1247 = arith.constant 16 : i32
      %shift_right_arithmetic3A_1248 = vector.broadcast %shift_right_arithmetic3A_1247 : i32 to vector<16xi32>
      %shift_right_arithmetic3A_1249 = arith.shrsi %bitcast_convert_type3A_1243, %shift_right_arithmetic3A_1248 : vector<16xi32>
      %and3A_1250 = arith.constant 1 : i32
      %and3A_1251 = vector.broadcast %and3A_1250 : i32 to vector<16xi32>
      %and3A_1252 = arith.andi %shift_right_arithmetic3A_1249, %and3A_1251 : vector<16xi32>
      %add3A_1253 = arith.addi %add3A_1246, %and3A_1252 : vector<16xi32>
      %and3A_1254 = arith.constant -65536 : i32
      %and3A_1255 = vector.broadcast %and3A_1254 : i32 to vector<16xi32>
      %and3A_1256 = arith.andi %add3A_1253, %and3A_1255 : vector<16xi32>
      %bitcast_convert_type3A_1257 = tpu.bitcast %and3A_1256 : vector<16xi32> -> vector<16xf32>
      %mul3A_1258 = arith.mulf %mul3A_149, %bitcast_convert_type3A_1257 : vector<16xf32>
      %bitcast_convert_type3A_1259 = tpu.bitcast %get3A_1224 : vector<16xf32> -> vector<16xi32>
      %add3A_1260 = arith.constant 32767 : i32
      %add3A_1261 = vector.broadcast %add3A_1260 : i32 to vector<16xi32>
      %add3A_1262 = arith.addi %bitcast_convert_type3A_1259, %add3A_1261 : vector<16xi32>
      %shift_right_arithmetic3A_1263 = arith.constant 16 : i32
      %shift_right_arithmetic3A_1264 = vector.broadcast %shift_right_arithmetic3A_1263 : i32 to vector<16xi32>
      %shift_right_arithmetic3A_1265 = arith.shrsi %bitcast_convert_type3A_1259, %shift_right_arithmetic3A_1264 : vector<16xi32>
      %and3A_1266 = arith.constant 1 : i32
      %and3A_1267 = vector.broadcast %and3A_1266 : i32 to vector<16xi32>
      %and3A_1268 = arith.andi %shift_right_arithmetic3A_1265, %and3A_1267 : vector<16xi32>
      %add3A_1269 = arith.addi %add3A_1262, %and3A_1268 : vector<16xi32>
      %and3A_1270 = arith.constant -65536 : i32
      %and3A_1271 = vector.broadcast %and3A_1270 : i32 to vector<16xi32>
      %and3A_1272 = arith.andi %add3A_1269, %and3A_1271 : vector<16xi32>
      %bitcast_convert_type3A_1273 = tpu.bitcast %and3A_1272 : vector<16xi32> -> vector<16xf32>
      %mul3A_1274 = arith.mulf %mul3A_174, %bitcast_convert_type3A_1273 : vector<16xf32>
      %add3A_1275 = arith.addf %mul3A_1242, %mul3A_1258 : vector<16xf32>
      %select_n3A_1276 = arith.select %eq3A, %add3A_1275, %broadcast_in_dim3A_3 : vector<16xi1>, vector<16xf32>
      %sub3A_1277 = arith.subf %select_n3A_1276, %mul3A_1242 : vector<16xf32>
      %select_n3A_1278 = arith.select %eq3A, %sub3A_1277, %broadcast_in_dim3A_3 : vector<16xi1>, vector<16xf32>
      %sub3A_1279 = arith.subf %select_n3A_1276, %select_n3A_1278 : vector<16xf32>
      %sub3A_1280 = arith.subf %mul3A_1242, %sub3A_1279 : vector<16xf32>
      %select_n3A_1281 = arith.select %eq3A, %sub3A_1280, %broadcast_in_dim3A_3 : vector<16xi1>, vector<16xf32>
      %sub3A_1282 = arith.subf %mul3A_1258, %select_n3A_1278 : vector<16xf32>
      %select_n3A_1283 = arith.select %eq3A, %sub3A_1282, %broadcast_in_dim3A_3 : vector<16xi1>, vector<16xf32>
      %add3A_1284 = arith.addf %select_n3A_1281, %select_n3A_1283 : vector<16xf32>
      %add3A_1285 = arith.addf %select_n3A_1276, %mul3A_1274 : vector<16xf32>
      %select_n3A_1286 = arith.select %eq3A, %add3A_1285, %broadcast_in_dim3A_3 : vector<16xi1>, vector<16xf32>
      %sub3A_1287 = arith.subf %select_n3A_1286, %select_n3A_1276 : vector<16xf32>
      %select_n3A_1288 = arith.select %eq3A, %sub3A_1287, %broadcast_in_dim3A_3 : vector<16xi1>, vector<16xf32>
      %sub3A_1289 = arith.subf %select_n3A_1286, %select_n3A_1288 : vector<16xf32>
      %sub3A_1290 = arith.subf %select_n3A_1276, %sub3A_1289 : vector<16xf32>
      %select_n3A_1291 = arith.select %eq3A, %sub3A_1290, %broadcast_in_dim3A_3 : vector<16xi1>, vector<16xf32>
      %sub3A_1292 = arith.subf %mul3A_1274, %select_n3A_1288 : vector<16xf32>
      %select_n3A_1293 = arith.select %eq3A, %sub3A_1292, %broadcast_in_dim3A_3 : vector<16xi1>, vector<16xf32>
      %add3A_1294 = arith.addf %select_n3A_1291, %select_n3A_1293 : vector<16xf32>
      %add3A_1295 = arith.addf %add3A_1284, %add3A_1294 : vector<16xf32>
      %select_n3A_1296 = arith.select %eq3A, %add3A_1295, %broadcast_in_dim3A_3 : vector<16xi1>, vector<16xf32>
      %add3A_1297 = arith.addf %select_n3A_1286, %select_n3A_1296 : vector<16xf32>
      %add3A_1298 = arith.addf %broadcast_in_dim3A_179, %get3A_1226 : vector<16xf32>
      %add3A_1299 = arith.addf %add3A_1298, %add3A_1297 : vector<16xf32>
      %max3A_1300 = arith.maximumf %add3A_1299, %broadcast_in_dim3A_5 : vector<16xf32>
      %le3A_1301 = arith.cmpf ole, %max3A_1300, %broadcast_in_dim3A_20 : vector<16xf32>
      %add3A_1302 = arith.constant 1.760000e+02 : f32
      %add3A_1303 = vector.broadcast %add3A_1302 : f32 to vector<16xf32>
      %add3A_1304 = arith.addf %add3A_1303, %convert_element_type3A : vector<16xf32>
      %select_n3A_1305 = arith.select %le3A_1301, %add3A_1304, %broadcast_in_dim3A_3 : vector<16xi1>, vector<16xf32>
      %min3A_1306 = arith.minimumf %min3A_1212, %select_n3A_1305 : vector<16xf32>
      %get3A_1307 = arith.constant 0 : i32
      %get3A_1308 = arith.index_cast %get3A_1307 : i32 to index
      %get3A_1309 = arith.constant 192 : index
      %get3A_1310 = tpu.vector_load %arg13[%get3A_1308, %get3A_1309] {strides = array<i32>} : memref<3x512xf32, #tpu.memory_space<vmem>>, vector<16xf32>,
      %get3A_1311 = arith.constant 1 : i32
      %get3A_1312 = arith.index_cast %get3A_1311 : i32 to index
      %get3A_1313 = arith.constant 192 : index
      %get3A_1314 = tpu.vector_load %arg13[%get3A_1312, %get3A_1313] {strides = array<i32>} : memref<3x512xf32, #tpu.memory_space<vmem>>, vector<16xf32>,
      %get3A_1315 = arith.constant 2 : i32
      %get3A_1316 = arith.index_cast %get3A_1315 : i32 to index
      %get3A_1317 = arith.constant 192 : index
      %get3A_1318 = tpu.vector_load %arg13[%get3A_1316, %get3A_1317] {strides = array<i32>} : memref<3x512xf32, #tpu.memory_space<vmem>>, vector<16xf32>,
      %get3A_1319 = arith.constant 192 : index
      %get3A_1320 = tpu.vector_load %arg14[%get3A_1319] {strides = array<i32>} : memref<512xf32, #tpu.memory_space<vmem>>, vector<16xf32>,
      %bitcast_convert_type3A_1321 = tpu.bitcast %get3A_1310 : vector<16xf32> -> vector<16xi32>
      %add3A_1322 = arith.constant 32767 : i32
      %add3A_1323 = vector.broadcast %add3A_1322 : i32 to vector<16xi32>
      %add3A_1324 = arith.addi %bitcast_convert_type3A_1321, %add3A_1323 : vector<16xi32>
      %shift_right_arithmetic3A_1325 = arith.constant 16 : i32
      %shift_right_arithmetic3A_1326 = vector.broadcast %shift_right_arithmetic3A_1325 : i32 to vector<16xi32>
      %shift_right_arithmetic3A_1327 = arith.shrsi %bitcast_convert_type3A_1321, %shift_right_arithmetic3A_1326 : vector<16xi32>
      %and3A_1328 = arith.constant 1 : i32
      %and3A_1329 = vector.broadcast %and3A_1328 : i32 to vector<16xi32>
      %and3A_1330 = arith.andi %shift_right_arithmetic3A_1327, %and3A_1329 : vector<16xi32>
      %add3A_1331 = arith.addi %add3A_1324, %and3A_1330 : vector<16xi32>
      %and3A_1332 = arith.constant -65536 : i32
      %and3A_1333 = vector.broadcast %and3A_1332 : i32 to vector<16xi32>
      %and3A_1334 = arith.andi %add3A_1331, %and3A_1333 : vector<16xi32>
      %bitcast_convert_type3A_1335 = tpu.bitcast %and3A_1334 : vector<16xi32> -> vector<16xf32>
      %mul3A_1336 = arith.mulf %mul3A_124, %bitcast_convert_type3A_1335 : vector<16xf32>
      %bitcast_convert_type3A_1337 = tpu.bitcast %get3A_1314 : vector<16xf32> -> vector<16xi32>
      %add3A_1338 = arith.constant 32767 : i32
      %add3A_1339 = vector.broadcast %add3A_1338 : i32 to vector<16xi32>
      %add3A_1340 = arith.addi %bitcast_convert_type3A_1337, %add3A_1339 : vector<16xi32>
      %shift_right_arithmetic3A_1341 = arith.constant 16 : i32
      %shift_right_arithmetic3A_1342 = vector.broadcast %shift_right_arithmetic3A_1341 : i32 to vector<16xi32>
      %shift_right_arithmetic3A_1343 = arith.shrsi %bitcast_convert_type3A_1337, %shift_right_arithmetic3A_1342 : vector<16xi32>
      %and3A_1344 = arith.constant 1 : i32
      %and3A_1345 = vector.broadcast %and3A_1344 : i32 to vector<16xi32>
      %and3A_1346 = arith.andi %shift_right_arithmetic3A_1343, %and3A_1345 : vector<16xi32>
      %add3A_1347 = arith.addi %add3A_1340, %and3A_1346 : vector<16xi32>
      %and3A_1348 = arith.constant -65536 : i32
      %and3A_1349 = vector.broadcast %and3A_1348 : i32 to vector<16xi32>
      %and3A_1350 = arith.andi %add3A_1347, %and3A_1349 : vector<16xi32>
      %bitcast_convert_type3A_1351 = tpu.bitcast %and3A_1350 : vector<16xi32> -> vector<16xf32>
      %mul3A_1352 = arith.mulf %mul3A_149, %bitcast_convert_type3A_1351 : vector<16xf32>
      %bitcast_convert_type3A_1353 = tpu.bitcast %get3A_1318 : vector<16xf32> -> vector<16xi32>
      %add3A_1354 = arith.constant 32767 : i32
      %add3A_1355 = vector.broadcast %add3A_1354 : i32 to vector<16xi32>
      %add3A_1356 = arith.addi %bitcast_convert_type3A_1353, %add3A_1355 : vector<16xi32>
      %shift_right_arithmetic3A_1357 = arith.constant 16 : i32
      %shift_right_arithmetic3A_1358 = vector.broadcast %shift_right_arithmetic3A_1357 : i32 to vector<16xi32>
      %shift_right_arithmetic3A_1359 = arith.shrsi %bitcast_convert_type3A_1353, %shift_right_arithmetic3A_1358 : vector<16xi32>
      %and3A_1360 = arith.constant 1 : i32
      %and3A_1361 = vector.broadcast %and3A_1360 : i32 to vector<16xi32>
      %and3A_1362 = arith.andi %shift_right_arithmetic3A_1359, %and3A_1361 : vector<16xi32>
      %add3A_1363 = arith.addi %add3A_1356, %and3A_1362 : vector<16xi32>
      %and3A_1364 = arith.constant -65536 : i32
      %and3A_1365 = vector.broadcast %and3A_1364 : i32 to vector<16xi32>
      %and3A_1366 = arith.andi %add3A_1363, %and3A_1365 : vector<16xi32>
      %bitcast_convert_type3A_1367 = tpu.bitcast %and3A_1366 : vector<16xi32> -> vector<16xf32>
      %mul3A_1368 = arith.mulf %mul3A_174, %bitcast_convert_type3A_1367 : vector<16xf32>
      %add3A_1369 = arith.addf %mul3A_1336, %mul3A_1352 : vector<16xf32>
      %select_n3A_1370 = arith.select %eq3A, %add3A_1369, %broadcast_in_dim3A_3 : vector<16xi1>, vector<16xf32>
      %sub3A_1371 = arith.subf %select_n3A_1370, %mul3A_1336 : vector<16xf32>
      %select_n3A_1372 = arith.select %eq3A, %sub3A_1371, %broadcast_in_dim3A_3 : vector<16xi1>, vector<16xf32>
      %sub3A_1373 = arith.subf %select_n3A_1370, %select_n3A_1372 : vector<16xf32>
      %sub3A_1374 = arith.subf %mul3A_1336, %sub3A_1373 : vector<16xf32>
      %select_n3A_1375 = arith.select %eq3A, %sub3A_1374, %broadcast_in_dim3A_3 : vector<16xi1>, vector<16xf32>
      %sub3A_1376 = arith.subf %mul3A_1352, %select_n3A_1372 : vector<16xf32>
      %select_n3A_1377 = arith.select %eq3A, %sub3A_1376, %broadcast_in_dim3A_3 : vector<16xi1>, vector<16xf32>
      %add3A_1378 = arith.addf %select_n3A_1375, %select_n3A_1377 : vector<16xf32>
      %add3A_1379 = arith.addf %select_n3A_1370, %mul3A_1368 : vector<16xf32>
      %select_n3A_1380 = arith.select %eq3A, %add3A_1379, %broadcast_in_dim3A_3 : vector<16xi1>, vector<16xf32>
      %sub3A_1381 = arith.subf %select_n3A_1380, %select_n3A_1370 : vector<16xf32>
      %select_n3A_1382 = arith.select %eq3A, %sub3A_1381, %broadcast_in_dim3A_3 : vector<16xi1>, vector<16xf32>
      %sub3A_1383 = arith.subf %select_n3A_1380, %select_n3A_1382 : vector<16xf32>
      %sub3A_1384 = arith.subf %select_n3A_1370, %sub3A_1383 : vector<16xf32>
      %select_n3A_1385 = arith.select %eq3A, %sub3A_1384, %broadcast_in_dim3A_3 : vector<16xi1>, vector<16xf32>
      %sub3A_1386 = arith.subf %mul3A_1368, %select_n3A_1382 : vector<16xf32>
      %select_n3A_1387 = arith.select %eq3A, %sub3A_1386, %broadcast_in_dim3A_3 : vector<16xi1>, vector<16xf32>
      %add3A_1388 = arith.addf %select_n3A_1385, %select_n3A_1387 : vector<16xf32>
      %add3A_1389 = arith.addf %add3A_1378, %add3A_1388 : vector<16xf32>
      %select_n3A_1390 = arith.select %eq3A, %add3A_1389, %broadcast_in_dim3A_3 : vector<16xi1>, vector<16xf32>
      %add3A_1391 = arith.addf %select_n3A_1380, %select_n3A_1390 : vector<16xf32>
      %add3A_1392 = arith.addf %broadcast_in_dim3A_179, %get3A_1320 : vector<16xf32>
      %add3A_1393 = arith.addf %add3A_1392, %add3A_1391 : vector<16xf32>
      %max3A_1394 = arith.maximumf %add3A_1393, %broadcast_in_dim3A_5 : vector<16xf32>
      %le3A_1395 = arith.cmpf ole, %max3A_1394, %broadcast_in_dim3A_20 : vector<16xf32>
      %add3A_1396 = arith.constant 1.920000e+02 : f32
      %add3A_1397 = vector.broadcast %add3A_1396 : f32 to vector<16xf32>
      %add3A_1398 = arith.addf %add3A_1397, %convert_element_type3A : vector<16xf32>
      %select_n3A_1399 = arith.select %le3A_1395, %add3A_1398, %broadcast_in_dim3A_3 : vector<16xi1>, vector<16xf32>
      %min3A_1400 = arith.minimumf %min3A_1306, %select_n3A_1399 : vector<16xf32>
      %get3A_1401 = arith.constant 0 : i32
      %get3A_1402 = arith.index_cast %get3A_1401 : i32 to index
      %get3A_1403 = arith.constant 208 : index
      %get3A_1404 = tpu.vector_load %arg13[%get3A_1402, %get3A_1403] {strides = array<i32>} : memref<3x512xf32, #tpu.memory_space<vmem>>, vector<16xf32>,
      %get3A_1405 = arith.constant 1 : i32
      %get3A_1406 = arith.index_cast %get3A_1405 : i32 to index
      %get3A_1407 = arith.constant 208 : index
      %get3A_1408 = tpu.vector_load %arg13[%get3A_1406, %get3A_1407] {strides = array<i32>} : memref<3x512xf32, #tpu.memory_space<vmem>>, vector<16xf32>,
      %get3A_1409 = arith.constant 2 : i32
      %get3A_1410 = arith.index_cast %get3A_1409 : i32 to index
      %get3A_1411 = arith.constant 208 : index
      %get3A_1412 = tpu.vector_load %arg13[%get3A_1410, %get3A_1411] {strides = array<i32>} : memref<3x512xf32, #tpu.memory_space<vmem>>, vector<16xf32>,
      %get3A_1413 = arith.constant 208 : index
      %get3A_1414 = tpu.vector_load %arg14[%get3A_1413] {strides = array<i32>} : memref<512xf32, #tpu.memory_space<vmem>>, vector<16xf32>,
      %bitcast_convert_type3A_1415 = tpu.bitcast %get3A_1404 : vector<16xf32> -> vector<16xi32>
      %add3A_1416 = arith.constant 32767 : i32
      %add3A_1417 = vector.broadcast %add3A_1416 : i32 to vector<16xi32>
      %add3A_1418 = arith.addi %bitcast_convert_type3A_1415, %add3A_1417 : vector<16xi32>
      %shift_right_arithmetic3A_1419 = arith.constant 16 : i32
      %shift_right_arithmetic3A_1420 = vector.broadcast %shift_right_arithmetic3A_1419 : i32 to vector<16xi32>
      %shift_right_arithmetic3A_1421 = arith.shrsi %bitcast_convert_type3A_1415, %shift_right_arithmetic3A_1420 : vector<16xi32>
      %and3A_1422 = arith.constant 1 : i32
      %and3A_1423 = vector.broadcast %and3A_1422 : i32 to vector<16xi32>
      %and3A_1424 = arith.andi %shift_right_arithmetic3A_1421, %and3A_1423 : vector<16xi32>
      %add3A_1425 = arith.addi %add3A_1418, %and3A_1424 : vector<16xi32>
      %and3A_1426 = arith.constant -65536 : i32
      %and3A_1427 = vector.broadcast %and3A_1426 : i32 to vector<16xi32>
      %and3A_1428 = arith.andi %add3A_1425, %and3A_1427 : vector<16xi32>
      %bitcast_convert_type3A_1429 = tpu.bitcast %and3A_1428 : vector<16xi32> -> vector<16xf32>
      %mul3A_1430 = arith.mulf %mul3A_124, %bitcast_convert_type3A_1429 : vector<16xf32>
      %bitcast_convert_type3A_1431 = tpu.bitcast %get3A_1408 : vector<16xf32> -> vector<16xi32>
      %add3A_1432 = arith.constant 32767 : i32
      %add3A_1433 = vector.broadcast %add3A_1432 : i32 to vector<16xi32>
      %add3A_1434 = arith.addi %bitcast_convert_type3A_1431, %add3A_1433 : vector<16xi32>
      %shift_right_arithmetic3A_1435 = arith.constant 16 : i32
      %shift_right_arithmetic3A_1436 = vector.broadcast %shift_right_arithmetic3A_1435 : i32 to vector<16xi32>
      %shift_right_arithmetic3A_1437 = arith.shrsi %bitcast_convert_type3A_1431, %shift_right_arithmetic3A_1436 : vector<16xi32>
      %and3A_1438 = arith.constant 1 : i32
      %and3A_1439 = vector.broadcast %and3A_1438 : i32 to vector<16xi32>
      %and3A_1440 = arith.andi %shift_right_arithmetic3A_1437, %and3A_1439 : vector<16xi32>
      %add3A_1441 = arith.addi %add3A_1434, %and3A_1440 : vector<16xi32>
      %and3A_1442 = arith.constant -65536 : i32
      %and3A_1443 = vector.broadcast %and3A_1442 : i32 to vector<16xi32>
      %and3A_1444 = arith.andi %add3A_1441, %and3A_1443 : vector<16xi32>
      %bitcast_convert_type3A_1445 = tpu.bitcast %and3A_1444 : vector<16xi32> -> vector<16xf32>
      %mul3A_1446 = arith.mulf %mul3A_149, %bitcast_convert_type3A_1445 : vector<16xf32>
      %bitcast_convert_type3A_1447 = tpu.bitcast %get3A_1412 : vector<16xf32> -> vector<16xi32>
      %add3A_1448 = arith.constant 32767 : i32
      %add3A_1449 = vector.broadcast %add3A_1448 : i32 to vector<16xi32>
      %add3A_1450 = arith.addi %bitcast_convert_type3A_1447, %add3A_1449 : vector<16xi32>
      %shift_right_arithmetic3A_1451 = arith.constant 16 : i32
      %shift_right_arithmetic3A_1452 = vector.broadcast %shift_right_arithmetic3A_1451 : i32 to vector<16xi32>
      %shift_right_arithmetic3A_1453 = arith.shrsi %bitcast_convert_type3A_1447, %shift_right_arithmetic3A_1452 : vector<16xi32>
      %and3A_1454 = arith.constant 1 : i32
      %and3A_1455 = vector.broadcast %and3A_1454 : i32 to vector<16xi32>
      %and3A_1456 = arith.andi %shift_right_arithmetic3A_1453, %and3A_1455 : vector<16xi32>
      %add3A_1457 = arith.addi %add3A_1450, %and3A_1456 : vector<16xi32>
      %and3A_1458 = arith.constant -65536 : i32
      %and3A_1459 = vector.broadcast %and3A_1458 : i32 to vector<16xi32>
      %and3A_1460 = arith.andi %add3A_1457, %and3A_1459 : vector<16xi32>
      %bitcast_convert_type3A_1461 = tpu.bitcast %and3A_1460 : vector<16xi32> -> vector<16xf32>
      %mul3A_1462 = arith.mulf %mul3A_174, %bitcast_convert_type3A_1461 : vector<16xf32>
      %add3A_1463 = arith.addf %mul3A_1430, %mul3A_1446 : vector<16xf32>
      %select_n3A_1464 = arith.select %eq3A, %add3A_1463, %broadcast_in_dim3A_3 : vector<16xi1>, vector<16xf32>
      %sub3A_1465 = arith.subf %select_n3A_1464, %mul3A_1430 : vector<16xf32>
      %select_n3A_1466 = arith.select %eq3A, %sub3A_1465, %broadcast_in_dim3A_3 : vector<16xi1>, vector<16xf32>
      %sub3A_1467 = arith.subf %select_n3A_1464, %select_n3A_1466 : vector<16xf32>
      %sub3A_1468 = arith.subf %mul3A_1430, %sub3A_1467 : vector<16xf32>
      %select_n3A_1469 = arith.select %eq3A, %sub3A_1468, %broadcast_in_dim3A_3 : vector<16xi1>, vector<16xf32>
      %sub3A_1470 = arith.subf %mul3A_1446, %select_n3A_1466 : vector<16xf32>
      %select_n3A_1471 = arith.select %eq3A, %sub3A_1470, %broadcast_in_dim3A_3 : vector<16xi1>, vector<16xf32>
      %add3A_1472 = arith.addf %select_n3A_1469, %select_n3A_1471 : vector<16xf32>
      %add3A_1473 = arith.addf %select_n3A_1464, %mul3A_1462 : vector<16xf32>
      %select_n3A_1474 = arith.select %eq3A, %add3A_1473, %broadcast_in_dim3A_3 : vector<16xi1>, vector<16xf32>
      %sub3A_1475 = arith.subf %select_n3A_1474, %select_n3A_1464 : vector<16xf32>
      %select_n3A_1476 = arith.select %eq3A, %sub3A_1475, %broadcast_in_dim3A_3 : vector<16xi1>, vector<16xf32>
      %sub3A_1477 = arith.subf %select_n3A_1474, %select_n3A_1476 : vector<16xf32>
      %sub3A_1478 = arith.subf %select_n3A_1464, %sub3A_1477 : vector<16xf32>
      %select_n3A_1479 = arith.select %eq3A, %sub3A_1478, %broadcast_in_dim3A_3 : vector<16xi1>, vector<16xf32>
      %sub3A_1480 = arith.subf %mul3A_1462, %select_n3A_1476 : vector<16xf32>
      %select_n3A_1481 = arith.select %eq3A, %sub3A_1480, %broadcast_in_dim3A_3 : vector<16xi1>, vector<16xf32>
      %add3A_1482 = arith.addf %select_n3A_1479, %select_n3A_1481 : vector<16xf32>
      %add3A_1483 = arith.addf %add3A_1472, %add3A_1482 : vector<16xf32>
      %select_n3A_1484 = arith.select %eq3A, %add3A_1483, %broadcast_in_dim3A_3 : vector<16xi1>, vector<16xf32>
      %add3A_1485 = arith.addf %select_n3A_1474, %select_n3A_1484 : vector<16xf32>
      %add3A_1486 = arith.addf %broadcast_in_dim3A_179, %get3A_1414 : vector<16xf32>
      %add3A_1487 = arith.addf %add3A_1486, %add3A_1485 : vector<16xf32>
      %max3A_1488 = arith.maximumf %add3A_1487, %broadcast_in_dim3A_5 : vector<16xf32>
      %le3A_1489 = arith.cmpf ole, %max3A_1488, %broadcast_in_dim3A_20 : vector<16xf32>
      %add3A_1490 = arith.constant 2.080000e+02 : f32
      %add3A_1491 = vector.broadcast %add3A_1490 : f32 to vector<16xf32>
      %add3A_1492 = arith.addf %add3A_1491, %convert_element_type3A : vector<16xf32>
      %select_n3A_1493 = arith.select %le3A_1489, %add3A_1492, %broadcast_in_dim3A_3 : vector<16xi1>, vector<16xf32>
      %min3A_1494 = arith.minimumf %min3A_1400, %select_n3A_1493 : vector<16xf32>
      %get3A_1495 = arith.constant 0 : i32
      %get3A_1496 = arith.index_cast %get3A_1495 : i32 to index
      %get3A_1497 = arith.constant 224 : index
      %get3A_1498 = tpu.vector_load %arg13[%get3A_1496, %get3A_1497] {strides = array<i32>} : memref<3x512xf32, #tpu.memory_space<vmem>>, vector<16xf32>,
      %get3A_1499 = arith.constant 1 : i32
      %get3A_1500 = arith.index_cast %get3A_1499 : i32 to index
      %get3A_1501 = arith.constant 224 : index
      %get3A_1502 = tpu.vector_load %arg13[%get3A_1500, %get3A_1501] {strides = array<i32>} : memref<3x512xf32, #tpu.memory_space<vmem>>, vector<16xf32>,
      %get3A_1503 = arith.constant 2 : i32
      %get3A_1504 = arith.index_cast %get3A_1503 : i32 to index
      %get3A_1505 = arith.constant 224 : index
      %get3A_1506 = tpu.vector_load %arg13[%get3A_1504, %get3A_1505] {strides = array<i32>} : memref<3x512xf32, #tpu.memory_space<vmem>>, vector<16xf32>,
      %get3A_1507 = arith.constant 224 : index
      %get3A_1508 = tpu.vector_load %arg14[%get3A_1507] {strides = array<i32>} : memref<512xf32, #tpu.memory_space<vmem>>, vector<16xf32>,
      %bitcast_convert_type3A_1509 = tpu.bitcast %get3A_1498 : vector<16xf32> -> vector<16xi32>
      %add3A_1510 = arith.constant 32767 : i32
      %add3A_1511 = vector.broadcast %add3A_1510 : i32 to vector<16xi32>
      %add3A_1512 = arith.addi %bitcast_convert_type3A_1509, %add3A_1511 : vector<16xi32>
      %shift_right_arithmetic3A_1513 = arith.constant 16 : i32
      %shift_right_arithmetic3A_1514 = vector.broadcast %shift_right_arithmetic3A_1513 : i32 to vector<16xi32>
      %shift_right_arithmetic3A_1515 = arith.shrsi %bitcast_convert_type3A_1509, %shift_right_arithmetic3A_1514 : vector<16xi32>
      %and3A_1516 = arith.constant 1 : i32
      %and3A_1517 = vector.broadcast %and3A_1516 : i32 to vector<16xi32>
      %and3A_1518 = arith.andi %shift_right_arithmetic3A_1515, %and3A_1517 : vector<16xi32>
      %add3A_1519 = arith.addi %add3A_1512, %and3A_1518 : vector<16xi32>
      %and3A_1520 = arith.constant -65536 : i32
      %and3A_1521 = vector.broadcast %and3A_1520 : i32 to vector<16xi32>
      %and3A_1522 = arith.andi %add3A_1519, %and3A_1521 : vector<16xi32>
      %bitcast_convert_type3A_1523 = tpu.bitcast %and3A_1522 : vector<16xi32> -> vector<16xf32>
      %mul3A_1524 = arith.mulf %mul3A_124, %bitcast_convert_type3A_1523 : vector<16xf32>
      %bitcast_convert_type3A_1525 = tpu.bitcast %get3A_1502 : vector<16xf32> -> vector<16xi32>
      %add3A_1526 = arith.constant 32767 : i32
      %add3A_1527 = vector.broadcast %add3A_1526 : i32 to vector<16xi32>
      %add3A_1528 = arith.addi %bitcast_convert_type3A_1525, %add3A_1527 : vector<16xi32>
      %shift_right_arithmetic3A_1529 = arith.constant 16 : i32
      %shift_right_arithmetic3A_1530 = vector.broadcast %shift_right_arithmetic3A_1529 : i32 to vector<16xi32>
      %shift_right_arithmetic3A_1531 = arith.shrsi %bitcast_convert_type3A_1525, %shift_right_arithmetic3A_1530 : vector<16xi32>
      %and3A_1532 = arith.constant 1 : i32
      %and3A_1533 = vector.broadcast %and3A_1532 : i32 to vector<16xi32>
      %and3A_1534 = arith.andi %shift_right_arithmetic3A_1531, %and3A_1533 : vector<16xi32>
      %add3A_1535 = arith.addi %add3A_1528, %and3A_1534 : vector<16xi32>
      %and3A_1536 = arith.constant -65536 : i32
      %and3A_1537 = vector.broadcast %and3A_1536 : i32 to vector<16xi32>
      %and3A_1538 = arith.andi %add3A_1535, %and3A_1537 : vector<16xi32>
      %bitcast_convert_type3A_1539 = tpu.bitcast %and3A_1538 : vector<16xi32> -> vector<16xf32>
      %mul3A_1540 = arith.mulf %mul3A_149, %bitcast_convert_type3A_1539 : vector<16xf32>
      %bitcast_convert_type3A_1541 = tpu.bitcast %get3A_1506 : vector<16xf32> -> vector<16xi32>
      %add3A_1542 = arith.constant 32767 : i32
      %add3A_1543 = vector.broadcast %add3A_1542 : i32 to vector<16xi32>
      %add3A_1544 = arith.addi %bitcast_convert_type3A_1541, %add3A_1543 : vector<16xi32>
      %shift_right_arithmetic3A_1545 = arith.constant 16 : i32
      %shift_right_arithmetic3A_1546 = vector.broadcast %shift_right_arithmetic3A_1545 : i32 to vector<16xi32>
      %shift_right_arithmetic3A_1547 = arith.shrsi %bitcast_convert_type3A_1541, %shift_right_arithmetic3A_1546 : vector<16xi32>
      %and3A_1548 = arith.constant 1 : i32
      %and3A_1549 = vector.broadcast %and3A_1548 : i32 to vector<16xi32>
      %and3A_1550 = arith.andi %shift_right_arithmetic3A_1547, %and3A_1549 : vector<16xi32>
      %add3A_1551 = arith.addi %add3A_1544, %and3A_1550 : vector<16xi32>
      %and3A_1552 = arith.constant -65536 : i32
      %and3A_1553 = vector.broadcast %and3A_1552 : i32 to vector<16xi32>
      %and3A_1554 = arith.andi %add3A_1551, %and3A_1553 : vector<16xi32>
      %bitcast_convert_type3A_1555 = tpu.bitcast %and3A_1554 : vector<16xi32> -> vector<16xf32>
      %mul3A_1556 = arith.mulf %mul3A_174, %bitcast_convert_type3A_1555 : vector<16xf32>
      %add3A_1557 = arith.addf %mul3A_1524, %mul3A_1540 : vector<16xf32>
      %select_n3A_1558 = arith.select %eq3A, %add3A_1557, %broadcast_in_dim3A_3 : vector<16xi1>, vector<16xf32>
      %sub3A_1559 = arith.subf %select_n3A_1558, %mul3A_1524 : vector<16xf32>
      %select_n3A_1560 = arith.select %eq3A, %sub3A_1559, %broadcast_in_dim3A_3 : vector<16xi1>, vector<16xf32>
      %sub3A_1561 = arith.subf %select_n3A_1558, %select_n3A_1560 : vector<16xf32>
      %sub3A_1562 = arith.subf %mul3A_1524, %sub3A_1561 : vector<16xf32>
      %select_n3A_1563 = arith.select %eq3A, %sub3A_1562, %broadcast_in_dim3A_3 : vector<16xi1>, vector<16xf32>
      %sub3A_1564 = arith.subf %mul3A_1540, %select_n3A_1560 : vector<16xf32>
      %select_n3A_1565 = arith.select %eq3A, %sub3A_1564, %broadcast_in_dim3A_3 : vector<16xi1>, vector<16xf32>
      %add3A_1566 = arith.addf %select_n3A_1563, %select_n3A_1565 : vector<16xf32>
      %add3A_1567 = arith.addf %select_n3A_1558, %mul3A_1556 : vector<16xf32>
      %select_n3A_1568 = arith.select %eq3A, %add3A_1567, %broadcast_in_dim3A_3 : vector<16xi1>, vector<16xf32>
      %sub3A_1569 = arith.subf %select_n3A_1568, %select_n3A_1558 : vector<16xf32>
      %select_n3A_1570 = arith.select %eq3A, %sub3A_1569, %broadcast_in_dim3A_3 : vector<16xi1>, vector<16xf32>
      %sub3A_1571 = arith.subf %select_n3A_1568, %select_n3A_1570 : vector<16xf32>
      %sub3A_1572 = arith.subf %select_n3A_1558, %sub3A_1571 : vector<16xf32>
      %select_n3A_1573 = arith.select %eq3A, %sub3A_1572, %broadcast_in_dim3A_3 : vector<16xi1>, vector<16xf32>
      %sub3A_1574 = arith.subf %mul3A_1556, %select_n3A_1570 : vector<16xf32>
      %select_n3A_1575 = arith.select %eq3A, %sub3A_1574, %broadcast_in_dim3A_3 : vector<16xi1>, vector<16xf32>
      %add3A_1576 = arith.addf %select_n3A_1573, %select_n3A_1575 : vector<16xf32>
      %add3A_1577 = arith.addf %add3A_1566, %add3A_1576 : vector<16xf32>
      %select_n3A_1578 = arith.select %eq3A, %add3A_1577, %broadcast_in_dim3A_3 : vector<16xi1>, vector<16xf32>
      %add3A_1579 = arith.addf %select_n3A_1568, %select_n3A_1578 : vector<16xf32>
      %add3A_1580 = arith.addf %broadcast_in_dim3A_179, %get3A_1508 : vector<16xf32>
      %add3A_1581 = arith.addf %add3A_1580, %add3A_1579 : vector<16xf32>
      %max3A_1582 = arith.maximumf %add3A_1581, %broadcast_in_dim3A_5 : vector<16xf32>
      %le3A_1583 = arith.cmpf ole, %max3A_1582, %broadcast_in_dim3A_20 : vector<16xf32>
      %add3A_1584 = arith.constant 2.240000e+02 : f32
      %add3A_1585 = vector.broadcast %add3A_1584 : f32 to vector<16xf32>
      %add3A_1586 = arith.addf %add3A_1585, %convert_element_type3A : vector<16xf32>
      %select_n3A_1587 = arith.select %le3A_1583, %add3A_1586, %broadcast_in_dim3A_3 : vector<16xi1>, vector<16xf32>
      %min3A_1588 = arith.minimumf %min3A_1494, %select_n3A_1587 : vector<16xf32>
      %get3A_1589 = arith.constant 0 : i32
      %get3A_1590 = arith.index_cast %get3A_1589 : i32 to index
      %get3A_1591 = arith.constant 240 : index
      %get3A_1592 = tpu.vector_load %arg13[%get3A_1590, %get3A_1591] {strides = array<i32>} : memref<3x512xf32, #tpu.memory_space<vmem>>, vector<16xf32>,
      %get3A_1593 = arith.constant 1 : i32
      %get3A_1594 = arith.index_cast %get3A_1593 : i32 to index
      %get3A_1595 = arith.constant 240 : index
      %get3A_1596 = tpu.vector_load %arg13[%get3A_1594, %get3A_1595] {strides = array<i32>} : memref<3x512xf32, #tpu.memory_space<vmem>>, vector<16xf32>,
      %get3A_1597 = arith.constant 2 : i32
      %get3A_1598 = arith.index_cast %get3A_1597 : i32 to index
      %get3A_1599 = arith.constant 240 : index
      %get3A_1600 = tpu.vector_load %arg13[%get3A_1598, %get3A_1599] {strides = array<i32>} : memref<3x512xf32, #tpu.memory_space<vmem>>, vector<16xf32>,
      %get3A_1601 = arith.constant 240 : index
      %get3A_1602 = tpu.vector_load %arg14[%get3A_1601] {strides = array<i32>} : memref<512xf32, #tpu.memory_space<vmem>>, vector<16xf32>,
      %bitcast_convert_type3A_1603 = tpu.bitcast %get3A_1592 : vector<16xf32> -> vector<16xi32>
      %add3A_1604 = arith.constant 32767 : i32
      %add3A_1605 = vector.broadcast %add3A_1604 : i32 to vector<16xi32>
      %add3A_1606 = arith.addi %bitcast_convert_type3A_1603, %add3A_1605 : vector<16xi32>
      %shift_right_arithmetic3A_1607 = arith.constant 16 : i32
      %shift_right_arithmetic3A_1608 = vector.broadcast %shift_right_arithmetic3A_1607 : i32 to vector<16xi32>
      %shift_right_arithmetic3A_1609 = arith.shrsi %bitcast_convert_type3A_1603, %shift_right_arithmetic3A_1608 : vector<16xi32>
      %and3A_1610 = arith.constant 1 : i32
      %and3A_1611 = vector.broadcast %and3A_1610 : i32 to vector<16xi32>
      %and3A_1612 = arith.andi %shift_right_arithmetic3A_1609, %and3A_1611 : vector<16xi32>
      %add3A_1613 = arith.addi %add3A_1606, %and3A_1612 : vector<16xi32>
      %and3A_1614 = arith.constant -65536 : i32
      %and3A_1615 = vector.broadcast %and3A_1614 : i32 to vector<16xi32>
      %and3A_1616 = arith.andi %add3A_1613, %and3A_1615 : vector<16xi32>
      %bitcast_convert_type3A_1617 = tpu.bitcast %and3A_1616 : vector<16xi32> -> vector<16xf32>
      %mul3A_1618 = arith.mulf %mul3A_124, %bitcast_convert_type3A_1617 : vector<16xf32>
      %bitcast_convert_type3A_1619 = tpu.bitcast %get3A_1596 : vector<16xf32> -> vector<16xi32>
      %add3A_1620 = arith.constant 32767 : i32
      %add3A_1621 = vector.broadcast %add3A_1620 : i32 to vector<16xi32>
      %add3A_1622 = arith.addi %bitcast_convert_type3A_1619, %add3A_1621 : vector<16xi32>
      %shift_right_arithmetic3A_1623 = arith.constant 16 : i32
      %shift_right_arithmetic3A_1624 = vector.broadcast %shift_right_arithmetic3A_1623 : i32 to vector<16xi32>
      %shift_right_arithmetic3A_1625 = arith.shrsi %bitcast_convert_type3A_1619, %shift_right_arithmetic3A_1624 : vector<16xi32>
      %and3A_1626 = arith.constant 1 : i32
      %and3A_1627 = vector.broadcast %and3A_1626 : i32 to vector<16xi32>
      %and3A_1628 = arith.andi %shift_right_arithmetic3A_1625, %and3A_1627 : vector<16xi32>
      %add3A_1629 = arith.addi %add3A_1622, %and3A_1628 : vector<16xi32>
      %and3A_1630 = arith.constant -65536 : i32
      %and3A_1631 = vector.broadcast %and3A_1630 : i32 to vector<16xi32>
      %and3A_1632 = arith.andi %add3A_1629, %and3A_1631 : vector<16xi32>
      %bitcast_convert_type3A_1633 = tpu.bitcast %and3A_1632 : vector<16xi32> -> vector<16xf32>
      %mul3A_1634 = arith.mulf %mul3A_149, %bitcast_convert_type3A_1633 : vector<16xf32>
      %bitcast_convert_type3A_1635 = tpu.bitcast %get3A_1600 : vector<16xf32> -> vector<16xi32>
      %add3A_1636 = arith.constant 32767 : i32
      %add3A_1637 = vector.broadcast %add3A_1636 : i32 to vector<16xi32>
      %add3A_1638 = arith.addi %bitcast_convert_type3A_1635, %add3A_1637 : vector<16xi32>
      %shift_right_arithmetic3A_1639 = arith.constant 16 : i32
      %shift_right_arithmetic3A_1640 = vector.broadcast %shift_right_arithmetic3A_1639 : i32 to vector<16xi32>
      %shift_right_arithmetic3A_1641 = arith.shrsi %bitcast_convert_type3A_1635, %shift_right_arithmetic3A_1640 : vector<16xi32>
      %and3A_1642 = arith.constant 1 : i32
      %and3A_1643 = vector.broadcast %and3A_1642 : i32 to vector<16xi32>
      %and3A_1644 = arith.andi %shift_right_arithmetic3A_1641, %and3A_1643 : vector<16xi32>
      %add3A_1645 = arith.addi %add3A_1638, %and3A_1644 : vector<16xi32>
      %and3A_1646 = arith.constant -65536 : i32
      %and3A_1647 = vector.broadcast %and3A_1646 : i32 to vector<16xi32>
      %and3A_1648 = arith.andi %add3A_1645, %and3A_1647 : vector<16xi32>
      %bitcast_convert_type3A_1649 = tpu.bitcast %and3A_1648 : vector<16xi32> -> vector<16xf32>
      %mul3A_1650 = arith.mulf %mul3A_174, %bitcast_convert_type3A_1649 : vector<16xf32>
      %add3A_1651 = arith.addf %mul3A_1618, %mul3A_1634 : vector<16xf32>
      %select_n3A_1652 = arith.select %eq3A, %add3A_1651, %broadcast_in_dim3A_3 : vector<16xi1>, vector<16xf32>
      %sub3A_1653 = arith.subf %select_n3A_1652, %mul3A_1618 : vector<16xf32>
      %select_n3A_1654 = arith.select %eq3A, %sub3A_1653, %broadcast_in_dim3A_3 : vector<16xi1>, vector<16xf32>
      %sub3A_1655 = arith.subf %select_n3A_1652, %select_n3A_1654 : vector<16xf32>
      %sub3A_1656 = arith.subf %mul3A_1618, %sub3A_1655 : vector<16xf32>
      %select_n3A_1657 = arith.select %eq3A, %sub3A_1656, %broadcast_in_dim3A_3 : vector<16xi1>, vector<16xf32>
      %sub3A_1658 = arith.subf %mul3A_1634, %select_n3A_1654 : vector<16xf32>
      %select_n3A_1659 = arith.select %eq3A, %sub3A_1658, %broadcast_in_dim3A_3 : vector<16xi1>, vector<16xf32>
      %add3A_1660 = arith.addf %select_n3A_1657, %select_n3A_1659 : vector<16xf32>
      %add3A_1661 = arith.addf %select_n3A_1652, %mul3A_1650 : vector<16xf32>
      %select_n3A_1662 = arith.select %eq3A, %add3A_1661, %broadcast_in_dim3A_3 : vector<16xi1>, vector<16xf32>
      %sub3A_1663 = arith.subf %select_n3A_1662, %select_n3A_1652 : vector<16xf32>
      %select_n3A_1664 = arith.select %eq3A, %sub3A_1663, %broadcast_in_dim3A_3 : vector<16xi1>, vector<16xf32>
      %sub3A_1665 = arith.subf %select_n3A_1662, %select_n3A_1664 : vector<16xf32>
      %sub3A_1666 = arith.subf %select_n3A_1652, %sub3A_1665 : vector<16xf32>
      %select_n3A_1667 = arith.select %eq3A, %sub3A_1666, %broadcast_in_dim3A_3 : vector<16xi1>, vector<16xf32>
      %sub3A_1668 = arith.subf %mul3A_1650, %select_n3A_1664 : vector<16xf32>
      %select_n3A_1669 = arith.select %eq3A, %sub3A_1668, %broadcast_in_dim3A_3 : vector<16xi1>, vector<16xf32>
      %add3A_1670 = arith.addf %select_n3A_1667, %select_n3A_1669 : vector<16xf32>
      %add3A_1671 = arith.addf %add3A_1660, %add3A_1670 : vector<16xf32>
      %select_n3A_1672 = arith.select %eq3A, %add3A_1671, %broadcast_in_dim3A_3 : vector<16xi1>, vector<16xf32>
      %add3A_1673 = arith.addf %select_n3A_1662, %select_n3A_1672 : vector<16xf32>
      %add3A_1674 = arith.addf %broadcast_in_dim3A_179, %get3A_1602 : vector<16xf32>
      %add3A_1675 = arith.addf %add3A_1674, %add3A_1673 : vector<16xf32>
      %max3A_1676 = arith.maximumf %add3A_1675, %broadcast_in_dim3A_5 : vector<16xf32>
      %le3A_1677 = arith.cmpf ole, %max3A_1676, %broadcast_in_dim3A_20 : vector<16xf32>
      %add3A_1678 = arith.constant 2.400000e+02 : f32
      %add3A_1679 = vector.broadcast %add3A_1678 : f32 to vector<16xf32>
      %add3A_1680 = arith.addf %add3A_1679, %convert_element_type3A : vector<16xf32>
      %select_n3A_1681 = arith.select %le3A_1677, %add3A_1680, %broadcast_in_dim3A_3 : vector<16xi1>, vector<16xf32>
      %min3A_1682 = arith.minimumf %min3A_1588, %select_n3A_1681 : vector<16xf32>
      %get3A_1683 = arith.constant 0 : i32
      %get3A_1684 = arith.index_cast %get3A_1683 : i32 to index
      %get3A_1685 = arith.constant 256 : index
      %get3A_1686 = tpu.vector_load %arg13[%get3A_1684, %get3A_1685] {strides = array<i32>} : memref<3x512xf32, #tpu.memory_space<vmem>>, vector<16xf32>,
      %get3A_1687 = arith.constant 1 : i32
      %get3A_1688 = arith.index_cast %get3A_1687 : i32 to index
      %get3A_1689 = arith.constant 256 : index
      %get3A_1690 = tpu.vector_load %arg13[%get3A_1688, %get3A_1689] {strides = array<i32>} : memref<3x512xf32, #tpu.memory_space<vmem>>, vector<16xf32>,
      %get3A_1691 = arith.constant 2 : i32
      %get3A_1692 = arith.index_cast %get3A_1691 : i32 to index
      %get3A_1693 = arith.constant 256 : index
      %get3A_1694 = tpu.vector_load %arg13[%get3A_1692, %get3A_1693] {strides = array<i32>} : memref<3x512xf32, #tpu.memory_space<vmem>>, vector<16xf32>,
      %get3A_1695 = arith.constant 256 : index
      %get3A_1696 = tpu.vector_load %arg14[%get3A_1695] {strides = array<i32>} : memref<512xf32, #tpu.memory_space<vmem>>, vector<16xf32>,
      %bitcast_convert_type3A_1697 = tpu.bitcast %get3A_1686 : vector<16xf32> -> vector<16xi32>
      %add3A_1698 = arith.constant 32767 : i32
      %add3A_1699 = vector.broadcast %add3A_1698 : i32 to vector<16xi32>
      %add3A_1700 = arith.addi %bitcast_convert_type3A_1697, %add3A_1699 : vector<16xi32>
      %shift_right_arithmetic3A_1701 = arith.constant 16 : i32
      %shift_right_arithmetic3A_1702 = vector.broadcast %shift_right_arithmetic3A_1701 : i32 to vector<16xi32>
      %shift_right_arithmetic3A_1703 = arith.shrsi %bitcast_convert_type3A_1697, %shift_right_arithmetic3A_1702 : vector<16xi32>
      %and3A_1704 = arith.constant 1 : i32
      %and3A_1705 = vector.broadcast %and3A_1704 : i32 to vector<16xi32>
      %and3A_1706 = arith.andi %shift_right_arithmetic3A_1703, %and3A_1705 : vector<16xi32>
      %add3A_1707 = arith.addi %add3A_1700, %and3A_1706 : vector<16xi32>
      %and3A_1708 = arith.constant -65536 : i32
      %and3A_1709 = vector.broadcast %and3A_1708 : i32 to vector<16xi32>
      %and3A_1710 = arith.andi %add3A_1707, %and3A_1709 : vector<16xi32>
      %bitcast_convert_type3A_1711 = tpu.bitcast %and3A_1710 : vector<16xi32> -> vector<16xf32>
      %mul3A_1712 = arith.mulf %mul3A_124, %bitcast_convert_type3A_1711 : vector<16xf32>
      %bitcast_convert_type3A_1713 = tpu.bitcast %get3A_1690 : vector<16xf32> -> vector<16xi32>
      %add3A_1714 = arith.constant 32767 : i32
      %add3A_1715 = vector.broadcast %add3A_1714 : i32 to vector<16xi32>
      %add3A_1716 = arith.addi %bitcast_convert_type3A_1713, %add3A_1715 : vector<16xi32>
      %shift_right_arithmetic3A_1717 = arith.constant 16 : i32
      %shift_right_arithmetic3A_1718 = vector.broadcast %shift_right_arithmetic3A_1717 : i32 to vector<16xi32>
      %shift_right_arithmetic3A_1719 = arith.shrsi %bitcast_convert_type3A_1713, %shift_right_arithmetic3A_1718 : vector<16xi32>
      %and3A_1720 = arith.constant 1 : i32
      %and3A_1721 = vector.broadcast %and3A_1720 : i32 to vector<16xi32>
      %and3A_1722 = arith.andi %shift_right_arithmetic3A_1719, %and3A_1721 : vector<16xi32>
      %add3A_1723 = arith.addi %add3A_1716, %and3A_1722 : vector<16xi32>
      %and3A_1724 = arith.constant -65536 : i32
      %and3A_1725 = vector.broadcast %and3A_1724 : i32 to vector<16xi32>
      %and3A_1726 = arith.andi %add3A_1723, %and3A_1725 : vector<16xi32>
      %bitcast_convert_type3A_1727 = tpu.bitcast %and3A_1726 : vector<16xi32> -> vector<16xf32>
      %mul3A_1728 = arith.mulf %mul3A_149, %bitcast_convert_type3A_1727 : vector<16xf32>
      %bitcast_convert_type3A_1729 = tpu.bitcast %get3A_1694 : vector<16xf32> -> vector<16xi32>
      %add3A_1730 = arith.constant 32767 : i32
      %add3A_1731 = vector.broadcast %add3A_1730 : i32 to vector<16xi32>
      %add3A_1732 = arith.addi %bitcast_convert_type3A_1729, %add3A_1731 : vector<16xi32>
      %shift_right_arithmetic3A_1733 = arith.constant 16 : i32
      %shift_right_arithmetic3A_1734 = vector.broadcast %shift_right_arithmetic3A_1733 : i32 to vector<16xi32>
      %shift_right_arithmetic3A_1735 = arith.shrsi %bitcast_convert_type3A_1729, %shift_right_arithmetic3A_1734 : vector<16xi32>
      %and3A_1736 = arith.constant 1 : i32
      %and3A_1737 = vector.broadcast %and3A_1736 : i32 to vector<16xi32>
      %and3A_1738 = arith.andi %shift_right_arithmetic3A_1735, %and3A_1737 : vector<16xi32>
      %add3A_1739 = arith.addi %add3A_1732, %and3A_1738 : vector<16xi32>
      %and3A_1740 = arith.constant -65536 : i32
      %and3A_1741 = vector.broadcast %and3A_1740 : i32 to vector<16xi32>
      %and3A_1742 = arith.andi %add3A_1739, %and3A_1741 : vector<16xi32>
      %bitcast_convert_type3A_1743 = tpu.bitcast %and3A_1742 : vector<16xi32> -> vector<16xf32>
      %mul3A_1744 = arith.mulf %mul3A_174, %bitcast_convert_type3A_1743 : vector<16xf32>
      %add3A_1745 = arith.addf %mul3A_1712, %mul3A_1728 : vector<16xf32>
      %select_n3A_1746 = arith.select %eq3A, %add3A_1745, %broadcast_in_dim3A_3 : vector<16xi1>, vector<16xf32>
      %sub3A_1747 = arith.subf %select_n3A_1746, %mul3A_1712 : vector<16xf32>
      %select_n3A_1748 = arith.select %eq3A, %sub3A_1747, %broadcast_in_dim3A_3 : vector<16xi1>, vector<16xf32>
      %sub3A_1749 = arith.subf %select_n3A_1746, %select_n3A_1748 : vector<16xf32>
      %sub3A_1750 = arith.subf %mul3A_1712, %sub3A_1749 : vector<16xf32>
      %select_n3A_1751 = arith.select %eq3A, %sub3A_1750, %broadcast_in_dim3A_3 : vector<16xi1>, vector<16xf32>
      %sub3A_1752 = arith.subf %mul3A_1728, %select_n3A_1748 : vector<16xf32>
      %select_n3A_1753 = arith.select %eq3A, %sub3A_1752, %broadcast_in_dim3A_3 : vector<16xi1>, vector<16xf32>
      %add3A_1754 = arith.addf %select_n3A_1751, %select_n3A_1753 : vector<16xf32>
      %add3A_1755 = arith.addf %select_n3A_1746, %mul3A_1744 : vector<16xf32>
      %select_n3A_1756 = arith.select %eq3A, %add3A_1755, %broadcast_in_dim3A_3 : vector<16xi1>, vector<16xf32>
      %sub3A_1757 = arith.subf %select_n3A_1756, %select_n3A_1746 : vector<16xf32>
      %select_n3A_1758 = arith.select %eq3A, %sub3A_1757, %broadcast_in_dim3A_3 : vector<16xi1>, vector<16xf32>
      %sub3A_1759 = arith.subf %select_n3A_1756, %select_n3A_1758 : vector<16xf32>
      %sub3A_1760 = arith.subf %select_n3A_1746, %sub3A_1759 : vector<16xf32>
      %select_n3A_1761 = arith.select %eq3A, %sub3A_1760, %broadcast_in_dim3A_3 : vector<16xi1>, vector<16xf32>
      %sub3A_1762 = arith.subf %mul3A_1744, %select_n3A_1758 : vector<16xf32>
      %select_n3A_1763 = arith.select %eq3A, %sub3A_1762, %broadcast_in_dim3A_3 : vector<16xi1>, vector<16xf32>
      %add3A_1764 = arith.addf %select_n3A_1761, %select_n3A_1763 : vector<16xf32>
      %add3A_1765 = arith.addf %add3A_1754, %add3A_1764 : vector<16xf32>
      %select_n3A_1766 = arith.select %eq3A, %add3A_1765, %broadcast_in_dim3A_3 : vector<16xi1>, vector<16xf32>
      %add3A_1767 = arith.addf %select_n3A_1756, %select_n3A_1766 : vector<16xf32>
      %add3A_1768 = arith.addf %broadcast_in_dim3A_179, %get3A_1696 : vector<16xf32>
      %add3A_1769 = arith.addf %add3A_1768, %add3A_1767 : vector<16xf32>
      %max3A_1770 = arith.maximumf %add3A_1769, %broadcast_in_dim3A_5 : vector<16xf32>
      %le3A_1771 = arith.cmpf ole, %max3A_1770, %broadcast_in_dim3A_20 : vector<16xf32>
      %add3A_1772 = arith.constant 2.560000e+02 : f32
      %add3A_1773 = vector.broadcast %add3A_1772 : f32 to vector<16xf32>
      %add3A_1774 = arith.addf %add3A_1773, %convert_element_type3A : vector<16xf32>
      %select_n3A_1775 = arith.select %le3A_1771, %add3A_1774, %broadcast_in_dim3A_3 : vector<16xi1>, vector<16xf32>
      %min3A_1776 = arith.minimumf %min3A_1682, %select_n3A_1775 : vector<16xf32>
      %get3A_1777 = arith.constant 0 : i32
      %get3A_1778 = arith.index_cast %get3A_1777 : i32 to index
      %get3A_1779 = arith.constant 272 : index
      %get3A_1780 = tpu.vector_load %arg13[%get3A_1778, %get3A_1779] {strides = array<i32>} : memref<3x512xf32, #tpu.memory_space<vmem>>, vector<16xf32>,
      %get3A_1781 = arith.constant 1 : i32
      %get3A_1782 = arith.index_cast %get3A_1781 : i32 to index
      %get3A_1783 = arith.constant 272 : index
      %get3A_1784 = tpu.vector_load %arg13[%get3A_1782, %get3A_1783] {strides = array<i32>} : memref<3x512xf32, #tpu.memory_space<vmem>>, vector<16xf32>,
      %get3A_1785 = arith.constant 2 : i32
      %get3A_1786 = arith.index_cast %get3A_1785 : i32 to index
      %get3A_1787 = arith.constant 272 : index
      %get3A_1788 = tpu.vector_load %arg13[%get3A_1786, %get3A_1787] {strides = array<i32>} : memref<3x512xf32, #tpu.memory_space<vmem>>, vector<16xf32>,
      %get3A_1789 = arith.constant 272 : index
      %get3A_1790 = tpu.vector_load %arg14[%get3A_1789] {strides = array<i32>} : memref<512xf32, #tpu.memory_space<vmem>>, vector<16xf32>,
      %bitcast_convert_type3A_1791 = tpu.bitcast %get3A_1780 : vector<16xf32> -> vector<16xi32>
      %add3A_1792 = arith.constant 32767 : i32
      %add3A_1793 = vector.broadcast %add3A_1792 : i32 to vector<16xi32>
      %add3A_1794 = arith.addi %bitcast_convert_type3A_1791, %add3A_1793 : vector<16xi32>
      %shift_right_arithmetic3A_1795 = arith.constant 16 : i32
      %shift_right_arithmetic3A_1796 = vector.broadcast %shift_right_arithmetic3A_1795 : i32 to vector<16xi32>
      %shift_right_arithmetic3A_1797 = arith.shrsi %bitcast_convert_type3A_1791, %shift_right_arithmetic3A_1796 : vector<16xi32>
      %and3A_1798 = arith.constant 1 : i32
      %and3A_1799 = vector.broadcast %and3A_1798 : i32 to vector<16xi32>
      %and3A_1800 = arith.andi %shift_right_arithmetic3A_1797, %and3A_1799 : vector<16xi32>
      %add3A_1801 = arith.addi %add3A_1794, %and3A_1800 : vector<16xi32>
      %and3A_1802 = arith.constant -65536 : i32
      %and3A_1803 = vector.broadcast %and3A_1802 : i32 to vector<16xi32>
      %and3A_1804 = arith.andi %add3A_1801, %and3A_1803 : vector<16xi32>
      %bitcast_convert_type3A_1805 = tpu.bitcast %and3A_1804 : vector<16xi32> -> vector<16xf32>
      %mul3A_1806 = arith.mulf %mul3A_124, %bitcast_convert_type3A_1805 : vector<16xf32>
      %bitcast_convert_type3A_1807 = tpu.bitcast %get3A_1784 : vector<16xf32> -> vector<16xi32>
      %add3A_1808 = arith.constant 32767 : i32
      %add3A_1809 = vector.broadcast %add3A_1808 : i32 to vector<16xi32>
      %add3A_1810 = arith.addi %bitcast_convert_type3A_1807, %add3A_1809 : vector<16xi32>
      %shift_right_arithmetic3A_1811 = arith.constant 16 : i32
      %shift_right_arithmetic3A_1812 = vector.broadcast %shift_right_arithmetic3A_1811 : i32 to vector<16xi32>
      %shift_right_arithmetic3A_1813 = arith.shrsi %bitcast_convert_type3A_1807, %shift_right_arithmetic3A_1812 : vector<16xi32>
      %and3A_1814 = arith.constant 1 : i32
      %and3A_1815 = vector.broadcast %and3A_1814 : i32 to vector<16xi32>
      %and3A_1816 = arith.andi %shift_right_arithmetic3A_1813, %and3A_1815 : vector<16xi32>
      %add3A_1817 = arith.addi %add3A_1810, %and3A_1816 : vector<16xi32>
      %and3A_1818 = arith.constant -65536 : i32
      %and3A_1819 = vector.broadcast %and3A_1818 : i32 to vector<16xi32>
      %and3A_1820 = arith.andi %add3A_1817, %and3A_1819 : vector<16xi32>
      %bitcast_convert_type3A_1821 = tpu.bitcast %and3A_1820 : vector<16xi32> -> vector<16xf32>
      %mul3A_1822 = arith.mulf %mul3A_149, %bitcast_convert_type3A_1821 : vector<16xf32>
      %bitcast_convert_type3A_1823 = tpu.bitcast %get3A_1788 : vector<16xf32> -> vector<16xi32>
      %add3A_1824 = arith.constant 32767 : i32
      %add3A_1825 = vector.broadcast %add3A_1824 : i32 to vector<16xi32>
      %add3A_1826 = arith.addi %bitcast_convert_type3A_1823, %add3A_1825 : vector<16xi32>
      %shift_right_arithmetic3A_1827 = arith.constant 16 : i32
      %shift_right_arithmetic3A_1828 = vector.broadcast %shift_right_arithmetic3A_1827 : i32 to vector<16xi32>
      %shift_right_arithmetic3A_1829 = arith.shrsi %bitcast_convert_type3A_1823, %shift_right_arithmetic3A_1828 : vector<16xi32>
      %and3A_1830 = arith.constant 1 : i32
      %and3A_1831 = vector.broadcast %and3A_1830 : i32 to vector<16xi32>
      %and3A_1832 = arith.andi %shift_right_arithmetic3A_1829, %and3A_1831 : vector<16xi32>
      %add3A_1833 = arith.addi %add3A_1826, %and3A_1832 : vector<16xi32>
      %and3A_1834 = arith.constant -65536 : i32
      %and3A_1835 = vector.broadcast %and3A_1834 : i32 to vector<16xi32>
      %and3A_1836 = arith.andi %add3A_1833, %and3A_1835 : vector<16xi32>
      %bitcast_convert_type3A_1837 = tpu.bitcast %and3A_1836 : vector<16xi32> -> vector<16xf32>
      %mul3A_1838 = arith.mulf %mul3A_174, %bitcast_convert_type3A_1837 : vector<16xf32>
      %add3A_1839 = arith.addf %mul3A_1806, %mul3A_1822 : vector<16xf32>
      %select_n3A_1840 = arith.select %eq3A, %add3A_1839, %broadcast_in_dim3A_3 : vector<16xi1>, vector<16xf32>
      %sub3A_1841 = arith.subf %select_n3A_1840, %mul3A_1806 : vector<16xf32>
      %select_n3A_1842 = arith.select %eq3A, %sub3A_1841, %broadcast_in_dim3A_3 : vector<16xi1>, vector<16xf32>
      %sub3A_1843 = arith.subf %select_n3A_1840, %select_n3A_1842 : vector<16xf32>
      %sub3A_1844 = arith.subf %mul3A_1806, %sub3A_1843 : vector<16xf32>
      %select_n3A_1845 = arith.select %eq3A, %sub3A_1844, %broadcast_in_dim3A_3 : vector<16xi1>, vector<16xf32>
      %sub3A_1846 = arith.subf %mul3A_1822, %select_n3A_1842 : vector<16xf32>
      %select_n3A_1847 = arith.select %eq3A, %sub3A_1846, %broadcast_in_dim3A_3 : vector<16xi1>, vector<16xf32>
      %add3A_1848 = arith.addf %select_n3A_1845, %select_n3A_1847 : vector<16xf32>
      %add3A_1849 = arith.addf %select_n3A_1840, %mul3A_1838 : vector<16xf32>
      %select_n3A_1850 = arith.select %eq3A, %add3A_1849, %broadcast_in_dim3A_3 : vector<16xi1>, vector<16xf32>
      %sub3A_1851 = arith.subf %select_n3A_1850, %select_n3A_1840 : vector<16xf32>
      %select_n3A_1852 = arith.select %eq3A, %sub3A_1851, %broadcast_in_dim3A_3 : vector<16xi1>, vector<16xf32>
      %sub3A_1853 = arith.subf %select_n3A_1850, %select_n3A_1852 : vector<16xf32>
      %sub3A_1854 = arith.subf %select_n3A_1840, %sub3A_1853 : vector<16xf32>
      %select_n3A_1855 = arith.select %eq3A, %sub3A_1854, %broadcast_in_dim3A_3 : vector<16xi1>, vector<16xf32>
      %sub3A_1856 = arith.subf %mul3A_1838, %select_n3A_1852 : vector<16xf32>
      %select_n3A_1857 = arith.select %eq3A, %sub3A_1856, %broadcast_in_dim3A_3 : vector<16xi1>, vector<16xf32>
      %add3A_1858 = arith.addf %select_n3A_1855, %select_n3A_1857 : vector<16xf32>
      %add3A_1859 = arith.addf %add3A_1848, %add3A_1858 : vector<16xf32>
      %select_n3A_1860 = arith.select %eq3A, %add3A_1859, %broadcast_in_dim3A_3 : vector<16xi1>, vector<16xf32>
      %add3A_1861 = arith.addf %select_n3A_1850, %select_n3A_1860 : vector<16xf32>
      %add3A_1862 = arith.addf %broadcast_in_dim3A_179, %get3A_1790 : vector<16xf32>
      %add3A_1863 = arith.addf %add3A_1862, %add3A_1861 : vector<16xf32>
      %max3A_1864 = arith.maximumf %add3A_1863, %broadcast_in_dim3A_5 : vector<16xf32>
      %le3A_1865 = arith.cmpf ole, %max3A_1864, %broadcast_in_dim3A_20 : vector<16xf32>
      %add3A_1866 = arith.constant 2.720000e+02 : f32
      %add3A_1867 = vector.broadcast %add3A_1866 : f32 to vector<16xf32>
      %add3A_1868 = arith.addf %add3A_1867, %convert_element_type3A : vector<16xf32>
      %select_n3A_1869 = arith.select %le3A_1865, %add3A_1868, %broadcast_in_dim3A_3 : vector<16xi1>, vector<16xf32>
      %min3A_1870 = arith.minimumf %min3A_1776, %select_n3A_1869 : vector<16xf32>
      %get3A_1871 = arith.constant 0 : i32
      %get3A_1872 = arith.index_cast %get3A_1871 : i32 to index
      %get3A_1873 = arith.constant 288 : index
      %get3A_1874 = tpu.vector_load %arg13[%get3A_1872, %get3A_1873] {strides = array<i32>} : memref<3x512xf32, #tpu.memory_space<vmem>>, vector<16xf32>,
      %get3A_1875 = arith.constant 1 : i32
      %get3A_1876 = arith.index_cast %get3A_1875 : i32 to index
      %get3A_1877 = arith.constant 288 : index
      %get3A_1878 = tpu.vector_load %arg13[%get3A_1876, %get3A_1877] {strides = array<i32>} : memref<3x512xf32, #tpu.memory_space<vmem>>, vector<16xf32>,
      %get3A_1879 = arith.constant 2 : i32
      %get3A_1880 = arith.index_cast %get3A_1879 : i32 to index
      %get3A_1881 = arith.constant 288 : index
      %get3A_1882 = tpu.vector_load %arg13[%get3A_1880, %get3A_1881] {strides = array<i32>} : memref<3x512xf32, #tpu.memory_space<vmem>>, vector<16xf32>,
      %get3A_1883 = arith.constant 288 : index
      %get3A_1884 = tpu.vector_load %arg14[%get3A_1883] {strides = array<i32>} : memref<512xf32, #tpu.memory_space<vmem>>, vector<16xf32>,
      %bitcast_convert_type3A_1885 = tpu.bitcast %get3A_1874 : vector<16xf32> -> vector<16xi32>
      %add3A_1886 = arith.constant 32767 : i32
      %add3A_1887 = vector.broadcast %add3A_1886 : i32 to vector<16xi32>
      %add3A_1888 = arith.addi %bitcast_convert_type3A_1885, %add3A_1887 : vector<16xi32>
      %shift_right_arithmetic3A_1889 = arith.constant 16 : i32
      %shift_right_arithmetic3A_1890 = vector.broadcast %shift_right_arithmetic3A_1889 : i32 to vector<16xi32>
      %shift_right_arithmetic3A_1891 = arith.shrsi %bitcast_convert_type3A_1885, %shift_right_arithmetic3A_1890 : vector<16xi32>
      %and3A_1892 = arith.constant 1 : i32
      %and3A_1893 = vector.broadcast %and3A_1892 : i32 to vector<16xi32>
      %and3A_1894 = arith.andi %shift_right_arithmetic3A_1891, %and3A_1893 : vector<16xi32>
      %add3A_1895 = arith.addi %add3A_1888, %and3A_1894 : vector<16xi32>
      %and3A_1896 = arith.constant -65536 : i32
      %and3A_1897 = vector.broadcast %and3A_1896 : i32 to vector<16xi32>
      %and3A_1898 = arith.andi %add3A_1895, %and3A_1897 : vector<16xi32>
      %bitcast_convert_type3A_1899 = tpu.bitcast %and3A_1898 : vector<16xi32> -> vector<16xf32>
      %mul3A_1900 = arith.mulf %mul3A_124, %bitcast_convert_type3A_1899 : vector<16xf32>
      %bitcast_convert_type3A_1901 = tpu.bitcast %get3A_1878 : vector<16xf32> -> vector<16xi32>
      %add3A_1902 = arith.constant 32767 : i32
      %add3A_1903 = vector.broadcast %add3A_1902 : i32 to vector<16xi32>
      %add3A_1904 = arith.addi %bitcast_convert_type3A_1901, %add3A_1903 : vector<16xi32>
      %shift_right_arithmetic3A_1905 = arith.constant 16 : i32
      %shift_right_arithmetic3A_1906 = vector.broadcast %shift_right_arithmetic3A_1905 : i32 to vector<16xi32>
      %shift_right_arithmetic3A_1907 = arith.shrsi %bitcast_convert_type3A_1901, %shift_right_arithmetic3A_1906 : vector<16xi32>
      %and3A_1908 = arith.constant 1 : i32
      %and3A_1909 = vector.broadcast %and3A_1908 : i32 to vector<16xi32>
      %and3A_1910 = arith.andi %shift_right_arithmetic3A_1907, %and3A_1909 : vector<16xi32>
      %add3A_1911 = arith.addi %add3A_1904, %and3A_1910 : vector<16xi32>
      %and3A_1912 = arith.constant -65536 : i32
      %and3A_1913 = vector.broadcast %and3A_1912 : i32 to vector<16xi32>
      %and3A_1914 = arith.andi %add3A_1911, %and3A_1913 : vector<16xi32>
      %bitcast_convert_type3A_1915 = tpu.bitcast %and3A_1914 : vector<16xi32> -> vector<16xf32>
      %mul3A_1916 = arith.mulf %mul3A_149, %bitcast_convert_type3A_1915 : vector<16xf32>
      %bitcast_convert_type3A_1917 = tpu.bitcast %get3A_1882 : vector<16xf32> -> vector<16xi32>
      %add3A_1918 = arith.constant 32767 : i32
      %add3A_1919 = vector.broadcast %add3A_1918 : i32 to vector<16xi32>
      %add3A_1920 = arith.addi %bitcast_convert_type3A_1917, %add3A_1919 : vector<16xi32>
      %shift_right_arithmetic3A_1921 = arith.constant 16 : i32
      %shift_right_arithmetic3A_1922 = vector.broadcast %shift_right_arithmetic3A_1921 : i32 to vector<16xi32>
      %shift_right_arithmetic3A_1923 = arith.shrsi %bitcast_convert_type3A_1917, %shift_right_arithmetic3A_1922 : vector<16xi32>
      %and3A_1924 = arith.constant 1 : i32
      %and3A_1925 = vector.broadcast %and3A_1924 : i32 to vector<16xi32>
      %and3A_1926 = arith.andi %shift_right_arithmetic3A_1923, %and3A_1925 : vector<16xi32>
      %add3A_1927 = arith.addi %add3A_1920, %and3A_1926 : vector<16xi32>
      %and3A_1928 = arith.constant -65536 : i32
      %and3A_1929 = vector.broadcast %and3A_1928 : i32 to vector<16xi32>
      %and3A_1930 = arith.andi %add3A_1927, %and3A_1929 : vector<16xi32>
      %bitcast_convert_type3A_1931 = tpu.bitcast %and3A_1930 : vector<16xi32> -> vector<16xf32>
      %mul3A_1932 = arith.mulf %mul3A_174, %bitcast_convert_type3A_1931 : vector<16xf32>
      %add3A_1933 = arith.addf %mul3A_1900, %mul3A_1916 : vector<16xf32>
      %select_n3A_1934 = arith.select %eq3A, %add3A_1933, %broadcast_in_dim3A_3 : vector<16xi1>, vector<16xf32>
      %sub3A_1935 = arith.subf %select_n3A_1934, %mul3A_1900 : vector<16xf32>
      %select_n3A_1936 = arith.select %eq3A, %sub3A_1935, %broadcast_in_dim3A_3 : vector<16xi1>, vector<16xf32>
      %sub3A_1937 = arith.subf %select_n3A_1934, %select_n3A_1936 : vector<16xf32>
      %sub3A_1938 = arith.subf %mul3A_1900, %sub3A_1937 : vector<16xf32>
      %select_n3A_1939 = arith.select %eq3A, %sub3A_1938, %broadcast_in_dim3A_3 : vector<16xi1>, vector<16xf32>
      %sub3A_1940 = arith.subf %mul3A_1916, %select_n3A_1936 : vector<16xf32>
      %select_n3A_1941 = arith.select %eq3A, %sub3A_1940, %broadcast_in_dim3A_3 : vector<16xi1>, vector<16xf32>
      %add3A_1942 = arith.addf %select_n3A_1939, %select_n3A_1941 : vector<16xf32>
      %add3A_1943 = arith.addf %select_n3A_1934, %mul3A_1932 : vector<16xf32>
      %select_n3A_1944 = arith.select %eq3A, %add3A_1943, %broadcast_in_dim3A_3 : vector<16xi1>, vector<16xf32>
      %sub3A_1945 = arith.subf %select_n3A_1944, %select_n3A_1934 : vector<16xf32>
      %select_n3A_1946 = arith.select %eq3A, %sub3A_1945, %broadcast_in_dim3A_3 : vector<16xi1>, vector<16xf32>
      %sub3A_1947 = arith.subf %select_n3A_1944, %select_n3A_1946 : vector<16xf32>
      %sub3A_1948 = arith.subf %select_n3A_1934, %sub3A_1947 : vector<16xf32>
      %select_n3A_1949 = arith.select %eq3A, %sub3A_1948, %broadcast_in_dim3A_3 : vector<16xi1>, vector<16xf32>
      %sub3A_1950 = arith.subf %mul3A_1932, %select_n3A_1946 : vector<16xf32>
      %select_n3A_1951 = arith.select %eq3A, %sub3A_1950, %broadcast_in_dim3A_3 : vector<16xi1>, vector<16xf32>
      %add3A_1952 = arith.addf %select_n3A_1949, %select_n3A_1951 : vector<16xf32>
      %add3A_1953 = arith.addf %add3A_1942, %add3A_1952 : vector<16xf32>
      %select_n3A_1954 = arith.select %eq3A, %add3A_1953, %broadcast_in_dim3A_3 : vector<16xi1>, vector<16xf32>
      %add3A_1955 = arith.addf %select_n3A_1944, %select_n3A_1954 : vector<16xf32>
      %add3A_1956 = arith.addf %broadcast_in_dim3A_179, %get3A_1884 : vector<16xf32>
      %add3A_1957 = arith.addf %add3A_1956, %add3A_1955 : vector<16xf32>
      %max3A_1958 = arith.maximumf %add3A_1957, %broadcast_in_dim3A_5 : vector<16xf32>
      %le3A_1959 = arith.cmpf ole, %max3A_1958, %broadcast_in_dim3A_20 : vector<16xf32>
      %add3A_1960 = arith.constant 2.880000e+02 : f32
      %add3A_1961 = vector.broadcast %add3A_1960 : f32 to vector<16xf32>
      %add3A_1962 = arith.addf %add3A_1961, %convert_element_type3A : vector<16xf32>
      %select_n3A_1963 = arith.select %le3A_1959, %add3A_1962, %broadcast_in_dim3A_3 : vector<16xi1>, vector<16xf32>
      %min3A_1964 = arith.minimumf %min3A_1870, %select_n3A_1963 : vector<16xf32>
      %get3A_1965 = arith.constant 0 : i32
      %get3A_1966 = arith.index_cast %get3A_1965 : i32 to index
      %get3A_1967 = arith.constant 304 : index
      %get3A_1968 = tpu.vector_load %arg13[%get3A_1966, %get3A_1967] {strides = array<i32>} : memref<3x512xf32, #tpu.memory_space<vmem>>, vector<16xf32>,
      %get3A_1969 = arith.constant 1 : i32
      %get3A_1970 = arith.index_cast %get3A_1969 : i32 to index
      %get3A_1971 = arith.constant 304 : index
      %get3A_1972 = tpu.vector_load %arg13[%get3A_1970, %get3A_1971] {strides = array<i32>} : memref<3x512xf32, #tpu.memory_space<vmem>>, vector<16xf32>,
      %get3A_1973 = arith.constant 2 : i32
      %get3A_1974 = arith.index_cast %get3A_1973 : i32 to index
      %get3A_1975 = arith.constant 304 : index
      %get3A_1976 = tpu.vector_load %arg13[%get3A_1974, %get3A_1975] {strides = array<i32>} : memref<3x512xf32, #tpu.memory_space<vmem>>, vector<16xf32>,
      %get3A_1977 = arith.constant 304 : index
      %get3A_1978 = tpu.vector_load %arg14[%get3A_1977] {strides = array<i32>} : memref<512xf32, #tpu.memory_space<vmem>>, vector<16xf32>,
      %bitcast_convert_type3A_1979 = tpu.bitcast %get3A_1968 : vector<16xf32> -> vector<16xi32>
      %add3A_1980 = arith.constant 32767 : i32
      %add3A_1981 = vector.broadcast %add3A_1980 : i32 to vector<16xi32>
      %add3A_1982 = arith.addi %bitcast_convert_type3A_1979, %add3A_1981 : vector<16xi32>
      %shift_right_arithmetic3A_1983 = arith.constant 16 : i32
      %shift_right_arithmetic3A_1984 = vector.broadcast %shift_right_arithmetic3A_1983 : i32 to vector<16xi32>
      %shift_right_arithmetic3A_1985 = arith.shrsi %bitcast_convert_type3A_1979, %shift_right_arithmetic3A_1984 : vector<16xi32>
      %and3A_1986 = arith.constant 1 : i32
      %and3A_1987 = vector.broadcast %and3A_1986 : i32 to vector<16xi32>
      %and3A_1988 = arith.andi %shift_right_arithmetic3A_1985, %and3A_1987 : vector<16xi32>
      %add3A_1989 = arith.addi %add3A_1982, %and3A_1988 : vector<16xi32>
      %and3A_1990 = arith.constant -65536 : i32
      %and3A_1991 = vector.broadcast %and3A_1990 : i32 to vector<16xi32>
      %and3A_1992 = arith.andi %add3A_1989, %and3A_1991 : vector<16xi32>
      %bitcast_convert_type3A_1993 = tpu.bitcast %and3A_1992 : vector<16xi32> -> vector<16xf32>
      %mul3A_1994 = arith.mulf %mul3A_124, %bitcast_convert_type3A_1993 : vector<16xf32>
      %bitcast_convert_type3A_1995 = tpu.bitcast %get3A_1972 : vector<16xf32> -> vector<16xi32>
      %add3A_1996 = arith.constant 32767 : i32
      %add3A_1997 = vector.broadcast %add3A_1996 : i32 to vector<16xi32>
      %add3A_1998 = arith.addi %bitcast_convert_type3A_1995, %add3A_1997 : vector<16xi32>
      %shift_right_arithmetic3A_1999 = arith.constant 16 : i32
      %shift_right_arithmetic3A_2000 = vector.broadcast %shift_right_arithmetic3A_1999 : i32 to vector<16xi32>
      %shift_right_arithmetic3A_2001 = arith.shrsi %bitcast_convert_type3A_1995, %shift_right_arithmetic3A_2000 : vector<16xi32>
      %and3A_2002 = arith.constant 1 : i32
      %and3A_2003 = vector.broadcast %and3A_2002 : i32 to vector<16xi32>
      %and3A_2004 = arith.andi %shift_right_arithmetic3A_2001, %and3A_2003 : vector<16xi32>
      %add3A_2005 = arith.addi %add3A_1998, %and3A_2004 : vector<16xi32>
      %and3A_2006 = arith.constant -65536 : i32
      %and3A_2007 = vector.broadcast %and3A_2006 : i32 to vector<16xi32>
      %and3A_2008 = arith.andi %add3A_2005, %and3A_2007 : vector<16xi32>
      %bitcast_convert_type3A_2009 = tpu.bitcast %and3A_2008 : vector<16xi32> -> vector<16xf32>
      %mul3A_2010 = arith.mulf %mul3A_149, %bitcast_convert_type3A_2009 : vector<16xf32>
      %bitcast_convert_type3A_2011 = tpu.bitcast %get3A_1976 : vector<16xf32> -> vector<16xi32>
      %add3A_2012 = arith.constant 32767 : i32
      %add3A_2013 = vector.broadcast %add3A_2012 : i32 to vector<16xi32>
      %add3A_2014 = arith.addi %bitcast_convert_type3A_2011, %add3A_2013 : vector<16xi32>
      %shift_right_arithmetic3A_2015 = arith.constant 16 : i32
      %shift_right_arithmetic3A_2016 = vector.broadcast %shift_right_arithmetic3A_2015 : i32 to vector<16xi32>
      %shift_right_arithmetic3A_2017 = arith.shrsi %bitcast_convert_type3A_2011, %shift_right_arithmetic3A_2016 : vector<16xi32>
      %and3A_2018 = arith.constant 1 : i32
      %and3A_2019 = vector.broadcast %and3A_2018 : i32 to vector<16xi32>
      %and3A_2020 = arith.andi %shift_right_arithmetic3A_2017, %and3A_2019 : vector<16xi32>
      %add3A_2021 = arith.addi %add3A_2014, %and3A_2020 : vector<16xi32>
      %and3A_2022 = arith.constant -65536 : i32
      %and3A_2023 = vector.broadcast %and3A_2022 : i32 to vector<16xi32>
      %and3A_2024 = arith.andi %add3A_2021, %and3A_2023 : vector<16xi32>
      %bitcast_convert_type3A_2025 = tpu.bitcast %and3A_2024 : vector<16xi32> -> vector<16xf32>
      %mul3A_2026 = arith.mulf %mul3A_174, %bitcast_convert_type3A_2025 : vector<16xf32>
      %add3A_2027 = arith.addf %mul3A_1994, %mul3A_2010 : vector<16xf32>
      %select_n3A_2028 = arith.select %eq3A, %add3A_2027, %broadcast_in_dim3A_3 : vector<16xi1>, vector<16xf32>
      %sub3A_2029 = arith.subf %select_n3A_2028, %mul3A_1994 : vector<16xf32>
      %select_n3A_2030 = arith.select %eq3A, %sub3A_2029, %broadcast_in_dim3A_3 : vector<16xi1>, vector<16xf32>
      %sub3A_2031 = arith.subf %select_n3A_2028, %select_n3A_2030 : vector<16xf32>
      %sub3A_2032 = arith.subf %mul3A_1994, %sub3A_2031 : vector<16xf32>
      %select_n3A_2033 = arith.select %eq3A, %sub3A_2032, %broadcast_in_dim3A_3 : vector<16xi1>, vector<16xf32>
      %sub3A_2034 = arith.subf %mul3A_2010, %select_n3A_2030 : vector<16xf32>
      %select_n3A_2035 = arith.select %eq3A, %sub3A_2034, %broadcast_in_dim3A_3 : vector<16xi1>, vector<16xf32>
      %add3A_2036 = arith.addf %select_n3A_2033, %select_n3A_2035 : vector<16xf32>
      %add3A_2037 = arith.addf %select_n3A_2028, %mul3A_2026 : vector<16xf32>
      %select_n3A_2038 = arith.select %eq3A, %add3A_2037, %broadcast_in_dim3A_3 : vector<16xi1>, vector<16xf32>
      %sub3A_2039 = arith.subf %select_n3A_2038, %select_n3A_2028 : vector<16xf32>
      %select_n3A_2040 = arith.select %eq3A, %sub3A_2039, %broadcast_in_dim3A_3 : vector<16xi1>, vector<16xf32>
      %sub3A_2041 = arith.subf %select_n3A_2038, %select_n3A_2040 : vector<16xf32>
      %sub3A_2042 = arith.subf %select_n3A_2028, %sub3A_2041 : vector<16xf32>
      %select_n3A_2043 = arith.select %eq3A, %sub3A_2042, %broadcast_in_dim3A_3 : vector<16xi1>, vector<16xf32>
      %sub3A_2044 = arith.subf %mul3A_2026, %select_n3A_2040 : vector<16xf32>
      %select_n3A_2045 = arith.select %eq3A, %sub3A_2044, %broadcast_in_dim3A_3 : vector<16xi1>, vector<16xf32>
      %add3A_2046 = arith.addf %select_n3A_2043, %select_n3A_2045 : vector<16xf32>
      %add3A_2047 = arith.addf %add3A_2036, %add3A_2046 : vector<16xf32>
      %select_n3A_2048 = arith.select %eq3A, %add3A_2047, %broadcast_in_dim3A_3 : vector<16xi1>, vector<16xf32>
      %add3A_2049 = arith.addf %select_n3A_2038, %select_n3A_2048 : vector<16xf32>
      %add3A_2050 = arith.addf %broadcast_in_dim3A_179, %get3A_1978 : vector<16xf32>
      %add3A_2051 = arith.addf %add3A_2050, %add3A_2049 : vector<16xf32>
      %max3A_2052 = arith.maximumf %add3A_2051, %broadcast_in_dim3A_5 : vector<16xf32>
      %le3A_2053 = arith.cmpf ole, %max3A_2052, %broadcast_in_dim3A_20 : vector<16xf32>
      %add3A_2054 = arith.constant 3.040000e+02 : f32
      %add3A_2055 = vector.broadcast %add3A_2054 : f32 to vector<16xf32>
      %add3A_2056 = arith.addf %add3A_2055, %convert_element_type3A : vector<16xf32>
      %select_n3A_2057 = arith.select %le3A_2053, %add3A_2056, %broadcast_in_dim3A_3 : vector<16xi1>, vector<16xf32>
      %min3A_2058 = arith.minimumf %min3A_1964, %select_n3A_2057 : vector<16xf32>
      %get3A_2059 = arith.constant 0 : i32
      %get3A_2060 = arith.index_cast %get3A_2059 : i32 to index
      %get3A_2061 = arith.constant 320 : index
      %get3A_2062 = tpu.vector_load %arg13[%get3A_2060, %get3A_2061] {strides = array<i32>} : memref<3x512xf32, #tpu.memory_space<vmem>>, vector<16xf32>,
      %get3A_2063 = arith.constant 1 : i32
      %get3A_2064 = arith.index_cast %get3A_2063 : i32 to index
      %get3A_2065 = arith.constant 320 : index
      %get3A_2066 = tpu.vector_load %arg13[%get3A_2064, %get3A_2065] {strides = array<i32>} : memref<3x512xf32, #tpu.memory_space<vmem>>, vector<16xf32>,
      %get3A_2067 = arith.constant 2 : i32
      %get3A_2068 = arith.index_cast %get3A_2067 : i32 to index
      %get3A_2069 = arith.constant 320 : index
      %get3A_2070 = tpu.vector_load %arg13[%get3A_2068, %get3A_2069] {strides = array<i32>} : memref<3x512xf32, #tpu.memory_space<vmem>>, vector<16xf32>,
      %get3A_2071 = arith.constant 320 : index
      %get3A_2072 = tpu.vector_load %arg14[%get3A_2071] {strides = array<i32>} : memref<512xf32, #tpu.memory_space<vmem>>, vector<16xf32>,
      %bitcast_convert_type3A_2073 = tpu.bitcast %get3A_2062 : vector<16xf32> -> vector<16xi32>
      %add3A_2074 = arith.constant 32767 : i32
      %add3A_2075 = vector.broadcast %add3A_2074 : i32 to vector<16xi32>
      %add3A_2076 = arith.addi %bitcast_convert_type3A_2073, %add3A_2075 : vector<16xi32>
      %shift_right_arithmetic3A_2077 = arith.constant 16 : i32
      %shift_right_arithmetic3A_2078 = vector.broadcast %shift_right_arithmetic3A_2077 : i32 to vector<16xi32>
      %shift_right_arithmetic3A_2079 = arith.shrsi %bitcast_convert_type3A_2073, %shift_right_arithmetic3A_2078 : vector<16xi32>
      %and3A_2080 = arith.constant 1 : i32
      %and3A_2081 = vector.broadcast %and3A_2080 : i32 to vector<16xi32>
      %and3A_2082 = arith.andi %shift_right_arithmetic3A_2079, %and3A_2081 : vector<16xi32>
      %add3A_2083 = arith.addi %add3A_2076, %and3A_2082 : vector<16xi32>
      %and3A_2084 = arith.constant -65536 : i32
      %and3A_2085 = vector.broadcast %and3A_2084 : i32 to vector<16xi32>
      %and3A_2086 = arith.andi %add3A_2083, %and3A_2085 : vector<16xi32>
      %bitcast_convert_type3A_2087 = tpu.bitcast %and3A_2086 : vector<16xi32> -> vector<16xf32>
      %mul3A_2088 = arith.mulf %mul3A_124, %bitcast_convert_type3A_2087 : vector<16xf32>
      %bitcast_convert_type3A_2089 = tpu.bitcast %get3A_2066 : vector<16xf32> -> vector<16xi32>
      %add3A_2090 = arith.constant 32767 : i32
      %add3A_2091 = vector.broadcast %add3A_2090 : i32 to vector<16xi32>
      %add3A_2092 = arith.addi %bitcast_convert_type3A_2089, %add3A_2091 : vector<16xi32>
      %shift_right_arithmetic3A_2093 = arith.constant 16 : i32
      %shift_right_arithmetic3A_2094 = vector.broadcast %shift_right_arithmetic3A_2093 : i32 to vector<16xi32>
      %shift_right_arithmetic3A_2095 = arith.shrsi %bitcast_convert_type3A_2089, %shift_right_arithmetic3A_2094 : vector<16xi32>
      %and3A_2096 = arith.constant 1 : i32
      %and3A_2097 = vector.broadcast %and3A_2096 : i32 to vector<16xi32>
      %and3A_2098 = arith.andi %shift_right_arithmetic3A_2095, %and3A_2097 : vector<16xi32>
      %add3A_2099 = arith.addi %add3A_2092, %and3A_2098 : vector<16xi32>
      %and3A_2100 = arith.constant -65536 : i32
      %and3A_2101 = vector.broadcast %and3A_2100 : i32 to vector<16xi32>
      %and3A_2102 = arith.andi %add3A_2099, %and3A_2101 : vector<16xi32>
      %bitcast_convert_type3A_2103 = tpu.bitcast %and3A_2102 : vector<16xi32> -> vector<16xf32>
      %mul3A_2104 = arith.mulf %mul3A_149, %bitcast_convert_type3A_2103 : vector<16xf32>
      %bitcast_convert_type3A_2105 = tpu.bitcast %get3A_2070 : vector<16xf32> -> vector<16xi32>
      %add3A_2106 = arith.constant 32767 : i32
      %add3A_2107 = vector.broadcast %add3A_2106 : i32 to vector<16xi32>
      %add3A_2108 = arith.addi %bitcast_convert_type3A_2105, %add3A_2107 : vector<16xi32>
      %shift_right_arithmetic3A_2109 = arith.constant 16 : i32
      %shift_right_arithmetic3A_2110 = vector.broadcast %shift_right_arithmetic3A_2109 : i32 to vector<16xi32>
      %shift_right_arithmetic3A_2111 = arith.shrsi %bitcast_convert_type3A_2105, %shift_right_arithmetic3A_2110 : vector<16xi32>
      %and3A_2112 = arith.constant 1 : i32
      %and3A_2113 = vector.broadcast %and3A_2112 : i32 to vector<16xi32>
      %and3A_2114 = arith.andi %shift_right_arithmetic3A_2111, %and3A_2113 : vector<16xi32>
      %add3A_2115 = arith.addi %add3A_2108, %and3A_2114 : vector<16xi32>
      %and3A_2116 = arith.constant -65536 : i32
      %and3A_2117 = vector.broadcast %and3A_2116 : i32 to vector<16xi32>
      %and3A_2118 = arith.andi %add3A_2115, %and3A_2117 : vector<16xi32>
      %bitcast_convert_type3A_2119 = tpu.bitcast %and3A_2118 : vector<16xi32> -> vector<16xf32>
      %mul3A_2120 = arith.mulf %mul3A_174, %bitcast_convert_type3A_2119 : vector<16xf32>
      %add3A_2121 = arith.addf %mul3A_2088, %mul3A_2104 : vector<16xf32>
      %select_n3A_2122 = arith.select %eq3A, %add3A_2121, %broadcast_in_dim3A_3 : vector<16xi1>, vector<16xf32>
      %sub3A_2123 = arith.subf %select_n3A_2122, %mul3A_2088 : vector<16xf32>
      %select_n3A_2124 = arith.select %eq3A, %sub3A_2123, %broadcast_in_dim3A_3 : vector<16xi1>, vector<16xf32>
      %sub3A_2125 = arith.subf %select_n3A_2122, %select_n3A_2124 : vector<16xf32>
      %sub3A_2126 = arith.subf %mul3A_2088, %sub3A_2125 : vector<16xf32>
      %select_n3A_2127 = arith.select %eq3A, %sub3A_2126, %broadcast_in_dim3A_3 : vector<16xi1>, vector<16xf32>
      %sub3A_2128 = arith.subf %mul3A_2104, %select_n3A_2124 : vector<16xf32>
      %select_n3A_2129 = arith.select %eq3A, %sub3A_2128, %broadcast_in_dim3A_3 : vector<16xi1>, vector<16xf32>
      %add3A_2130 = arith.addf %select_n3A_2127, %select_n3A_2129 : vector<16xf32>
      %add3A_2131 = arith.addf %select_n3A_2122, %mul3A_2120 : vector<16xf32>
      %select_n3A_2132 = arith.select %eq3A, %add3A_2131, %broadcast_in_dim3A_3 : vector<16xi1>, vector<16xf32>
      %sub3A_2133 = arith.subf %select_n3A_2132, %select_n3A_2122 : vector<16xf32>
      %select_n3A_2134 = arith.select %eq3A, %sub3A_2133, %broadcast_in_dim3A_3 : vector<16xi1>, vector<16xf32>
      %sub3A_2135 = arith.subf %select_n3A_2132, %select_n3A_2134 : vector<16xf32>
      %sub3A_2136 = arith.subf %select_n3A_2122, %sub3A_2135 : vector<16xf32>
      %select_n3A_2137 = arith.select %eq3A, %sub3A_2136, %broadcast_in_dim3A_3 : vector<16xi1>, vector<16xf32>
      %sub3A_2138 = arith.subf %mul3A_2120, %select_n3A_2134 : vector<16xf32>
      %select_n3A_2139 = arith.select %eq3A, %sub3A_2138, %broadcast_in_dim3A_3 : vector<16xi1>, vector<16xf32>
      %add3A_2140 = arith.addf %select_n3A_2137, %select_n3A_2139 : vector<16xf32>
      %add3A_2141 = arith.addf %add3A_2130, %add3A_2140 : vector<16xf32>
      %select_n3A_2142 = arith.select %eq3A, %add3A_2141, %broadcast_in_dim3A_3 : vector<16xi1>, vector<16xf32>
      %add3A_2143 = arith.addf %select_n3A_2132, %select_n3A_2142 : vector<16xf32>
      %add3A_2144 = arith.addf %broadcast_in_dim3A_179, %get3A_2072 : vector<16xf32>
      %add3A_2145 = arith.addf %add3A_2144, %add3A_2143 : vector<16xf32>
      %max3A_2146 = arith.maximumf %add3A_2145, %broadcast_in_dim3A_5 : vector<16xf32>
      %le3A_2147 = arith.cmpf ole, %max3A_2146, %broadcast_in_dim3A_20 : vector<16xf32>
      %add3A_2148 = arith.constant 3.200000e+02 : f32
      %add3A_2149 = vector.broadcast %add3A_2148 : f32 to vector<16xf32>
      %add3A_2150 = arith.addf %add3A_2149, %convert_element_type3A : vector<16xf32>
      %select_n3A_2151 = arith.select %le3A_2147, %add3A_2150, %broadcast_in_dim3A_3 : vector<16xi1>, vector<16xf32>
      %min3A_2152 = arith.minimumf %min3A_2058, %select_n3A_2151 : vector<16xf32>
      %get3A_2153 = arith.constant 0 : i32
      %get3A_2154 = arith.index_cast %get3A_2153 : i32 to index
      %get3A_2155 = arith.constant 336 : index
      %get3A_2156 = tpu.vector_load %arg13[%get3A_2154, %get3A_2155] {strides = array<i32>} : memref<3x512xf32, #tpu.memory_space<vmem>>, vector<16xf32>,
      %get3A_2157 = arith.constant 1 : i32
      %get3A_2158 = arith.index_cast %get3A_2157 : i32 to index
      %get3A_2159 = arith.constant 336 : index
      %get3A_2160 = tpu.vector_load %arg13[%get3A_2158, %get3A_2159] {strides = array<i32>} : memref<3x512xf32, #tpu.memory_space<vmem>>, vector<16xf32>,
      %get3A_2161 = arith.constant 2 : i32
      %get3A_2162 = arith.index_cast %get3A_2161 : i32 to index
      %get3A_2163 = arith.constant 336 : index
      %get3A_2164 = tpu.vector_load %arg13[%get3A_2162, %get3A_2163] {strides = array<i32>} : memref<3x512xf32, #tpu.memory_space<vmem>>, vector<16xf32>,
      %get3A_2165 = arith.constant 336 : index
      %get3A_2166 = tpu.vector_load %arg14[%get3A_2165] {strides = array<i32>} : memref<512xf32, #tpu.memory_space<vmem>>, vector<16xf32>,
      %bitcast_convert_type3A_2167 = tpu.bitcast %get3A_2156 : vector<16xf32> -> vector<16xi32>
      %add3A_2168 = arith.constant 32767 : i32
      %add3A_2169 = vector.broadcast %add3A_2168 : i32 to vector<16xi32>
      %add3A_2170 = arith.addi %bitcast_convert_type3A_2167, %add3A_2169 : vector<16xi32>
      %shift_right_arithmetic3A_2171 = arith.constant 16 : i32
      %shift_right_arithmetic3A_2172 = vector.broadcast %shift_right_arithmetic3A_2171 : i32 to vector<16xi32>
      %shift_right_arithmetic3A_2173 = arith.shrsi %bitcast_convert_type3A_2167, %shift_right_arithmetic3A_2172 : vector<16xi32>
      %and3A_2174 = arith.constant 1 : i32
      %and3A_2175 = vector.broadcast %and3A_2174 : i32 to vector<16xi32>
      %and3A_2176 = arith.andi %shift_right_arithmetic3A_2173, %and3A_2175 : vector<16xi32>
      %add3A_2177 = arith.addi %add3A_2170, %and3A_2176 : vector<16xi32>
      %and3A_2178 = arith.constant -65536 : i32
      %and3A_2179 = vector.broadcast %and3A_2178 : i32 to vector<16xi32>
      %and3A_2180 = arith.andi %add3A_2177, %and3A_2179 : vector<16xi32>
      %bitcast_convert_type3A_2181 = tpu.bitcast %and3A_2180 : vector<16xi32> -> vector<16xf32>
      %mul3A_2182 = arith.mulf %mul3A_124, %bitcast_convert_type3A_2181 : vector<16xf32>
      %bitcast_convert_type3A_2183 = tpu.bitcast %get3A_2160 : vector<16xf32> -> vector<16xi32>
      %add3A_2184 = arith.constant 32767 : i32
      %add3A_2185 = vector.broadcast %add3A_2184 : i32 to vector<16xi32>
      %add3A_2186 = arith.addi %bitcast_convert_type3A_2183, %add3A_2185 : vector<16xi32>
      %shift_right_arithmetic3A_2187 = arith.constant 16 : i32
      %shift_right_arithmetic3A_2188 = vector.broadcast %shift_right_arithmetic3A_2187 : i32 to vector<16xi32>
      %shift_right_arithmetic3A_2189 = arith.shrsi %bitcast_convert_type3A_2183, %shift_right_arithmetic3A_2188 : vector<16xi32>
      %and3A_2190 = arith.constant 1 : i32
      %and3A_2191 = vector.broadcast %and3A_2190 : i32 to vector<16xi32>
      %and3A_2192 = arith.andi %shift_right_arithmetic3A_2189, %and3A_2191 : vector<16xi32>
      %add3A_2193 = arith.addi %add3A_2186, %and3A_2192 : vector<16xi32>
      %and3A_2194 = arith.constant -65536 : i32
      %and3A_2195 = vector.broadcast %and3A_2194 : i32 to vector<16xi32>
      %and3A_2196 = arith.andi %add3A_2193, %and3A_2195 : vector<16xi32>
      %bitcast_convert_type3A_2197 = tpu.bitcast %and3A_2196 : vector<16xi32> -> vector<16xf32>
      %mul3A_2198 = arith.mulf %mul3A_149, %bitcast_convert_type3A_2197 : vector<16xf32>
      %bitcast_convert_type3A_2199 = tpu.bitcast %get3A_2164 : vector<16xf32> -> vector<16xi32>
      %add3A_2200 = arith.constant 32767 : i32
      %add3A_2201 = vector.broadcast %add3A_2200 : i32 to vector<16xi32>
      %add3A_2202 = arith.addi %bitcast_convert_type3A_2199, %add3A_2201 : vector<16xi32>
      %shift_right_arithmetic3A_2203 = arith.constant 16 : i32
      %shift_right_arithmetic3A_2204 = vector.broadcast %shift_right_arithmetic3A_2203 : i32 to vector<16xi32>
      %shift_right_arithmetic3A_2205 = arith.shrsi %bitcast_convert_type3A_2199, %shift_right_arithmetic3A_2204 : vector<16xi32>
      %and3A_2206 = arith.constant 1 : i32
      %and3A_2207 = vector.broadcast %and3A_2206 : i32 to vector<16xi32>
      %and3A_2208 = arith.andi %shift_right_arithmetic3A_2205, %and3A_2207 : vector<16xi32>
      %add3A_2209 = arith.addi %add3A_2202, %and3A_2208 : vector<16xi32>
      %and3A_2210 = arith.constant -65536 : i32
      %and3A_2211 = vector.broadcast %and3A_2210 : i32 to vector<16xi32>
      %and3A_2212 = arith.andi %add3A_2209, %and3A_2211 : vector<16xi32>
      %bitcast_convert_type3A_2213 = tpu.bitcast %and3A_2212 : vector<16xi32> -> vector<16xf32>
      %mul3A_2214 = arith.mulf %mul3A_174, %bitcast_convert_type3A_2213 : vector<16xf32>
      %add3A_2215 = arith.addf %mul3A_2182, %mul3A_2198 : vector<16xf32>
      %select_n3A_2216 = arith.select %eq3A, %add3A_2215, %broadcast_in_dim3A_3 : vector<16xi1>, vector<16xf32>
      %sub3A_2217 = arith.subf %select_n3A_2216, %mul3A_2182 : vector<16xf32>
      %select_n3A_2218 = arith.select %eq3A, %sub3A_2217, %broadcast_in_dim3A_3 : vector<16xi1>, vector<16xf32>
      %sub3A_2219 = arith.subf %select_n3A_2216, %select_n3A_2218 : vector<16xf32>
      %sub3A_2220 = arith.subf %mul3A_2182, %sub3A_2219 : vector<16xf32>
      %select_n3A_2221 = arith.select %eq3A, %sub3A_2220, %broadcast_in_dim3A_3 : vector<16xi1>, vector<16xf32>
      %sub3A_2222 = arith.subf %mul3A_2198, %select_n3A_2218 : vector<16xf32>
      %select_n3A_2223 = arith.select %eq3A, %sub3A_2222, %broadcast_in_dim3A_3 : vector<16xi1>, vector<16xf32>
      %add3A_2224 = arith.addf %select_n3A_2221, %select_n3A_2223 : vector<16xf32>
      %add3A_2225 = arith.addf %select_n3A_2216, %mul3A_2214 : vector<16xf32>
      %select_n3A_2226 = arith.select %eq3A, %add3A_2225, %broadcast_in_dim3A_3 : vector<16xi1>, vector<16xf32>
      %sub3A_2227 = arith.subf %select_n3A_2226, %select_n3A_2216 : vector<16xf32>
      %select_n3A_2228 = arith.select %eq3A, %sub3A_2227, %broadcast_in_dim3A_3 : vector<16xi1>, vector<16xf32>
      %sub3A_2229 = arith.subf %select_n3A_2226, %select_n3A_2228 : vector<16xf32>
      %sub3A_2230 = arith.subf %select_n3A_2216, %sub3A_2229 : vector<16xf32>
      %select_n3A_2231 = arith.select %eq3A, %sub3A_2230, %broadcast_in_dim3A_3 : vector<16xi1>, vector<16xf32>
      %sub3A_2232 = arith.subf %mul3A_2214, %select_n3A_2228 : vector<16xf32>
      %select_n3A_2233 = arith.select %eq3A, %sub3A_2232, %broadcast_in_dim3A_3 : vector<16xi1>, vector<16xf32>
      %add3A_2234 = arith.addf %select_n3A_2231, %select_n3A_2233 : vector<16xf32>
      %add3A_2235 = arith.addf %add3A_2224, %add3A_2234 : vector<16xf32>
      %select_n3A_2236 = arith.select %eq3A, %add3A_2235, %broadcast_in_dim3A_3 : vector<16xi1>, vector<16xf32>
      %add3A_2237 = arith.addf %select_n3A_2226, %select_n3A_2236 : vector<16xf32>
      %add3A_2238 = arith.addf %broadcast_in_dim3A_179, %get3A_2166 : vector<16xf32>
      %add3A_2239 = arith.addf %add3A_2238, %add3A_2237 : vector<16xf32>
      %max3A_2240 = arith.maximumf %add3A_2239, %broadcast_in_dim3A_5 : vector<16xf32>
      %le3A_2241 = arith.cmpf ole, %max3A_2240, %broadcast_in_dim3A_20 : vector<16xf32>
      %add3A_2242 = arith.constant 3.360000e+02 : f32
      %add3A_2243 = vector.broadcast %add3A_2242 : f32 to vector<16xf32>
      %add3A_2244 = arith.addf %add3A_2243, %convert_element_type3A : vector<16xf32>
      %select_n3A_2245 = arith.select %le3A_2241, %add3A_2244, %broadcast_in_dim3A_3 : vector<16xi1>, vector<16xf32>
      %min3A_2246 = arith.minimumf %min3A_2152, %select_n3A_2245 : vector<16xf32>
      %get3A_2247 = arith.constant 0 : i32
      %get3A_2248 = arith.index_cast %get3A_2247 : i32 to index
      %get3A_2249 = arith.constant 352 : index
      %get3A_2250 = tpu.vector_load %arg13[%get3A_2248, %get3A_2249] {strides = array<i32>} : memref<3x512xf32, #tpu.memory_space<vmem>>, vector<16xf32>,
      %get3A_2251 = arith.constant 1 : i32
      %get3A_2252 = arith.index_cast %get3A_2251 : i32 to index
      %get3A_2253 = arith.constant 352 : index
      %get3A_2254 = tpu.vector_load %arg13[%get3A_2252, %get3A_2253] {strides = array<i32>} : memref<3x512xf32, #tpu.memory_space<vmem>>, vector<16xf32>,
      %get3A_2255 = arith.constant 2 : i32
      %get3A_2256 = arith.index_cast %get3A_2255 : i32 to index
      %get3A_2257 = arith.constant 352 : index
      %get3A_2258 = tpu.vector_load %arg13[%get3A_2256, %get3A_2257] {strides = array<i32>} : memref<3x512xf32, #tpu.memory_space<vmem>>, vector<16xf32>,
      %get3A_2259 = arith.constant 352 : index
      %get3A_2260 = tpu.vector_load %arg14[%get3A_2259] {strides = array<i32>} : memref<512xf32, #tpu.memory_space<vmem>>, vector<16xf32>,
      %bitcast_convert_type3A_2261 = tpu.bitcast %get3A_2250 : vector<16xf32> -> vector<16xi32>
      %add3A_2262 = arith.constant 32767 : i32
      %add3A_2263 = vector.broadcast %add3A_2262 : i32 to vector<16xi32>
      %add3A_2264 = arith.addi %bitcast_convert_type3A_2261, %add3A_2263 : vector<16xi32>
      %shift_right_arithmetic3A_2265 = arith.constant 16 : i32
      %shift_right_arithmetic3A_2266 = vector.broadcast %shift_right_arithmetic3A_2265 : i32 to vector<16xi32>
      %shift_right_arithmetic3A_2267 = arith.shrsi %bitcast_convert_type3A_2261, %shift_right_arithmetic3A_2266 : vector<16xi32>
      %and3A_2268 = arith.constant 1 : i32
      %and3A_2269 = vector.broadcast %and3A_2268 : i32 to vector<16xi32>
      %and3A_2270 = arith.andi %shift_right_arithmetic3A_2267, %and3A_2269 : vector<16xi32>
      %add3A_2271 = arith.addi %add3A_2264, %and3A_2270 : vector<16xi32>
      %and3A_2272 = arith.constant -65536 : i32
      %and3A_2273 = vector.broadcast %and3A_2272 : i32 to vector<16xi32>
      %and3A_2274 = arith.andi %add3A_2271, %and3A_2273 : vector<16xi32>
      %bitcast_convert_type3A_2275 = tpu.bitcast %and3A_2274 : vector<16xi32> -> vector<16xf32>
      %mul3A_2276 = arith.mulf %mul3A_124, %bitcast_convert_type3A_2275 : vector<16xf32>
      %bitcast_convert_type3A_2277 = tpu.bitcast %get3A_2254 : vector<16xf32> -> vector<16xi32>
      %add3A_2278 = arith.constant 32767 : i32
      %add3A_2279 = vector.broadcast %add3A_2278 : i32 to vector<16xi32>
      %add3A_2280 = arith.addi %bitcast_convert_type3A_2277, %add3A_2279 : vector<16xi32>
      %shift_right_arithmetic3A_2281 = arith.constant 16 : i32
      %shift_right_arithmetic3A_2282 = vector.broadcast %shift_right_arithmetic3A_2281 : i32 to vector<16xi32>
      %shift_right_arithmetic3A_2283 = arith.shrsi %bitcast_convert_type3A_2277, %shift_right_arithmetic3A_2282 : vector<16xi32>
      %and3A_2284 = arith.constant 1 : i32
      %and3A_2285 = vector.broadcast %and3A_2284 : i32 to vector<16xi32>
      %and3A_2286 = arith.andi %shift_right_arithmetic3A_2283, %and3A_2285 : vector<16xi32>
      %add3A_2287 = arith.addi %add3A_2280, %and3A_2286 : vector<16xi32>
      %and3A_2288 = arith.constant -65536 : i32
      %and3A_2289 = vector.broadcast %and3A_2288 : i32 to vector<16xi32>
      %and3A_2290 = arith.andi %add3A_2287, %and3A_2289 : vector<16xi32>
      %bitcast_convert_type3A_2291 = tpu.bitcast %and3A_2290 : vector<16xi32> -> vector<16xf32>
      %mul3A_2292 = arith.mulf %mul3A_149, %bitcast_convert_type3A_2291 : vector<16xf32>
      %bitcast_convert_type3A_2293 = tpu.bitcast %get3A_2258 : vector<16xf32> -> vector<16xi32>
      %add3A_2294 = arith.constant 32767 : i32
      %add3A_2295 = vector.broadcast %add3A_2294 : i32 to vector<16xi32>
      %add3A_2296 = arith.addi %bitcast_convert_type3A_2293, %add3A_2295 : vector<16xi32>
      %shift_right_arithmetic3A_2297 = arith.constant 16 : i32
      %shift_right_arithmetic3A_2298 = vector.broadcast %shift_right_arithmetic3A_2297 : i32 to vector<16xi32>
      %shift_right_arithmetic3A_2299 = arith.shrsi %bitcast_convert_type3A_2293, %shift_right_arithmetic3A_2298 : vector<16xi32>
      %and3A_2300 = arith.constant 1 : i32
      %and3A_2301 = vector.broadcast %and3A_2300 : i32 to vector<16xi32>
      %and3A_2302 = arith.andi %shift_right_arithmetic3A_2299, %and3A_2301 : vector<16xi32>
      %add3A_2303 = arith.addi %add3A_2296, %and3A_2302 : vector<16xi32>
      %and3A_2304 = arith.constant -65536 : i32
      %and3A_2305 = vector.broadcast %and3A_2304 : i32 to vector<16xi32>
      %and3A_2306 = arith.andi %add3A_2303, %and3A_2305 : vector<16xi32>
      %bitcast_convert_type3A_2307 = tpu.bitcast %and3A_2306 : vector<16xi32> -> vector<16xf32>
      %mul3A_2308 = arith.mulf %mul3A_174, %bitcast_convert_type3A_2307 : vector<16xf32>
      %add3A_2309 = arith.addf %mul3A_2276, %mul3A_2292 : vector<16xf32>
      %select_n3A_2310 = arith.select %eq3A, %add3A_2309, %broadcast_in_dim3A_3 : vector<16xi1>, vector<16xf32>
      %sub3A_2311 = arith.subf %select_n3A_2310, %mul3A_2276 : vector<16xf32>
      %select_n3A_2312 = arith.select %eq3A, %sub3A_2311, %broadcast_in_dim3A_3 : vector<16xi1>, vector<16xf32>
      %sub3A_2313 = arith.subf %select_n3A_2310, %select_n3A_2312 : vector<16xf32>
      %sub3A_2314 = arith.subf %mul3A_2276, %sub3A_2313 : vector<16xf32>
      %select_n3A_2315 = arith.select %eq3A, %sub3A_2314, %broadcast_in_dim3A_3 : vector<16xi1>, vector<16xf32>
      %sub3A_2316 = arith.subf %mul3A_2292, %select_n3A_2312 : vector<16xf32>
      %select_n3A_2317 = arith.select %eq3A, %sub3A_2316, %broadcast_in_dim3A_3 : vector<16xi1>, vector<16xf32>
      %add3A_2318 = arith.addf %select_n3A_2315, %select_n3A_2317 : vector<16xf32>
      %add3A_2319 = arith.addf %select_n3A_2310, %mul3A_2308 : vector<16xf32>
      %select_n3A_2320 = arith.select %eq3A, %add3A_2319, %broadcast_in_dim3A_3 : vector<16xi1>, vector<16xf32>
      %sub3A_2321 = arith.subf %select_n3A_2320, %select_n3A_2310 : vector<16xf32>
      %select_n3A_2322 = arith.select %eq3A, %sub3A_2321, %broadcast_in_dim3A_3 : vector<16xi1>, vector<16xf32>
      %sub3A_2323 = arith.subf %select_n3A_2320, %select_n3A_2322 : vector<16xf32>
      %sub3A_2324 = arith.subf %select_n3A_2310, %sub3A_2323 : vector<16xf32>
      %select_n3A_2325 = arith.select %eq3A, %sub3A_2324, %broadcast_in_dim3A_3 : vector<16xi1>, vector<16xf32>
      %sub3A_2326 = arith.subf %mul3A_2308, %select_n3A_2322 : vector<16xf32>
      %select_n3A_2327 = arith.select %eq3A, %sub3A_2326, %broadcast_in_dim3A_3 : vector<16xi1>, vector<16xf32>
      %add3A_2328 = arith.addf %select_n3A_2325, %select_n3A_2327 : vector<16xf32>
      %add3A_2329 = arith.addf %add3A_2318, %add3A_2328 : vector<16xf32>
      %select_n3A_2330 = arith.select %eq3A, %add3A_2329, %broadcast_in_dim3A_3 : vector<16xi1>, vector<16xf32>
      %add3A_2331 = arith.addf %select_n3A_2320, %select_n3A_2330 : vector<16xf32>
      %add3A_2332 = arith.addf %broadcast_in_dim3A_179, %get3A_2260 : vector<16xf32>
      %add3A_2333 = arith.addf %add3A_2332, %add3A_2331 : vector<16xf32>
      %max3A_2334 = arith.maximumf %add3A_2333, %broadcast_in_dim3A_5 : vector<16xf32>
      %le3A_2335 = arith.cmpf ole, %max3A_2334, %broadcast_in_dim3A_20 : vector<16xf32>
      %add3A_2336 = arith.constant 3.520000e+02 : f32
      %add3A_2337 = vector.broadcast %add3A_2336 : f32 to vector<16xf32>
      %add3A_2338 = arith.addf %add3A_2337, %convert_element_type3A : vector<16xf32>
      %select_n3A_2339 = arith.select %le3A_2335, %add3A_2338, %broadcast_in_dim3A_3 : vector<16xi1>, vector<16xf32>
      %min3A_2340 = arith.minimumf %min3A_2246, %select_n3A_2339 : vector<16xf32>
      %get3A_2341 = arith.constant 0 : i32
      %get3A_2342 = arith.index_cast %get3A_2341 : i32 to index
      %get3A_2343 = arith.constant 368 : index
      %get3A_2344 = tpu.vector_load %arg13[%get3A_2342, %get3A_2343] {strides = array<i32>} : memref<3x512xf32, #tpu.memory_space<vmem>>, vector<16xf32>,
      %get3A_2345 = arith.constant 1 : i32
      %get3A_2346 = arith.index_cast %get3A_2345 : i32 to index
      %get3A_2347 = arith.constant 368 : index
      %get3A_2348 = tpu.vector_load %arg13[%get3A_2346, %get3A_2347] {strides = array<i32>} : memref<3x512xf32, #tpu.memory_space<vmem>>, vector<16xf32>,
      %get3A_2349 = arith.constant 2 : i32
      %get3A_2350 = arith.index_cast %get3A_2349 : i32 to index
      %get3A_2351 = arith.constant 368 : index
      %get3A_2352 = tpu.vector_load %arg13[%get3A_2350, %get3A_2351] {strides = array<i32>} : memref<3x512xf32, #tpu.memory_space<vmem>>, vector<16xf32>,
      %get3A_2353 = arith.constant 368 : index
      %get3A_2354 = tpu.vector_load %arg14[%get3A_2353] {strides = array<i32>} : memref<512xf32, #tpu.memory_space<vmem>>, vector<16xf32>,
      %bitcast_convert_type3A_2355 = tpu.bitcast %get3A_2344 : vector<16xf32> -> vector<16xi32>
      %add3A_2356 = arith.constant 32767 : i32
      %add3A_2357 = vector.broadcast %add3A_2356 : i32 to vector<16xi32>
      %add3A_2358 = arith.addi %bitcast_convert_type3A_2355, %add3A_2357 : vector<16xi32>
      %shift_right_arithmetic3A_2359 = arith.constant 16 : i32
      %shift_right_arithmetic3A_2360 = vector.broadcast %shift_right_arithmetic3A_2359 : i32 to vector<16xi32>
      %shift_right_arithmetic3A_2361 = arith.shrsi %bitcast_convert_type3A_2355, %shift_right_arithmetic3A_2360 : vector<16xi32>
      %and3A_2362 = arith.constant 1 : i32
      %and3A_2363 = vector.broadcast %and3A_2362 : i32 to vector<16xi32>
      %and3A_2364 = arith.andi %shift_right_arithmetic3A_2361, %and3A_2363 : vector<16xi32>
      %add3A_2365 = arith.addi %add3A_2358, %and3A_2364 : vector<16xi32>
      %and3A_2366 = arith.constant -65536 : i32
      %and3A_2367 = vector.broadcast %and3A_2366 : i32 to vector<16xi32>
      %and3A_2368 = arith.andi %add3A_2365, %and3A_2367 : vector<16xi32>
      %bitcast_convert_type3A_2369 = tpu.bitcast %and3A_2368 : vector<16xi32> -> vector<16xf32>
      %mul3A_2370 = arith.mulf %mul3A_124, %bitcast_convert_type3A_2369 : vector<16xf32>
      %bitcast_convert_type3A_2371 = tpu.bitcast %get3A_2348 : vector<16xf32> -> vector<16xi32>
      %add3A_2372 = arith.constant 32767 : i32
      %add3A_2373 = vector.broadcast %add3A_2372 : i32 to vector<16xi32>
      %add3A_2374 = arith.addi %bitcast_convert_type3A_2371, %add3A_2373 : vector<16xi32>
      %shift_right_arithmetic3A_2375 = arith.constant 16 : i32
      %shift_right_arithmetic3A_2376 = vector.broadcast %shift_right_arithmetic3A_2375 : i32 to vector<16xi32>
      %shift_right_arithmetic3A_2377 = arith.shrsi %bitcast_convert_type3A_2371, %shift_right_arithmetic3A_2376 : vector<16xi32>
      %and3A_2378 = arith.constant 1 : i32
      %and3A_2379 = vector.broadcast %and3A_2378 : i32 to vector<16xi32>
      %and3A_2380 = arith.andi %shift_right_arithmetic3A_2377, %and3A_2379 : vector<16xi32>
      %add3A_2381 = arith.addi %add3A_2374, %and3A_2380 : vector<16xi32>
      %and3A_2382 = arith.constant -65536 : i32
      %and3A_2383 = vector.broadcast %and3A_2382 : i32 to vector<16xi32>
      %and3A_2384 = arith.andi %add3A_2381, %and3A_2383 : vector<16xi32>
      %bitcast_convert_type3A_2385 = tpu.bitcast %and3A_2384 : vector<16xi32> -> vector<16xf32>
      %mul3A_2386 = arith.mulf %mul3A_149, %bitcast_convert_type3A_2385 : vector<16xf32>
      %bitcast_convert_type3A_2387 = tpu.bitcast %get3A_2352 : vector<16xf32> -> vector<16xi32>
      %add3A_2388 = arith.constant 32767 : i32
      %add3A_2389 = vector.broadcast %add3A_2388 : i32 to vector<16xi32>
      %add3A_2390 = arith.addi %bitcast_convert_type3A_2387, %add3A_2389 : vector<16xi32>
      %shift_right_arithmetic3A_2391 = arith.constant 16 : i32
      %shift_right_arithmetic3A_2392 = vector.broadcast %shift_right_arithmetic3A_2391 : i32 to vector<16xi32>
      %shift_right_arithmetic3A_2393 = arith.shrsi %bitcast_convert_type3A_2387, %shift_right_arithmetic3A_2392 : vector<16xi32>
      %and3A_2394 = arith.constant 1 : i32
      %and3A_2395 = vector.broadcast %and3A_2394 : i32 to vector<16xi32>
      %and3A_2396 = arith.andi %shift_right_arithmetic3A_2393, %and3A_2395 : vector<16xi32>
      %add3A_2397 = arith.addi %add3A_2390, %and3A_2396 : vector<16xi32>
      %and3A_2398 = arith.constant -65536 : i32
      %and3A_2399 = vector.broadcast %and3A_2398 : i32 to vector<16xi32>
      %and3A_2400 = arith.andi %add3A_2397, %and3A_2399 : vector<16xi32>
      %bitcast_convert_type3A_2401 = tpu.bitcast %and3A_2400 : vector<16xi32> -> vector<16xf32>
      %mul3A_2402 = arith.mulf %mul3A_174, %bitcast_convert_type3A_2401 : vector<16xf32>
      %add3A_2403 = arith.addf %mul3A_2370, %mul3A_2386 : vector<16xf32>
      %select_n3A_2404 = arith.select %eq3A, %add3A_2403, %broadcast_in_dim3A_3 : vector<16xi1>, vector<16xf32>
      %sub3A_2405 = arith.subf %select_n3A_2404, %mul3A_2370 : vector<16xf32>
      %select_n3A_2406 = arith.select %eq3A, %sub3A_2405, %broadcast_in_dim3A_3 : vector<16xi1>, vector<16xf32>
      %sub3A_2407 = arith.subf %select_n3A_2404, %select_n3A_2406 : vector<16xf32>
      %sub3A_2408 = arith.subf %mul3A_2370, %sub3A_2407 : vector<16xf32>
      %select_n3A_2409 = arith.select %eq3A, %sub3A_2408, %broadcast_in_dim3A_3 : vector<16xi1>, vector<16xf32>
      %sub3A_2410 = arith.subf %mul3A_2386, %select_n3A_2406 : vector<16xf32>
      %select_n3A_2411 = arith.select %eq3A, %sub3A_2410, %broadcast_in_dim3A_3 : vector<16xi1>, vector<16xf32>
      %add3A_2412 = arith.addf %select_n3A_2409, %select_n3A_2411 : vector<16xf32>
      %add3A_2413 = arith.addf %select_n3A_2404, %mul3A_2402 : vector<16xf32>
      %select_n3A_2414 = arith.select %eq3A, %add3A_2413, %broadcast_in_dim3A_3 : vector<16xi1>, vector<16xf32>
      %sub3A_2415 = arith.subf %select_n3A_2414, %select_n3A_2404 : vector<16xf32>
      %select_n3A_2416 = arith.select %eq3A, %sub3A_2415, %broadcast_in_dim3A_3 : vector<16xi1>, vector<16xf32>
      %sub3A_2417 = arith.subf %select_n3A_2414, %select_n3A_2416 : vector<16xf32>
      %sub3A_2418 = arith.subf %select_n3A_2404, %sub3A_2417 : vector<16xf32>
      %select_n3A_2419 = arith.select %eq3A, %sub3A_2418, %broadcast_in_dim3A_3 : vector<16xi1>, vector<16xf32>
      %sub3A_2420 = arith.subf %mul3A_2402, %select_n3A_2416 : vector<16xf32>
      %select_n3A_2421 = arith.select %eq3A, %sub3A_2420, %broadcast_in_dim3A_3 : vector<16xi1>, vector<16xf32>
      %add3A_2422 = arith.addf %select_n3A_2419, %select_n3A_2421 : vector<16xf32>
      %add3A_2423 = arith.addf %add3A_2412, %add3A_2422 : vector<16xf32>
      %select_n3A_2424 = arith.select %eq3A, %add3A_2423, %broadcast_in_dim3A_3 : vector<16xi1>, vector<16xf32>
      %add3A_2425 = arith.addf %select_n3A_2414, %select_n3A_2424 : vector<16xf32>
      %add3A_2426 = arith.addf %broadcast_in_dim3A_179, %get3A_2354 : vector<16xf32>
      %add3A_2427 = arith.addf %add3A_2426, %add3A_2425 : vector<16xf32>
      %max3A_2428 = arith.maximumf %add3A_2427, %broadcast_in_dim3A_5 : vector<16xf32>
      %le3A_2429 = arith.cmpf ole, %max3A_2428, %broadcast_in_dim3A_20 : vector<16xf32>
      %add3A_2430 = arith.constant 3.680000e+02 : f32
      %add3A_2431 = vector.broadcast %add3A_2430 : f32 to vector<16xf32>
      %add3A_2432 = arith.addf %add3A_2431, %convert_element_type3A : vector<16xf32>
      %select_n3A_2433 = arith.select %le3A_2429, %add3A_2432, %broadcast_in_dim3A_3 : vector<16xi1>, vector<16xf32>
      %min3A_2434 = arith.minimumf %min3A_2340, %select_n3A_2433 : vector<16xf32>
      %get3A_2435 = arith.constant 0 : i32
      %get3A_2436 = arith.index_cast %get3A_2435 : i32 to index
      %get3A_2437 = arith.constant 384 : index
      %get3A_2438 = tpu.vector_load %arg13[%get3A_2436, %get3A_2437] {strides = array<i32>} : memref<3x512xf32, #tpu.memory_space<vmem>>, vector<16xf32>,
      %get3A_2439 = arith.constant 1 : i32
      %get3A_2440 = arith.index_cast %get3A_2439 : i32 to index
      %get3A_2441 = arith.constant 384 : index
      %get3A_2442 = tpu.vector_load %arg13[%get3A_2440, %get3A_2441] {strides = array<i32>} : memref<3x512xf32, #tpu.memory_space<vmem>>, vector<16xf32>,
      %get3A_2443 = arith.constant 2 : i32
      %get3A_2444 = arith.index_cast %get3A_2443 : i32 to index
      %get3A_2445 = arith.constant 384 : index
      %get3A_2446 = tpu.vector_load %arg13[%get3A_2444, %get3A_2445] {strides = array<i32>} : memref<3x512xf32, #tpu.memory_space<vmem>>, vector<16xf32>,
      %get3A_2447 = arith.constant 384 : index
      %get3A_2448 = tpu.vector_load %arg14[%get3A_2447] {strides = array<i32>} : memref<512xf32, #tpu.memory_space<vmem>>, vector<16xf32>,
      %bitcast_convert_type3A_2449 = tpu.bitcast %get3A_2438 : vector<16xf32> -> vector<16xi32>
      %add3A_2450 = arith.constant 32767 : i32
      %add3A_2451 = vector.broadcast %add3A_2450 : i32 to vector<16xi32>
      %add3A_2452 = arith.addi %bitcast_convert_type3A_2449, %add3A_2451 : vector<16xi32>
      %shift_right_arithmetic3A_2453 = arith.constant 16 : i32
      %shift_right_arithmetic3A_2454 = vector.broadcast %shift_right_arithmetic3A_2453 : i32 to vector<16xi32>
      %shift_right_arithmetic3A_2455 = arith.shrsi %bitcast_convert_type3A_2449, %shift_right_arithmetic3A_2454 : vector<16xi32>
      %and3A_2456 = arith.constant 1 : i32
      %and3A_2457 = vector.broadcast %and3A_2456 : i32 to vector<16xi32>
      %and3A_2458 = arith.andi %shift_right_arithmetic3A_2455, %and3A_2457 : vector<16xi32>
      %add3A_2459 = arith.addi %add3A_2452, %and3A_2458 : vector<16xi32>
      %and3A_2460 = arith.constant -65536 : i32
      %and3A_2461 = vector.broadcast %and3A_2460 : i32 to vector<16xi32>
      %and3A_2462 = arith.andi %add3A_2459, %and3A_2461 : vector<16xi32>
      %bitcast_convert_type3A_2463 = tpu.bitcast %and3A_2462 : vector<16xi32> -> vector<16xf32>
      %mul3A_2464 = arith.mulf %mul3A_124, %bitcast_convert_type3A_2463 : vector<16xf32>
      %bitcast_convert_type3A_2465 = tpu.bitcast %get3A_2442 : vector<16xf32> -> vector<16xi32>
      %add3A_2466 = arith.constant 32767 : i32
      %add3A_2467 = vector.broadcast %add3A_2466 : i32 to vector<16xi32>
      %add3A_2468 = arith.addi %bitcast_convert_type3A_2465, %add3A_2467 : vector<16xi32>
      %shift_right_arithmetic3A_2469 = arith.constant 16 : i32
      %shift_right_arithmetic3A_2470 = vector.broadcast %shift_right_arithmetic3A_2469 : i32 to vector<16xi32>
      %shift_right_arithmetic3A_2471 = arith.shrsi %bitcast_convert_type3A_2465, %shift_right_arithmetic3A_2470 : vector<16xi32>
      %and3A_2472 = arith.constant 1 : i32
      %and3A_2473 = vector.broadcast %and3A_2472 : i32 to vector<16xi32>
      %and3A_2474 = arith.andi %shift_right_arithmetic3A_2471, %and3A_2473 : vector<16xi32>
      %add3A_2475 = arith.addi %add3A_2468, %and3A_2474 : vector<16xi32>
      %and3A_2476 = arith.constant -65536 : i32
      %and3A_2477 = vector.broadcast %and3A_2476 : i32 to vector<16xi32>
      %and3A_2478 = arith.andi %add3A_2475, %and3A_2477 : vector<16xi32>
      %bitcast_convert_type3A_2479 = tpu.bitcast %and3A_2478 : vector<16xi32> -> vector<16xf32>
      %mul3A_2480 = arith.mulf %mul3A_149, %bitcast_convert_type3A_2479 : vector<16xf32>
      %bitcast_convert_type3A_2481 = tpu.bitcast %get3A_2446 : vector<16xf32> -> vector<16xi32>
      %add3A_2482 = arith.constant 32767 : i32
      %add3A_2483 = vector.broadcast %add3A_2482 : i32 to vector<16xi32>
      %add3A_2484 = arith.addi %bitcast_convert_type3A_2481, %add3A_2483 : vector<16xi32>
      %shift_right_arithmetic3A_2485 = arith.constant 16 : i32
      %shift_right_arithmetic3A_2486 = vector.broadcast %shift_right_arithmetic3A_2485 : i32 to vector<16xi32>
      %shift_right_arithmetic3A_2487 = arith.shrsi %bitcast_convert_type3A_2481, %shift_right_arithmetic3A_2486 : vector<16xi32>
      %and3A_2488 = arith.constant 1 : i32
      %and3A_2489 = vector.broadcast %and3A_2488 : i32 to vector<16xi32>
      %and3A_2490 = arith.andi %shift_right_arithmetic3A_2487, %and3A_2489 : vector<16xi32>
      %add3A_2491 = arith.addi %add3A_2484, %and3A_2490 : vector<16xi32>
      %and3A_2492 = arith.constant -65536 : i32
      %and3A_2493 = vector.broadcast %and3A_2492 : i32 to vector<16xi32>
      %and3A_2494 = arith.andi %add3A_2491, %and3A_2493 : vector<16xi32>
      %bitcast_convert_type3A_2495 = tpu.bitcast %and3A_2494 : vector<16xi32> -> vector<16xf32>
      %mul3A_2496 = arith.mulf %mul3A_174, %bitcast_convert_type3A_2495 : vector<16xf32>
      %add3A_2497 = arith.addf %mul3A_2464, %mul3A_2480 : vector<16xf32>
      %select_n3A_2498 = arith.select %eq3A, %add3A_2497, %broadcast_in_dim3A_3 : vector<16xi1>, vector<16xf32>
      %sub3A_2499 = arith.subf %select_n3A_2498, %mul3A_2464 : vector<16xf32>
      %select_n3A_2500 = arith.select %eq3A, %sub3A_2499, %broadcast_in_dim3A_3 : vector<16xi1>, vector<16xf32>
      %sub3A_2501 = arith.subf %select_n3A_2498, %select_n3A_2500 : vector<16xf32>
      %sub3A_2502 = arith.subf %mul3A_2464, %sub3A_2501 : vector<16xf32>
      %select_n3A_2503 = arith.select %eq3A, %sub3A_2502, %broadcast_in_dim3A_3 : vector<16xi1>, vector<16xf32>
      %sub3A_2504 = arith.subf %mul3A_2480, %select_n3A_2500 : vector<16xf32>
      %select_n3A_2505 = arith.select %eq3A, %sub3A_2504, %broadcast_in_dim3A_3 : vector<16xi1>, vector<16xf32>
      %add3A_2506 = arith.addf %select_n3A_2503, %select_n3A_2505 : vector<16xf32>
      %add3A_2507 = arith.addf %select_n3A_2498, %mul3A_2496 : vector<16xf32>
      %select_n3A_2508 = arith.select %eq3A, %add3A_2507, %broadcast_in_dim3A_3 : vector<16xi1>, vector<16xf32>
      %sub3A_2509 = arith.subf %select_n3A_2508, %select_n3A_2498 : vector<16xf32>
      %select_n3A_2510 = arith.select %eq3A, %sub3A_2509, %broadcast_in_dim3A_3 : vector<16xi1>, vector<16xf32>
      %sub3A_2511 = arith.subf %select_n3A_2508, %select_n3A_2510 : vector<16xf32>
      %sub3A_2512 = arith.subf %select_n3A_2498, %sub3A_2511 : vector<16xf32>
      %select_n3A_2513 = arith.select %eq3A, %sub3A_2512, %broadcast_in_dim3A_3 : vector<16xi1>, vector<16xf32>
      %sub3A_2514 = arith.subf %mul3A_2496, %select_n3A_2510 : vector<16xf32>
      %select_n3A_2515 = arith.select %eq3A, %sub3A_2514, %broadcast_in_dim3A_3 : vector<16xi1>, vector<16xf32>
      %add3A_2516 = arith.addf %select_n3A_2513, %select_n3A_2515 : vector<16xf32>
      %add3A_2517 = arith.addf %add3A_2506, %add3A_2516 : vector<16xf32>
      %select_n3A_2518 = arith.select %eq3A, %add3A_2517, %broadcast_in_dim3A_3 : vector<16xi1>, vector<16xf32>
      %add3A_2519 = arith.addf %select_n3A_2508, %select_n3A_2518 : vector<16xf32>
      %add3A_2520 = arith.addf %broadcast_in_dim3A_179, %get3A_2448 : vector<16xf32>
      %add3A_2521 = arith.addf %add3A_2520, %add3A_2519 : vector<16xf32>
      %max3A_2522 = arith.maximumf %add3A_2521, %broadcast_in_dim3A_5 : vector<16xf32>
      %le3A_2523 = arith.cmpf ole, %max3A_2522, %broadcast_in_dim3A_20 : vector<16xf32>
      %add3A_2524 = arith.constant 3.840000e+02 : f32
      %add3A_2525 = vector.broadcast %add3A_2524 : f32 to vector<16xf32>
      %add3A_2526 = arith.addf %add3A_2525, %convert_element_type3A : vector<16xf32>
      %select_n3A_2527 = arith.select %le3A_2523, %add3A_2526, %broadcast_in_dim3A_3 : vector<16xi1>, vector<16xf32>
      %min3A_2528 = arith.minimumf %min3A_2434, %select_n3A_2527 : vector<16xf32>
      %get3A_2529 = arith.constant 0 : i32
      %get3A_2530 = arith.index_cast %get3A_2529 : i32 to index
      %get3A_2531 = arith.constant 400 : index
      %get3A_2532 = tpu.vector_load %arg13[%get3A_2530, %get3A_2531] {strides = array<i32>} : memref<3x512xf32, #tpu.memory_space<vmem>>, vector<16xf32>,
      %get3A_2533 = arith.constant 1 : i32
      %get3A_2534 = arith.index_cast %get3A_2533 : i32 to index
      %get3A_2535 = arith.constant 400 : index
      %get3A_2536 = tpu.vector_load %arg13[%get3A_2534, %get3A_2535] {strides = array<i32>} : memref<3x512xf32, #tpu.memory_space<vmem>>, vector<16xf32>,
      %get3A_2537 = arith.constant 2 : i32
      %get3A_2538 = arith.index_cast %get3A_2537 : i32 to index
      %get3A_2539 = arith.constant 400 : index
      %get3A_2540 = tpu.vector_load %arg13[%get3A_2538, %get3A_2539] {strides = array<i32>} : memref<3x512xf32, #tpu.memory_space<vmem>>, vector<16xf32>,
      %get3A_2541 = arith.constant 400 : index
      %get3A_2542 = tpu.vector_load %arg14[%get3A_2541] {strides = array<i32>} : memref<512xf32, #tpu.memory_space<vmem>>, vector<16xf32>,
      %bitcast_convert_type3A_2543 = tpu.bitcast %get3A_2532 : vector<16xf32> -> vector<16xi32>
      %add3A_2544 = arith.constant 32767 : i32
      %add3A_2545 = vector.broadcast %add3A_2544 : i32 to vector<16xi32>
      %add3A_2546 = arith.addi %bitcast_convert_type3A_2543, %add3A_2545 : vector<16xi32>
      %shift_right_arithmetic3A_2547 = arith.constant 16 : i32
      %shift_right_arithmetic3A_2548 = vector.broadcast %shift_right_arithmetic3A_2547 : i32 to vector<16xi32>
      %shift_right_arithmetic3A_2549 = arith.shrsi %bitcast_convert_type3A_2543, %shift_right_arithmetic3A_2548 : vector<16xi32>
      %and3A_2550 = arith.constant 1 : i32
      %and3A_2551 = vector.broadcast %and3A_2550 : i32 to vector<16xi32>
      %and3A_2552 = arith.andi %shift_right_arithmetic3A_2549, %and3A_2551 : vector<16xi32>
      %add3A_2553 = arith.addi %add3A_2546, %and3A_2552 : vector<16xi32>
      %and3A_2554 = arith.constant -65536 : i32
      %and3A_2555 = vector.broadcast %and3A_2554 : i32 to vector<16xi32>
      %and3A_2556 = arith.andi %add3A_2553, %and3A_2555 : vector<16xi32>
      %bitcast_convert_type3A_2557 = tpu.bitcast %and3A_2556 : vector<16xi32> -> vector<16xf32>
      %mul3A_2558 = arith.mulf %mul3A_124, %bitcast_convert_type3A_2557 : vector<16xf32>
      %bitcast_convert_type3A_2559 = tpu.bitcast %get3A_2536 : vector<16xf32> -> vector<16xi32>
      %add3A_2560 = arith.constant 32767 : i32
      %add3A_2561 = vector.broadcast %add3A_2560 : i32 to vector<16xi32>
      %add3A_2562 = arith.addi %bitcast_convert_type3A_2559, %add3A_2561 : vector<16xi32>
      %shift_right_arithmetic3A_2563 = arith.constant 16 : i32
      %shift_right_arithmetic3A_2564 = vector.broadcast %shift_right_arithmetic3A_2563 : i32 to vector<16xi32>
      %shift_right_arithmetic3A_2565 = arith.shrsi %bitcast_convert_type3A_2559, %shift_right_arithmetic3A_2564 : vector<16xi32>
      %and3A_2566 = arith.constant 1 : i32
      %and3A_2567 = vector.broadcast %and3A_2566 : i32 to vector<16xi32>
      %and3A_2568 = arith.andi %shift_right_arithmetic3A_2565, %and3A_2567 : vector<16xi32>
      %add3A_2569 = arith.addi %add3A_2562, %and3A_2568 : vector<16xi32>
      %and3A_2570 = arith.constant -65536 : i32
      %and3A_2571 = vector.broadcast %and3A_2570 : i32 to vector<16xi32>
      %and3A_2572 = arith.andi %add3A_2569, %and3A_2571 : vector<16xi32>
      %bitcast_convert_type3A_2573 = tpu.bitcast %and3A_2572 : vector<16xi32> -> vector<16xf32>
      %mul3A_2574 = arith.mulf %mul3A_149, %bitcast_convert_type3A_2573 : vector<16xf32>
      %bitcast_convert_type3A_2575 = tpu.bitcast %get3A_2540 : vector<16xf32> -> vector<16xi32>
      %add3A_2576 = arith.constant 32767 : i32
      %add3A_2577 = vector.broadcast %add3A_2576 : i32 to vector<16xi32>
      %add3A_2578 = arith.addi %bitcast_convert_type3A_2575, %add3A_2577 : vector<16xi32>
      %shift_right_arithmetic3A_2579 = arith.constant 16 : i32
      %shift_right_arithmetic3A_2580 = vector.broadcast %shift_right_arithmetic3A_2579 : i32 to vector<16xi32>
      %shift_right_arithmetic3A_2581 = arith.shrsi %bitcast_convert_type3A_2575, %shift_right_arithmetic3A_2580 : vector<16xi32>
      %and3A_2582 = arith.constant 1 : i32
      %and3A_2583 = vector.broadcast %and3A_2582 : i32 to vector<16xi32>
      %and3A_2584 = arith.andi %shift_right_arithmetic3A_2581, %and3A_2583 : vector<16xi32>
      %add3A_2585 = arith.addi %add3A_2578, %and3A_2584 : vector<16xi32>
      %and3A_2586 = arith.constant -65536 : i32
      %and3A_2587 = vector.broadcast %and3A_2586 : i32 to vector<16xi32>
      %and3A_2588 = arith.andi %add3A_2585, %and3A_2587 : vector<16xi32>
      %bitcast_convert_type3A_2589 = tpu.bitcast %and3A_2588 : vector<16xi32> -> vector<16xf32>
      %mul3A_2590 = arith.mulf %mul3A_174, %bitcast_convert_type3A_2589 : vector<16xf32>
      %add3A_2591 = arith.addf %mul3A_2558, %mul3A_2574 : vector<16xf32>
      %select_n3A_2592 = arith.select %eq3A, %add3A_2591, %broadcast_in_dim3A_3 : vector<16xi1>, vector<16xf32>
      %sub3A_2593 = arith.subf %select_n3A_2592, %mul3A_2558 : vector<16xf32>
      %select_n3A_2594 = arith.select %eq3A, %sub3A_2593, %broadcast_in_dim3A_3 : vector<16xi1>, vector<16xf32>
      %sub3A_2595 = arith.subf %select_n3A_2592, %select_n3A_2594 : vector<16xf32>
      %sub3A_2596 = arith.subf %mul3A_2558, %sub3A_2595 : vector<16xf32>
      %select_n3A_2597 = arith.select %eq3A, %sub3A_2596, %broadcast_in_dim3A_3 : vector<16xi1>, vector<16xf32>
      %sub3A_2598 = arith.subf %mul3A_2574, %select_n3A_2594 : vector<16xf32>
      %select_n3A_2599 = arith.select %eq3A, %sub3A_2598, %broadcast_in_dim3A_3 : vector<16xi1>, vector<16xf32>
      %add3A_2600 = arith.addf %select_n3A_2597, %select_n3A_2599 : vector<16xf32>
      %add3A_2601 = arith.addf %select_n3A_2592, %mul3A_2590 : vector<16xf32>
      %select_n3A_2602 = arith.select %eq3A, %add3A_2601, %broadcast_in_dim3A_3 : vector<16xi1>, vector<16xf32>
      %sub3A_2603 = arith.subf %select_n3A_2602, %select_n3A_2592 : vector<16xf32>
      %select_n3A_2604 = arith.select %eq3A, %sub3A_2603, %broadcast_in_dim3A_3 : vector<16xi1>, vector<16xf32>
      %sub3A_2605 = arith.subf %select_n3A_2602, %select_n3A_2604 : vector<16xf32>
      %sub3A_2606 = arith.subf %select_n3A_2592, %sub3A_2605 : vector<16xf32>
      %select_n3A_2607 = arith.select %eq3A, %sub3A_2606, %broadcast_in_dim3A_3 : vector<16xi1>, vector<16xf32>
      %sub3A_2608 = arith.subf %mul3A_2590, %select_n3A_2604 : vector<16xf32>
      %select_n3A_2609 = arith.select %eq3A, %sub3A_2608, %broadcast_in_dim3A_3 : vector<16xi1>, vector<16xf32>
      %add3A_2610 = arith.addf %select_n3A_2607, %select_n3A_2609 : vector<16xf32>
      %add3A_2611 = arith.addf %add3A_2600, %add3A_2610 : vector<16xf32>
      %select_n3A_2612 = arith.select %eq3A, %add3A_2611, %broadcast_in_dim3A_3 : vector<16xi1>, vector<16xf32>
      %add3A_2613 = arith.addf %select_n3A_2602, %select_n3A_2612 : vector<16xf32>
      %add3A_2614 = arith.addf %broadcast_in_dim3A_179, %get3A_2542 : vector<16xf32>
      %add3A_2615 = arith.addf %add3A_2614, %add3A_2613 : vector<16xf32>
      %max3A_2616 = arith.maximumf %add3A_2615, %broadcast_in_dim3A_5 : vector<16xf32>
      %le3A_2617 = arith.cmpf ole, %max3A_2616, %broadcast_in_dim3A_20 : vector<16xf32>
      %add3A_2618 = arith.constant 4.000000e+02 : f32
      %add3A_2619 = vector.broadcast %add3A_2618 : f32 to vector<16xf32>
      %add3A_2620 = arith.addf %add3A_2619, %convert_element_type3A : vector<16xf32>
      %select_n3A_2621 = arith.select %le3A_2617, %add3A_2620, %broadcast_in_dim3A_3 : vector<16xi1>, vector<16xf32>
      %min3A_2622 = arith.minimumf %min3A_2528, %select_n3A_2621 : vector<16xf32>
      %get3A_2623 = arith.constant 0 : i32
      %get3A_2624 = arith.index_cast %get3A_2623 : i32 to index
      %get3A_2625 = arith.constant 416 : index
      %get3A_2626 = tpu.vector_load %arg13[%get3A_2624, %get3A_2625] {strides = array<i32>} : memref<3x512xf32, #tpu.memory_space<vmem>>, vector<16xf32>,
      %get3A_2627 = arith.constant 1 : i32
      %get3A_2628 = arith.index_cast %get3A_2627 : i32 to index
      %get3A_2629 = arith.constant 416 : index
      %get3A_2630 = tpu.vector_load %arg13[%get3A_2628, %get3A_2629] {strides = array<i32>} : memref<3x512xf32, #tpu.memory_space<vmem>>, vector<16xf32>,
      %get3A_2631 = arith.constant 2 : i32
      %get3A_2632 = arith.index_cast %get3A_2631 : i32 to index
      %get3A_2633 = arith.constant 416 : index
      %get3A_2634 = tpu.vector_load %arg13[%get3A_2632, %get3A_2633] {strides = array<i32>} : memref<3x512xf32, #tpu.memory_space<vmem>>, vector<16xf32>,
      %get3A_2635 = arith.constant 416 : index
      %get3A_2636 = tpu.vector_load %arg14[%get3A_2635] {strides = array<i32>} : memref<512xf32, #tpu.memory_space<vmem>>, vector<16xf32>,
      %bitcast_convert_type3A_2637 = tpu.bitcast %get3A_2626 : vector<16xf32> -> vector<16xi32>
      %add3A_2638 = arith.constant 32767 : i32
      %add3A_2639 = vector.broadcast %add3A_2638 : i32 to vector<16xi32>
      %add3A_2640 = arith.addi %bitcast_convert_type3A_2637, %add3A_2639 : vector<16xi32>
      %shift_right_arithmetic3A_2641 = arith.constant 16 : i32
      %shift_right_arithmetic3A_2642 = vector.broadcast %shift_right_arithmetic3A_2641 : i32 to vector<16xi32>
      %shift_right_arithmetic3A_2643 = arith.shrsi %bitcast_convert_type3A_2637, %shift_right_arithmetic3A_2642 : vector<16xi32>
      %and3A_2644 = arith.constant 1 : i32
      %and3A_2645 = vector.broadcast %and3A_2644 : i32 to vector<16xi32>
      %and3A_2646 = arith.andi %shift_right_arithmetic3A_2643, %and3A_2645 : vector<16xi32>
      %add3A_2647 = arith.addi %add3A_2640, %and3A_2646 : vector<16xi32>
      %and3A_2648 = arith.constant -65536 : i32
      %and3A_2649 = vector.broadcast %and3A_2648 : i32 to vector<16xi32>
      %and3A_2650 = arith.andi %add3A_2647, %and3A_2649 : vector<16xi32>
      %bitcast_convert_type3A_2651 = tpu.bitcast %and3A_2650 : vector<16xi32> -> vector<16xf32>
      %mul3A_2652 = arith.mulf %mul3A_124, %bitcast_convert_type3A_2651 : vector<16xf32>
      %bitcast_convert_type3A_2653 = tpu.bitcast %get3A_2630 : vector<16xf32> -> vector<16xi32>
      %add3A_2654 = arith.constant 32767 : i32
      %add3A_2655 = vector.broadcast %add3A_2654 : i32 to vector<16xi32>
      %add3A_2656 = arith.addi %bitcast_convert_type3A_2653, %add3A_2655 : vector<16xi32>
      %shift_right_arithmetic3A_2657 = arith.constant 16 : i32
      %shift_right_arithmetic3A_2658 = vector.broadcast %shift_right_arithmetic3A_2657 : i32 to vector<16xi32>
      %shift_right_arithmetic3A_2659 = arith.shrsi %bitcast_convert_type3A_2653, %shift_right_arithmetic3A_2658 : vector<16xi32>
      %and3A_2660 = arith.constant 1 : i32
      %and3A_2661 = vector.broadcast %and3A_2660 : i32 to vector<16xi32>
      %and3A_2662 = arith.andi %shift_right_arithmetic3A_2659, %and3A_2661 : vector<16xi32>
      %add3A_2663 = arith.addi %add3A_2656, %and3A_2662 : vector<16xi32>
      %and3A_2664 = arith.constant -65536 : i32
      %and3A_2665 = vector.broadcast %and3A_2664 : i32 to vector<16xi32>
      %and3A_2666 = arith.andi %add3A_2663, %and3A_2665 : vector<16xi32>
      %bitcast_convert_type3A_2667 = tpu.bitcast %and3A_2666 : vector<16xi32> -> vector<16xf32>
      %mul3A_2668 = arith.mulf %mul3A_149, %bitcast_convert_type3A_2667 : vector<16xf32>
      %bitcast_convert_type3A_2669 = tpu.bitcast %get3A_2634 : vector<16xf32> -> vector<16xi32>
      %add3A_2670 = arith.constant 32767 : i32
      %add3A_2671 = vector.broadcast %add3A_2670 : i32 to vector<16xi32>
      %add3A_2672 = arith.addi %bitcast_convert_type3A_2669, %add3A_2671 : vector<16xi32>
      %shift_right_arithmetic3A_2673 = arith.constant 16 : i32
      %shift_right_arithmetic3A_2674 = vector.broadcast %shift_right_arithmetic3A_2673 : i32 to vector<16xi32>
      %shift_right_arithmetic3A_2675 = arith.shrsi %bitcast_convert_type3A_2669, %shift_right_arithmetic3A_2674 : vector<16xi32>
      %and3A_2676 = arith.constant 1 : i32
      %and3A_2677 = vector.broadcast %and3A_2676 : i32 to vector<16xi32>
      %and3A_2678 = arith.andi %shift_right_arithmetic3A_2675, %and3A_2677 : vector<16xi32>
      %add3A_2679 = arith.addi %add3A_2672, %and3A_2678 : vector<16xi32>
      %and3A_2680 = arith.constant -65536 : i32
      %and3A_2681 = vector.broadcast %and3A_2680 : i32 to vector<16xi32>
      %and3A_2682 = arith.andi %add3A_2679, %and3A_2681 : vector<16xi32>
      %bitcast_convert_type3A_2683 = tpu.bitcast %and3A_2682 : vector<16xi32> -> vector<16xf32>
      %mul3A_2684 = arith.mulf %mul3A_174, %bitcast_convert_type3A_2683 : vector<16xf32>
      %add3A_2685 = arith.addf %mul3A_2652, %mul3A_2668 : vector<16xf32>
      %select_n3A_2686 = arith.select %eq3A, %add3A_2685, %broadcast_in_dim3A_3 : vector<16xi1>, vector<16xf32>
      %sub3A_2687 = arith.subf %select_n3A_2686, %mul3A_2652 : vector<16xf32>
      %select_n3A_2688 = arith.select %eq3A, %sub3A_2687, %broadcast_in_dim3A_3 : vector<16xi1>, vector<16xf32>
      %sub3A_2689 = arith.subf %select_n3A_2686, %select_n3A_2688 : vector<16xf32>
      %sub3A_2690 = arith.subf %mul3A_2652, %sub3A_2689 : vector<16xf32>
      %select_n3A_2691 = arith.select %eq3A, %sub3A_2690, %broadcast_in_dim3A_3 : vector<16xi1>, vector<16xf32>
      %sub3A_2692 = arith.subf %mul3A_2668, %select_n3A_2688 : vector<16xf32>
      %select_n3A_2693 = arith.select %eq3A, %sub3A_2692, %broadcast_in_dim3A_3 : vector<16xi1>, vector<16xf32>
      %add3A_2694 = arith.addf %select_n3A_2691, %select_n3A_2693 : vector<16xf32>
      %add3A_2695 = arith.addf %select_n3A_2686, %mul3A_2684 : vector<16xf32>
      %select_n3A_2696 = arith.select %eq3A, %add3A_2695, %broadcast_in_dim3A_3 : vector<16xi1>, vector<16xf32>
      %sub3A_2697 = arith.subf %select_n3A_2696, %select_n3A_2686 : vector<16xf32>
      %select_n3A_2698 = arith.select %eq3A, %sub3A_2697, %broadcast_in_dim3A_3 : vector<16xi1>, vector<16xf32>
      %sub3A_2699 = arith.subf %select_n3A_2696, %select_n3A_2698 : vector<16xf32>
      %sub3A_2700 = arith.subf %select_n3A_2686, %sub3A_2699 : vector<16xf32>
      %select_n3A_2701 = arith.select %eq3A, %sub3A_2700, %broadcast_in_dim3A_3 : vector<16xi1>, vector<16xf32>
      %sub3A_2702 = arith.subf %mul3A_2684, %select_n3A_2698 : vector<16xf32>
      %select_n3A_2703 = arith.select %eq3A, %sub3A_2702, %broadcast_in_dim3A_3 : vector<16xi1>, vector<16xf32>
      %add3A_2704 = arith.addf %select_n3A_2701, %select_n3A_2703 : vector<16xf32>
      %add3A_2705 = arith.addf %add3A_2694, %add3A_2704 : vector<16xf32>
      %select_n3A_2706 = arith.select %eq3A, %add3A_2705, %broadcast_in_dim3A_3 : vector<16xi1>, vector<16xf32>
      %add3A_2707 = arith.addf %select_n3A_2696, %select_n3A_2706 : vector<16xf32>
      %add3A_2708 = arith.addf %broadcast_in_dim3A_179, %get3A_2636 : vector<16xf32>
      %add3A_2709 = arith.addf %add3A_2708, %add3A_2707 : vector<16xf32>
      %max3A_2710 = arith.maximumf %add3A_2709, %broadcast_in_dim3A_5 : vector<16xf32>
      %le3A_2711 = arith.cmpf ole, %max3A_2710, %broadcast_in_dim3A_20 : vector<16xf32>
      %add3A_2712 = arith.constant 4.160000e+02 : f32
      %add3A_2713 = vector.broadcast %add3A_2712 : f32 to vector<16xf32>
      %add3A_2714 = arith.addf %add3A_2713, %convert_element_type3A : vector<16xf32>
      %select_n3A_2715 = arith.select %le3A_2711, %add3A_2714, %broadcast_in_dim3A_3 : vector<16xi1>, vector<16xf32>
      %min3A_2716 = arith.minimumf %min3A_2622, %select_n3A_2715 : vector<16xf32>
      %get3A_2717 = arith.constant 0 : i32
      %get3A_2718 = arith.index_cast %get3A_2717 : i32 to index
      %get3A_2719 = arith.constant 432 : index
      %get3A_2720 = tpu.vector_load %arg13[%get3A_2718, %get3A_2719] {strides = array<i32>} : memref<3x512xf32, #tpu.memory_space<vmem>>, vector<16xf32>,
      %get3A_2721 = arith.constant 1 : i32
      %get3A_2722 = arith.index_cast %get3A_2721 : i32 to index
      %get3A_2723 = arith.constant 432 : index
      %get3A_2724 = tpu.vector_load %arg13[%get3A_2722, %get3A_2723] {strides = array<i32>} : memref<3x512xf32, #tpu.memory_space<vmem>>, vector<16xf32>,
      %get3A_2725 = arith.constant 2 : i32
      %get3A_2726 = arith.index_cast %get3A_2725 : i32 to index
      %get3A_2727 = arith.constant 432 : index
      %get3A_2728 = tpu.vector_load %arg13[%get3A_2726, %get3A_2727] {strides = array<i32>} : memref<3x512xf32, #tpu.memory_space<vmem>>, vector<16xf32>,
      %get3A_2729 = arith.constant 432 : index
      %get3A_2730 = tpu.vector_load %arg14[%get3A_2729] {strides = array<i32>} : memref<512xf32, #tpu.memory_space<vmem>>, vector<16xf32>,
      %bitcast_convert_type3A_2731 = tpu.bitcast %get3A_2720 : vector<16xf32> -> vector<16xi32>
      %add3A_2732 = arith.constant 32767 : i32
      %add3A_2733 = vector.broadcast %add3A_2732 : i32 to vector<16xi32>
      %add3A_2734 = arith.addi %bitcast_convert_type3A_2731, %add3A_2733 : vector<16xi32>
      %shift_right_arithmetic3A_2735 = arith.constant 16 : i32
      %shift_right_arithmetic3A_2736 = vector.broadcast %shift_right_arithmetic3A_2735 : i32 to vector<16xi32>
      %shift_right_arithmetic3A_2737 = arith.shrsi %bitcast_convert_type3A_2731, %shift_right_arithmetic3A_2736 : vector<16xi32>
      %and3A_2738 = arith.constant 1 : i32
      %and3A_2739 = vector.broadcast %and3A_2738 : i32 to vector<16xi32>
      %and3A_2740 = arith.andi %shift_right_arithmetic3A_2737, %and3A_2739 : vector<16xi32>
      %add3A_2741 = arith.addi %add3A_2734, %and3A_2740 : vector<16xi32>
      %and3A_2742 = arith.constant -65536 : i32
      %and3A_2743 = vector.broadcast %and3A_2742 : i32 to vector<16xi32>
      %and3A_2744 = arith.andi %add3A_2741, %and3A_2743 : vector<16xi32>
      %bitcast_convert_type3A_2745 = tpu.bitcast %and3A_2744 : vector<16xi32> -> vector<16xf32>
      %mul3A_2746 = arith.mulf %mul3A_124, %bitcast_convert_type3A_2745 : vector<16xf32>
      %bitcast_convert_type3A_2747 = tpu.bitcast %get3A_2724 : vector<16xf32> -> vector<16xi32>
      %add3A_2748 = arith.constant 32767 : i32
      %add3A_2749 = vector.broadcast %add3A_2748 : i32 to vector<16xi32>
      %add3A_2750 = arith.addi %bitcast_convert_type3A_2747, %add3A_2749 : vector<16xi32>
      %shift_right_arithmetic3A_2751 = arith.constant 16 : i32
      %shift_right_arithmetic3A_2752 = vector.broadcast %shift_right_arithmetic3A_2751 : i32 to vector<16xi32>
      %shift_right_arithmetic3A_2753 = arith.shrsi %bitcast_convert_type3A_2747, %shift_right_arithmetic3A_2752 : vector<16xi32>
      %and3A_2754 = arith.constant 1 : i32
      %and3A_2755 = vector.broadcast %and3A_2754 : i32 to vector<16xi32>
      %and3A_2756 = arith.andi %shift_right_arithmetic3A_2753, %and3A_2755 : vector<16xi32>
      %add3A_2757 = arith.addi %add3A_2750, %and3A_2756 : vector<16xi32>
      %and3A_2758 = arith.constant -65536 : i32
      %and3A_2759 = vector.broadcast %and3A_2758 : i32 to vector<16xi32>
      %and3A_2760 = arith.andi %add3A_2757, %and3A_2759 : vector<16xi32>
      %bitcast_convert_type3A_2761 = tpu.bitcast %and3A_2760 : vector<16xi32> -> vector<16xf32>
      %mul3A_2762 = arith.mulf %mul3A_149, %bitcast_convert_type3A_2761 : vector<16xf32>
      %bitcast_convert_type3A_2763 = tpu.bitcast %get3A_2728 : vector<16xf32> -> vector<16xi32>
      %add3A_2764 = arith.constant 32767 : i32
      %add3A_2765 = vector.broadcast %add3A_2764 : i32 to vector<16xi32>
      %add3A_2766 = arith.addi %bitcast_convert_type3A_2763, %add3A_2765 : vector<16xi32>
      %shift_right_arithmetic3A_2767 = arith.constant 16 : i32
      %shift_right_arithmetic3A_2768 = vector.broadcast %shift_right_arithmetic3A_2767 : i32 to vector<16xi32>
      %shift_right_arithmetic3A_2769 = arith.shrsi %bitcast_convert_type3A_2763, %shift_right_arithmetic3A_2768 : vector<16xi32>
      %and3A_2770 = arith.constant 1 : i32
      %and3A_2771 = vector.broadcast %and3A_2770 : i32 to vector<16xi32>
      %and3A_2772 = arith.andi %shift_right_arithmetic3A_2769, %and3A_2771 : vector<16xi32>
      %add3A_2773 = arith.addi %add3A_2766, %and3A_2772 : vector<16xi32>
      %and3A_2774 = arith.constant -65536 : i32
      %and3A_2775 = vector.broadcast %and3A_2774 : i32 to vector<16xi32>
      %and3A_2776 = arith.andi %add3A_2773, %and3A_2775 : vector<16xi32>
      %bitcast_convert_type3A_2777 = tpu.bitcast %and3A_2776 : vector<16xi32> -> vector<16xf32>
      %mul3A_2778 = arith.mulf %mul3A_174, %bitcast_convert_type3A_2777 : vector<16xf32>
      %add3A_2779 = arith.addf %mul3A_2746, %mul3A_2762 : vector<16xf32>
      %select_n3A_2780 = arith.select %eq3A, %add3A_2779, %broadcast_in_dim3A_3 : vector<16xi1>, vector<16xf32>
      %sub3A_2781 = arith.subf %select_n3A_2780, %mul3A_2746 : vector<16xf32>
      %select_n3A_2782 = arith.select %eq3A, %sub3A_2781, %broadcast_in_dim3A_3 : vector<16xi1>, vector<16xf32>
      %sub3A_2783 = arith.subf %select_n3A_2780, %select_n3A_2782 : vector<16xf32>
      %sub3A_2784 = arith.subf %mul3A_2746, %sub3A_2783 : vector<16xf32>
      %select_n3A_2785 = arith.select %eq3A, %sub3A_2784, %broadcast_in_dim3A_3 : vector<16xi1>, vector<16xf32>
      %sub3A_2786 = arith.subf %mul3A_2762, %select_n3A_2782 : vector<16xf32>
      %select_n3A_2787 = arith.select %eq3A, %sub3A_2786, %broadcast_in_dim3A_3 : vector<16xi1>, vector<16xf32>
      %add3A_2788 = arith.addf %select_n3A_2785, %select_n3A_2787 : vector<16xf32>
      %add3A_2789 = arith.addf %select_n3A_2780, %mul3A_2778 : vector<16xf32>
      %select_n3A_2790 = arith.select %eq3A, %add3A_2789, %broadcast_in_dim3A_3 : vector<16xi1>, vector<16xf32>
      %sub3A_2791 = arith.subf %select_n3A_2790, %select_n3A_2780 : vector<16xf32>
      %select_n3A_2792 = arith.select %eq3A, %sub3A_2791, %broadcast_in_dim3A_3 : vector<16xi1>, vector<16xf32>
      %sub3A_2793 = arith.subf %select_n3A_2790, %select_n3A_2792 : vector<16xf32>
      %sub3A_2794 = arith.subf %select_n3A_2780, %sub3A_2793 : vector<16xf32>
      %select_n3A_2795 = arith.select %eq3A, %sub3A_2794, %broadcast_in_dim3A_3 : vector<16xi1>, vector<16xf32>
      %sub3A_2796 = arith.subf %mul3A_2778, %select_n3A_2792 : vector<16xf32>
      %select_n3A_2797 = arith.select %eq3A, %sub3A_2796, %broadcast_in_dim3A_3 : vector<16xi1>, vector<16xf32>
      %add3A_2798 = arith.addf %select_n3A_2795, %select_n3A_2797 : vector<16xf32>
      %add3A_2799 = arith.addf %add3A_2788, %add3A_2798 : vector<16xf32>
      %select_n3A_2800 = arith.select %eq3A, %add3A_2799, %broadcast_in_dim3A_3 : vector<16xi1>, vector<16xf32>
      %add3A_2801 = arith.addf %select_n3A_2790, %select_n3A_2800 : vector<16xf32>
      %add3A_2802 = arith.addf %broadcast_in_dim3A_179, %get3A_2730 : vector<16xf32>
      %add3A_2803 = arith.addf %add3A_2802, %add3A_2801 : vector<16xf32>
      %max3A_2804 = arith.maximumf %add3A_2803, %broadcast_in_dim3A_5 : vector<16xf32>
      %le3A_2805 = arith.cmpf ole, %max3A_2804, %broadcast_in_dim3A_20 : vector<16xf32>
      %add3A_2806 = arith.constant 4.320000e+02 : f32
      %add3A_2807 = vector.broadcast %add3A_2806 : f32 to vector<16xf32>
      %add3A_2808 = arith.addf %add3A_2807, %convert_element_type3A : vector<16xf32>
      %select_n3A_2809 = arith.select %le3A_2805, %add3A_2808, %broadcast_in_dim3A_3 : vector<16xi1>, vector<16xf32>
      %min3A_2810 = arith.minimumf %min3A_2716, %select_n3A_2809 : vector<16xf32>
      %get3A_2811 = arith.constant 0 : i32
      %get3A_2812 = arith.index_cast %get3A_2811 : i32 to index
      %get3A_2813 = arith.constant 448 : index
      %get3A_2814 = tpu.vector_load %arg13[%get3A_2812, %get3A_2813] {strides = array<i32>} : memref<3x512xf32, #tpu.memory_space<vmem>>, vector<16xf32>,
      %get3A_2815 = arith.constant 1 : i32
      %get3A_2816 = arith.index_cast %get3A_2815 : i32 to index
      %get3A_2817 = arith.constant 448 : index
      %get3A_2818 = tpu.vector_load %arg13[%get3A_2816, %get3A_2817] {strides = array<i32>} : memref<3x512xf32, #tpu.memory_space<vmem>>, vector<16xf32>,
      %get3A_2819 = arith.constant 2 : i32
      %get3A_2820 = arith.index_cast %get3A_2819 : i32 to index
      %get3A_2821 = arith.constant 448 : index
      %get3A_2822 = tpu.vector_load %arg13[%get3A_2820, %get3A_2821] {strides = array<i32>} : memref<3x512xf32, #tpu.memory_space<vmem>>, vector<16xf32>,
      %get3A_2823 = arith.constant 448 : index
      %get3A_2824 = tpu.vector_load %arg14[%get3A_2823] {strides = array<i32>} : memref<512xf32, #tpu.memory_space<vmem>>, vector<16xf32>,
      %bitcast_convert_type3A_2825 = tpu.bitcast %get3A_2814 : vector<16xf32> -> vector<16xi32>
      %add3A_2826 = arith.constant 32767 : i32
      %add3A_2827 = vector.broadcast %add3A_2826 : i32 to vector<16xi32>
      %add3A_2828 = arith.addi %bitcast_convert_type3A_2825, %add3A_2827 : vector<16xi32>
      %shift_right_arithmetic3A_2829 = arith.constant 16 : i32
      %shift_right_arithmetic3A_2830 = vector.broadcast %shift_right_arithmetic3A_2829 : i32 to vector<16xi32>
      %shift_right_arithmetic3A_2831 = arith.shrsi %bitcast_convert_type3A_2825, %shift_right_arithmetic3A_2830 : vector<16xi32>
      %and3A_2832 = arith.constant 1 : i32
      %and3A_2833 = vector.broadcast %and3A_2832 : i32 to vector<16xi32>
      %and3A_2834 = arith.andi %shift_right_arithmetic3A_2831, %and3A_2833 : vector<16xi32>
      %add3A_2835 = arith.addi %add3A_2828, %and3A_2834 : vector<16xi32>
      %and3A_2836 = arith.constant -65536 : i32
      %and3A_2837 = vector.broadcast %and3A_2836 : i32 to vector<16xi32>
      %and3A_2838 = arith.andi %add3A_2835, %and3A_2837 : vector<16xi32>
      %bitcast_convert_type3A_2839 = tpu.bitcast %and3A_2838 : vector<16xi32> -> vector<16xf32>
      %mul3A_2840 = arith.mulf %mul3A_124, %bitcast_convert_type3A_2839 : vector<16xf32>
      %bitcast_convert_type3A_2841 = tpu.bitcast %get3A_2818 : vector<16xf32> -> vector<16xi32>
      %add3A_2842 = arith.constant 32767 : i32
      %add3A_2843 = vector.broadcast %add3A_2842 : i32 to vector<16xi32>
      %add3A_2844 = arith.addi %bitcast_convert_type3A_2841, %add3A_2843 : vector<16xi32>
      %shift_right_arithmetic3A_2845 = arith.constant 16 : i32
      %shift_right_arithmetic3A_2846 = vector.broadcast %shift_right_arithmetic3A_2845 : i32 to vector<16xi32>
      %shift_right_arithmetic3A_2847 = arith.shrsi %bitcast_convert_type3A_2841, %shift_right_arithmetic3A_2846 : vector<16xi32>
      %and3A_2848 = arith.constant 1 : i32
      %and3A_2849 = vector.broadcast %and3A_2848 : i32 to vector<16xi32>
      %and3A_2850 = arith.andi %shift_right_arithmetic3A_2847, %and3A_2849 : vector<16xi32>
      %add3A_2851 = arith.addi %add3A_2844, %and3A_2850 : vector<16xi32>
      %and3A_2852 = arith.constant -65536 : i32
      %and3A_2853 = vector.broadcast %and3A_2852 : i32 to vector<16xi32>
      %and3A_2854 = arith.andi %add3A_2851, %and3A_2853 : vector<16xi32>
      %bitcast_convert_type3A_2855 = tpu.bitcast %and3A_2854 : vector<16xi32> -> vector<16xf32>
      %mul3A_2856 = arith.mulf %mul3A_149, %bitcast_convert_type3A_2855 : vector<16xf32>
      %bitcast_convert_type3A_2857 = tpu.bitcast %get3A_2822 : vector<16xf32> -> vector<16xi32>
      %add3A_2858 = arith.constant 32767 : i32
      %add3A_2859 = vector.broadcast %add3A_2858 : i32 to vector<16xi32>
      %add3A_2860 = arith.addi %bitcast_convert_type3A_2857, %add3A_2859 : vector<16xi32>
      %shift_right_arithmetic3A_2861 = arith.constant 16 : i32
      %shift_right_arithmetic3A_2862 = vector.broadcast %shift_right_arithmetic3A_2861 : i32 to vector<16xi32>
      %shift_right_arithmetic3A_2863 = arith.shrsi %bitcast_convert_type3A_2857, %shift_right_arithmetic3A_2862 : vector<16xi32>
      %and3A_2864 = arith.constant 1 : i32
      %and3A_2865 = vector.broadcast %and3A_2864 : i32 to vector<16xi32>
      %and3A_2866 = arith.andi %shift_right_arithmetic3A_2863, %and3A_2865 : vector<16xi32>
      %add3A_2867 = arith.addi %add3A_2860, %and3A_2866 : vector<16xi32>
      %and3A_2868 = arith.constant -65536 : i32
      %and3A_2869 = vector.broadcast %and3A_2868 : i32 to vector<16xi32>
      %and3A_2870 = arith.andi %add3A_2867, %and3A_2869 : vector<16xi32>
      %bitcast_convert_type3A_2871 = tpu.bitcast %and3A_2870 : vector<16xi32> -> vector<16xf32>
      %mul3A_2872 = arith.mulf %mul3A_174, %bitcast_convert_type3A_2871 : vector<16xf32>
      %add3A_2873 = arith.addf %mul3A_2840, %mul3A_2856 : vector<16xf32>
      %select_n3A_2874 = arith.select %eq3A, %add3A_2873, %broadcast_in_dim3A_3 : vector<16xi1>, vector<16xf32>
      %sub3A_2875 = arith.subf %select_n3A_2874, %mul3A_2840 : vector<16xf32>
      %select_n3A_2876 = arith.select %eq3A, %sub3A_2875, %broadcast_in_dim3A_3 : vector<16xi1>, vector<16xf32>
      %sub3A_2877 = arith.subf %select_n3A_2874, %select_n3A_2876 : vector<16xf32>
      %sub3A_2878 = arith.subf %mul3A_2840, %sub3A_2877 : vector<16xf32>
      %select_n3A_2879 = arith.select %eq3A, %sub3A_2878, %broadcast_in_dim3A_3 : vector<16xi1>, vector<16xf32>
      %sub3A_2880 = arith.subf %mul3A_2856, %select_n3A_2876 : vector<16xf32>
      %select_n3A_2881 = arith.select %eq3A, %sub3A_2880, %broadcast_in_dim3A_3 : vector<16xi1>, vector<16xf32>
      %add3A_2882 = arith.addf %select_n3A_2879, %select_n3A_2881 : vector<16xf32>
      %add3A_2883 = arith.addf %select_n3A_2874, %mul3A_2872 : vector<16xf32>
      %select_n3A_2884 = arith.select %eq3A, %add3A_2883, %broadcast_in_dim3A_3 : vector<16xi1>, vector<16xf32>
      %sub3A_2885 = arith.subf %select_n3A_2884, %select_n3A_2874 : vector<16xf32>
      %select_n3A_2886 = arith.select %eq3A, %sub3A_2885, %broadcast_in_dim3A_3 : vector<16xi1>, vector<16xf32>
      %sub3A_2887 = arith.subf %select_n3A_2884, %select_n3A_2886 : vector<16xf32>
      %sub3A_2888 = arith.subf %select_n3A_2874, %sub3A_2887 : vector<16xf32>
      %select_n3A_2889 = arith.select %eq3A, %sub3A_2888, %broadcast_in_dim3A_3 : vector<16xi1>, vector<16xf32>
      %sub3A_2890 = arith.subf %mul3A_2872, %select_n3A_2886 : vector<16xf32>
      %select_n3A_2891 = arith.select %eq3A, %sub3A_2890, %broadcast_in_dim3A_3 : vector<16xi1>, vector<16xf32>
      %add3A_2892 = arith.addf %select_n3A_2889, %select_n3A_2891 : vector<16xf32>
      %add3A_2893 = arith.addf %add3A_2882, %add3A_2892 : vector<16xf32>
      %select_n3A_2894 = arith.select %eq3A, %add3A_2893, %broadcast_in_dim3A_3 : vector<16xi1>, vector<16xf32>
      %add3A_2895 = arith.addf %select_n3A_2884, %select_n3A_2894 : vector<16xf32>
      %add3A_2896 = arith.addf %broadcast_in_dim3A_179, %get3A_2824 : vector<16xf32>
      %add3A_2897 = arith.addf %add3A_2896, %add3A_2895 : vector<16xf32>
      %max3A_2898 = arith.maximumf %add3A_2897, %broadcast_in_dim3A_5 : vector<16xf32>
      %le3A_2899 = arith.cmpf ole, %max3A_2898, %broadcast_in_dim3A_20 : vector<16xf32>
      %add3A_2900 = arith.constant 4.480000e+02 : f32
      %add3A_2901 = vector.broadcast %add3A_2900 : f32 to vector<16xf32>
      %add3A_2902 = arith.addf %add3A_2901, %convert_element_type3A : vector<16xf32>
      %select_n3A_2903 = arith.select %le3A_2899, %add3A_2902, %broadcast_in_dim3A_3 : vector<16xi1>, vector<16xf32>
      %min3A_2904 = arith.minimumf %min3A_2810, %select_n3A_2903 : vector<16xf32>
      %get3A_2905 = arith.constant 0 : i32
      %get3A_2906 = arith.index_cast %get3A_2905 : i32 to index
      %get3A_2907 = arith.constant 464 : index
      %get3A_2908 = tpu.vector_load %arg13[%get3A_2906, %get3A_2907] {strides = array<i32>} : memref<3x512xf32, #tpu.memory_space<vmem>>, vector<16xf32>,
      %get3A_2909 = arith.constant 1 : i32
      %get3A_2910 = arith.index_cast %get3A_2909 : i32 to index
      %get3A_2911 = arith.constant 464 : index
      %get3A_2912 = tpu.vector_load %arg13[%get3A_2910, %get3A_2911] {strides = array<i32>} : memref<3x512xf32, #tpu.memory_space<vmem>>, vector<16xf32>,
      %get3A_2913 = arith.constant 2 : i32
      %get3A_2914 = arith.index_cast %get3A_2913 : i32 to index
      %get3A_2915 = arith.constant 464 : index
      %get3A_2916 = tpu.vector_load %arg13[%get3A_2914, %get3A_2915] {strides = array<i32>} : memref<3x512xf32, #tpu.memory_space<vmem>>, vector<16xf32>,
      %get3A_2917 = arith.constant 464 : index
      %get3A_2918 = tpu.vector_load %arg14[%get3A_2917] {strides = array<i32>} : memref<512xf32, #tpu.memory_space<vmem>>, vector<16xf32>,
      %bitcast_convert_type3A_2919 = tpu.bitcast %get3A_2908 : vector<16xf32> -> vector<16xi32>
      %add3A_2920 = arith.constant 32767 : i32
      %add3A_2921 = vector.broadcast %add3A_2920 : i32 to vector<16xi32>
      %add3A_2922 = arith.addi %bitcast_convert_type3A_2919, %add3A_2921 : vector<16xi32>
      %shift_right_arithmetic3A_2923 = arith.constant 16 : i32
      %shift_right_arithmetic3A_2924 = vector.broadcast %shift_right_arithmetic3A_2923 : i32 to vector<16xi32>
      %shift_right_arithmetic3A_2925 = arith.shrsi %bitcast_convert_type3A_2919, %shift_right_arithmetic3A_2924 : vector<16xi32>
      %and3A_2926 = arith.constant 1 : i32
      %and3A_2927 = vector.broadcast %and3A_2926 : i32 to vector<16xi32>
      %and3A_2928 = arith.andi %shift_right_arithmetic3A_2925, %and3A_2927 : vector<16xi32>
      %add3A_2929 = arith.addi %add3A_2922, %and3A_2928 : vector<16xi32>
      %and3A_2930 = arith.constant -65536 : i32
      %and3A_2931 = vector.broadcast %and3A_2930 : i32 to vector<16xi32>
      %and3A_2932 = arith.andi %add3A_2929, %and3A_2931 : vector<16xi32>
      %bitcast_convert_type3A_2933 = tpu.bitcast %and3A_2932 : vector<16xi32> -> vector<16xf32>
      %mul3A_2934 = arith.mulf %mul3A_124, %bitcast_convert_type3A_2933 : vector<16xf32>
      %bitcast_convert_type3A_2935 = tpu.bitcast %get3A_2912 : vector<16xf32> -> vector<16xi32>
      %add3A_2936 = arith.constant 32767 : i32
      %add3A_2937 = vector.broadcast %add3A_2936 : i32 to vector<16xi32>
      %add3A_2938 = arith.addi %bitcast_convert_type3A_2935, %add3A_2937 : vector<16xi32>
      %shift_right_arithmetic3A_2939 = arith.constant 16 : i32
      %shift_right_arithmetic3A_2940 = vector.broadcast %shift_right_arithmetic3A_2939 : i32 to vector<16xi32>
      %shift_right_arithmetic3A_2941 = arith.shrsi %bitcast_convert_type3A_2935, %shift_right_arithmetic3A_2940 : vector<16xi32>
      %and3A_2942 = arith.constant 1 : i32
      %and3A_2943 = vector.broadcast %and3A_2942 : i32 to vector<16xi32>
      %and3A_2944 = arith.andi %shift_right_arithmetic3A_2941, %and3A_2943 : vector<16xi32>
      %add3A_2945 = arith.addi %add3A_2938, %and3A_2944 : vector<16xi32>
      %and3A_2946 = arith.constant -65536 : i32
      %and3A_2947 = vector.broadcast %and3A_2946 : i32 to vector<16xi32>
      %and3A_2948 = arith.andi %add3A_2945, %and3A_2947 : vector<16xi32>
      %bitcast_convert_type3A_2949 = tpu.bitcast %and3A_2948 : vector<16xi32> -> vector<16xf32>
      %mul3A_2950 = arith.mulf %mul3A_149, %bitcast_convert_type3A_2949 : vector<16xf32>
      %bitcast_convert_type3A_2951 = tpu.bitcast %get3A_2916 : vector<16xf32> -> vector<16xi32>
      %add3A_2952 = arith.constant 32767 : i32
      %add3A_2953 = vector.broadcast %add3A_2952 : i32 to vector<16xi32>
      %add3A_2954 = arith.addi %bitcast_convert_type3A_2951, %add3A_2953 : vector<16xi32>
      %shift_right_arithmetic3A_2955 = arith.constant 16 : i32
      %shift_right_arithmetic3A_2956 = vector.broadcast %shift_right_arithmetic3A_2955 : i32 to vector<16xi32>
      %shift_right_arithmetic3A_2957 = arith.shrsi %bitcast_convert_type3A_2951, %shift_right_arithmetic3A_2956 : vector<16xi32>
      %and3A_2958 = arith.constant 1 : i32
      %and3A_2959 = vector.broadcast %and3A_2958 : i32 to vector<16xi32>
      %and3A_2960 = arith.andi %shift_right_arithmetic3A_2957, %and3A_2959 : vector<16xi32>
      %add3A_2961 = arith.addi %add3A_2954, %and3A_2960 : vector<16xi32>
      %and3A_2962 = arith.constant -65536 : i32
      %and3A_2963 = vector.broadcast %and3A_2962 : i32 to vector<16xi32>
      %and3A_2964 = arith.andi %add3A_2961, %and3A_2963 : vector<16xi32>
      %bitcast_convert_type3A_2965 = tpu.bitcast %and3A_2964 : vector<16xi32> -> vector<16xf32>
      %mul3A_2966 = arith.mulf %mul3A_174, %bitcast_convert_type3A_2965 : vector<16xf32>
      %add3A_2967 = arith.addf %mul3A_2934, %mul3A_2950 : vector<16xf32>
      %select_n3A_2968 = arith.select %eq3A, %add3A_2967, %broadcast_in_dim3A_3 : vector<16xi1>, vector<16xf32>
      %sub3A_2969 = arith.subf %select_n3A_2968, %mul3A_2934 : vector<16xf32>
      %select_n3A_2970 = arith.select %eq3A, %sub3A_2969, %broadcast_in_dim3A_3 : vector<16xi1>, vector<16xf32>
      %sub3A_2971 = arith.subf %select_n3A_2968, %select_n3A_2970 : vector<16xf32>
      %sub3A_2972 = arith.subf %mul3A_2934, %sub3A_2971 : vector<16xf32>
      %select_n3A_2973 = arith.select %eq3A, %sub3A_2972, %broadcast_in_dim3A_3 : vector<16xi1>, vector<16xf32>
      %sub3A_2974 = arith.subf %mul3A_2950, %select_n3A_2970 : vector<16xf32>
      %select_n3A_2975 = arith.select %eq3A, %sub3A_2974, %broadcast_in_dim3A_3 : vector<16xi1>, vector<16xf32>
      %add3A_2976 = arith.addf %select_n3A_2973, %select_n3A_2975 : vector<16xf32>
      %add3A_2977 = arith.addf %select_n3A_2968, %mul3A_2966 : vector<16xf32>
      %select_n3A_2978 = arith.select %eq3A, %add3A_2977, %broadcast_in_dim3A_3 : vector<16xi1>, vector<16xf32>
      %sub3A_2979 = arith.subf %select_n3A_2978, %select_n3A_2968 : vector<16xf32>
      %select_n3A_2980 = arith.select %eq3A, %sub3A_2979, %broadcast_in_dim3A_3 : vector<16xi1>, vector<16xf32>
      %sub3A_2981 = arith.subf %select_n3A_2978, %select_n3A_2980 : vector<16xf32>
      %sub3A_2982 = arith.subf %select_n3A_2968, %sub3A_2981 : vector<16xf32>
      %select_n3A_2983 = arith.select %eq3A, %sub3A_2982, %broadcast_in_dim3A_3 : vector<16xi1>, vector<16xf32>
      %sub3A_2984 = arith.subf %mul3A_2966, %select_n3A_2980 : vector<16xf32>
      %select_n3A_2985 = arith.select %eq3A, %sub3A_2984, %broadcast_in_dim3A_3 : vector<16xi1>, vector<16xf32>
      %add3A_2986 = arith.addf %select_n3A_2983, %select_n3A_2985 : vector<16xf32>
      %add3A_2987 = arith.addf %add3A_2976, %add3A_2986 : vector<16xf32>
      %select_n3A_2988 = arith.select %eq3A, %add3A_2987, %broadcast_in_dim3A_3 : vector<16xi1>, vector<16xf32>
      %add3A_2989 = arith.addf %select_n3A_2978, %select_n3A_2988 : vector<16xf32>
      %add3A_2990 = arith.addf %broadcast_in_dim3A_179, %get3A_2918 : vector<16xf32>
      %add3A_2991 = arith.addf %add3A_2990, %add3A_2989 : vector<16xf32>
      %max3A_2992 = arith.maximumf %add3A_2991, %broadcast_in_dim3A_5 : vector<16xf32>
      %le3A_2993 = arith.cmpf ole, %max3A_2992, %broadcast_in_dim3A_20 : vector<16xf32>
      %add3A_2994 = arith.constant 4.640000e+02 : f32
      %add3A_2995 = vector.broadcast %add3A_2994 : f32 to vector<16xf32>
      %add3A_2996 = arith.addf %add3A_2995, %convert_element_type3A : vector<16xf32>
      %select_n3A_2997 = arith.select %le3A_2993, %add3A_2996, %broadcast_in_dim3A_3 : vector<16xi1>, vector<16xf32>
      %min3A_2998 = arith.minimumf %min3A_2904, %select_n3A_2997 : vector<16xf32>
      %get3A_2999 = arith.constant 0 : i32
      %get3A_3000 = arith.index_cast %get3A_2999 : i32 to index
      %get3A_3001 = arith.constant 480 : index
      %get3A_3002 = tpu.vector_load %arg13[%get3A_3000, %get3A_3001] {strides = array<i32>} : memref<3x512xf32, #tpu.memory_space<vmem>>, vector<16xf32>,
      %get3A_3003 = arith.constant 1 : i32
      %get3A_3004 = arith.index_cast %get3A_3003 : i32 to index
      %get3A_3005 = arith.constant 480 : index
      %get3A_3006 = tpu.vector_load %arg13[%get3A_3004, %get3A_3005] {strides = array<i32>} : memref<3x512xf32, #tpu.memory_space<vmem>>, vector<16xf32>,
      %get3A_3007 = arith.constant 2 : i32
      %get3A_3008 = arith.index_cast %get3A_3007 : i32 to index
      %get3A_3009 = arith.constant 480 : index
      %get3A_3010 = tpu.vector_load %arg13[%get3A_3008, %get3A_3009] {strides = array<i32>} : memref<3x512xf32, #tpu.memory_space<vmem>>, vector<16xf32>,
      %get3A_3011 = arith.constant 480 : index
      %get3A_3012 = tpu.vector_load %arg14[%get3A_3011] {strides = array<i32>} : memref<512xf32, #tpu.memory_space<vmem>>, vector<16xf32>,
      %bitcast_convert_type3A_3013 = tpu.bitcast %get3A_3002 : vector<16xf32> -> vector<16xi32>
      %add3A_3014 = arith.constant 32767 : i32
      %add3A_3015 = vector.broadcast %add3A_3014 : i32 to vector<16xi32>
      %add3A_3016 = arith.addi %bitcast_convert_type3A_3013, %add3A_3015 : vector<16xi32>
      %shift_right_arithmetic3A_3017 = arith.constant 16 : i32
      %shift_right_arithmetic3A_3018 = vector.broadcast %shift_right_arithmetic3A_3017 : i32 to vector<16xi32>
      %shift_right_arithmetic3A_3019 = arith.shrsi %bitcast_convert_type3A_3013, %shift_right_arithmetic3A_3018 : vector<16xi32>
      %and3A_3020 = arith.constant 1 : i32
      %and3A_3021 = vector.broadcast %and3A_3020 : i32 to vector<16xi32>
      %and3A_3022 = arith.andi %shift_right_arithmetic3A_3019, %and3A_3021 : vector<16xi32>
      %add3A_3023 = arith.addi %add3A_3016, %and3A_3022 : vector<16xi32>
      %and3A_3024 = arith.constant -65536 : i32
      %and3A_3025 = vector.broadcast %and3A_3024 : i32 to vector<16xi32>
      %and3A_3026 = arith.andi %add3A_3023, %and3A_3025 : vector<16xi32>
      %bitcast_convert_type3A_3027 = tpu.bitcast %and3A_3026 : vector<16xi32> -> vector<16xf32>
      %mul3A_3028 = arith.mulf %mul3A_124, %bitcast_convert_type3A_3027 : vector<16xf32>
      %bitcast_convert_type3A_3029 = tpu.bitcast %get3A_3006 : vector<16xf32> -> vector<16xi32>
      %add3A_3030 = arith.constant 32767 : i32
      %add3A_3031 = vector.broadcast %add3A_3030 : i32 to vector<16xi32>
      %add3A_3032 = arith.addi %bitcast_convert_type3A_3029, %add3A_3031 : vector<16xi32>
      %shift_right_arithmetic3A_3033 = arith.constant 16 : i32
      %shift_right_arithmetic3A_3034 = vector.broadcast %shift_right_arithmetic3A_3033 : i32 to vector<16xi32>
      %shift_right_arithmetic3A_3035 = arith.shrsi %bitcast_convert_type3A_3029, %shift_right_arithmetic3A_3034 : vector<16xi32>
      %and3A_3036 = arith.constant 1 : i32
      %and3A_3037 = vector.broadcast %and3A_3036 : i32 to vector<16xi32>
      %and3A_3038 = arith.andi %shift_right_arithmetic3A_3035, %and3A_3037 : vector<16xi32>
      %add3A_3039 = arith.addi %add3A_3032, %and3A_3038 : vector<16xi32>
      %and3A_3040 = arith.constant -65536 : i32
      %and3A_3041 = vector.broadcast %and3A_3040 : i32 to vector<16xi32>
      %and3A_3042 = arith.andi %add3A_3039, %and3A_3041 : vector<16xi32>
      %bitcast_convert_type3A_3043 = tpu.bitcast %and3A_3042 : vector<16xi32> -> vector<16xf32>
      %mul3A_3044 = arith.mulf %mul3A_149, %bitcast_convert_type3A_3043 : vector<16xf32>
      %bitcast_convert_type3A_3045 = tpu.bitcast %get3A_3010 : vector<16xf32> -> vector<16xi32>
      %add3A_3046 = arith.constant 32767 : i32
      %add3A_3047 = vector.broadcast %add3A_3046 : i32 to vector<16xi32>
      %add3A_3048 = arith.addi %bitcast_convert_type3A_3045, %add3A_3047 : vector<16xi32>
      %shift_right_arithmetic3A_3049 = arith.constant 16 : i32
      %shift_right_arithmetic3A_3050 = vector.broadcast %shift_right_arithmetic3A_3049 : i32 to vector<16xi32>
      %shift_right_arithmetic3A_3051 = arith.shrsi %bitcast_convert_type3A_3045, %shift_right_arithmetic3A_3050 : vector<16xi32>
      %and3A_3052 = arith.constant 1 : i32
      %and3A_3053 = vector.broadcast %and3A_3052 : i32 to vector<16xi32>
      %and3A_3054 = arith.andi %shift_right_arithmetic3A_3051, %and3A_3053 : vector<16xi32>
      %add3A_3055 = arith.addi %add3A_3048, %and3A_3054 : vector<16xi32>
      %and3A_3056 = arith.constant -65536 : i32
      %and3A_3057 = vector.broadcast %and3A_3056 : i32 to vector<16xi32>
      %and3A_3058 = arith.andi %add3A_3055, %and3A_3057 : vector<16xi32>
      %bitcast_convert_type3A_3059 = tpu.bitcast %and3A_3058 : vector<16xi32> -> vector<16xf32>
      %mul3A_3060 = arith.mulf %mul3A_174, %bitcast_convert_type3A_3059 : vector<16xf32>
      %add3A_3061 = arith.addf %mul3A_3028, %mul3A_3044 : vector<16xf32>
      %select_n3A_3062 = arith.select %eq3A, %add3A_3061, %broadcast_in_dim3A_3 : vector<16xi1>, vector<16xf32>
      %sub3A_3063 = arith.subf %select_n3A_3062, %mul3A_3028 : vector<16xf32>
      %select_n3A_3064 = arith.select %eq3A, %sub3A_3063, %broadcast_in_dim3A_3 : vector<16xi1>, vector<16xf32>
      %sub3A_3065 = arith.subf %select_n3A_3062, %select_n3A_3064 : vector<16xf32>
      %sub3A_3066 = arith.subf %mul3A_3028, %sub3A_3065 : vector<16xf32>
      %select_n3A_3067 = arith.select %eq3A, %sub3A_3066, %broadcast_in_dim3A_3 : vector<16xi1>, vector<16xf32>
      %sub3A_3068 = arith.subf %mul3A_3044, %select_n3A_3064 : vector<16xf32>
      %select_n3A_3069 = arith.select %eq3A, %sub3A_3068, %broadcast_in_dim3A_3 : vector<16xi1>, vector<16xf32>
      %add3A_3070 = arith.addf %select_n3A_3067, %select_n3A_3069 : vector<16xf32>
      %add3A_3071 = arith.addf %select_n3A_3062, %mul3A_3060 : vector<16xf32>
      %select_n3A_3072 = arith.select %eq3A, %add3A_3071, %broadcast_in_dim3A_3 : vector<16xi1>, vector<16xf32>
      %sub3A_3073 = arith.subf %select_n3A_3072, %select_n3A_3062 : vector<16xf32>
      %select_n3A_3074 = arith.select %eq3A, %sub3A_3073, %broadcast_in_dim3A_3 : vector<16xi1>, vector<16xf32>
      %sub3A_3075 = arith.subf %select_n3A_3072, %select_n3A_3074 : vector<16xf32>
      %sub3A_3076 = arith.subf %select_n3A_3062, %sub3A_3075 : vector<16xf32>
      %select_n3A_3077 = arith.select %eq3A, %sub3A_3076, %broadcast_in_dim3A_3 : vector<16xi1>, vector<16xf32>
      %sub3A_3078 = arith.subf %mul3A_3060, %select_n3A_3074 : vector<16xf32>
      %select_n3A_3079 = arith.select %eq3A, %sub3A_3078, %broadcast_in_dim3A_3 : vector<16xi1>, vector<16xf32>
      %add3A_3080 = arith.addf %select_n3A_3077, %select_n3A_3079 : vector<16xf32>
      %add3A_3081 = arith.addf %add3A_3070, %add3A_3080 : vector<16xf32>
      %select_n3A_3082 = arith.select %eq3A, %add3A_3081, %broadcast_in_dim3A_3 : vector<16xi1>, vector<16xf32>
      %add3A_3083 = arith.addf %select_n3A_3072, %select_n3A_3082 : vector<16xf32>
      %add3A_3084 = arith.addf %broadcast_in_dim3A_179, %get3A_3012 : vector<16xf32>
      %add3A_3085 = arith.addf %add3A_3084, %add3A_3083 : vector<16xf32>
      %max3A_3086 = arith.maximumf %add3A_3085, %broadcast_in_dim3A_5 : vector<16xf32>
      %le3A_3087 = arith.cmpf ole, %max3A_3086, %broadcast_in_dim3A_20 : vector<16xf32>
      %add3A_3088 = arith.constant 4.800000e+02 : f32
      %add3A_3089 = vector.broadcast %add3A_3088 : f32 to vector<16xf32>
      %add3A_3090 = arith.addf %add3A_3089, %convert_element_type3A : vector<16xf32>
      %select_n3A_3091 = arith.select %le3A_3087, %add3A_3090, %broadcast_in_dim3A_3 : vector<16xi1>, vector<16xf32>
      %min3A_3092 = arith.minimumf %min3A_2998, %select_n3A_3091 : vector<16xf32>
      %get3A_3093 = arith.constant 0 : i32
      %get3A_3094 = arith.index_cast %get3A_3093 : i32 to index
      %get3A_3095 = arith.constant 496 : index
      %get3A_3096 = tpu.vector_load %arg13[%get3A_3094, %get3A_3095] {strides = array<i32>} : memref<3x512xf32, #tpu.memory_space<vmem>>, vector<16xf32>,
      %get3A_3097 = arith.constant 1 : i32
      %get3A_3098 = arith.index_cast %get3A_3097 : i32 to index
      %get3A_3099 = arith.constant 496 : index
      %get3A_3100 = tpu.vector_load %arg13[%get3A_3098, %get3A_3099] {strides = array<i32>} : memref<3x512xf32, #tpu.memory_space<vmem>>, vector<16xf32>,
      %get3A_3101 = arith.constant 2 : i32
      %get3A_3102 = arith.index_cast %get3A_3101 : i32 to index
      %get3A_3103 = arith.constant 496 : index
      %get3A_3104 = tpu.vector_load %arg13[%get3A_3102, %get3A_3103] {strides = array<i32>} : memref<3x512xf32, #tpu.memory_space<vmem>>, vector<16xf32>,
      %get3A_3105 = arith.constant 496 : index
      %get3A_3106 = tpu.vector_load %arg14[%get3A_3105] {strides = array<i32>} : memref<512xf32, #tpu.memory_space<vmem>>, vector<16xf32>,
      %bitcast_convert_type3A_3107 = tpu.bitcast %get3A_3096 : vector<16xf32> -> vector<16xi32>
      %add3A_3108 = arith.constant 32767 : i32
      %add3A_3109 = vector.broadcast %add3A_3108 : i32 to vector<16xi32>
      %add3A_3110 = arith.addi %bitcast_convert_type3A_3107, %add3A_3109 : vector<16xi32>
      %shift_right_arithmetic3A_3111 = arith.constant 16 : i32
      %shift_right_arithmetic3A_3112 = vector.broadcast %shift_right_arithmetic3A_3111 : i32 to vector<16xi32>
      %shift_right_arithmetic3A_3113 = arith.shrsi %bitcast_convert_type3A_3107, %shift_right_arithmetic3A_3112 : vector<16xi32>
      %and3A_3114 = arith.constant 1 : i32
      %and3A_3115 = vector.broadcast %and3A_3114 : i32 to vector<16xi32>
      %and3A_3116 = arith.andi %shift_right_arithmetic3A_3113, %and3A_3115 : vector<16xi32>
      %add3A_3117 = arith.addi %add3A_3110, %and3A_3116 : vector<16xi32>
      %and3A_3118 = arith.constant -65536 : i32
      %and3A_3119 = vector.broadcast %and3A_3118 : i32 to vector<16xi32>
      %and3A_3120 = arith.andi %add3A_3117, %and3A_3119 : vector<16xi32>
      %bitcast_convert_type3A_3121 = tpu.bitcast %and3A_3120 : vector<16xi32> -> vector<16xf32>
      %mul3A_3122 = arith.mulf %mul3A_124, %bitcast_convert_type3A_3121 : vector<16xf32>
      %bitcast_convert_type3A_3123 = tpu.bitcast %get3A_3100 : vector<16xf32> -> vector<16xi32>
      %add3A_3124 = arith.constant 32767 : i32
      %add3A_3125 = vector.broadcast %add3A_3124 : i32 to vector<16xi32>
      %add3A_3126 = arith.addi %bitcast_convert_type3A_3123, %add3A_3125 : vector<16xi32>
      %shift_right_arithmetic3A_3127 = arith.constant 16 : i32
      %shift_right_arithmetic3A_3128 = vector.broadcast %shift_right_arithmetic3A_3127 : i32 to vector<16xi32>
      %shift_right_arithmetic3A_3129 = arith.shrsi %bitcast_convert_type3A_3123, %shift_right_arithmetic3A_3128 : vector<16xi32>
      %and3A_3130 = arith.constant 1 : i32
      %and3A_3131 = vector.broadcast %and3A_3130 : i32 to vector<16xi32>
      %and3A_3132 = arith.andi %shift_right_arithmetic3A_3129, %and3A_3131 : vector<16xi32>
      %add3A_3133 = arith.addi %add3A_3126, %and3A_3132 : vector<16xi32>
      %and3A_3134 = arith.constant -65536 : i32
      %and3A_3135 = vector.broadcast %and3A_3134 : i32 to vector<16xi32>
      %and3A_3136 = arith.andi %add3A_3133, %and3A_3135 : vector<16xi32>
      %bitcast_convert_type3A_3137 = tpu.bitcast %and3A_3136 : vector<16xi32> -> vector<16xf32>
      %mul3A_3138 = arith.mulf %mul3A_149, %bitcast_convert_type3A_3137 : vector<16xf32>
      %bitcast_convert_type3A_3139 = tpu.bitcast %get3A_3104 : vector<16xf32> -> vector<16xi32>
      %add3A_3140 = arith.constant 32767 : i32
      %add3A_3141 = vector.broadcast %add3A_3140 : i32 to vector<16xi32>
      %add3A_3142 = arith.addi %bitcast_convert_type3A_3139, %add3A_3141 : vector<16xi32>
      %shift_right_arithmetic3A_3143 = arith.constant 16 : i32
      %shift_right_arithmetic3A_3144 = vector.broadcast %shift_right_arithmetic3A_3143 : i32 to vector<16xi32>
      %shift_right_arithmetic3A_3145 = arith.shrsi %bitcast_convert_type3A_3139, %shift_right_arithmetic3A_3144 : vector<16xi32>
      %and3A_3146 = arith.constant 1 : i32
      %and3A_3147 = vector.broadcast %and3A_3146 : i32 to vector<16xi32>
      %and3A_3148 = arith.andi %shift_right_arithmetic3A_3145, %and3A_3147 : vector<16xi32>
      %add3A_3149 = arith.addi %add3A_3142, %and3A_3148 : vector<16xi32>
      %and3A_3150 = arith.constant -65536 : i32
      %and3A_3151 = vector.broadcast %and3A_3150 : i32 to vector<16xi32>
      %and3A_3152 = arith.andi %add3A_3149, %and3A_3151 : vector<16xi32>
      %bitcast_convert_type3A_3153 = tpu.bitcast %and3A_3152 : vector<16xi32> -> vector<16xf32>
      %mul3A_3154 = arith.mulf %mul3A_174, %bitcast_convert_type3A_3153 : vector<16xf32>
      %add3A_3155 = arith.addf %mul3A_3122, %mul3A_3138 : vector<16xf32>
      %select_n3A_3156 = arith.select %eq3A, %add3A_3155, %broadcast_in_dim3A_3 : vector<16xi1>, vector<16xf32>
      %sub3A_3157 = arith.subf %select_n3A_3156, %mul3A_3122 : vector<16xf32>
      %select_n3A_3158 = arith.select %eq3A, %sub3A_3157, %broadcast_in_dim3A_3 : vector<16xi1>, vector<16xf32>
      %sub3A_3159 = arith.subf %select_n3A_3156, %select_n3A_3158 : vector<16xf32>
      %sub3A_3160 = arith.subf %mul3A_3122, %sub3A_3159 : vector<16xf32>
      %select_n3A_3161 = arith.select %eq3A, %sub3A_3160, %broadcast_in_dim3A_3 : vector<16xi1>, vector<16xf32>
      %sub3A_3162 = arith.subf %mul3A_3138, %select_n3A_3158 : vector<16xf32>
      %select_n3A_3163 = arith.select %eq3A, %sub3A_3162, %broadcast_in_dim3A_3 : vector<16xi1>, vector<16xf32>
      %add3A_3164 = arith.addf %select_n3A_3161, %select_n3A_3163 : vector<16xf32>
      %add3A_3165 = arith.addf %select_n3A_3156, %mul3A_3154 : vector<16xf32>
      %select_n3A_3166 = arith.select %eq3A, %add3A_3165, %broadcast_in_dim3A_3 : vector<16xi1>, vector<16xf32>
      %sub3A_3167 = arith.subf %select_n3A_3166, %select_n3A_3156 : vector<16xf32>
      %select_n3A_3168 = arith.select %eq3A, %sub3A_3167, %broadcast_in_dim3A_3 : vector<16xi1>, vector<16xf32>
      %sub3A_3169 = arith.subf %select_n3A_3166, %select_n3A_3168 : vector<16xf32>
      %sub3A_3170 = arith.subf %select_n3A_3156, %sub3A_3169 : vector<16xf32>
      %select_n3A_3171 = arith.select %eq3A, %sub3A_3170, %broadcast_in_dim3A_3 : vector<16xi1>, vector<16xf32>
      %sub3A_3172 = arith.subf %mul3A_3154, %select_n3A_3168 : vector<16xf32>
      %select_n3A_3173 = arith.select %eq3A, %sub3A_3172, %broadcast_in_dim3A_3 : vector<16xi1>, vector<16xf32>
      %add3A_3174 = arith.addf %select_n3A_3171, %select_n3A_3173 : vector<16xf32>
      %add3A_3175 = arith.addf %add3A_3164, %add3A_3174 : vector<16xf32>
      %select_n3A_3176 = arith.select %eq3A, %add3A_3175, %broadcast_in_dim3A_3 : vector<16xi1>, vector<16xf32>
      %add3A_3177 = arith.addf %select_n3A_3166, %select_n3A_3176 : vector<16xf32>
      %add3A_3178 = arith.addf %broadcast_in_dim3A_179, %get3A_3106 : vector<16xf32>
      %add3A_3179 = arith.addf %add3A_3178, %add3A_3177 : vector<16xf32>
      %max3A_3180 = arith.maximumf %add3A_3179, %broadcast_in_dim3A_5 : vector<16xf32>
      %le3A_3181 = arith.cmpf ole, %max3A_3180, %broadcast_in_dim3A_20 : vector<16xf32>
      %add3A_3182 = arith.constant 4.960000e+02 : f32
      %add3A_3183 = vector.broadcast %add3A_3182 : f32 to vector<16xf32>
      %add3A_3184 = arith.addf %add3A_3183, %convert_element_type3A : vector<16xf32>
      %select_n3A_3185 = arith.select %le3A_3181, %add3A_3184, %broadcast_in_dim3A_3 : vector<16xi1>, vector<16xf32>
      %min3A_3186 = arith.minimumf %min3A_3092, %select_n3A_3185 : vector<16xf32>
      %reduce_min3A_3187 = arith.constant true
      %reduce_min3A_3188 = vector.broadcast %reduce_min3A_3187 : i1 to vector<16xi1>
      %reduce_min3A_3189 = tpu.scan <min>, %min3A_3186 masked %reduce_min3A_3188 : vector<16xf32>, vector<16xi1> -> vector<16xf32>
      %reduce_min3A_3190 = vector.extract %reduce_min3A_3189[15] : f32 from vector<16xf32>
      %convert_element_type3A_3191 = arith.fptosi %reduce_min3A_3190 : f32 to i32
      %mul3A_3192 = arith.constant 512 : i32
      %mul3A_3193 = arith.muli %convert_element_type3A_100, %mul3A_3192 : i32
      %add3A_3194 = arith.addi %mul3A_3193, %convert_element_type3A_3191 : i32
      %and3A_3195 = arith.constant 15 : i32
      %and3A_3196 = arith.andi %scan3A_16, %and3A_3195 : i32
      %eq3A_3197 = vector.broadcast %and3A_3196 : i32 to vector<16xi32>
      %eq3A_3198 = arith.cmpi eq, %iota3A, %eq3A_3197 : vector<16xi32>
      %jit3A = arith.constant 0 : i32
      %broadcast_in_dim3A_3199 = vector.broadcast %add3A_3194 : i32 to vector<16xi32>
      %broadcast_in_dim3A_3200 = vector.broadcast %jit3A : i32 to vector<16xi32>
      %select_n3A_3201 = arith.select %eq3A_3198, %broadcast_in_dim3A_3199, %broadcast_in_dim3A_3200 : vector<16xi1>, vector<16xi32>
      %shift_right_arithmetic3A_3202 = arith.constant 4 : i32
      %shift_right_arithmetic3A_3203 = arith.shrsi %scan3A_16, %shift_right_arithmetic3A_3202 : i32
      %eq3A_3204 = arith.constant 0 : i32
      %eq3A_3205 = arith.cmpi eq, %shift_right_arithmetic3A_3203, %eq3A_3204 : i32
      %broadcast_in_dim3A_3206 = vector.broadcast %eq3A_3205 : i1 to vector<16xi1>
      %or3A = arith.ori %scan3A_17, %select_n3A_3201 : vector<16xi32>
      %select_n3A_3207 = arith.select %broadcast_in_dim3A_3206, %or3A, %scan3A_17 : vector<16xi1>, vector<16xi32>
      %eq3A_3208 = arith.constant 1 : i32
      %eq3A_3209 = arith.cmpi eq, %shift_right_arithmetic3A_3203, %eq3A_3208 : i32
      %broadcast_in_dim3A_3210 = vector.broadcast %eq3A_3209 : i1 to vector<16xi1>
      %or3A_3211 = arith.ori %scan3A_18, %select_n3A_3201 : vector<16xi32>
      %select_n3A_3212 = arith.select %broadcast_in_dim3A_3210, %or3A_3211, %scan3A_18 : vector<16xi1>, vector<16xi32>
      scf.yield %select_n3A_3207, %select_n3A_3212 : vector<16xi32>, vector<16xi32>
    }
    %scan3A_12 = arith.constant 32 : i32
    %swap3A = arith.constant 0 : index
    %swap3A_13 = tpu.vector_load %arg15[%swap3A] {strides = array<i32>} : memref<32xi32, #tpu.memory_space<vmem>>, vector<16xi32>,
    tpu.vector_store %arg15[%swap3A], %scan3A_11#0 {strides = array<i32>} : memref<32xi32, #tpu.memory_space<vmem>>, vector<16xi32>,
    %swap3A_14 = arith.constant 16 : index
    %swap3A_15 = tpu.vector_load %arg15[%swap3A_14] {strides = array<i32>} : memref<32xi32, #tpu.memory_space<vmem>>, vector<16xi32>,
    tpu.vector_store %arg15[%swap3A_14], %scan3A_11#1 {strides = array<i32>} : memref<32xi32, #tpu.memory_space<vmem>>, vector<16xi32>,
    "tpu.region"() ({
      %run_scoped3A = tpu.sem_alloc : memref<!tpu.dma_semaphore, #tpu.memory_space<semaphore_mem>>
      %dma_start3A = tpu.memref_slice %arg8[%mul3A_2] : memref<1024xi32, #tpu.memory_space<hbm>> -> memref<32xi32, #tpu.memory_space<hbm>>
      %dma_start3A_16 = tpu.memref_slice %arg8[%mul3A_2] : memref<1024xi32, #tpu.memory_space<hbm>> -> memref<32xi32, #tpu.memory_space<hbm>>
      tpu.enqueue_dma source(%arg15 : memref<32xi32, #tpu.memory_space<vmem>>) target(%dma_start3A_16 : memref<32xi32, #tpu.memory_space<hbm>>) target_semaphore(%run_scoped3A : memref<!tpu.dma_semaphore, #tpu.memory_space<semaphore_mem>>)
      %dma_wait3A = tpu.memref_slice %arg8[%mul3A_2] : memref<1024xi32, #tpu.memory_space<hbm>> -> memref<32xi32, #tpu.memory_space<hbm>>
      %dma_wait3A_17 = tpu.memref_slice %arg8[%mul3A_2] : memref<1024xi32, #tpu.memory_space<hbm>> -> memref<32xi32, #tpu.memory_space<hbm>>
      tpu.wait_dma2 semaphore(%run_scoped3A : memref<!tpu.dma_semaphore, #tpu.memory_space<semaphore_mem>>) src(%arg15 : memref<32xi32, #tpu.memory_space<vmem>>) dst(%dma_wait3A_17 : memref<32xi32, #tpu.memory_space<hbm>>)
      tpu.yield
    }) : () -> ()
    return
  }
}

module attributes {stable_mosaic.version = 14 : i64} {
  func.func @_phase1_body(%arg0: i32, %arg1: memref<1024x8xf32, #tpu.memory_space<vmem>>, %arg2: memref<8x512xf32, #tpu.memory_space<vmem>>, %arg3: memref<1024x1xf32, #tpu.memory_space<vmem>>, %arg4: memref<1024x1xf32, #tpu.memory_space<vmem>>, %arg5: memref<1x1024x1xf32, #tpu.memory_space<vmem>>, %arg6: memref<1x1x512xf32, #tpu.memory_space<vmem>>, %arg7: memref<1024x1xf32, #tpu.memory_space<vmem>>, %arg8: memref<1024x1xf32, #tpu.memory_space<vmem>>) attributes {dimension_semantics = [#tpu.dimension_semantics<arbitrary>], iteration_bounds = array<i64: 128>, scalar_prefetch = 0 : i64, scratch_operands = 1 : i64, tpu.core_type = #tpu.core_type<tc>, window_params = [{pipeline_mode = #tpu.pipeline_mode<synchronous>, transform_indices = @transform_0, window_bounds = array<i64: 1024, 8>}, {transform_indices = @transform_1, window_bounds = array<i64: 8, 512>}, {pipeline_mode = #tpu.pipeline_mode<synchronous>, transform_indices = @transform_2, window_bounds = array<i64: 1024, 1>}, {pipeline_mode = #tpu.pipeline_mode<synchronous>, transform_indices = @transform_3, window_bounds = array<i64: 1024, 1>}, {transform_indices = @transform_4, window_bounds = array<i64: 1, 1024, 1>}, {transform_indices = @transform_5, window_bounds = array<i64: 1, 1, 512>}, {pipeline_mode = #tpu.pipeline_mode<synchronous>, transform_indices = @transform_6, window_bounds = array<i64: 1024, 1>}]} {
    %get3A = arith.constant 0 : index
    %get3A_0 = arith.constant 0 : index
    %get3A_1 = vector.load %arg1[%get3A, %get3A_0] : memref<1024x8xf32, #tpu.memory_space<vmem>>, vector<1024x1xf32>
    %get3A_2 = arith.constant 0 : index
    %get3A_3 = arith.constant 1 : index
    %get3A_4 = vector.load %arg1[%get3A_2, %get3A_3] : memref<1024x8xf32, #tpu.memory_space<vmem>>, vector<1024x1xf32>
    %get3A_5 = arith.constant 0 : index
    %get3A_6 = arith.constant 2 : index
    %get3A_7 = vector.load %arg1[%get3A_5, %get3A_6] : memref<1024x8xf32, #tpu.memory_space<vmem>>, vector<1024x1xf32>
    %mul3A = arith.mulf %get3A_1, %get3A_1 : vector<1024x1xf32>
    %mul3A_8 = arith.mulf %get3A_4, %get3A_4 : vector<1024x1xf32>
    %add3A = arith.addf %mul3A, %mul3A_8 : vector<1024x1xf32>
    %mul3A_9 = arith.mulf %get3A_7, %get3A_7 : vector<1024x1xf32>
    %add3A_10 = arith.addf %add3A, %mul3A_9 : vector<1024x1xf32>
    %get3A_11 = arith.constant 0 : index
    %get3A_12 = arith.constant 0 : index
    %get3A_13 = vector.load %arg2[%get3A_11, %get3A_12] : memref<8x512xf32, #tpu.memory_space<vmem>>, vector<1x512xf32>
    %get3A_14 = arith.constant 1 : index
    %get3A_15 = arith.constant 0 : index
    %get3A_16 = vector.load %arg2[%get3A_14, %get3A_15] : memref<8x512xf32, #tpu.memory_space<vmem>>, vector<1x512xf32>
    %get3A_17 = arith.constant 2 : index
    %get3A_18 = arith.constant 0 : index
    %get3A_19 = vector.load %arg2[%get3A_17, %get3A_18] : memref<8x512xf32, #tpu.memory_space<vmem>>, vector<1x512xf32>
    %mul3A_20 = arith.mulf %get3A_13, %get3A_13 : vector<1x512xf32>
    %mul3A_21 = arith.mulf %get3A_16, %get3A_16 : vector<1x512xf32>
    %add3A_22 = arith.addf %mul3A_20, %mul3A_21 : vector<1x512xf32>
    %mul3A_23 = arith.mulf %get3A_19, %get3A_19 : vector<1x512xf32>
    %add3A_24 = arith.addf %add3A_22, %mul3A_23 : vector<1x512xf32>
    %get3A_25 = arith.constant 0 : index
    %get3A_26 = arith.constant 0 : index
    %get3A_27 = vector.load %arg1[%get3A_25, %get3A_26] : memref<1024x8xf32, #tpu.memory_space<vmem>>, vector<1024x8xf32>
    %convert_element_type3A = arith.truncf %get3A_27 : vector<1024x8xf32> to vector<1024x8xbf16>
    %mul3A_28 = arith.constant -2.000000e+00 : bf16
    %mul3A_29 = vector.broadcast %mul3A_28 : bf16 to vector<1024x8xbf16>
    %mul3A_30 = arith.mulf %convert_element_type3A, %mul3A_29 : vector<1024x8xbf16>
    %get3A_31 = arith.constant 0 : index
    %get3A_32 = arith.constant 0 : index
    %get3A_33 = vector.load %arg2[%get3A_31, %get3A_32] : memref<8x512xf32, #tpu.memory_space<vmem>>, vector<8x512xf32>
    %convert_element_type3A_34 = arith.truncf %get3A_33 : vector<8x512xf32> to vector<8x512xbf16>
    %dot_general3A = arith.constant dense<0.000000e+00> : vector<1024x512xf32>
    %dot_general3A_35 = tpu.matmul %mul3A_30, %convert_element_type3A_34, %dot_general3A {dimension_numbers = #tpu.dot_dimension_numbers<[1], [0], [0], [1], [0, 0, 1, 1], [], []>, transpose_lhs_hint = false} : vector<1024x8xbf16>, vector<8x512xbf16>, vector<1024x512xf32> -> vector<1024x512xf32>
    %add3A_36 = vector.broadcast %add3A_10 : vector<1024x1xf32> to vector<1024x512xf32>
    %add3A_37 = vector.broadcast %add3A_24 : vector<1x512xf32> to vector<1024x512xf32>
    %add3A_38 = arith.addf %add3A_36, %add3A_37 : vector<1024x512xf32>
    %add3A_39 = arith.addf %add3A_38, %dot_general3A_35 : vector<1024x512xf32>
    %reduce_min3A = arith.constant dense<0x7F800000> : vector<1024xf32>
    %reduce_min3A_40 = vector.multi_reduction <minimumf>, %add3A_39, %reduce_min3A [1] : vector<1024x512xf32> to vector<1024xf32>
    %broadcast_in_dim3A = vector.shape_cast %reduce_min3A_40 : vector<1024xf32> to vector<1024x1xf32>
    %broadcast_in_dim3A_41 = vector.shape_cast %broadcast_in_dim3A : vector<1024x1xf32> to vector<1x1024x1xf32>
    %swap3A = arith.constant 0 : index
    %swap3A_42 = arith.constant 0 : index
    %swap3A_43 = arith.constant 0 : index
    %swap3A_44 = vector.load %arg5[%swap3A, %swap3A_42, %swap3A_43] : memref<1x1024x1xf32, #tpu.memory_space<vmem>>, vector<1x1024x1xf32>
    tpu.vector_store %arg5[%swap3A, %swap3A_42, %swap3A_43], %broadcast_in_dim3A_41 {strides = array<i32>} : memref<1x1024x1xf32, #tpu.memory_space<vmem>>, vector<1x1024x1xf32>,
    %broadcast_in_dim3A_45 = vector.shape_cast %add3A_24 : vector<1x512xf32> to vector<1x1x512xf32>
    %swap3A_46 = arith.constant 0 : index
    %swap3A_47 = arith.constant 0 : index
    %swap3A_48 = arith.constant 0 : index
    %swap3A_49 = vector.load %arg6[%swap3A_46, %swap3A_47, %swap3A_48] : memref<1x1x512xf32, #tpu.memory_space<vmem>>, vector<1x1x512xf32>
    tpu.vector_store %arg6[%swap3A_46, %swap3A_47, %swap3A_48], %broadcast_in_dim3A_45 {strides = array<i32>} : memref<1x1x512xf32, #tpu.memory_space<vmem>>, vector<1x1x512xf32>,
    %swap3A_50 = arith.constant 0 : index
    %swap3A_51 = arith.constant 0 : index
    %swap3A_52 = vector.load %arg7[%swap3A_50, %swap3A_51] : memref<1024x1xf32, #tpu.memory_space<vmem>>, vector<1024x1xf32>
    tpu.vector_store %arg7[%swap3A_50, %swap3A_51], %add3A_10 {strides = array<i32>} : memref<1024x1xf32, #tpu.memory_space<vmem>>, vector<1024x1xf32>,
    %eq3A = arith.constant 0 : i32
    %eq3A_53 = arith.cmpi eq, %arg0, %eq3A : i32
    %convert_element_type3A_54 = arith.extui %eq3A_53 : i1 to i32
    %cond3A = arith.constant 0 : i32
    %cond3A_55 = arith.cmpi ne, %convert_element_type3A_54, %cond3A : i32
    scf.if %cond3A_55 {
      %swap3A_65 = arith.constant 0 : index
      %swap3A_66 = arith.constant 0 : index
      %swap3A_67 = vector.load %arg8[%swap3A_65, %swap3A_66] : memref<1024x1xf32, #tpu.memory_space<vmem>>, vector<1024x1xf32>
      tpu.vector_store %arg8[%swap3A_65, %swap3A_66], %broadcast_in_dim3A {strides = array<i32>} : memref<1024x1xf32, #tpu.memory_space<vmem>>, vector<1024x1xf32>,
    } else {
    }
    %gt3A = arith.constant 0 : i32
    %gt3A_56 = arith.cmpi sgt, %arg0, %gt3A : i32
    %convert_element_type3A_57 = arith.extui %gt3A_56 : i1 to i32
    %cond3A_58 = arith.constant 0 : i32
    %cond3A_59 = arith.cmpi ne, %convert_element_type3A_57, %cond3A_58 : i32
    scf.if %cond3A_59 {
      %get3A_65 = arith.constant 0 : index
      %get3A_66 = arith.constant 0 : index
      %get3A_67 = vector.load %arg8[%get3A_65, %get3A_66] : memref<1024x1xf32, #tpu.memory_space<vmem>>, vector<1024x1xf32>
      %min3A = arith.minimumf %get3A_67, %broadcast_in_dim3A : vector<1024x1xf32>
      %swap3A_68 = arith.constant 0 : index
      %swap3A_69 = arith.constant 0 : index
      %swap3A_70 = vector.load %arg8[%swap3A_68, %swap3A_69] : memref<1024x1xf32, #tpu.memory_space<vmem>>, vector<1024x1xf32>
      tpu.vector_store %arg8[%swap3A_68, %swap3A_69], %min3A {strides = array<i32>} : memref<1024x1xf32, #tpu.memory_space<vmem>>, vector<1024x1xf32>,
    } else {
    }
    %eq3A_60 = arith.constant 127 : i32
    %eq3A_61 = arith.cmpi eq, %arg0, %eq3A_60 : i32
    %convert_element_type3A_62 = arith.extui %eq3A_61 : i1 to i32
    %cond3A_63 = arith.constant 0 : i32
    %cond3A_64 = arith.cmpi ne, %convert_element_type3A_62, %cond3A_63 : i32
    scf.if %cond3A_64 {
      %get3A_65 = arith.constant 0 : index
      %get3A_66 = arith.constant 0 : index
      %get3A_67 = vector.load %arg8[%get3A_65, %get3A_66] : memref<1024x1xf32, #tpu.memory_space<vmem>>, vector<1024x1xf32>
      %max3A = arith.constant 9.99999996E-13 : f32
      %max3A_68 = vector.broadcast %max3A : f32 to vector<1024x1xf32>
      %max3A_69 = arith.maximumf %get3A_67, %max3A_68 : vector<1024x1xf32>
      %sqrt3A = math.sqrt %max3A_69 : vector<1024x1xf32>
      %swap3A_70 = arith.constant 0 : index
      %swap3A_71 = arith.constant 0 : index
      %swap3A_72 = vector.load %arg3[%swap3A_70, %swap3A_71] : memref<1024x1xf32, #tpu.memory_space<vmem>>, vector<1024x1xf32>
      tpu.vector_store %arg3[%swap3A_70, %swap3A_71], %sqrt3A {strides = array<i32>} : memref<1024x1xf32, #tpu.memory_space<vmem>>, vector<1024x1xf32>,
      %mul3A_73 = arith.mulf %sqrt3A, %sqrt3A : vector<1024x1xf32>
      %bitcast_convert_type3A = tpu.bitcast %mul3A_73 : vector<1024x1xf32> -> vector<1024x1xi32>
      %add3A_74 = arith.constant -4 : i32
      %add3A_75 = vector.broadcast %add3A_74 : i32 to vector<1024x1xi32>
      %add3A_76 = arith.addi %bitcast_convert_type3A, %add3A_75 : vector<1024x1xi32>
      %bitcast_convert_type3A_77 = tpu.bitcast %add3A_76 : vector<1024x1xi32> -> vector<1024x1xf32>
      %sqrt3A_78 = math.sqrt %bitcast_convert_type3A_77 : vector<1024x1xf32>
      %le3A = arith.cmpf ole, %sqrt3A_78, %sqrt3A : vector<1024x1xf32>
      %select_n3A = arith.select %le3A, %bitcast_convert_type3A_77, %max3A_69 : vector<1024x1xi1>, vector<1024x1xf32>
      %max3A_79 = arith.maximumf %max3A_69, %select_n3A : vector<1024x1xf32>
      %add3A_80 = arith.constant -3 : i32
      %add3A_81 = vector.broadcast %add3A_80 : i32 to vector<1024x1xi32>
      %add3A_82 = arith.addi %bitcast_convert_type3A, %add3A_81 : vector<1024x1xi32>
      %bitcast_convert_type3A_83 = tpu.bitcast %add3A_82 : vector<1024x1xi32> -> vector<1024x1xf32>
      %sqrt3A_84 = math.sqrt %bitcast_convert_type3A_83 : vector<1024x1xf32>
      %le3A_85 = arith.cmpf ole, %sqrt3A_84, %sqrt3A : vector<1024x1xf32>
      %select_n3A_86 = arith.select %le3A_85, %bitcast_convert_type3A_83, %max3A_69 : vector<1024x1xi1>, vector<1024x1xf32>
      %max3A_87 = arith.maximumf %max3A_79, %select_n3A_86 : vector<1024x1xf32>
      %add3A_88 = arith.constant -2 : i32
      %add3A_89 = vector.broadcast %add3A_88 : i32 to vector<1024x1xi32>
      %add3A_90 = arith.addi %bitcast_convert_type3A, %add3A_89 : vector<1024x1xi32>
      %bitcast_convert_type3A_91 = tpu.bitcast %add3A_90 : vector<1024x1xi32> -> vector<1024x1xf32>
      %sqrt3A_92 = math.sqrt %bitcast_convert_type3A_91 : vector<1024x1xf32>
      %le3A_93 = arith.cmpf ole, %sqrt3A_92, %sqrt3A : vector<1024x1xf32>
      %select_n3A_94 = arith.select %le3A_93, %bitcast_convert_type3A_91, %max3A_69 : vector<1024x1xi1>, vector<1024x1xf32>
      %max3A_95 = arith.maximumf %max3A_87, %select_n3A_94 : vector<1024x1xf32>
      %add3A_96 = arith.constant -1 : i32
      %add3A_97 = vector.broadcast %add3A_96 : i32 to vector<1024x1xi32>
      %add3A_98 = arith.addi %bitcast_convert_type3A, %add3A_97 : vector<1024x1xi32>
      %bitcast_convert_type3A_99 = tpu.bitcast %add3A_98 : vector<1024x1xi32> -> vector<1024x1xf32>
      %sqrt3A_100 = math.sqrt %bitcast_convert_type3A_99 : vector<1024x1xf32>
      %le3A_101 = arith.cmpf ole, %sqrt3A_100, %sqrt3A : vector<1024x1xf32>
      %select_n3A_102 = arith.select %le3A_101, %bitcast_convert_type3A_99, %max3A_69 : vector<1024x1xi1>, vector<1024x1xf32>
      %max3A_103 = arith.maximumf %max3A_95, %select_n3A_102 : vector<1024x1xf32>
      %add3A_104 = arith.constant 0 : i32
      %add3A_105 = vector.broadcast %add3A_104 : i32 to vector<1024x1xi32>
      %add3A_106 = arith.addi %bitcast_convert_type3A, %add3A_105 : vector<1024x1xi32>
      %bitcast_convert_type3A_107 = tpu.bitcast %add3A_106 : vector<1024x1xi32> -> vector<1024x1xf32>
      %sqrt3A_108 = math.sqrt %bitcast_convert_type3A_107 : vector<1024x1xf32>
      %le3A_109 = arith.cmpf ole, %sqrt3A_108, %sqrt3A : vector<1024x1xf32>
      %select_n3A_110 = arith.select %le3A_109, %bitcast_convert_type3A_107, %max3A_69 : vector<1024x1xi1>, vector<1024x1xf32>
      %max3A_111 = arith.maximumf %max3A_103, %select_n3A_110 : vector<1024x1xf32>
      %add3A_112 = arith.constant 1 : i32
      %add3A_113 = vector.broadcast %add3A_112 : i32 to vector<1024x1xi32>
      %add3A_114 = arith.addi %bitcast_convert_type3A, %add3A_113 : vector<1024x1xi32>
      %bitcast_convert_type3A_115 = tpu.bitcast %add3A_114 : vector<1024x1xi32> -> vector<1024x1xf32>
      %sqrt3A_116 = math.sqrt %bitcast_convert_type3A_115 : vector<1024x1xf32>
      %le3A_117 = arith.cmpf ole, %sqrt3A_116, %sqrt3A : vector<1024x1xf32>
      %select_n3A_118 = arith.select %le3A_117, %bitcast_convert_type3A_115, %max3A_69 : vector<1024x1xi1>, vector<1024x1xf32>
      %max3A_119 = arith.maximumf %max3A_111, %select_n3A_118 : vector<1024x1xf32>
      %add3A_120 = arith.constant 2 : i32
      %add3A_121 = vector.broadcast %add3A_120 : i32 to vector<1024x1xi32>
      %add3A_122 = arith.addi %bitcast_convert_type3A, %add3A_121 : vector<1024x1xi32>
      %bitcast_convert_type3A_123 = tpu.bitcast %add3A_122 : vector<1024x1xi32> -> vector<1024x1xf32>
      %sqrt3A_124 = math.sqrt %bitcast_convert_type3A_123 : vector<1024x1xf32>
      %le3A_125 = arith.cmpf ole, %sqrt3A_124, %sqrt3A : vector<1024x1xf32>
      %select_n3A_126 = arith.select %le3A_125, %bitcast_convert_type3A_123, %max3A_69 : vector<1024x1xi1>, vector<1024x1xf32>
      %max3A_127 = arith.maximumf %max3A_119, %select_n3A_126 : vector<1024x1xf32>
      %add3A_128 = arith.constant 3 : i32
      %add3A_129 = vector.broadcast %add3A_128 : i32 to vector<1024x1xi32>
      %add3A_130 = arith.addi %bitcast_convert_type3A, %add3A_129 : vector<1024x1xi32>
      %bitcast_convert_type3A_131 = tpu.bitcast %add3A_130 : vector<1024x1xi32> -> vector<1024x1xf32>
      %sqrt3A_132 = math.sqrt %bitcast_convert_type3A_131 : vector<1024x1xf32>
      %le3A_133 = arith.cmpf ole, %sqrt3A_132, %sqrt3A : vector<1024x1xf32>
      %select_n3A_134 = arith.select %le3A_133, %bitcast_convert_type3A_131, %max3A_69 : vector<1024x1xi1>, vector<1024x1xf32>
      %max3A_135 = arith.maximumf %max3A_127, %select_n3A_134 : vector<1024x1xf32>
      %add3A_136 = arith.constant 4 : i32
      %add3A_137 = vector.broadcast %add3A_136 : i32 to vector<1024x1xi32>
      %add3A_138 = arith.addi %bitcast_convert_type3A, %add3A_137 : vector<1024x1xi32>
      %bitcast_convert_type3A_139 = tpu.bitcast %add3A_138 : vector<1024x1xi32> -> vector<1024x1xf32>
      %sqrt3A_140 = math.sqrt %bitcast_convert_type3A_139 : vector<1024x1xf32>
      %le3A_141 = arith.cmpf ole, %sqrt3A_140, %sqrt3A : vector<1024x1xf32>
      %select_n3A_142 = arith.select %le3A_141, %bitcast_convert_type3A_139, %max3A_69 : vector<1024x1xi1>, vector<1024x1xf32>
      %max3A_143 = arith.maximumf %max3A_135, %select_n3A_142 : vector<1024x1xf32>
      %swap3A_144 = arith.constant 0 : index
      %swap3A_145 = arith.constant 0 : index
      %swap3A_146 = vector.load %arg4[%swap3A_144, %swap3A_145] : memref<1024x1xf32, #tpu.memory_space<vmem>>, vector<1024x1xf32>
      tpu.vector_store %arg4[%swap3A_144, %swap3A_145], %max3A_143 {strides = array<i32>} : memref<1024x1xf32, #tpu.memory_space<vmem>>, vector<1024x1xf32>,
    } else {
    }
    return
  }
  func.func @transform_0(%arg0: i32) -> (i32, i32) {
    %c0_i32 = arith.constant 0 : i32
    %c0_i32_0 = arith.constant 0 : i32
    %c0_i32_1 = arith.constant 0 : i32
    return %c0_i32, %c0_i32_0 : i32, i32
  }
  func.func @transform_1(%arg0: i32) -> (i32, i32) {
    %c0_i32 = arith.constant 0 : i32
    %c0_i32_0 = arith.constant 0 : i32
    return %c0_i32, %arg0 : i32, i32
  }
  func.func @transform_2(%arg0: i32) -> (i32, i32) {
    %c0_i32 = arith.constant 0 : i32
    %c0_i32_0 = arith.constant 0 : i32
    %c0_i32_1 = arith.constant 0 : i32
    return %c0_i32, %c0_i32_0 : i32, i32
  }
  func.func @transform_3(%arg0: i32) -> (i32, i32) {
    %c0_i32 = arith.constant 0 : i32
    %c0_i32_0 = arith.constant 0 : i32
    %c0_i32_1 = arith.constant 0 : i32
    return %c0_i32, %c0_i32_0 : i32, i32
  }
  func.func @transform_4(%arg0: i32) -> (i32, i32, i32) {
    %c0_i32 = arith.constant 0 : i32
    %c0_i32_0 = arith.constant 0 : i32
    %c0_i32_1 = arith.constant 0 : i32
    return %arg0, %c0_i32, %c0_i32_0 : i32, i32, i32
  }
  func.func @transform_5(%arg0: i32) -> (i32, i32, i32) {
    %c0_i32 = arith.constant 0 : i32
    %c0_i32_0 = arith.constant 0 : i32
    %c0_i32_1 = arith.constant 0 : i32
    return %arg0, %c0_i32, %c0_i32_0 : i32, i32, i32
  }
  func.func @transform_6(%arg0: i32) -> (i32, i32) {
    %c0_i32 = arith.constant 0 : i32
    %c0_i32_0 = arith.constant 0 : i32
    %c0_i32_1 = arith.constant 0 : i32
    return %c0_i32, %c0_i32_0 : i32, i32
  }
}

</mosaic_0001>

<sc_bundles>
// kernel: kernel.4.cloned.1.call-start
scs
__scs_entry_jumppad:
0x0: {  	(pc) =	sbr.rel $0x88, $3  }
0x1: {  	(tag) =	ssettag $0x0;
	lr =	simm.s32 $0x1  }
0x2: {  	[smem:$0x3F9E] =	sst lr;
	_ =	strace $0xD0000000  }
0x3: {  	_ = 	snop  }
0x4: {  	_ = 	snop  }
0x5: {  	_ = 	snop  }
0x6: {  	_ = 	snop  }
0x7: {  	_ = 	snop  }
__scs_overlays_trampoline_lowered:
0x8: {  	[smem:$0x3FAD] =	sst s0  }
0x9: {  	[smem:$0x3FAE] =	sst s1  }
0xa: {  	[smem:$0x3FAF] =	sst s2  }
0xb: {  	[smem:$0x3FB0] =	sst s3  }
0xc: {  	[smem:$0x3FB1] =	sst s4  }
0xd: {  	[smem:$0x3FB2] =	sst s5  }
0xe: {  	[smem:$0x3FB3] =	sst s6  }
0xf: {  	[smem:$0x3FB4] =	sst s7  }
0x10: {  	[smem:$0x3FB5] =	sst s8  }
0x11: {  	[smem:$0x3FB6] =	sst s9;
	s0 =	simm.s32 @!p0 $0x0  }
0x12: {  	s1 =	sld [smem:$0x3F9C];
	s0 =	simm.s32 @p0 $0x1  }
0x13: {  	[smem:$0x3FB7] =	sst s0;
	s0 =	simm.s32 @!p1 $0x0  }
0x14: {  	s2 =	sld [smem:$0x3F9B];
	s0 =	simm.s32 @p1 $0x1  }
0x15: {  	[smem:$0x3FB8] =	sst s0;
	s0 =	simm.s32 @!p2 $0x0  }
0x16: {  	s3 =	sld [smem:$0x3FDB];
	s0 =	simm.s32 @p2 $0x1  }
0x17: {  	s4 =	simm.s32 $0x1BF5;
	[smem:$0x3FBA] =	sst s0  }
0x18: {  	s0 =	sld [smem:$0x3F9D];
	_ =	swait.ge [sflag:s4], $0x0  }
0x19: {  	s7 =	sld [smem:$0x3F9E]  }
0x1a: {  	s8 =	sadd.s32 $0xFFFFE003, lr  }
0x1b: {  	s9 =	sadd.s32 $0xFFFFFEF7, lr;
	s5 =	simm.s32 $0xFFFFFFFF;
	p2 =	slt.u32 s8, $0xFFFFF086  }
0x1c: {  	p1 =	slt.u32 s9, $0xF7A;
	s5 =	simm.s32 @!p2 $0x0  }
0x1d: {  	s5 =	simm.s32 @p1 $0x1;
	p0 =	seq.s32 s7, s2  }
0x1e: {  	s7 =	smul.u32 @!p0 $0xF7A, s2;
	p2 =	seq.s32 @!p0 s5, $0x0  }
0x1f: {  	s9 =	smul.u32 $0xF7A, s1;
	s8 =	simm.s32 @!p0 $0x1BF5;
	p2 =	por !p2, p0  }
0x20: {  	[sflag:s8] =	ssyncset.s32 @!p0 $0xFFFFF086;
	s6 =	sadd.s32 @!p0 s3, s7;
	s7 =	simm.s32 @!p0 $0x108  }
0x21: {  	s3 =	sadd.s32 s3, s9;
	s6 =	sadd.s32 @!p0 $0x88, s6;
	s7 =	simm.s32 @p2 $0x1082  }
0x22: {  	[simem:s7], [sflag:s8] =	dma.local @!p0 [hbm:s6], $0xF7A  }
0x23: {  	s9 =	sor.u32 $0xD0000000, s2;
	s6 =	simm.s32 $0x108;
	_ =	swait.ge @!p0 [sflag:s8], $0x0  }
0x24: {  	s3 =	sadd.s32 $0x88, s3;
	s6 =	simm.s32 @!p1 $0x1082;
	[sflag:s4] =	ssyncset.s32 $0xFFFFF086  }
0x25: {  	[simem:s6], [sflag:s4] =	dma.local [hbm:s3], $0xF7A  }
0x26: {  	[smem:$0x3F9E] =	sst s1;
	(tag) =	ssettag s2;
	_ =	strace s9  }
0x27: {  	s1 =	sld [smem:$0x3FAE]  }
0x28: {  	s2 =	sld [smem:$0x3FAF]  }
0x29: {  	s4 =	sld [smem:$0x3FB1]  }
0x2a: {  	p0 =	seq.s32 s5, $0x0;
	s5 =	sld [smem:$0x3FB2]  }
0x2b: {  	s6 =	sld [smem:$0x3FB3]  }
0x2c: {  	s7 =	sld [smem:$0x3FB4]  }
0x2d: {  	s3 =	simm.s32 $0x108;
	s8 =	sld [smem:$0x3FB5]  }
0x2e: {  	s3 =	simm.s32 @!p0 $0x1082;
	s9 =	sld [smem:$0x3FB6]  }
0x2f: {  	lr =	sadd.s32 s0, s3;
	s0 =	sld [smem:$0x3FAD]  }
0x30: {  	s3 =	sld [smem:$0x3FB0]  }
0x31: {  	[smem:$0x3FB9] =	sst s10  }
0x32: {  	s10 =	sld [smem:$0x3FB7];
	_ =	sdelay $0x3  }
0x33: {  	p0 =	seq.s32 s10, $0x1;
	s10 =	sld [smem:$0x3FB9];
	_ =	sdelay $0x3  }
0x34: {  	[smem:$0x3FB9] =	sst s10  }
0x35: {  	s10 =	sld [smem:$0x3FB8];
	_ =	sdelay $0x3  }
0x36: {  	p1 =	seq.s32 s10, $0x1;
	s10 =	sld [smem:$0x3FB9];
	_ =	sdelay $0x3  }
0x37: {  	[smem:$0x3FB9] =	sst s10  }
0x38: {  	s10 =	sld [smem:$0x3FBA]  }
0x39: {  	_ = 	snop;
	(pc) =	sbr.ind lr, $3  }
0x3a: {  	_ = 	snop  }
0x3b: {  	_ = 	snop  }
0x3c: {  	p2 =	seq.s32 s10, $0x1;
	s10 =	sld [smem:$0x3FB9]  }
0x3d: {  	_ =	shalt  }
0x3e: {  	_ =	shalt  }
0x3f: {  	_ =	shalt  }
0x40: {  	_ =	shalt  }
0x41: {  	_ =	shalt  }
0x42: {  	_ =	shalt  }
0x43: {  	_ =	shalt  }
0x44: {  	_ =	shalt  }
0x45: {  	_ =	shalt  }
0x46: {  	_ =	shalt  }
0x47: {  	_ =	shalt  }
0x48: {  	_ =	shalt  }
0x49: {  	_ =	shalt  }
0x4a: {  	_ =	shalt  }
0x4b: {  	_ =	shalt  }
0x4c: {  	_ =	shalt  }
0x4d: {  	_ =	shalt  }
0x4e: {  	_ =	shalt  }
0x4f: {  	_ =	shalt  }
0x50: {  	_ =	shalt  }
0x51: {  	_ =	shalt  }
0x52: {  	_ =	shalt  }
0x53: {  	_ =	shalt  }
0x54: {  	_ =	shalt  }
0x55: {  	_ =	shalt  }
0x56: {  	_ =	shalt  }
0x57: {  	_ =	shalt  }
0x58: {  	_ =	shalt  }
0x59: {  	_ =	shalt  }
0x5a: {  	_ =	shalt  }
0x5b: {  	_ =	shalt  }
0x5c: {  	_ =	shalt  }
0x5d: {  	_ =	shalt  }
0x5e: {  	_ =	shalt  }
0x5f: {  	_ =	shalt  }
0x60: {  	_ =	shalt  }
0x61: {  	_ =	shalt  }
0x62: {  	_ =	shalt  }
0x63: {  	_ =	shalt  }
0x64: {  	_ =	shalt  }
0x65: {  	_ =	shalt  }
0x66: {  	_ =	shalt  }
0x67: {  	_ =	shalt  }
0x68: {  	_ =	shalt  }
0x69: {  	_ =	shalt  }
0x6a: {  	_ =	shalt  }
0x6b: {  	_ =	shalt  }
0x6c: {  	_ =	shalt  }
0x6d: {  	_ =	shalt  }
0x6e: {  	_ =	shalt  }
0x6f: {  	_ =	shalt  }
0x70: {  	_ =	shalt  }
0x71: {  	_ =	shalt  }
0x72: {  	_ =	shalt  }
0x73: {  	_ =	shalt  }
0x74: {  	_ =	shalt  }
0x75: {  	_ =	shalt  }
0x76: {  	_ =	shalt  }
0x77: {  	_ =	shalt  }
0x78: {  	_ =	shalt  }
0x79: {  	_ =	shalt  }
0x7a: {  	_ =	shalt  }
0x7b: {  	_ =	shalt  }
0x7c: {  	_ =	shalt  }
0x7d: {  	_ =	shalt  }
0x7e: {  	_ =	shalt  }
0x7f: {  	_ =	shalt  }
0x80: {  	_ =	shalt  }
0x81: {  	_ =	shalt  }
0x82: {  	_ =	shalt  }
0x83: {  	_ =	shalt  }
0x84: {  	_ =	shalt  }
0x85: {  	_ =	shalt  }
0x86: {  	_ =	shalt  }
0x87: {  	_ =	shalt  }
.Lfunc_end0:
.L_simem_size_0:
called_computation_lowered:
.L_overlay_start_0:
0x88: {  	s2 =	sld [smem:$0x3FD9]  }
0x89: {  	s3 =	sld [smem:$0x3FFE];
	_ =	sdelay $0x1  }
0x8a: {  	s1 =	srdreg.scid  }
0x8b: {  	s0 =	sand.u32 $0x1, s1  }
0x8c: {  	s14 =	sshll.u32 s0, $0xA;
	s2 =	sadd.s32 s3, s2  }
0x8d: {  	s2 =	sadd.s32 s2, s14  }
0x8e: {  	[smem:$0x3FC5] =	sst s2  }
0x8f: {  	_ = 	snop  }
0x90: {  	s2 =	sld [smem:$0x3FD0];
	_ =	sdelay $0x1  }
0x91: {  	s15 =	sld [smem:$0x3FC9]  }
0x92: {  	s5 =	simm.s32 $0xA;
	s6 =	simm.s32 $0x10;
	s4 =	sld [smem:$0x3FC8]  }
0x93: {  	[smem:s6], [sflag:s5] =	dma.local [hbm:s2], $0x1  }
0x94: {  	_ =	swait.eq [sflag:s5], $0x1  }
0x95: {  	[sflag:s5] =	ssyncset.done $0x0  }
0x96: {  	s16 =	sld [smem:$0x11];
	[sflag:s5] =	ssyncadd.s32 $0xFFFFFFFF  }
0x97: {  	s17 =	sld [smem:$0x12];
	(tm) =	ssettm $0x1  }
0x98: {  	s18 =	sld [smem:$0x3FFB];
	_ =	sdelay $0x3  }
0x99: {  	_ =	strace s18  }
0x9a: {  	s6 =	sld [smem:$0x3FFC];
	_ =	sdelay $0x3  }
0x9b: {  	_ =	strace s6  }
0x9c: {  	s6 =	sld [smem:$0x3FFD];
	_ =	sdelay $0x3  }
0x9d: {  	_ =	strace s6  }
0x9e: {  	_ =	strace $0x8FFFFFFF  }
0x9f: {  	s19 =	sld [smem:$0x3FDB];
	_ =	sdelay $0x1  }
0xa0: {  	s7 =	simm.s32 $_scs_section_size  }
0xa1: {  	s8 =	simm.s32 $_size__tile_overlayer_lowered;
	s9 =	simm.s32 $_tile_overlayer_lowered  }
0xa2: {  	s22 =	simm.s32 $0x1BFF;
	s21 =	sshll.u32 s9, $0x1;
	s6 =	sadd.s32 s7, s19  }
0xa3: {  	s10 =	simm.s32 $0x0;
	s20 =	sshll.u32 s8, $0x1;
	s8 =	sadd.s32 s21, s6  }
0xa4: {  	[timem:s10], [sflag:s22] =	dma.local [hbm:s8], s20  }
0xa5: {  	_ =	swait.ge [sflag:s22], s20  }
0xa6: {  	s7 =	ssub.s32 $0x0, s20;
	[sflag:s22] =	ssyncset.done $0x0  }
0xa7: {  	[sflag:s22] =	ssyncadd.s32 s7;
	_ =	sdelay $0x1  }
0xa8: {  	s23 =	simm.s32 $0x1B8B  }
0xa9: {  	_ =	swait.ge [sflag:s23], $0x1  }
0xaa: {  	[sflag:s23] =	ssyncset.done $0x0  }
0xab: {  	s25 =	simm.s32 $0x1B8E;
	s24 =	sld [smem:$0x3FFE];
	[sflag:s23] =	ssyncadd.s32 $0xFFFFFFFF  }
0xac: {  	s26 =	simm.s32 $execute0_lowered;
	[smem:$0x3FD2] =	sst s25  }
0xad: {  	s8 =	sshll.u32 s26, $0x1;
	_ =	strace $0x80000046;
	[dreg:$0x1] =	wrdreg $0xFFFFFFFF  }
0xae: {  	s28 =	simm.s32 $_size_execute0_lowered;
	s6 =	sadd.s32 s6, s8;
	[dreg:$0x0] =	wrdreg $0x0  }
0xaf: {  	s8 =	sshll.u32 s28, $0x1;
	[dreg:$0x2] =	wrdreg s6  }
0xb0: {  	[dreg:$0x3] =	wrdreg s8  }
0xb1: {  	[dreg:$0x4] =	wrdreg $0xC0  }
0xb2: {  	_ =	task [dreg:s10], $0x5FFFF  }
0xb3: {  	[dreg:$0x1] =	wrdreg $0xFFFFFFFF  }
0xb4: {  	[dreg:$0x0] =	wrdreg $0x60  }
0xb5: {  	[dreg:$0x2] =	wrdreg s17  }
0xb6: {  	[dreg:$0x3] =	wrdreg s24  }
0xb7: {  	[dreg:$0x4] =	wrdreg s15  }
0xb8: {  	[dreg:$0x5] =	wrdreg s4  }
0xb9: {  	[dreg:$0x6] =	wrdreg s16  }
0xba: {  	[dreg:$0x7] =	wrdreg $0x9  }
0xbb: {  	_ =	task.clear_ibuf [dreg:s10], $0x8FFFF;
	_ =	strace $0x90000046  }
0xbc: {  	s29 =	simm.s32 $0x9;
	_ =	strace $0x80000048  }
0xbd: {  	_ =	swait.ge [sflag:s29], $0x1  }
0xbe: {  	[sflag:s29] =	ssyncadd.s32 $0xFFFFFFFF  }
0xbf: {  	_ =	strace $0x90000048  }
0xc0: {  	_ =	sfence  }
0xc1: {  	s30 =	sld [smem:$0x0];
	_ =	sdelay $0x2  }
0xc2: {  	s31 =	sshll.u32 s1, $0xD;
	s1 =	sshrl.u32 s1, $0x2  }
0xc3: {  	s3 =	sand.u32 $0x4000, s31;
	s1 =	sadd.s32 s1, s30  }
0xc4: {  	s0 =	sor.u32 s3, s0;
	s1 =	sshll.u32 s1, $0x11  }
0xc5: {  	s0 =	sor.u32 s1, s0  }
0xc6: {  	s0 =	sadd.s32 $0x8F2B, s0  }
0xc7: {  	[sflag:s0] =	ssyncadd.remote.s32 $0x1  }
0xc8: {  	_ =	sfence.sel $0xFFFF  }
0xc9: {  	[dreg:$0x0] =	wrdreg $0xFFFFFFFF;
	(pc) =	sbr.abs _section_cstart, $3  }
0xca: {  	[dreg:$0x1] =	wrdreg $0xFFFFFFFF  }
0xcb: {  	_ =	task.clear_ibuf [dreg:s10], $0x2FFFF;
	_ =	strace $0x9FFFFFFF  }
0xcc: {  	(tm) =	ssettm $0x7FFFFFFF  }
0xcd: {  	_ =	shalt  }
tec
execute0_lowered:
.L_overlay_start_1:
0x0: {  	(tag) =	ssettag $0x1  }
0x1: {  	v0 =	vimm.f32 $1.500000000e+01  }
0x2: {  	vm15 =	vcmask $0x300;
	vm14 =	vcmask $0x704;
	v1 =	vimm.f32 $3.100000000e+01  }
0x3: {  	vm13 =	vcmask $0xB08;
	vm12 =	vcmask $0xF0C;
	vm11 =	vcmask $0x1310  }
0x4: {  	vm10 =	vcmask $0x1714;
	vm9 =	vcmask $0x1B18;
	vm8 =	vcmask $0x1F1C  }
0x5: {  	vm7 =	vcmask $0x2320;
	vm6 =	vcmask $0x2724;
	vm5 =	vcmask $0x2B28  }
0x6: {  	vm4 =	vcmask $0x2F2C;
	vm3 =	vcmask $0x3330;
	vm1 =	vcmask $0x3734  }
0x7: {  	vm2 =	vcmask $0x3B38;
	v2 =	vimm.f32 $4.700000000e+01;
	v3 =	vimm.f32 $6.300000000e+01  }
0x8: {  	v4 =	vimm.f32 $7.900000000e+01;
	v5 =	vimm.f32 $9.500000000e+01;
	v6 =	vimm.f32 $1.110000000e+02  }
0x9: {  	v7 =	vimm.f32 $1.270000000e+02;
	vm0 =	vmmov $0xffff;
	v8 =	vimm.f32 $1.430000000e+02  }
0xa: {  	v9 =	vimm.f32 $1.590000000e+02;
	v10 =	vimm.f32 $1.750000000e+02;
	v11 =	vimm.f32 $1.910000000e+02  }
0xb: {  	v12 =	vimm.f32 $2.070000000e+02;
	v13 =	vimm.f32 $2.230000000e+02;
	v14 =	vimm.f32 $2.390000000e+02  }
0xc: {  	v15 =	vimm.f32 $2.550000000e+02;
	v16 =	vimm.f32 $2.710000000e+02;
	v17 =	vimm.f32 $2.870000000e+02  }
0xd: {  	v18 =	vimm.f32 $3.030000000e+02;
	v19 =	vimm.f32 $3.190000000e+02;
	v20 =	vimm.f32 $3.350000000e+02  }
0xe: {  	v21 =	vimm.f32 $3.510000000e+02;
	v22 =	vimm.f32 $3.670000000e+02;
	v23 =	vimm.f32 $3.830000000e+02  }
0xf: {  	v24 =	vimm.f32 $3.990000000e+02;
	v25 =	vimm.f32 $4.150000000e+02;
	v26 =	vimm.f32 $4.310000000e+02  }
0x10: {  	v27 =	vimm.f32 $4.470000000e+02;
	v28 =	vimm.f32 $4.630000000e+02;
	v29 =	vimm.f32 $4.790000000e+02  }
0x11: {  	v30 =	vimm.f32 $4.950000000e+02;
	v31 =	vimm.f32 $5.110000000e+02;
	v32 =	vlaneseq.u32  }
0x12: {  	v0 =	vsel vm15, $0x0, v0;
	v1 =	vsel vm15, $0x41800000, v1;
	v2 =	vsel vm15, $0x42000000, v2  }
0x13: {  	v3 =	vsel vm15, $0x42400000, v3;
	v4 =	vsel vm15, $0x42800000, v4;
	v5 =	vsel vm15, $0x42A00000, v5  }
0x14: {  	v6 =	vsel vm15, $0x42C00000, v6;
	v7 =	vsel vm15, $0x42E00000, v7;
	v8 =	vsel vm15, $0x43000000, v8  }
0x15: {  	v9 =	vsel vm15, $0x43100000, v9;
	v10 =	vsel vm15, $0x43200000, v10;
	v11 =	vsel vm15, $0x43300000, v11  }
0x16: {  	v12 =	vsel vm15, $0x43400000, v12;
	v13 =	vsel vm15, $0x43500000, v13;
	v14 =	vsel vm15, $0x43600000, v14  }
0x17: {  	v15 =	vsel vm15, $0x43700000, v15;
	v16 =	vsel vm15, $0x43800000, v16;
	v17 =	vsel vm15, $0x43880000, v17  }
0x18: {  	v18 =	vsel vm15, $0x43900000, v18;
	v19 =	vsel vm15, $0x43980000, v19;
	v20 =	vsel vm15, $0x43A00000, v20  }
0x19: {  	v21 =	vsel vm15, $0x43A80000, v21;
	v22 =	vsel vm15, $0x43B00000, v22;
	v23 =	vsel vm15, $0x43B80000, v23  }
0x1a: {  	v24 =	vsel vm15, $0x43C00000, v24;
	v25 =	vsel vm15, $0x43C80000, v25;
	v26 =	vsel vm15, $0x43D00000, v26  }
0x1b: {  	v27 =	vsel vm15, $0x43D80000, v27;
	v28 =	vsel vm15, $0x43E00000, v28;
	v29 =	vsel vm15, $0x43E80000, v29  }
0x1c: {  	v30 =	vsel vm15, $0x43F00000, v30;
	v31 =	vsel vm15, $0x43F80000, v31;
	v0 =	vsel vm14, $0x3F800000, v0  }
0x1d: {  	v1 =	vsel vm14, $0x41880000, v1;
	v2 =	vsel vm14, $0x42040000, v2;
	v3 =	vsel vm14, $0x42440000, v3  }
0x1e: {  	v4 =	vsel vm14, $0x42820000, v4;
	v5 =	vsel vm14, $0x42A20000, v5;
	v6 =	vsel vm14, $0x42C20000, v6  }
0x1f: {  	v7 =	vsel vm14, $0x42E20000, v7;
	v8 =	vsel vm14, $0x43010000, v8;
	v9 =	vsel vm14, $0x43110000, v9  }
0x20: {  	v10 =	vsel vm14, $0x43210000, v10;
	v11 =	vsel vm14, $0x43310000, v11;
	v12 =	vsel vm14, $0x43410000, v12  }
0x21: {  	v13 =	vsel vm14, $0x43510000, v13;
	v14 =	vsel vm14, $0x43610000, v14;
	v15 =	vsel vm14, $0x43710000, v15  }
0x22: {  	v16 =	vsel vm14, $0x43808000, v16;
	v17 =	vsel vm14, $0x43888000, v17;
	v18 =	vsel vm14, $0x43908000, v18  }
0x23: {  	v19 =	vsel vm14, $0x43988000, v19;
	v20 =	vsel vm14, $0x43A08000, v20;
	v21 =	vsel vm14, $0x43A88000, v21  }
0x24: {  	v22 =	vsel vm14, $0x43B08000, v22;
	v23 =	vsel vm14, $0x43B88000, v23;
	v24 =	vsel vm14, $0x43C08000, v24  }
0x25: {  	v25 =	vsel vm14, $0x43C88000, v25;
	v26 =	vsel vm14, $0x43D08000, v26;
	v27 =	vsel vm14, $0x43D88000, v27  }
0x26: {  	v28 =	vsel vm14, $0x43E08000, v28;
	v29 =	vsel vm14, $0x43E88000, v29;
	v30 =	vsel vm14, $0x43F08000, v30  }
0x27: {  	v31 =	vsel vm14, $0x43F88000, v31;
	v0 =	vsel vm13, $0x40000000, v0;
	v1 =	vsel vm13, $0x41900000, v1  }
0x28: {  	v2 =	vsel vm13, $0x42080000, v2;
	v3 =	vsel vm13, $0x42480000, v3;
	v4 =	vsel vm13, $0x42840000, v4  }
0x29: {  	v5 =	vsel vm13, $0x42A40000, v5;
	v6 =	vsel vm13, $0x42C40000, v6;
	v7 =	vsel vm13, $0x42E40000, v7  }
0x2a: {  	v8 =	vsel vm13, $0x43020000, v8;
	v9 =	vsel vm13, $0x43120000, v9;
	v10 =	vsel vm13, $0x43220000, v10  }
0x2b: {  	v11 =	vsel vm13, $0x43320000, v11;
	v12 =	vsel vm13, $0x43420000, v12;
	v13 =	vsel vm13, $0x43520000, v13  }
0x2c: {  	v14 =	vsel vm13, $0x43620000, v14;
	v15 =	vsel vm13, $0x43720000, v15;
	v16 =	vsel vm13, $0x43810000, v16  }
0x2d: {  	v17 =	vsel vm13, $0x43890000, v17;
	v18 =	vsel vm13, $0x43910000, v18;
	v19 =	vsel vm13, $0x43990000, v19  }
0x2e: {  	v20 =	vsel vm13, $0x43A10000, v20;
	v21 =	vsel vm13, $0x43A90000, v21;
	v22 =	vsel vm13, $0x43B10000, v22  }
0x2f: {  	v23 =	vsel vm13, $0x43B90000, v23;
	v24 =	vsel vm13, $0x43C10000, v24;
	v25 =	vsel vm13, $0x43C90000, v25  }
0x30: {  	v26 =	vsel vm13, $0x43D10000, v26;
	v27 =	vsel vm13, $0x43D90000, v27;
	v28 =	vsel vm13, $0x43E10000, v28  }
0x31: {  	v29 =	vsel vm13, $0x43E90000, v29;
	v30 =	vsel vm13, $0x43F10000, v30;
	v31 =	vsel vm13, $0x43F90000, v31  }
0x32: {  	v0 =	vsel vm12, $0x40400000, v0;
	v1 =	vsel vm12, $0x41980000, v1;
	v2 =	vsel vm12, $0x420C0000, v2  }
0x33: {  	v3 =	vsel vm12, $0x424C0000, v3;
	v4 =	vsel vm12, $0x42860000, v4;
	v5 =	vsel vm12, $0x42A60000, v5  }
0x34: {  	v6 =	vsel vm12, $0x42C60000, v6;
	v7 =	vsel vm12, $0x42E60000, v7;
	v8 =	vsel vm12, $0x43030000, v8  }
0x35: {  	v9 =	vsel vm12, $0x43130000, v9;
	v10 =	vsel vm12, $0x43230000, v10;
	v11 =	vsel vm12, $0x43330000, v11  }
0x36: {  	v12 =	vsel vm12, $0x43430000, v12;
	v13 =	vsel vm12, $0x43530000, v13;
	v14 =	vsel vm12, $0x43630000, v14  }
0x37: {  	v15 =	vsel vm12, $0x43730000, v15;
	v16 =	vsel vm12, $0x43818000, v16;
	v17 =	vsel vm12, $0x43898000, v17  }
0x38: {  	v18 =	vsel vm12, $0x43918000, v18;
	v19 =	vsel vm12, $0x43998000, v19;
	v20 =	vsel vm12, $0x43A18000, v20  }
0x39: {  	v21 =	vsel vm12, $0x43A98000, v21;
	v22 =	vsel vm12, $0x43B18000, v22;
	v23 =	vsel vm12, $0x43B98000, v23  }
0x3a: {  	v24 =	vsel vm12, $0x43C18000, v24;
	v25 =	vsel vm12, $0x43C98000, v25;
	v26 =	vsel vm12, $0x43D18000, v26  }
0x3b: {  	v27 =	vsel vm12, $0x43D98000, v27;
	v28 =	vsel vm12, $0x43E18000, v28;
	v29 =	vsel vm12, $0x43E98000, v29  }
0x3c: {  	v30 =	vsel vm12, $0x43F18000, v30;
	v31 =	vsel vm12, $0x43F98000, v31;
	v0 =	vsel vm11, $0x40800000, v0  }
0x3d: {  	v1 =	vsel vm11, $0x41A00000, v1;
	v2 =	vsel vm11, $0x42100000, v2;
	v3 =	vsel vm11, $0x42500000, v3  }
0x3e: {  	v4 =	vsel vm11, $0x42880000, v4;
	v5 =	vsel vm11, $0x42A80000, v5;
	v6 =	vsel vm11, $0x42C80000, v6  }
0x3f: {  	v7 =	vsel vm11, $0x42E80000, v7;
	v8 =	vsel vm11, $0x43040000, v8;
	v9 =	vsel vm11, $0x43140000, v9  }
0x40: {  	v10 =	vsel vm11, $0x43240000, v10;
	v11 =	vsel vm11, $0x43340000, v11;
	v12 =	vsel vm11, $0x43440000, v12  }
0x41: {  	v13 =	vsel vm11, $0x43540000, v13;
	v14 =	vsel vm11, $0x43640000, v14;
	v15 =	vsel vm11, $0x43740000, v15  }
0x42: {  	v16 =	vsel vm11, $0x43820000, v16;
	v17 =	vsel vm11, $0x438A0000, v17;
	v18 =	vsel vm11, $0x43920000, v18  }
0x43: {  	v19 =	vsel vm11, $0x439A0000, v19;
	v20 =	vsel vm11, $0x43A20000, v20;
	v21 =	vsel vm11, $0x43AA0000, v21  }
0x44: {  	v22 =	vsel vm11, $0x43B20000, v22;
	v23 =	vsel vm11, $0x43BA0000, v23;
	v24 =	vsel vm11, $0x43C20000, v24  }
0x45: {  	v25 =	vsel vm11, $0x43CA0000, v25;
	v26 =	vsel vm11, $0x43D20000, v26;
	v27 =	vsel vm11, $0x43DA0000, v27  }
0x46: {  	v28 =	vsel vm11, $0x43E20000, v28;
	v29 =	vsel vm11, $0x43EA0000, v29;
	v30 =	vsel vm11, $0x43F20000, v30  }
0x47: {  	v31 =	vsel vm11, $0x43FA0000, v31;
	v0 =	vsel vm10, $0x40A00000, v0;
	v1 =	vsel vm10, $0x41A80000, v1  }
0x48: {  	v2 =	vsel vm10, $0x42140000, v2;
	v3 =	vsel vm10, $0x42540000, v3;
	v4 =	vsel vm10, $0x428A0000, v4  }
0x49: {  	v5 =	vsel vm10, $0x42AA0000, v5;
	v6 =	vsel vm10, $0x42CA0000, v6;
	v7 =	vsel vm10, $0x42EA0000, v7  }
0x4a: {  	v8 =	vsel vm10, $0x43050000, v8;
	v9 =	vsel vm10, $0x43150000, v9;
	v10 =	vsel vm10, $0x43250000, v10  }
0x4b: {  	v11 =	vsel vm10, $0x43350000, v11;
	v12 =	vsel vm10, $0x43450000, v12;
	v13 =	vsel vm10, $0x43550000, v13  }
0x4c: {  	v14 =	vsel vm10, $0x43650000, v14;
	v15 =	vsel vm10, $0x43750000, v15;
	v16 =	vsel vm10, $0x43828000, v16  }
0x4d: {  	v17 =	vsel vm10, $0x438A8000, v17;
	v18 =	vsel vm10, $0x43928000, v18;
	v19 =	vsel vm10, $0x439A8000, v19  }
0x4e: {  	v20 =	vsel vm10, $0x43A28000, v20;
	v21 =	vsel vm10, $0x43AA8000, v21;
	v22 =	vsel vm10, $0x43B28000, v22  }
0x4f: {  	v23 =	vsel vm10, $0x43BA8000, v23;
	v24 =	vsel vm10, $0x43C28000, v24;
	v25 =	vsel vm10, $0x43CA8000, v25  }
0x50: {  	v26 =	vsel vm10, $0x43D28000, v26;
	v27 =	vsel vm10, $0x43DA8000, v27;
	v28 =	vsel vm10, $0x43E28000, v28  }
0x51: {  	v29 =	vsel vm10, $0x43EA8000, v29;
	v30 =	vsel vm10, $0x43F28000, v30;
	v31 =	vsel vm10, $0x43FA8000, v31  }
0x52: {  	v0 =	vsel vm9, $0x40C00000, v0;
	v1 =	vsel vm9, $0x41B00000, v1;
	v2 =	vsel vm9, $0x42180000, v2  }
0x53: {  	v3 =	vsel vm9, $0x42580000, v3;
	v4 =	vsel vm9, $0x428C0000, v4;
	v5 =	vsel vm9, $0x42AC0000, v5  }
0x54: {  	v6 =	vsel vm9, $0x42CC0000, v6;
	v7 =	vsel vm9, $0x42EC0000, v7;
	v8 =	vsel vm9, $0x43060000, v8  }
0x55: {  	v9 =	vsel vm9, $0x43160000, v9;
	v10 =	vsel vm9, $0x43260000, v10;
	v11 =	vsel vm9, $0x43360000, v11  }
0x56: {  	v12 =	vsel vm9, $0x43460000, v12;
	v13 =	vsel vm9, $0x43560000, v13;
	v14 =	vsel vm9, $0x43660000, v14  }
0x57: {  	v15 =	vsel vm9, $0x43760000, v15;
	v16 =	vsel vm9, $0x43830000, v16;
	v17 =	vsel vm9, $0x438B0000, v17  }
0x58: {  	v18 =	vsel vm9, $0x43930000, v18;
	v19 =	vsel vm9, $0x439B0000, v19;
	v20 =	vsel vm9, $0x43A30000, v20  }
0x59: {  	v21 =	vsel vm9, $0x43AB0000, v21;
	v22 =	vsel vm9, $0x43B30000, v22;
	v23 =	vsel vm9, $0x43BB0000, v23  }
0x5a: {  	v24 =	vsel vm9, $0x43C30000, v24;
	v25 =	vsel vm9, $0x43CB0000, v25;
	v26 =	vsel vm9, $0x43D30000, v26  }
0x5b: {  	v27 =	vsel vm9, $0x43DB0000, v27;
	v28 =	vsel vm9, $0x43E30000, v28;
	v29 =	vsel vm9, $0x43EB0000, v29  }
0x5c: {  	v30 =	vsel vm9, $0x43F30000, v30;
	v31 =	vsel vm9, $0x43FB0000, v31;
	v0 =	vsel vm8, $0x40E00000, v0  }
0x5d: {  	v1 =	vsel vm8, $0x41B80000, v1;
	v2 =	vsel vm8, $0x421C0000, v2;
	v3 =	vsel vm8, $0x425C0000, v3  }
0x5e: {  	v4 =	vsel vm8, $0x428E0000, v4;
	v5 =	vsel vm8, $0x42AE0000, v5;
	v6 =	vsel vm8, $0x42CE0000, v6  }
0x5f: {  	v7 =	vsel vm8, $0x42EE0000, v7;
	v8 =	vsel vm8, $0x43070000, v8;
	v9 =	vsel vm8, $0x43170000, v9  }
0x60: {  	v10 =	vsel vm8, $0x43270000, v10;
	v11 =	vsel vm8, $0x43370000, v11;
	v12 =	vsel vm8, $0x43470000, v12  }
0x61: {  	v13 =	vsel vm8, $0x43570000, v13;
	v14 =	vsel vm8, $0x43670000, v14;
	v15 =	vsel vm8, $0x43770000, v15  }
0x62: {  	v16 =	vsel vm8, $0x43838000, v16;
	v17 =	vsel vm8, $0x438B8000, v17;
	v18 =	vsel vm8, $0x43938000, v18  }
0x63: {  	v19 =	vsel vm8, $0x439B8000, v19;
	v20 =	vsel vm8, $0x43A38000, v20;
	v21 =	vsel vm8, $0x43AB8000, v21  }
0x64: {  	v22 =	vsel vm8, $0x43B38000, v22;
	v23 =	vsel vm8, $0x43BB8000, v23;
	v24 =	vsel vm8, $0x43C38000, v24  }
0x65: {  	v25 =	vsel vm8, $0x43CB8000, v25;
	v26 =	vsel vm8, $0x43D38000, v26;
	v27 =	vsel vm8, $0x43DB8000, v27  }
0x66: {  	v28 =	vsel vm8, $0x43E38000, v28;
	v29 =	vsel vm8, $0x43EB8000, v29;
	v30 =	vsel vm8, $0x43F38000, v30  }
0x67: {  	v31 =	vsel vm8, $0x43FB8000, v31;
	v0 =	vsel vm7, $0x41000000, v0;
	v1 =	vsel vm7, $0x41C00000, v1  }
0x68: {  	v2 =	vsel vm7, $0x42200000, v2;
	v3 =	vsel vm7, $0x42600000, v3;
	v4 =	vsel vm7, $0x42900000, v4  }
0x69: {  	v5 =	vsel vm7, $0x42B00000, v5;
	v6 =	vsel vm7, $0x42D00000, v6;
	v7 =	vsel vm7, $0x42F00000, v7  }
0x6a: {  	v8 =	vsel vm7, $0x43080000, v8;
	v9 =	vsel vm7, $0x43180000, v9;
	v10 =	vsel vm7, $0x43280000, v10  }
0x6b: {  	v11 =	vsel vm7, $0x43380000, v11;
	v12 =	vsel vm7, $0x43480000, v12;
	v13 =	vsel vm7, $0x43580000, v13  }
0x6c: {  	v14 =	vsel vm7, $0x43680000, v14;
	v15 =	vsel vm7, $0x43780000, v15;
	v16 =	vsel vm7, $0x43840000, v16  }
0x6d: {  	v17 =	vsel vm7, $0x438C0000, v17;
	v18 =	vsel vm7, $0x43940000, v18;
	v19 =	vsel vm7, $0x439C0000, v19  }
0x6e: {  	v20 =	vsel vm7, $0x43A40000, v20;
	v21 =	vsel vm7, $0x43AC0000, v21;
	v22 =	vsel vm7, $0x43B40000, v22  }
0x6f: {  	v23 =	vsel vm7, $0x43BC0000, v23;
	v24 =	vsel vm7, $0x43C40000, v24;
	v25 =	vsel vm7, $0x43CC0000, v25  }
0x70: {  	v26 =	vsel vm7, $0x43D40000, v26;
	v27 =	vsel vm7, $0x43DC0000, v27;
	v28 =	vsel vm7, $0x43E40000, v28  }
0x71: {  	v29 =	vsel vm7, $0x43EC0000, v29;
	v30 =	vsel vm7, $0x43F40000, v30;
	v31 =	vsel vm7, $0x43FC0000, v31  }
0x72: {  	v0 =	vsel vm6, $0x41100000, v0;
	v1 =	vsel vm6, $0x41C80000, v1;
	v2 =	vsel vm6, $0x42240000, v2  }
0x73: {  	v3 =	vsel vm6, $0x42640000, v3;
	v4 =	vsel vm6, $0x42920000, v4;
	v5 =	vsel vm6, $0x42B20000, v5  }
0x74: {  	v6 =	vsel vm6, $0x42D20000, v6;
	v7 =	vsel vm6, $0x42F20000, v7;
	v8 =	vsel vm6, $0x43090000, v8  }
0x75: {  	v9 =	vsel vm6, $0x43190000, v9;
	v10 =	vsel vm6, $0x43290000, v10;
	v11 =	vsel vm6, $0x43390000, v11  }
0x76: {  	v12 =	vsel vm6, $0x43490000, v12;
	v13 =	vsel vm6, $0x43590000, v13;
	v14 =	vsel vm6, $0x43690000, v14  }
0x77: {  	v15 =	vsel vm6, $0x43790000, v15;
	v16 =	vsel vm6, $0x43848000, v16;
	v17 =	vsel vm6, $0x438C8000, v17  }
0x78: {  	v18 =	vsel vm6, $0x43948000, v18;
	v19 =	vsel vm6, $0x439C8000, v19;
	v20 =	vsel vm6, $0x43A48000, v20  }
0x79: {  	v21 =	vsel vm6, $0x43AC8000, v21;
	v22 =	vsel vm6, $0x43B48000, v22;
	v23 =	vsel vm6, $0x43BC8000, v23  }
0x7a: {  	v24 =	vsel vm6, $0x43C48000, v24;
	v25 =	vsel vm6, $0x43CC8000, v25;
	v26 =	vsel vm6, $0x43D48000, v26  }
0x7b: {  	v27 =	vsel vm6, $0x43DC8000, v27;
	v28 =	vsel vm6, $0x43E48000, v28;
	v29 =	vsel vm6, $0x43EC8000, v29  }
0x7c: {  	v30 =	vsel vm6, $0x43F48000, v30;
	v31 =	vsel vm6, $0x43FC8000, v31;
	v0 =	vsel vm5, $0x41200000, v0  }
0x7d: {  	v1 =	vsel vm5, $0x41D00000, v1;
	v2 =	vsel vm5, $0x42280000, v2;
	v3 =	vsel vm5, $0x42680000, v3  }
0x7e: {  	v4 =	vsel vm5, $0x42940000, v4;
	v5 =	vsel vm5, $0x42B40000, v5;
	v6 =	vsel vm5, $0x42D40000, v6  }
0x7f: {  	v7 =	vsel vm5, $0x42F40000, v7;
	v8 =	vsel vm5, $0x430A0000, v8;
	v9 =	vsel vm5, $0x431A0000, v9  }
0x80: {  	v10 =	vsel vm5, $0x432A0000, v10;
	v11 =	vsel vm5, $0x433A0000, v11;
	v12 =	vsel vm5, $0x434A0000, v12  }
0x81: {  	v13 =	vsel vm5, $0x435A0000, v13;
	v14 =	vsel vm5, $0x436A0000, v14;
	v15 =	vsel vm5, $0x437A0000, v15  }
0x82: {  	v16 =	vsel vm5, $0x43850000, v16;
	v17 =	vsel vm5, $0x438D0000, v17;
	v18 =	vsel vm5, $0x43950000, v18  }
0x83: {  	v19 =	vsel vm5, $0x439D0000, v19;
	v20 =	vsel vm5, $0x43A50000, v20;
	v21 =	vsel vm5, $0x43AD0000, v21  }
0x84: {  	v22 =	vsel vm5, $0x43B50000, v22;
	v23 =	vsel vm5, $0x43BD0000, v23;
	v24 =	vsel vm5, $0x43C50000, v24  }
0x85: {  	v25 =	vsel vm5, $0x43CD0000, v25;
	v26 =	vsel vm5, $0x43D50000, v26;
	v27 =	vsel vm5, $0x43DD0000, v27  }
0x86: {  	v28 =	vsel vm5, $0x43E50000, v28;
	v29 =	vsel vm5, $0x43ED0000, v29;
	v30 =	vsel vm5, $0x43F50000, v30  }
0x87: {  	v31 =	vsel vm5, $0x43FD0000, v31;
	v0 =	vsel vm4, $0x41300000, v0;
	v1 =	vsel vm4, $0x41D80000, v1  }
0x88: {  	v2 =	vsel vm4, $0x422C0000, v2;
	v3 =	vsel vm4, $0x426C0000, v3;
	v4 =	vsel vm4, $0x42960000, v4  }
0x89: {  	v5 =	vsel vm4, $0x42B60000, v5;
	v6 =	vsel vm4, $0x42D60000, v6;
	v7 =	vsel vm4, $0x42F60000, v7  }
0x8a: {  	v8 =	vsel vm4, $0x430B0000, v8;
	v9 =	vsel vm4, $0x431B0000, v9;
	v10 =	vsel vm4, $0x432B0000, v10  }
0x8b: {  	v11 =	vsel vm4, $0x433B0000, v11;
	v12 =	vsel vm4, $0x434B0000, v12;
	v13 =	vsel vm4, $0x435B0000, v13  }
0x8c: {  	v14 =	vsel vm4, $0x436B0000, v14;
	v15 =	vsel vm4, $0x437B0000, v15;
	v16 =	vsel vm4, $0x43858000, v16  }
0x8d: {  	v17 =	vsel vm4, $0x438D8000, v17;
	v18 =	vsel vm4, $0x43958000, v18;
	v19 =	vsel vm4, $0x439D8000, v19  }
0x8e: {  	v20 =	vsel vm4, $0x43A58000, v20;
	v21 =	vsel vm4, $0x43AD8000, v21;
	v22 =	vsel vm4, $0x43B58000, v22  }
0x8f: {  	v23 =	vsel vm4, $0x43BD8000, v23;
	v24 =	vsel vm4, $0x43C58000, v24;
	v25 =	vsel vm4, $0x43CD8000, v25  }
0x90: {  	v26 =	vsel vm4, $0x43D58000, v26;
	v27 =	vsel vm4, $0x43DD8000, v27;
	v28 =	vsel vm4, $0x43E58000, v28  }
0x91: {  	v29 =	vsel vm4, $0x43ED8000, v29;
	v30 =	vsel vm4, $0x43F58000, v30;
	v31 =	vsel vm4, $0x43FD8000, v31  }
0x92: {  	v0 =	vsel vm3, $0x41400000, v0;
	v1 =	vsel vm3, $0x41E00000, v1;
	v2 =	vsel vm3, $0x42300000, v2  }
0x93: {  	v3 =	vsel vm3, $0x42700000, v3;
	v4 =	vsel vm3, $0x42980000, v4;
	v5 =	vsel vm3, $0x42B80000, v5  }
0x94: {  	v6 =	vsel vm3, $0x42D80000, v6;
	v7 =	vsel vm3, $0x42F80000, v7;
	v8 =	vsel vm3, $0x430C0000, v8  }
0x95: {  	v9 =	vsel vm3, $0x431C0000, v9;
	v10 =	vsel vm3, $0x432C0000, v10;
	v11 =	vsel vm3, $0x433C0000, v11  }
0x96: {  	v12 =	vsel vm3, $0x434C0000, v12;
	v13 =	vsel vm3, $0x435C0000, v13;
	v14 =	vsel vm3, $0x436C0000, v14  }
0x97: {  	v15 =	vsel vm3, $0x437C0000, v15;
	v16 =	vsel vm3, $0x43860000, v16;
	v17 =	vsel vm3, $0x438E0000, v17  }
0x98: {  	v18 =	vsel vm3, $0x43960000, v18;
	v19 =	vsel vm3, $0x439E0000, v19;
	v20 =	vsel vm3, $0x43A60000, v20  }
0x99: {  	v21 =	vsel vm3, $0x43AE0000, v21;
	v22 =	vsel vm3, $0x43B60000, v22;
	v23 =	vsel vm3, $0x43BE0000, v23  }
0x9a: {  	v24 =	vsel vm3, $0x43C60000, v24;
	v25 =	vsel vm3, $0x43CE0000, v25;
	v26 =	vsel vm3, $0x43D60000, v26  }
0x9b: {  	v27 =	vsel vm3, $0x43DE0000, v27;
	v28 =	vsel vm3, $0x43E60000, v28;
	v29 =	vsel vm3, $0x43EE0000, v29  }
0x9c: {  	v30 =	vsel vm3, $0x43F60000, v30;
	v31 =	vsel vm3, $0x43FE0000, v31;
	v0 =	vsel vm1, $0x41500000, v0  }
0x9d: {  	v1 =	vsel vm1, $0x41E80000, v1;
	v2 =	vsel vm1, $0x42340000, v2;
	v3 =	vsel vm1, $0x42740000, v3  }
0x9e: {  	v4 =	vsel vm1, $0x429A0000, v4;
	v5 =	vsel vm1, $0x42BA0000, v5;
	v6 =	vsel vm1, $0x42DA0000, v6  }
0x9f: {  	v7 =	vsel vm1, $0x42FA0000, v7;
	v8 =	vsel vm1, $0x430D0000, v8;
	v9 =	vsel vm1, $0x431D0000, v9  }
0xa0: {  	s4 =	rddreg [dreg:$0x0];
	v10 =	vsel vm1, $0x432D0000, v10;
	v11 =	vsel vm1, $0x433D0000, v11;
	v12 =	vsel vm1, $0x434D0000, v12  }
0xa1: {  	s0 =	rddreg [dreg:$0x1];
	v13 =	vsel vm1, $0x435D0000, v13;
	v14 =	vsel vm1, $0x436D0000, v14;
	v15 =	vsel vm1, $0x437D0000, v15  }
0xa2: {  	s6 =	rddreg [dreg:$0x2];
	v16 =	vsel vm1, $0x43868000, v16;
	v17 =	vsel vm1, $0x438E8000, v17;
	v18 =	vsel vm1, $0x43968000, v18  }
0xa3: {  	s1 =	rddreg [dreg:$0x3];
	v19 =	vsel vm1, $0x439E8000, v19;
	v20 =	vsel vm1, $0x43A68000, v20;
	v21 =	vsel vm1, $0x43AE8000, v21  }
0xa4: {  	s2 =	srdreg.scid;
	s7 =	rddreg [dreg:$0x4];
	s3 =	simm.s32 $0x0;
	v22 =	vsel vm1, $0x43B68000, v22;
	v23 =	vsel vm1, $0x43BE8000, v23;
	v24 =	vsel vm1, $0x43C68000, v24  }
0xa5: {  	s16 =	simm.s32 $0x1300;
	s15 =	simm.s32 $0x1180;
	s17 =	simm.s32 $0x1B00;
	v25 =	vsel vm1, $0x43CE8000, v25;
	v26 =	vsel vm1, $0x43D68000, v26;
	v27 =	vsel vm1, $0x43DE8000, v27  }
0xa6: {  	s18 =	simm.s32 $0x1D00;
	s19 =	simm.s32 $0x0;
	[dreg:$0x6] =	wrdreg s1;
	v28 =	vsel vm1, $0x43E68000, v28;
	v29 =	vsel vm1, $0x43EE8000, v29;
	v30 =	vsel vm1, $0x43F68000, v30  }
0xa7: {  	s1 =	stileid.u32;
	s5 =	sand.u32 $0x1, s2;
	s2 =	rddreg [dreg:$0x5];
	v31 =	vsel vm1, $0x43FE8000, v31;
	v0 =	vsel vm2, $0x41600000, v0;
	v1 =	vsel vm2, $0x41F00000, v1  }
0xa8: {  	[smem:$0x7FF] =	sst s3;
	s8 =	sshll.u32 s1, $0x6;
	s9 =	sshll.u32 s5, $0x5;
	v2 =	vsel vm2, $0x42380000, v2;
	v3 =	vsel vm2, $0x42780000, v3;
	v4 =	vsel vm2, $0x429C0000, v4  }
0xa9: {  	_ =	strace $0x80000047;
	s10 =	sshll.u32 s1, $0x8;
	s5 =	ssub.s32 $0x2, s5;
	v5 =	vsel vm2, $0x42BC0000, v5;
	v6 =	vsel vm2, $0x42DC0000, v6;
	v7 =	vsel vm2, $0x42FC0000, v7  }
0xaa: {  	[dreg:$0x7] =	wrdreg s16;
	s16 =	simm.s32 $0x400;
	s8 =	sor.u32 s9, s8;
	v8 =	vsel vm2, $0x430E0000, v8;
	v9 =	vsel vm2, $0x431E0000, v9;
	v10 =	vsel vm2, $0x432E0000, v10  }
0xab: {  	s10 =	sand.u32 $0xE00, s10;
	s12 =	sshrl.u32 s5, $0x1;
	s9 =	sshll.u32 s8, $0x4;
	v11 =	vsel vm2, $0x433E0000, v11;
	v12 =	vsel vm2, $0x434E0000, v12;
	v13 =	vsel vm2, $0x435E0000, v13  }
0xac: {  	s11 =	sand.u32 $0x60, s8;
	s8 =	sshrl.u32 s8, $0x3;
	s12 =	ssub.s32 s5, s12;
	v14 =	vsel vm2, $0x436E0000, v14;
	v15 =	vsel vm2, $0x437E0000, v15;
	v16 =	vsel vm2, $0x43870000, v16  }
0xad: {  	s9 =	sadd.s32 s9, s0;
	s10 =	sor.u32 s10, s11;
	s31 =	sadd.s32 s8, s0;
	v17 =	vsel vm2, $0x438F0000, v17;
	v18 =	vsel vm2, $0x43970000, v18;
	v19 =	vsel vm2, $0x439F0000, v19  }
0xae: {  	s4 =	sadd.s32 s4, s8;
	s7 =	sadd.s32 s7, s8;
	s11 =	simm.s32 $0x80;
	v20 =	vsel vm2, $0x43A70000, v20;
	v21 =	vsel vm2, $0x43AF0000, v21;
	v22 =	vsel vm2, $0x43B70000, v22  }
0xaf: {  	s10 =	sshrl.u32 s10, $0x3;
	s5 =	sadd.s32 $0x200000, s9;
	s8 =	sadd.s32 $0x2000, s31;
	v23 =	vsel vm2, $0x43BF0000, v23;
	v24 =	vsel vm2, $0x43C70000, v24;
	v25 =	vsel vm2, $0x43CF0000, v25  }
0xb0: {  	s9 =	smax.u32 s12, $0x1;
	s12 =	simm.s32 $0x1080;
	s6 =	sadd.s32 s6, s10;
	v26 =	vsel vm2, $0x43D70000, v26;
	v27 =	vsel vm2, $0x43DF0000, v27;
	v28 =	vsel vm2, $0x43E70000, v28  }
0xb1: {  	s10 =	simm.s32 $0x1;
	s13 =	sadd.s32 $0x10, s6;
	s14 =	sadd.s32 $0x20, s6;
	v29 =	vsel vm2, $0x43EF0000, v29;
	v30 =	vsel vm2, $0x43F70000, v30;
	v31 =	vsel vm2, $0x43FF0000, v31  }
.LBB2_1:
0xb2: {  	[tilespmem:s3], [sflag:$0x1] =	stream.linear.gather [hbm4b:s4+s3], $0x20, $0x38;
	[tilespmem:$0x1D80] =	vst v63  }
0xb3: {  	_ =	swait.ge [sflag:s10], $0x20  }
0xb4: {  	[sflag:s10] =	ssyncset.done $0x0  }
0xb5: {  	[sflag:s10] =	ssyncadd.s32 $0xFFFFFFE0  }
0xb6: {  	[tilespmem:s11], [sflag:$0x1] =	stream.linear.gather [hbm4b:s5+s3], $0x1000, $0x38;
	[tilespmem:$0x1D80] =	vst v63  }
0xb7: {  	_ =	swait.ge [sflag:s10], $0x1000  }
0xb8: {  	[sflag:s10] =	ssyncset.done $0x0  }
0xb9: {  	[sflag:s10] =	ssyncadd.s32 $0xFFFFF000  }
0xba: {  	[tilespmem:s12], [sflag:$0x1] =	stream.linear.gather [hbm4b:s6+s3], $0x20, $0x38;
	[tilespmem:$0x1D80] =	vst v63  }
0xbb: {  	s20 =	simm.s32 $0x1100  }
0xbc: {  	[tilespmem:s20], [sflag:$0x1] =	stream.linear.gather [hbm4b:s13+s3], $0x20, $0x38;
	[tilespmem:$0x1D80] =	vst v63  }
0xbd: {  	_ = 	snop  }
0xbe: {  	[tilespmem:s15], [sflag:$0x1] =	stream.linear.gather [hbm4b:s14+s3], $0x20, $0x38;
	[tilespmem:$0x1D80] =	vst v63  }
0xbf: {  	_ =	swait.ge [sflag:s10], $0x60  }
0xc0: {  	[sflag:s10] =	ssyncset.done $0x0  }
0xc1: {  	s21 =	simm.s32 $0x1280;
	[sflag:s10] =	ssyncadd.s32 $0xFFFFFFA0  }
0xc2: {  	[tilespmem:s21], [sflag:$0x1] =	stream.linear.gather [hbm4b:s7+s3], $0x20, $0x38;
	[tilespmem:$0x1D80] =	vst v63  }
0xc3: {  	_ =	swait.ge [sflag:s10], $0x20  }
0xc4: {  	s22 =	simm.s32 $0xC0;
	[sflag:s10] =	ssyncset.done $0x0  }
0xc5: {  	v33 =	vimm.s32 $0x0;
	s23 =	simm.s32 $0x0;
	v34 =	vimm.s32 $0x0;
	s24 =	simm.s32 $0x0;
	[sflag:s10] =	ssyncadd.s32 $0xFFFFFFE0  }
.LBB2_2:
0xc6: {  	v36 =	vld [tilespmem:s22+$0xFFFFFFC0]  }
0xc7: {  	v37 =	vld [tilespmem:s22+$0xFFFFFFD0]  }
0xc8: {  	v35 =	vld.msk [tilespmem:s23+$0x0 ss:$0x0], $0xffff  }
0xc9: {  	v38 =	vld [tilespmem:s22+$0xFFFFFFE0]  }
0xca: {  	v39 =	vld [tilespmem:s22+$0xFFFFFFF0]  }
0xcb: {  	v40 =	vld [tilespmem:s22+$0x0]  }
0xcc: {  	v42 =	vld [tilespmem:s22+$0x20]  }
0xcd: {  	v60 =	vld [tilespmem:s22+$0x30]  }
0xce: {  	v57 =	vld [tilespmem:s22+$0x10];
	_ =	sdelay $0x1  }
0xcf: {  	v36 =	vmax.f32 v36, $9.999999960e-13  }
0xd0: {  	v37 =	vmax.f32 v37, $9.999999960e-13;
	v38 =	vmax.f32 v38, $9.999999960e-13;
	v59 =	vmax.f32 v39, $9.999999960e-13  }
0xd1: {  	v62 =	vmax.f32 v40, $9.999999960e-13;
	v42 =	vmax.f32 v42, $9.999999960e-13;
	v44 =	vmax.f32 v60, $9.999999960e-13  }
0xd2: {  	vm1 =	vle.f32 v36, v35;
	vm2 =	vle.f32 v37, v35;
	v36 =	vmax.f32 v57, $9.999999960e-13  }
0xd3: {  	v58 =	vnsel vm1, $0x4B800000, v0;
	v41 =	vnsel vm2, $0x4B800000, v1;
	vm1 =	vle.f32 v38, v35  }
0xd4: {  	v37 =	vmin.f32 v58, v41;
	v61 =	vnsel vm1, $0x4B800000, v2;
	vm1 =	vle.f32 v59, v35  }
0xd5: {  	v37 =	vmin.f32 v37, v61;
	v63 =	vnsel vm1, $0x4B800000, v3;
	vm1 =	vle.f32 v62, v35  }
0xd6: {  	v37 =	vmin.f32 v37, v63;
	v38 =	vnsel vm1, $0x4B800000, v4;
	vm1 =	vle.f32 v36, v35  }
0xd7: {  	v37 =	vmin.f32 v37, v38;
	v43 =	vnsel vm1, $0x4B800000, v5;
	vm1 =	vle.f32 v42, v35  }
0xd8: {  	v37 =	vmin.f32 v37, v43;
	v45 =	vnsel vm1, $0x4B800000, v6;
	vm1 =	vle.f32 v44, v35  }
0xd9: {  	v46 =	vmin.f32 v37, v45;
	v47 =	vnsel vm1, $0x4B800000, v7  }
0xda: {  	v36 =	vmin.f32 v46, v47  }
0xdb: {  	(xrf0) =	vmin.scan.msk.f32 $0xffff, v36;
	_ =	sdelay $0x5  }
0xdc: {  	v36, _, _ =	vpop (xrf0)  }
0xdd: {  	(v2sf) =	vpush v36, $0xF;
	_ =	sdelay $0xe  }
0xde: {  	s25 =	spop (v2sf)  }
0xdf: {  	s26 =	scvt.f32.s32 s25;
	_ =	sdelay $0x1  }
0xe0: {  	s28 =	sshll.u32 s26, $0x8  }
0xe1: {  	s30 =	rddreg [dreg:$0x6];
	s28 =	sand.u32 $0x1FFFFF00, s28  }
0xe2: {  	s29 =	rddreg [dreg:$0x7];
	s25 =	sadd.s32 s30, s28  }
0xe3: {  	[tilespmem:s29], [sflag:$0x1] =	stream.linear.gather [hbm4b:s25+s3], $0x800, $0x38;
	[tilespmem:$0x1D80] =	vst v63  }
0xe4: {  	s25 =	sshll.u32 s26, $0x9;
	s26 =	sshll.u32 s26, $0x7  }
0xe5: {  	s31 =	sand.u32 $0xFFFFF000, s25;
	s26 =	sand.u32 $0x380, s26  }
0xe6: {  	_ =	swait.ge [sflag:s10], $0x800;
	s26 =	sor.u32 s26, s31  }
0xe7: {  	[sflag:s10] =	ssyncset.done $0x0;
	s26 =	sshrl.u32 s26, $0x3  }
0xe8: {  	[sflag:s10] =	ssyncadd.s32 $0xFFFFF800;
	s26 =	sadd.s32 s0, s26  }
0xe9: {  	[tilespmem:s17], [sflag:$0x1] =	stream.strided.gather [hbm4b:s26+s11], $0x200, s16, s11, $0x38;
	[tilespmem:$0x1D80] =	vst v63  }
0xea: {  	_ =	swait.ge [sflag:s10], $0x200  }
0xeb: {  	[sflag:s10] =	ssyncset.done $0x0  }
0xec: {  	[sflag:s10] =	ssyncadd.s32 $0xFFFFFE00  }
0xed: {  	v48 =	vld.msk [tilespmem:s20+$0xFFFFFF80 ss:$0x0], $0xffff  }
0xee: {  	v49 =	vld.msk [tilespmem:s20+$0x0 ss:$0x0], $0xffff  }
0xef: {  	v50 =	vld.msk [tilespmem:s20+$0x80 ss:$0x0], $0xffff  }
0xf0: {  	v53 =	vld [tilespmem:$0x1300]  }
0xf1: {  	v54 =	vld [tilespmem:$0x1380]  }
0xf2: {  	v43 =	vld [tilespmem:$0x1400];
	_ =	sdelay $0x2  }
0xf3: {  	v61 =	vld [tilespmem:$0x1310];
	v51 =	vshrl.u32 v48, $0x10  }
0xf4: {  	v46 =	vld [tilespmem:$0x1410];
	v52 =	vshrl.u32 v49, $0x10;
	v56 =	vshrl.u32 v50, $0x10;
	v58 =	vshrl.u32 v53, $0x10  }
0xf5: {  	v59 =	vshrl.u32 v54, $0x10;
	v60 =	vshrl.u32 v43, $0x10;
	v38 =	vand.u32 $0x1, v51  }
0xf6: {  	v40 =	vand.u32 $0x1, v52;
	v57 =	vand.u32 $0x1, v56;
	v39 =	vand.u32 $0x1, v58  }
0xf7: {  	v41 =	vand.u32 $0x1, v60;
	v36 =	vadd.s32 v38, v48;
	v37 =	vadd.s32 v40, v49  }
0xf8: {  	v40 =	vand.u32 $0x1, v59;
	v39 =	vadd.s32 v39, v53;
	v41 =	vadd.s32 v41, v43  }
0xf9: {  	v49 =	vshrl.u32 v61, $0x10;
	v53 =	vshrl.u32 v46, $0x10;
	v36 =	vadd.s32 $0x7FFF, v36  }
0xfa: {  	v62 =	vld [tilespmem:$0x1390];
	v37 =	vadd.s32 $0x7FFF, v37;
	v40 =	vadd.s32 v40, v54;
	v39 =	vadd.s32 $0x7FFF, v39  }
0xfb: {  	v41 =	vadd.s32 $0x7FFF, v41;
	v49 =	vand.u32 $0x1, v49;
	v36 =	vand.u32 $0xFFFF0000, v36  }
0xfc: {  	v55 =	vand.u32 $0xFFFF0000, v37;
	v40 =	vadd.s32 $0x7FFF, v40;
	v39 =	vand.u32 $0xFFFF0000, v39  }
0xfd: {  	v41 =	vand.u32 $0xFFFF0000, v41;
	v42 =	vadd.s32 v49, v61;
	v49 =	vand.u32 $0x1, v53  }
0xfe: {  	v37 =	vmul.f32 $-2.000000000e+00, v36;
	v38 =	vmul.f32 $-2.000000000e+00, v55;
	v36 =	vadd.s32 v57, v50  }
0xff: {  	v40 =	vand.u32 $0xFFFF0000, v40;
	v50 =	vshrl.u32 v62, $0x10;
	v36 =	vadd.s32 $0x7FFF, v36  }
0x100: {  	v44 =	vand.u32 $0xFFFF0000, v36;
	v45 =	vmul.f32 v39, v37;
	v40 =	vmul.f32 v40, v38  }
0x101: {  	v42 =	vadd.s32 $0x7FFF, v42;
	v46 =	vadd.s32 v49, v46;
	v36 =	vld.msk [tilespmem:s21+$0x0 ss:$0x0], $0xffff;
	v39 =	vmul.f32 $-2.000000000e+00, v44  }
0x102: {  	v50 =	vand.u32 $0x1, v50;
	v42 =	vand.u32 $0xFFFF0000, v42;
	v63 =	vadd.f32 v40, v45  }
0x103: {  	v46 =	vadd.s32 $0x7FFF, v46;
	v43 =	vadd.s32 v50, v62;
	v41 =	vmul.f32 v41, v39  }
0x104: {  	v42 =	vmul.f32 v42, v37;
	v43 =	vadd.s32 $0x7FFF, v43;
	v47 =	vsub.f32 v63, v45  }
0x105: {  	v46 =	vand.u32 $0xFFFF0000, v46;
	v43 =	vand.u32 $0xFFFF0000, v43;
	v48 =	vadd.f32 v41, v63  }
0x106: {  	v43 =	vmul.f32 v43, v38;
	vm1 =	veq.f32 v36, v36;
	v51 =	vsub.f32 v63, v47  }
0x107: {  	v53 =	vld [tilespmem:$0x13A0];
	v46 =	vmul.f32 v46, v39;
	vm1 =	vmand vm1, vm0;
	v52 =	vsub.f32 v48, v63  }
0x108: {  	v50 =	vld [tilespmem:$0x1320];
	v40 =	vsub.f32 v40, v47;
	v48 =	vnsel vm1, $0x4B800000, v48;
	v54 =	vnsel vm1, $0x0, v51  }
0x109: {  	v51 =	vadd.f32 v43, v42;
	v55 =	vnsel vm1, $0x4B800000, v52;
	v45 =	vsub.f32 v45, v54  }
0x10a: {  	v41 =	vsub.f32 v41, v52;
	v56 =	vsub.f32 v48, v55  }
0x10b: {  	v57 =	vsub.f32 v51, v42;
	v58 =	vadd.f32 v46, v51  }
0x10c: {  	v62 =	vld [tilespmem:$0x1420];
	v55 =	vshrl.u32 v53, $0x10;
	v40 =	vadd.f32 v45, v40;
	v44 =	vsub.f32 v63, v56  }
0x10d: {  	v59 =	vsub.f32 v51, v57;
	v54 =	vsub.f32 v58, v51;
	v63 =	vshrl.u32 v50, $0x10  }
0x10e: {  	v43 =	vsub.f32 v43, v57;
	v57 =	vand.u32 $0x1, v55;
	v56 =	vand.u32 $0x1, v63  }
0x10f: {  	v41 =	vadd.f32 v44, v41;
	v60 =	vnsel vm1, $0x0, v59;
	v44 =	vnsel vm1, $0x4B800000, v58  }
0x110: {  	v61 =	vnsel vm1, $0x4B800000, v54;
	v47 =	vadd.s32 v56, v50;
	v58 =	vadd.s32 v57, v53  }
0x111: {  	v63 =	vld [tilespmem:$0x1B10];
	v46 =	vsub.f32 v46, v54;
	v59 =	vshrl.u32 v62, $0x10;
	v42 =	vsub.f32 v42, v60  }
0x112: {  	v49 =	vld [tilespmem:$0x1330];
	v45 =	vsub.f32 v44, v61;
	v47 =	vadd.s32 $0x7FFF, v47;
	v50 =	vadd.s32 $0x7FFF, v58  }
0x113: {  	v60 =	vld [tilespmem:$0x1B00];
	v47 =	vand.u32 $0xFFFF0000, v47;
	v50 =	vand.u32 $0xFFFF0000, v50;
	v40 =	vadd.f32 v41, v40  }
0x114: {  	v45 =	vsub.f32 v51, v45;
	v47 =	vmul.f32 v47, v37;
	v51 =	vand.u32 $0x1, v59  }
0x115: {  	v50 =	vmul.f32 v50, v38;
	v61 =	vadd.f32 v42, v43;
	v62 =	vadd.s32 v51, v62  }
0x116: {  	v54 =	vld [tilespmem:$0x1430];
	v40 =	vnsel vm1, $0x4B800000, v40;
	v43 =	vadd.f32 v63, v36;
	v45 =	vadd.f32 v45, v46  }
0x117: {  	v51 =	vld [tilespmem:$0x13B0];
	v42 =	vadd.s32 $0x7FFF, v62;
	v46 =	vadd.f32 v50, v47;
	v40 =	vadd.f32 v40, v48  }
0x118: {  	v62 =	vshrl.u32 v49, $0x10;
	v42 =	vand.u32 $0xFFFF0000, v42;
	v57 =	vadd.f32 v60, v36  }
0x119: {  	v53 =	vand.u32 $0x1, v62;
	v41 =	vadd.f32 v45, v61;
	v42 =	vmul.f32 v42, v39  }
0x11a: {  	v45 =	vsub.f32 v46, v47;
	v49 =	vadd.s32 v53, v49;
	v40 =	vadd.f32 v40, v57  }
0x11b: {  	v57 =	vshrl.u32 v54, $0x10;
	v49 =	vadd.s32 $0x7FFF, v49;
	v41 =	vnsel vm1, $0x4B800000, v41  }
0x11c: {  	v58 =	vsub.f32 v46, v45;
	v59 =	vadd.f32 v42, v46;
	v63 =	vshrl.u32 v51, $0x10  }
0x11d: {  	v53 =	vand.u32 $0x1, v57;
	v49 =	vand.u32 $0xFFFF0000, v49;
	v45 =	vsub.f32 v50, v45  }
0x11e: {  	v41 =	vadd.f32 v41, v44;
	v55 =	vand.u32 $0x1, v63;
	v53 =	vadd.s32 v53, v54  }
0x11f: {  	v49 =	vmul.f32 v49, v37;
	v40 =	vmax.f32 v40, $9.999999960e-13;
	v51 =	vadd.s32 v55, v51  }
0x120: {  	v60 =	vnsel vm1, $0x0, v58;
	v61 =	vsub.f32 v59, v46;
	v51 =	vadd.s32 $0x7FFF, v51  }
0x121: {  	v52 =	vnsel vm1, $0x4B800000, v59;
	v53 =	vadd.s32 $0x7FFF, v53;
	v51 =	vand.u32 $0xFFFF0000, v51  }
0x122: {  	vm2 =	vle.f32 v40, v35;
	v56 =	vnsel vm1, $0x4B800000, v61;
	v51 =	vmul.f32 v51, v38  }
0x123: {  	v44 =	vsub.f32 v47, v60;
	v53 =	vand.u32 $0xFFFF0000, v53;
	v58 =	vsub.f32 v52, v56  }
0x124: {  	v40 =	vadd.f32 v41, v43;
	v50 =	vmul.f32 v53, v39;
	v53 =	vadd.f32 v51, v49  }
0x125: {  	v42 =	vsub.f32 v42, v61;
	v61 =	vld [tilespmem:$0x13C0];
	v46 =	vsub.f32 v46, v58  }
0x126: {  	v54 =	vld [tilespmem:$0x1340];
	v44 =	vadd.f32 v44, v45;
	v59 =	vsub.f32 v53, v49  }
0x127: {  	v60 =	vadd.f32 v50, v53;
	v42 =	vadd.f32 v46, v42  }
0x128: {  	v40 =	vmax.f32 v40, $9.999999960e-13;
	v46 =	vnsel vm2, $0x4B800000, v0;
	v62 =	vsub.f32 v53, v59  }
0x129: {  	vm2 =	vle.f32 v40, v35;
	v63 =	vsub.f32 v60, v53;
	v41 =	vadd.f32 v42, v44  }
0x12a: {  	v58 =	vld [tilespmem:$0x1440];
	v43 =	vnsel vm1, $0x4B800000, v60;
	v47 =	vsub.f32 v51, v59;
	v60 =	vshrl.u32 v61, $0x10  }
0x12b: {  	v59 =	vshrl.u32 v54, $0x10;
	v51 =	vand.u32 $0x1, v60;
	v56 =	vnsel vm1, $0x0, v62  }
0x12c: {  	v57 =	vnsel vm1, $0x4B800000, v63;
	v50 =	vsub.f32 v50, v63;
	v45 =	vadd.s32 v51, v61;
	v61 =	vld [tilespmem:$0x1B20]  }
0x12d: {  	v63 =	vld [tilespmem:$0x1B30];
	v41 =	vnsel vm1, $0x4B800000, v41;
	v42 =	vsub.f32 v49, v56;
	v44 =	vsub.f32 v43, v57  }
0x12e: {  	v49 =	vand.u32 $0x1, v59;
	v45 =	vadd.s32 $0x7FFF, v45;
	v41 =	vadd.f32 v41, v52;
	v52 =	vld [tilespmem:$0x13D0]  }
0x12f: {  	v56 =	vshrl.u32 v58, $0x10;
	v49 =	vadd.s32 v49, v54;
	v44 =	vsub.f32 v53, v44  }
0x130: {  	v45 =	vand.u32 $0xFFFF0000, v45;
	v42 =	vadd.f32 v42, v47;
	v62 =	vadd.s32 $0x7FFF, v49  }
0x131: {  	v45 =	vmul.f32 v45, v38;
	v49 =	vld [tilespmem:$0x1450];
	v47 =	vand.u32 $0xFFFF0000, v62;
	v44 =	vadd.f32 v44, v50  }
0x132: {  	v47 =	vmul.f32 v47, v37;
	v50 =	vand.u32 $0x1, v56;
	v51 =	vadd.f32 v61, v36  }
0x133: {  	v57 =	vadd.s32 v50, v58;
	v58 =	vadd.f32 v63, v36;
	v62 =	vshrl.u32 v52, $0x10  }
0x134: {  	v42 =	vadd.f32 v44, v42;
	v48 =	vadd.f32 v45, v47;
	v44 =	vadd.s32 $0x7FFF, v57  }
0x135: {  	v50 =	vld [tilespmem:$0x1350];
	v40 =	vadd.f32 v41, v51;
	v51 =	vnsel vm2, $0x4B800000, v1;
	v55 =	vand.u32 $0x1, v62  }
0x136: {  	v44 =	vand.u32 $0xFFFF0000, v44;
	v52 =	vadd.s32 v55, v52;
	v57 =	vshrl.u32 v49, $0x10  }
0x137: {  	v46 =	vmin.f32 v46, v51;
	v42 =	vnsel vm1, $0x4B800000, v42;
	v53 =	vsub.f32 v48, v47  }
0x138: {  	v44 =	vmul.f32 v44, v39;
	v52 =	vadd.s32 $0x7FFF, v52;
	v40 =	vmax.f32 v40, $9.999999960e-13  }
0x139: {  	v42 =	vadd.f32 v42, v43;
	v52 =	vand.u32 $0xFFFF0000, v52;
	vm2 =	vle.f32 v40, v35  }
0x13a: {  	v59 =	vsub.f32 v48, v53;
	v60 =	vadd.f32 v44, v48;
	v61 =	vshrl.u32 v50, $0x10  }
0x13b: {  	v52 =	vmul.f32 v52, v38;
	v45 =	vsub.f32 v45, v53;
	v54 =	vand.u32 $0x1, v61  }
0x13c: {  	v62 =	vnsel vm2, $0x4B800000, v2;
	v42 =	vadd.f32 v42, v58;
	v50 =	vadd.s32 v54, v50  }
0x13d: {  	v63 =	vsub.f32 v60, v48;
	v54 =	vand.u32 $0x1, v57;
	v50 =	vadd.s32 $0x7FFF, v50  }
0x13e: {  	v51 =	vld [tilespmem:$0x1360];
	v43 =	vnsel vm1, $0x4B800000, v60;
	v49 =	vadd.s32 v54, v49;
	v50 =	vand.u32 $0xFFFF0000, v50  }
0x13f: {  	v49 =	vadd.s32 $0x7FFF, v49;
	v58 =	vnsel vm1, $0x4B800000, v63;
	v50 =	vmul.f32 v50, v37  }
0x140: {  	v41 =	vnsel vm1, $0x0, v59;
	v49 =	vand.u32 $0xFFFF0000, v49;
	v54 =	vsub.f32 v43, v58  }
0x141: {  	v41 =	vsub.f32 v47, v41;
	v49 =	vmul.f32 v49, v39;
	v55 =	vadd.f32 v52, v50  }
0x142: {  	v46 =	vmin.f32 v46, v62;
	v61 =	vsub.f32 v44, v63;
	v59 =	vsub.f32 v48, v54;
	v54 =	vld [tilespmem:$0x13E0]  }
0x143: {  	v57 =	vshrl.u32 v51, $0x10;
	v60 =	vadd.f32 v49, v55;
	v44 =	vsub.f32 v55, v50  }
0x144: {  	v42 =	vmax.f32 v42, $9.999999960e-13;
	v41 =	vadd.f32 v41, v45;
	v40 =	vadd.f32 v59, v61  }
0x145: {  	vm2 =	vle.f32 v42, v35;
	v61 =	vld [tilespmem:$0x1B40];
	v45 =	vsub.f32 v60, v55;
	v63 =	vsub.f32 v55, v44  }
0x146: {  	v48 =	vnsel vm1, $0x4B800000, v60;
	v40 =	vadd.f32 v40, v41;
	v52 =	vsub.f32 v52, v44  }
0x147: {  	v58 =	vshrl.u32 v54, $0x10;
	v60 =	vnsel vm1, $0x4B800000, v45;
	v62 =	vnsel vm1, $0x0, v63  }
0x148: {  	v40 =	vnsel vm1, $0x4B800000, v40;
	v45 =	vsub.f32 v49, v45;
	v63 =	vsub.f32 v48, v60  }
0x149: {  	v44 =	vand.u32 $0x1, v58;
	v41 =	vsub.f32 v50, v62;
	v40 =	vadd.f32 v40, v43  }
0x14a: {  	v47 =	vld [tilespmem:$0x1460];
	v59 =	vadd.f32 v61, v36;
	v43 =	vand.u32 $0x1, v57;
	v62 =	vadd.s32 v44, v54  }
0x14b: {  	v60 =	vld [tilespmem:$0x1370];
	v61 =	vadd.s32 v43, v51;
	v43 =	vadd.s32 $0x7FFF, v62;
	v53 =	vsub.f32 v55, v63  }
0x14c: {  	v41 =	vadd.f32 v41, v52;
	v63 =	vld [tilespmem:$0x13F0];
	v42 =	vadd.s32 $0x7FFF, v61;
	v43 =	vand.u32 $0xFFFF0000, v43  }
0x14d: {  	v40 =	vadd.f32 v40, v59;
	v42 =	vand.u32 $0xFFFF0000, v42;
	v55 =	vadd.f32 v53, v45  }
0x14e: {  	v49 =	vnsel vm2, $0x4B800000, v3;
	v43 =	vmul.f32 v43, v38;
	v42 =	vmul.f32 v42, v37  }
0x14f: {  	v53 =	vld [tilespmem:$0x1470];
	v40 =	vmax.f32 v40, $9.999999960e-13;
	v41 =	vadd.f32 v55, v41;
	v55 =	vshrl.u32 v47, $0x10  }
0x150: {  	v57 =	vshrl.u32 v60, $0x10;
	vm2 =	vle.f32 v40, v35;
	v51 =	vand.u32 $0x1, v55  }
0x151: {  	v58 =	vshrl.u32 v63, $0x10;
	v47 =	vadd.s32 v51, v47;
	v41 =	vnsel vm1, $0x4B800000, v41  }
0x152: {  	v51 =	vand.u32 $0x1, v57;
	v52 =	vand.u32 $0x1, v58;
	v56 =	vadd.s32 $0x7FFF, v47  }
0x153: {  	v55 =	vld [tilespmem:$0x1B50];
	v47 =	vadd.f32 v43, v42;
	v50 =	vadd.s32 v51, v60;
	v44 =	vadd.s32 v52, v63  }
0x154: {  	v41 =	vadd.f32 v41, v48;
	v62 =	vshrl.u32 v53, $0x10;
	v45 =	vand.u32 $0xFFFF0000, v56  }
0x155: {  	v50 =	vadd.s32 $0x7FFF, v50;
	v44 =	vadd.s32 $0x7FFF, v44;
	v51 =	vand.u32 $0x1, v62  }
0x156: {  	v54 =	vsub.f32 v47, v42;
	v45 =	vmul.f32 v45, v39;
	v50 =	vand.u32 $0xFFFF0000, v50  }
0x157: {  	v44 =	vand.u32 $0xFFFF0000, v44;
	v51 =	vadd.s32 v51, v53;
	v50 =	vmul.f32 v50, v37  }
0x158: {  	v44 =	vmul.f32 v44, v38;
	v51 =	vadd.s32 $0x7FFF, v51;
	v55 =	vadd.f32 v55, v36  }
0x159: {  	v59 =	vsub.f32 v47, v54;
	v60 =	vadd.f32 v45, v47;
	v51 =	vand.u32 $0xFFFF0000, v51  }
0x15a: {  	v58 =	vld [tilespmem:$0x1500];
	v43 =	vsub.f32 v43, v54;
	v57 =	vadd.f32 v44, v50;
	v51 =	vmul.f32 v51, v39  }
0x15b: {  	v54 =	vld [tilespmem:$0x1580];
	v40 =	vadd.f32 v41, v55;
	v61 =	vnsel vm1, $0x0, v59;
	v63 =	vsub.f32 v60, v47  }
0x15c: {  	v48 =	vnsel vm1, $0x4B800000, v60;
	v42 =	vsub.f32 v42, v61;
	v61 =	vsub.f32 v57, v50  }
0x15d: {  	v60 =	vnsel vm1, $0x4B800000, v63;
	v45 =	vsub.f32 v45, v63;
	v63 =	vadd.f32 v51, v57  }
0x15e: {  	v46 =	vmin.f32 v46, v49;
	v52 =	vsub.f32 v48, v60;
	v59 =	vsub.f32 v57, v61  }
0x15f: {  	v42 =	vadd.f32 v42, v43;
	v44 =	vsub.f32 v44, v61;
	v60 =	vshrl.u32 v58, $0x10  }
0x160: {  	v61 =	vshrl.u32 v54, $0x10;
	v43 =	vsub.f32 v47, v52;
	v62 =	vnsel vm1, $0x0, v59  }
0x161: {  	v53 =	vand.u32 $0x1, v60;
	v52 =	vsub.f32 v63, v57;
	v47 =	vsub.f32 v50, v62;
	v50 =	vld [tilespmem:$0x1600]  }
0x162: {  	v49 =	vnsel vm1, $0x4B800000, v63;
	v56 =	vand.u32 $0x1, v61;
	v53 =	vadd.s32 v53, v58  }
0x163: {  	v54 =	vadd.s32 v56, v54;
	v53 =	vadd.s32 $0x7FFF, v53;
	v62 =	vnsel vm1, $0x4B800000, v52  }
0x164: {  	v54 =	vadd.s32 $0x7FFF, v54;
	v53 =	vand.u32 $0xFFFF0000, v53;
	v63 =	vsub.f32 v49, v62  }
0x165: {  	v54 =	vand.u32 $0xFFFF0000, v54;
	v51 =	vsub.f32 v51, v52;
	v43 =	vadd.f32 v43, v45  }
0x166: {  	v53 =	vmul.f32 v53, v37;
	v56 =	vsub.f32 v57, v63;
	v60 =	vshrl.u32 v50, $0x10  }
0x167: {  	v52 =	vld [tilespmem:$0x1B60];
	v54 =	vmul.f32 v54, v38;
	v42 =	vadd.f32 v43, v42;
	v58 =	vand.u32 $0x1, v60  }
0x168: {  	v44 =	vadd.f32 v47, v44;
	v62 =	vadd.f32 v56, v51;
	v51 =	vld [tilespmem:$0x1510];
	v50 =	vadd.s32 v58, v50  }
0x169: {  	v42 =	vnsel vm1, $0x4B800000, v42;
	v61 =	vadd.s32 $0x7FFF, v50;
	v50 =	vadd.f32 v54, v53  }
0x16a: {  	v40 =	vmax.f32 v40, $9.999999960e-13;
	v56 =	vnsel vm2, $0x4B800000, v4;
	v42 =	vadd.f32 v42, v48  }
0x16b: {  	v60 =	vadd.f32 v62, v44;
	v44 =	vld [tilespmem:$0x1590];
	v45 =	vand.u32 $0xFFFF0000, v61;
	v63 =	vsub.f32 v50, v53  }
0x16c: {  	v48 =	vadd.f32 v52, v36;
	vm2 =	vle.f32 v40, v35;
	v43 =	vmul.f32 v45, v39  }
0x16d: {  	v52 =	vld [tilespmem:$0x1610];
	v41 =	vnsel vm1, $0x4B800000, v60;
	v60 =	vshrl.u32 v51, $0x10;
	v61 =	vsub.f32 v50, v63  }
0x16e: {  	v42 =	vadd.f32 v42, v48;
	v62 =	vadd.f32 v43, v50;
	v55 =	vand.u32 $0x1, v60  }
0x16f: {  	v45 =	vsub.f32 v54, v63;
	v51 =	vadd.s32 v55, v51;
	v47 =	vnsel vm1, $0x0, v61  }
0x170: {  	v57 =	vsub.f32 v62, v50;
	v61 =	vshrl.u32 v44, $0x10;
	v51 =	vadd.s32 $0x7FFF, v51  }
0x171: {  	v47 =	vsub.f32 v53, v47;
	v53 =	vnsel vm1, $0x4B800000, v62;
	v58 =	vand.u32 $0x1, v61  }
0x172: {  	v62 =	vshrl.u32 v52, $0x10;
	v51 =	vand.u32 $0xFFFF0000, v51;
	v44 =	vadd.s32 v58, v44  }
0x173: {  	v63 =	vnsel vm1, $0x4B800000, v57;
	v55 =	vand.u32 $0x1, v62;
	v44 =	vadd.s32 $0x7FFF, v44  }
0x174: {  	v54 =	vsub.f32 v53, v63;
	v63 =	vld [tilespmem:$0x1B70];
	v52 =	vadd.s32 v55, v52;
	v44 =	vand.u32 $0xFFFF0000, v44  }
0x175: {  	v51 =	vmul.f32 v51, v37;
	v52 =	vadd.s32 $0x7FFF, v52;
	v44 =	vmul.f32 v44, v38  }
0x176: {  	v43 =	vsub.f32 v43, v57;
	v50 =	vsub.f32 v50, v54;
	v52 =	vand.u32 $0xFFFF0000, v52  }
0x177: {  	v41 =	vadd.f32 v41, v49;
	v49 =	vmul.f32 v52, v39;
	v52 =	vadd.f32 v44, v51  }
0x178: {  	v46 =	vmin.f32 v46, v56;
	v45 =	vadd.f32 v47, v45;
	v43 =	vadd.f32 v50, v43  }
0x179: {  	v42 =	vmax.f32 v42, $9.999999960e-13;
	v50 =	vld [tilespmem:$0x1B80];
	v58 =	vadd.f32 v63, v36;
	v59 =	vadd.f32 v49, v52  }
0x17a: {  	v62 =	vnsel vm2, $0x4B800000, v5;
	v60 =	vadd.f32 v43, v45;
	v61 =	vsub.f32 v52, v51  }
0x17b: {  	vm2 =	vle.f32 v42, v35;
	v45 =	vmin.f32 v46, v62;
	v41 =	vadd.f32 v41, v58  }
0x17c: {  	v56 =	vld [tilespmem:$0x1620];
	v63 =	vsub.f32 v59, v52;
	v40 =	vnsel vm1, $0x4B800000, v60;
	v57 =	vsub.f32 v52, v61  }
0x17d: {  	v62 =	vnsel vm2, $0x4B800000, v6;
	v43 =	vsub.f32 v44, v61;
	v40 =	vadd.f32 v40, v53  }
0x17e: {  	v53 =	vnsel vm1, $0x4B800000, v59;
	v50 =	vadd.f32 v50, v36;
	v41 =	vmax.f32 v41, $9.999999960e-13  }
0x17f: {  	v61 =	vld [tilespmem:$0x1520];
	v58 =	vnsel vm1, $0x4B800000, v63;
	v47 =	vnsel vm1, $0x0, v57;
	v60 =	vsub.f32 v49, v63  }
0x180: {  	v63 =	vld [tilespmem:$0x15A0];
	vm2 =	vle.f32 v41, v35;
	v54 =	vsub.f32 v53, v58;
	v40 =	vadd.f32 v40, v50  }
0x181: {  	v47 =	vsub.f32 v51, v47;
	v51 =	vmin.f32 v45, v62;
	v62 =	vshrl.u32 v56, $0x10  }
0x182: {  	v48 =	vand.u32 $0x1, v62;
	v59 =	vsub.f32 v52, v54;
	v40 =	vmax.f32 v40, $9.999999960e-13;
	v52 =	vld [tilespmem:$0x1B90]  }
0x183: {  	v43 =	vadd.f32 v47, v43;
	v54 =	vnsel vm2, $0x4B800000, v7;
	vm2 =	vle.f32 v40, v35  }
0x184: {  	v57 =	vmin.f32 v51, v54;
	v42 =	vadd.f32 v59, v60;
	v59 =	vshrl.u32 v61, $0x10  }
0x185: {  	v58 =	vnsel vm2, $0x4B800000, v8;
	v60 =	vshrl.u32 v63, $0x10;
	v45 =	vand.u32 $0x1, v59  }
0x186: {  	v44 =	vld [tilespmem:$0x1630];
	v46 =	vand.u32 $0x1, v60;
	v55 =	vadd.f32 v42, v43;
	v45 =	vadd.s32 v45, v61  }
0x187: {  	v46 =	vadd.s32 v46, v63;
	v61 =	vld [tilespmem:$0x1530];
	v42 =	vadd.s32 v48, v56;
	v41 =	vadd.f32 v52, v36  }
0x188: {  	v63 =	vld [tilespmem:$0x15B0];
	v45 =	vadd.s32 $0x7FFF, v45;
	v46 =	vadd.s32 $0x7FFF, v46;
	v42 =	vadd.s32 $0x7FFF, v42  }
0x189: {  	v40 =	vnsel vm1, $0x4B800000, v55;
	v45 =	vand.u32 $0xFFFF0000, v45;
	v46 =	vand.u32 $0xFFFF0000, v46  }
0x18a: {  	v40 =	vadd.f32 v40, v53;
	v45 =	vmul.f32 v45, v37;
	v46 =	vmul.f32 v46, v38  }
0x18b: {  	v43 =	vmin.f32 v57, v58;
	v56 =	vand.u32 $0xFFFF0000, v42  }
0x18c: {  	v40 =	vadd.f32 v40, v41;
	v42 =	vadd.f32 v46, v45;
	v41 =	vmul.f32 v56, v39  }
0x18d: {  	v55 =	vld [tilespmem:$0x1540];
	v57 =	vshrl.u32 v61, $0x10;
	v58 =	vshrl.u32 v63, $0x10;
	v56 =	vshrl.u32 v44, $0x10  }
0x18e: {  	v48 =	vand.u32 $0x1, v57;
	v50 =	vand.u32 $0x1, v58;
	v53 =	vand.u32 $0x1, v56  }
0x18f: {  	v59 =	vsub.f32 v42, v45;
	v60 =	vadd.f32 v41, v42;
	v47 =	vadd.s32 v48, v61  }
0x190: {  	v61 =	vadd.s32 v50, v63;
	v44 =	vadd.s32 v53, v44;
	v40 =	vmax.f32 v40, $9.999999960e-13  }
0x191: {  	v47 =	vadd.s32 $0x7FFF, v47;
	v48 =	vadd.s32 $0x7FFF, v61;
	v44 =	vadd.s32 $0x7FFF, v44  }
0x192: {  	v54 =	vld [tilespmem:$0x15C0];
	vm2 =	vle.f32 v40, v35;
	v61 =	vshrl.u32 v55, $0x10;
	v62 =	vsub.f32 v42, v59  }
0x193: {  	v63 =	vsub.f32 v60, v42;
	v47 =	vand.u32 $0xFFFF0000, v47;
	v48 =	vand.u32 $0xFFFF0000, v48  }
0x194: {  	v52 =	vnsel vm1, $0x4B800000, v60;
	v44 =	vand.u32 $0xFFFF0000, v44;
	v47 =	vmul.f32 v47, v37  }
0x195: {  	v46 =	vsub.f32 v46, v59;
	v48 =	vmul.f32 v48, v38;
	v44 =	vmul.f32 v44, v39  }
0x196: {  	v49 =	vnsel vm1, $0x0, v62;
	v57 =	vnsel vm1, $0x4B800000, v63;
	v41 =	vsub.f32 v41, v63  }
0x197: {  	v62 =	vshrl.u32 v54, $0x10;
	v53 =	vadd.f32 v48, v47;
	v45 =	vsub.f32 v45, v49  }
0x198: {  	v58 =	vsub.f32 v52, v57;
	v49 =	vand.u32 $0x1, v61;
	v50 =	vand.u32 $0x1, v62  }
0x199: {  	v62 =	vnsel vm2, $0x4B800000, v9;
	v49 =	vadd.s32 v49, v55;
	v51 =	vsub.f32 v53, v47  }
0x19a: {  	v50 =	vadd.s32 v50, v54;
	v42 =	vsub.f32 v42, v58;
	v45 =	vadd.f32 v45, v46  }
0x19b: {  	v60 =	vadd.f32 v44, v53;
	v49 =	vadd.s32 $0x7FFF, v49;
	v50 =	vadd.s32 $0x7FFF, v50  }
0x19c: {  	v49 =	vand.u32 $0xFFFF0000, v49;
	v50 =	vand.u32 $0xFFFF0000, v50;
	v40 =	vadd.f32 v42, v41  }
0x19d: {  	v42 =	vld [tilespmem:$0x1640];
	v63 =	vsub.f32 v60, v53;
	v49 =	vmul.f32 v49, v37;
	v50 =	vmul.f32 v50, v38  }
0x19e: {  	v59 =	vsub.f32 v53, v51;
	v41 =	vnsel vm1, $0x4B800000, v60;
	v48 =	vsub.f32 v48, v51  }
0x19f: {  	v58 =	vnsel vm1, $0x4B800000, v63;
	v51 =	vadd.f32 v50, v49;
	v44 =	vsub.f32 v44, v63  }
0x1a0: {  	v46 =	vnsel vm1, $0x0, v59;
	v40 =	vadd.f32 v40, v45;
	v60 =	vsub.f32 v41, v58  }
0x1a1: {  	v61 =	vld [tilespmem:$0x1BA0];
	v43 =	vmin.f32 v43, v62;
	v46 =	vsub.f32 v47, v46;
	v45 =	vsub.f32 v51, v49  }
0x1a2: {  	v40 =	vnsel vm1, $0x4B800000, v40;
	v59 =	vshrl.u32 v42, $0x10;
	v47 =	vsub.f32 v53, v60;
	v53 =	vld [tilespmem:$0x1550]  }
0x1a3: {  	v46 =	vadd.f32 v46, v48;
	v55 =	vand.u32 $0x1, v59;
	v63 =	vsub.f32 v51, v45  }
0x1a4: {  	v40 =	vadd.f32 v40, v52;
	v42 =	vadd.s32 v55, v42;
	v44 =	vadd.f32 v47, v44;
	v47 =	vld [tilespmem:$0x15D0]  }
0x1a5: {  	v45 =	vsub.f32 v50, v45;
	v55 =	vld [tilespmem:$0x1650];
	v42 =	vadd.s32 $0x7FFF, v42;
	v48 =	vnsel vm1, $0x0, v63  }
0x1a6: {  	v42 =	vand.u32 $0xFFFF0000, v42;
	v44 =	vadd.f32 v44, v46;
	v48 =	vsub.f32 v49, v48  }
0x1a7: {  	v46 =	vadd.f32 v61, v36;
	v42 =	vmul.f32 v42, v39;
	v62 =	vshrl.u32 v53, $0x10  }
0x1a8: {  	v44 =	vnsel vm1, $0x4B800000, v44;
	v56 =	vand.u32 $0x1, v62;
	v45 =	vadd.f32 v48, v45  }
0x1a9: {  	v40 =	vadd.f32 v40, v46;
	v60 =	vadd.f32 v42, v51;
	v63 =	vshrl.u32 v47, $0x10  }
0x1aa: {  	v62 =	vshrl.u32 v55, $0x10;
	v41 =	vadd.f32 v44, v41;
	v57 =	vand.u32 $0x1, v63  }
0x1ab: {  	v52 =	vsub.f32 v60, v51;
	v49 =	vnsel vm1, $0x4B800000, v60;
	v60 =	vadd.s32 v56, v53  }
0x1ac: {  	v47 =	vadd.s32 v57, v47;
	v56 =	vand.u32 $0x1, v62;
	v50 =	vadd.s32 $0x7FFF, v60  }
0x1ad: {  	v63 =	vld [tilespmem:$0x1BC0];
	v47 =	vadd.s32 $0x7FFF, v47;
	v57 =	vadd.s32 v56, v55;
	v61 =	vnsel vm1, $0x4B800000, v52  }
0x1ae: {  	v50 =	vand.u32 $0xFFFF0000, v50;
	v47 =	vand.u32 $0xFFFF0000, v47;
	v54 =	vsub.f32 v49, v61  }
0x1af: {  	v44 =	vadd.s32 $0x7FFF, v57;
	v61 =	vld [tilespmem:$0x1BB0];
	v50 =	vmul.f32 v50, v37;
	v47 =	vmul.f32 v47, v38  }
0x1b0: {  	v42 =	vsub.f32 v42, v52;
	v44 =	vand.u32 $0xFFFF0000, v44;
	v51 =	vsub.f32 v51, v54  }
0x1b1: {  	v40 =	vmax.f32 v40, $9.999999960e-13;
	v44 =	vmul.f32 v44, v39;
	v48 =	vadd.f32 v47, v50  }
0x1b2: {  	vm2 =	vle.f32 v40, v35;
	v52 =	vld [tilespmem:$0x1660];
	v40 =	vadd.f32 v63, v36;
	v42 =	vadd.f32 v51, v42  }
0x1b3: {  	v51 =	vld [tilespmem:$0x1560];
	v46 =	vsub.f32 v48, v50;
	v60 =	vadd.f32 v44, v48  }
0x1b4: {  	v58 =	vadd.f32 v61, v36;
	v42 =	vadd.f32 v42, v45;
	v45 =	vld [tilespmem:$0x15E0]  }
0x1b5: {  	v59 =	vsub.f32 v48, v46;
	v63 =	vsub.f32 v60, v48  }
0x1b6: {  	v53 =	vnsel vm1, $0x4B800000, v60;
	v46 =	vsub.f32 v47, v46;
	v41 =	vadd.f32 v41, v58  }
0x1b7: {  	v58 =	vshrl.u32 v52, $0x10;
	v42 =	vnsel vm1, $0x4B800000, v42;
	v44 =	vsub.f32 v44, v63  }
0x1b8: {  	v42 =	vadd.f32 v42, v49;
	v49 =	vnsel vm1, $0x0, v59;
	v61 =	vshrl.u32 v51, $0x10  }
0x1b9: {  	v59 =	vnsel vm1, $0x4B800000, v63;
	v54 =	vand.u32 $0x1, v61;
	v62 =	vshrl.u32 v45, $0x10  }
0x1ba: {  	v49 =	vsub.f32 v50, v49;
	v51 =	vadd.s32 v54, v51;
	v55 =	vand.u32 $0x1, v62  }
0x1bb: {  	v54 =	vand.u32 $0x1, v58;
	v51 =	vadd.s32 $0x7FFF, v51;
	v45 =	vadd.s32 v55, v45  }
0x1bc: {  	v52 =	vadd.s32 v54, v52;
	v54 =	vsub.f32 v53, v59;
	v45 =	vadd.s32 $0x7FFF, v45  }
0x1bd: {  	v51 =	vand.u32 $0xFFFF0000, v51;
	v52 =	vadd.s32 $0x7FFF, v52;
	v45 =	vand.u32 $0xFFFF0000, v45  }
0x1be: {  	v58 =	vld [tilespmem:$0x1BD0];
	v51 =	vmul.f32 v51, v37;
	v61 =	vsub.f32 v48, v54;
	v45 =	vmul.f32 v45, v38  }
0x1bf: {  	v60 =	vnsel vm2, $0x4B800000, v10;
	v63 =	vadd.f32 v49, v46;
	v52 =	vand.u32 $0xFFFF0000, v52  }
0x1c0: {  	v52 =	vmul.f32 v52, v39;
	v44 =	vadd.f32 v61, v44;
	v55 =	vadd.f32 v45, v51  }
0x1c1: {  	v43 =	vmin.f32 v43, v60;
	v41 =	vmax.f32 v41, $9.999999960e-13;
	v40 =	vadd.f32 v42, v40  }
0x1c2: {  	vm2 =	vle.f32 v41, v35;
	v41 =	vadd.f32 v44, v63;
	v62 =	vadd.f32 v52, v55  }
0x1c3: {  	v49 =	vnsel vm2, $0x4B800000, v11;
	v42 =	vadd.f32 v58, v36;
	v58 =	vld [tilespmem:$0x1BE0];
	v50 =	vsub.f32 v55, v51  }
0x1c4: {  	v40 =	vmax.f32 v40, $9.999999960e-13;
	v41 =	vnsel vm1, $0x4B800000, v41;
	v46 =	vsub.f32 v62, v55  }
0x1c5: {  	v43 =	vmin.f32 v43, v49;
	v63 =	vld [tilespmem:$0x15F0];
	v41 =	vadd.f32 v41, v53;
	v57 =	vsub.f32 v55, v50  }
0x1c6: {  	v48 =	vnsel vm1, $0x4B800000, v62;
	v45 =	vsub.f32 v45, v50;
	v59 =	vnsel vm1, $0x4B800000, v46  }
0x1c7: {  	v62 =	vld [tilespmem:$0x1570];
	v41 =	vadd.f32 v41, v42;
	v60 =	vnsel vm1, $0x0, v57;
	v61 =	vsub.f32 v48, v59  }
0x1c8: {  	vm2 =	vle.f32 v40, v35;
	v42 =	vadd.f32 v58, v36;
	v44 =	vsub.f32 v51, v60;
	v60 =	vld [tilespmem:$0x1700]  }
0x1c9: {  	v46 =	vsub.f32 v52, v46;
	v52 =	vnsel vm2, $0x4B800000, v12;
	v51 =	vsub.f32 v55, v61;
	v55 =	vld [tilespmem:$0x1670]  }
0x1ca: {  	v57 =	vshrl.u32 v63, $0x10;
	v43 =	vmin.f32 v43, v52;
	v41 =	vmax.f32 v41, $9.999999960e-13;
	v61 =	vld [tilespmem:$0x1780]  }
0x1cb: {  	v44 =	vadd.f32 v44, v45;
	v40 =	vadd.f32 v51, v46;
	v46 =	vand.u32 $0x1, v57  }
0x1cc: {  	vm2 =	vle.f32 v41, v35;
	v56 =	vshrl.u32 v62, $0x10;
	v46 =	vadd.s32 v46, v63  }
0x1cd: {  	v63 =	vshrl.u32 v60, $0x10;
	v40 =	vadd.f32 v40, v44;
	v44 =	vand.u32 $0x1, v56  }
0x1ce: {  	v46 =	vadd.s32 $0x7FFF, v46;
	v44 =	vadd.s32 v44, v62;
	v59 =	vshrl.u32 v55, $0x10  }
0x1cf: {  	v46 =	vand.u32 $0xFFFF0000, v46;
	v56 =	vshrl.u32 v61, $0x10;
	v40 =	vnsel vm1, $0x4B800000, v40  }
0x1d0: {  	v50 =	vld [tilespmem:$0x1790];
	v44 =	vadd.s32 $0x7FFF, v44;
	v47 =	vand.u32 $0x1, v59;
	v46 =	vmul.f32 v46, v38  }
0x1d1: {  	v51 =	vand.u32 $0x1, v56;
	v44 =	vand.u32 $0xFFFF0000, v44;
	v45 =	vadd.s32 v47, v55  }
0x1d2: {  	v62 =	vld [tilespmem:$0x1800];
	v40 =	vadd.f32 v40, v48;
	v48 =	vand.u32 $0x1, v63;
	v59 =	vadd.s32 v51, v61  }
0x1d3: {  	v63 =	vnsel vm2, $0x4B800000, v13;
	v44 =	vmul.f32 v44, v37;
	v45 =	vadd.s32 $0x7FFF, v45  }
0x1d4: {  	v48 =	vadd.s32 v48, v60;
	v49 =	vadd.s32 $0x7FFF, v59;
	v43 =	vmin.f32 v43, v63  }
0x1d5: {  	v63 =	vshrl.u32 v50, $0x10;
	v45 =	vand.u32 $0xFFFF0000, v45;
	v40 =	vadd.f32 v40, v42  }
0x1d6: {  	v48 =	vadd.s32 $0x7FFF, v48;
	v49 =	vand.u32 $0xFFFF0000, v49;
	v47 =	vadd.f32 v46, v44  }
0x1d7: {  	v41 =	vmul.f32 v45, v39;
	v48 =	vand.u32 $0xFFFF0000, v48;
	v61 =	vshrl.u32 v62, $0x10  }
0x1d8: {  	v49 =	vmul.f32 v49, v38;
	v48 =	vmul.f32 v48, v37;
	v51 =	vand.u32 $0x1, v61  }
0x1d9: {  	v45 =	vsub.f32 v47, v44;
	v57 =	vadd.f32 v41, v47;
	v42 =	vadd.s32 v51, v62  }
0x1da: {  	v55 =	vand.u32 $0x1, v63;
	v42 =	vadd.s32 $0x7FFF, v42;
	v54 =	vadd.f32 v49, v48  }
0x1db: {  	v58 =	vsub.f32 v47, v45;
	v60 =	vsub.f32 v57, v47;
	v42 =	vand.u32 $0xFFFF0000, v42  }
0x1dc: {  	v52 =	vnsel vm1, $0x4B800000, v57;
	v45 =	vsub.f32 v46, v45;
	v42 =	vmul.f32 v42, v39  }
0x1dd: {  	v46 =	vsub.f32 v54, v48;
	v53 =	vnsel vm1, $0x0, v58;
	v62 =	vnsel vm1, $0x4B800000, v60  }
0x1de: {  	v50 =	vadd.s32 v55, v50;
	v44 =	vsub.f32 v44, v53;
	v51 =	vsub.f32 v52, v62  }
0x1df: {  	v40 =	vmax.f32 v40, $9.999999960e-13;
	v53 =	vld [tilespmem:$0x1710];
	v57 =	vsub.f32 v54, v46;
	v58 =	vadd.f32 v42, v54  }
0x1e0: {  	v50 =	vadd.s32 $0x7FFF, v50;
	v41 =	vsub.f32 v41, v60;
	v46 =	vsub.f32 v49, v46  }
0x1e1: {  	v47 =	vsub.f32 v47, v51;
	v59 =	vnsel vm1, $0x0, v57;
	v60 =	vsub.f32 v58, v54;
	v57 =	vld [tilespmem:$0x1BF0]  }
0x1e2: {  	vm2 =	vle.f32 v40, v35;
	v44 =	vadd.f32 v44, v45;
	v40 =	vsub.f32 v48, v59;
	v48 =	vld [tilespmem:$0x1810]  }
0x1e3: {  	v59 =	vand.u32 $0xFFFF0000, v50;
	v41 =	vadd.f32 v47, v41;
	v61 =	vnsel vm1, $0x4B800000, v60  }
0x1e4: {  	v42 =	vsub.f32 v42, v60;
	v62 =	vshrl.u32 v53, $0x10;
	v40 =	vadd.f32 v40, v46  }
0x1e5: {  	v41 =	vadd.f32 v41, v44;
	v44 =	vnsel vm1, $0x4B800000, v58;
	v51 =	vand.u32 $0x1, v62  }
0x1e6: {  	v63 =	vld [tilespmem:$0x17A0];
	v47 =	vsub.f32 v44, v61;
	v56 =	vadd.s32 v51, v53;
	v62 =	vadd.f32 v57, v36  }
0x1e7: {  	v57 =	vnsel vm2, $0x4B800000, v14;
	v49 =	vadd.s32 $0x7FFF, v56;
	v60 =	vshrl.u32 v48, $0x10  }
0x1e8: {  	v41 =	vnsel vm1, $0x4B800000, v41;
	v43 =	vmin.f32 v43, v57;
	v47 =	vsub.f32 v54, v47  }
0x1e9: {  	v58 =	vand.u32 $0xFFFF0000, v49;
	v49 =	vmul.f32 v59, v38;
	v61 =	vand.u32 $0x1, v60  }
0x1ea: {  	v41 =	vadd.f32 v41, v52;
	v45 =	vmul.f32 v58, v37;
	v46 =	vadd.s32 v61, v48  }
0x1eb: {  	v48 =	vld [tilespmem:$0x1720];
	v61 =	vshrl.u32 v63, $0x10;
	v42 =	vadd.f32 v47, v42;
	v46 =	vadd.s32 $0x7FFF, v46  }
0x1ec: {  	v41 =	vadd.f32 v41, v62;
	v54 =	vand.u32 $0x1, v61;
	v47 =	vadd.f32 v49, v45  }
0x1ed: {  	v52 =	vld [tilespmem:$0x1820];
	v56 =	vand.u32 $0xFFFF0000, v46;
	v51 =	vadd.s32 v54, v63;
	v40 =	vadd.f32 v42, v40  }
0x1ee: {  	v42 =	vmul.f32 v56, v39;
	v41 =	vmax.f32 v41, $9.999999960e-13;
	v51 =	vadd.s32 $0x7FFF, v51  }
0x1ef: {  	v63 =	vld [tilespmem:$0x1C00];
	v46 =	vsub.f32 v47, v45;
	v51 =	vand.u32 $0xFFFF0000, v51;
	vm2 =	vle.f32 v41, v35  }
0x1f0: {  	v40 =	vnsel vm1, $0x4B800000, v40;
	v59 =	vadd.f32 v42, v47;
	v60 =	vshrl.u32 v48, $0x10  }
0x1f1: {  	v51 =	vmul.f32 v51, v38;
	v58 =	vsub.f32 v47, v46;
	v40 =	vadd.f32 v40, v44  }
0x1f2: {  	v53 =	vand.u32 $0x1, v60;
	v60 =	vshrl.u32 v52, $0x10;
	v46 =	vsub.f32 v49, v46  }
0x1f3: {  	v55 =	vsub.f32 v59, v47;
	v44 =	vnsel vm1, $0x4B800000, v59;
	v48 =	vadd.s32 v53, v48  }
0x1f4: {  	v56 =	vand.u32 $0x1, v60;
	v63 =	vadd.f32 v63, v36;
	v48 =	vadd.s32 $0x7FFF, v48  }
0x1f5: {  	v50 =	vnsel vm1, $0x0, v58;
	v52 =	vadd.s32 v56, v52;
	v48 =	vand.u32 $0xFFFF0000, v48  }
0x1f6: {  	v54 =	vld [tilespmem:$0x1730];
	v58 =	vnsel vm2, $0x4B800000, v15;
	v62 =	vnsel vm1, $0x4B800000, v55;
	v48 =	vmul.f32 v48, v37  }
0x1f7: {  	v45 =	vsub.f32 v45, v50;
	v61 =	vsub.f32 v44, v62;
	v62 =	vadd.s32 $0x7FFF, v52  }
0x1f8: {  	v42 =	vsub.f32 v42, v55;
	v50 =	vld [tilespmem:$0x1830];
	v49 =	vand.u32 $0xFFFF0000, v62;
	v52 =	vadd.f32 v51, v48  }
0x1f9: {  	v57 =	vadd.f32 v45, v46;
	v45 =	vld [tilespmem:$0x17B0];
	v47 =	vsub.f32 v47, v61;
	v49 =	vmul.f32 v49, v39  }
0x1fa: {  	v43 =	vmin.f32 v43, v58;
	v40 =	vadd.f32 v40, v63;
	v58 =	vld [tilespmem:$0x1C20];
	v53 =	vsub.f32 v52, v48  }
0x1fb: {  	v63 =	vshrl.u32 v54, $0x10;
	v42 =	vadd.f32 v47, v42;
	v60 =	vadd.f32 v49, v52  }
0x1fc: {  	v55 =	vand.u32 $0x1, v63;
	v40 =	vmax.f32 v40, $9.999999960e-13;
	v59 =	vsub.f32 v52, v53  }
0x1fd: {  	vm2 =	vle.f32 v40, v35;
	v41 =	vadd.f32 v42, v57;
	v46 =	vsub.f32 v60, v52  }
0x1fe: {  	v47 =	vnsel vm1, $0x4B800000, v60;
	v60 =	vshrl.u32 v45, $0x10;
	v51 =	vsub.f32 v51, v53  }
0x1ff: {  	v57 =	vshrl.u32 v50, $0x10;
	v53 =	vadd.f32 v58, v36;
	v56 =	vand.u32 $0x1, v60  }
0x200: {  	v61 =	vnsel vm1, $0x0, v59;
	v41 =	vnsel vm1, $0x4B800000, v41;
	v62 =	vnsel vm1, $0x4B800000, v46  }
0x201: {  	v45 =	vadd.s32 v56, v45;
	v46 =	vsub.f32 v49, v46;
	v59 =	vand.u32 $0x1, v57  }
0x202: {  	v42 =	vsub.f32 v48, v61;
	v48 =	vsub.f32 v47, v62;
	v61 =	vadd.s32 v55, v54;
	v62 =	vld [tilespmem:$0x1C10]  }
0x203: {  	v45 =	vadd.s32 $0x7FFF, v45;
	v60 =	vadd.s32 v59, v50;
	v50 =	vld [tilespmem:$0x1740];
	v63 =	vadd.s32 $0x7FFF, v61  }
0x204: {  	v45 =	vand.u32 $0xFFFF0000, v45;
	v48 =	vsub.f32 v52, v48;
	v56 =	vand.u32 $0xFFFF0000, v63  }
0x205: {  	v41 =	vadd.f32 v41, v44;
	v45 =	vmul.f32 v45, v38;
	v49 =	vmul.f32 v56, v37  }
0x206: {  	v44 =	vadd.s32 $0x7FFF, v60;
	v42 =	vadd.f32 v42, v51;
	v46 =	vadd.f32 v48, v46  }
0x207: {  	v44 =	vand.u32 $0xFFFF0000, v44;
	v48 =	vadd.f32 v45, v49;
	v61 =	vadd.f32 v62, v36  }
0x208: {  	v44 =	vmul.f32 v44, v39;
	v63 =	vshrl.u32 v50, $0x10;
	v42 =	vadd.f32 v46, v42;
	v46 =	vld [tilespmem:$0x17C0]  }
0x209: {  	v55 =	vand.u32 $0x1, v63;
	v52 =	vsub.f32 v48, v49;
	v41 =	vadd.f32 v41, v61  }
0x20a: {  	v51 =	vld [tilespmem:$0x1840];
	v54 =	vadd.f32 v44, v48;
	v50 =	vadd.s32 v55, v50;
	v42 =	vnsel vm1, $0x4B800000, v42  }
0x20b: {  	v50 =	vadd.s32 $0x7FFF, v50;
	v40 =	vadd.f32 v42, v47;
	v62 =	vsub.f32 v48, v52  }
0x20c: {  	v47 =	vnsel vm2, $0x4B800000, v16;
	v61 =	vsub.f32 v54, v48;
	v50 =	vand.u32 $0xFFFF0000, v50  }
0x20d: {  	v54 =	vnsel vm1, $0x4B800000, v54;
	v45 =	vsub.f32 v45, v52;
	v60 =	vshrl.u32 v46, $0x10  }
0x20e: {  	v41 =	vmax.f32 v41, $9.999999960e-13;
	v50 =	vmul.f32 v50, v37;
	v56 =	vand.u32 $0x1, v60  }
0x20f: {  	v42 =	vnsel vm1, $0x0, v62;
	v62 =	vshrl.u32 v51, $0x10;
	v46 =	vadd.s32 v56, v46  }
0x210: {  	v43 =	vmin.f32 v43, v47;
	v55 =	vand.u32 $0x1, v62;
	v46 =	vadd.s32 $0x7FFF, v46  }
0x211: {  	v63 =	vnsel vm1, $0x4B800000, v61;
	v51 =	vadd.s32 v55, v51;
	v46 =	vand.u32 $0xFFFF0000, v46  }
0x212: {  	v55 =	vsub.f32 v54, v63;
	v51 =	vadd.s32 $0x7FFF, v51;
	v46 =	vmul.f32 v46, v38  }
0x213: {  	v58 =	vsub.f32 v44, v61;
	v42 =	vsub.f32 v49, v42;
	v51 =	vand.u32 $0xFFFF0000, v51  }
0x214: {  	v52 =	vsub.f32 v48, v55;
	v51 =	vmul.f32 v51, v39;
	v56 =	vadd.f32 v46, v50  }
0x215: {  	vm2 =	vle.f32 v41, v35;
	v40 =	vadd.f32 v40, v53;
	v42 =	vadd.f32 v42, v45  }
0x216: {  	v60 =	vnsel vm2, $0x4B800000, v17;
	v41 =	vadd.f32 v52, v58;
	v55 =	vadd.f32 v51, v56  }
0x217: {  	v53 =	vld [tilespmem:$0x17D0];
	v43 =	vmin.f32 v43, v60;
	v40 =	vmax.f32 v40, $9.999999960e-13;
	v59 =	vsub.f32 v56, v50  }
0x218: {  	v49 =	vld [tilespmem:$0x1750];
	vm2 =	vle.f32 v40, v35;
	v41 =	vadd.f32 v41, v42;
	v61 =	vsub.f32 v55, v56  }
0x219: {  	v47 =	vnsel vm2, $0x4B800000, v18;
	v62 =	vsub.f32 v56, v59;
	v48 =	vnsel vm1, $0x4B800000, v55;
	v55 =	vld [tilespmem:$0x1C30]  }
0x21a: {  	v60 =	vld [tilespmem:$0x1850];
	v41 =	vnsel vm1, $0x4B800000, v41;
	v44 =	vsub.f32 v46, v59;
	v63 =	vnsel vm1, $0x4B800000, v61  }
0x21b: {  	v57 =	vnsel vm1, $0x0, v62;
	v45 =	vsub.f32 v51, v61;
	v58 =	vsub.f32 v48, v63  }
0x21c: {  	v43 =	vmin.f32 v43, v47;
	v61 =	vadd.f32 v41, v54;
	v42 =	vsub.f32 v50, v57  }
0x21d: {  	v51 =	vshrl.u32 v53, $0x10;
	v50 =	vshrl.u32 v49, $0x10;
	v57 =	vld [tilespmem:$0x1760];
	v59 =	vsub.f32 v56, v58  }
0x21e: {  	v62 =	vadd.f32 v42, v44;
	v52 =	vadd.f32 v55, v36;
	v44 =	vand.u32 $0x1, v50  }
0x21f: {  	v56 =	vshrl.u32 v60, $0x10;
	v54 =	vadd.s32 v44, v49;
	v63 =	vadd.f32 v59, v45  }
0x220: {  	v58 =	vld [tilespmem:$0x17E0];
	v45 =	vand.u32 $0x1, v51;
	v42 =	vadd.s32 $0x7FFF, v54;
	v40 =	vadd.f32 v61, v52  }
0x221: {  	v55 =	vadd.s32 v45, v53;
	v42 =	vand.u32 $0xFFFF0000, v42;
	v45 =	vand.u32 $0x1, v56  }
0x222: {  	v59 =	vshrl.u32 v57, $0x10;
	v41 =	vadd.f32 v63, v62;
	v44 =	vadd.s32 $0x7FFF, v55  }
0x223: {  	v42 =	vmul.f32 v42, v37;
	v45 =	vadd.s32 v45, v60;
	v40 =	vmax.f32 v40, $9.999999960e-13  }
0x224: {  	v53 =	vld [tilespmem:$0x1C40];
	v51 =	vand.u32 $0x1, v59;
	v44 =	vand.u32 $0xFFFF0000, v44;
	v45 =	vadd.s32 $0x7FFF, v45  }
0x225: {  	v60 =	vshrl.u32 v58, $0x10;
	v49 =	vadd.s32 v51, v57;
	vm2 =	vle.f32 v40, v35  }
0x226: {  	v44 =	vmul.f32 v44, v38;
	v41 =	vnsel vm1, $0x4B800000, v41;
	v45 =	vand.u32 $0xFFFF0000, v45  }
0x227: {  	v54 =	vld [tilespmem:$0x1860];
	v52 =	vand.u32 $0x1, v60;
	v49 =	vadd.s32 $0x7FFF, v49;
	v41 =	vadd.f32 v41, v48  }
0x228: {  	v45 =	vmul.f32 v45, v39;
	v50 =	vadd.s32 v52, v58;
	v46 =	vadd.f32 v44, v42  }
0x229: {  	v49 =	vand.u32 $0xFFFF0000, v49;
	v50 =	vadd.s32 $0x7FFF, v50;
	v53 =	vadd.f32 v53, v36  }
0x22a: {  	v50 =	vand.u32 $0xFFFF0000, v50;
	v48 =	vsub.f32 v46, v42;
	v61 =	vadd.f32 v45, v46  }
0x22b: {  	v49 =	vmul.f32 v49, v37;
	v50 =	vmul.f32 v50, v38;
	v40 =	vadd.f32 v41, v53  }
0x22c: {  	v60 =	vshrl.u32 v54, $0x10;
	v62 =	vsub.f32 v46, v48;
	v51 =	vsub.f32 v61, v46  }
0x22d: {  	v52 =	vnsel vm1, $0x4B800000, v61;
	v61 =	vand.u32 $0x1, v60;
	v57 =	vadd.f32 v50, v49  }
0x22e: {  	v44 =	vsub.f32 v44, v48;
	v63 =	vnsel vm1, $0x4B800000, v51;
	v55 =	vnsel vm1, $0x0, v62  }
0x22f: {  	v62 =	vadd.s32 v61, v54;
	v54 =	vld [tilespmem:$0x1770];
	v56 =	vsub.f32 v52, v63;
	v63 =	vsub.f32 v57, v49  }
0x230: {  	v45 =	vsub.f32 v45, v51;
	v42 =	vsub.f32 v42, v55;
	v48 =	vadd.s32 $0x7FFF, v62  }
0x231: {  	v58 =	vand.u32 $0xFFFF0000, v48;
	v48 =	vld [tilespmem:$0x17F0];
	v46 =	vsub.f32 v46, v56;
	v59 =	vsub.f32 v57, v63  }
0x232: {  	v40 =	vmax.f32 v40, $9.999999960e-13;
	v42 =	vadd.f32 v42, v44;
	v44 =	vmul.f32 v58, v39  }
0x233: {  	v47 =	vsub.f32 v50, v63;
	v45 =	vadd.f32 v46, v45;
	v60 =	vnsel vm1, $0x0, v59  }
0x234: {  	v61 =	vadd.f32 v44, v57;
	v46 =	vnsel vm2, $0x4B800000, v19;
	v63 =	vshrl.u32 v54, $0x10  }
0x235: {  	vm2 =	vle.f32 v40, v35;
	v51 =	vand.u32 $0x1, v63;
	v41 =	vadd.f32 v45, v42  }
0x236: {  	v42 =	vsub.f32 v49, v60;
	v49 =	vld [tilespmem:$0x1870];
	v62 =	vsub.f32 v61, v57;
	v56 =	vshrl.u32 v48, $0x10  }
0x237: {  	v45 =	vnsel vm1, $0x4B800000, v61;
	v51 =	vadd.s32 v51, v54;
	v53 =	vand.u32 $0x1, v56  }
0x238: {  	v51 =	vadd.s32 $0x7FFF, v51;
	v58 =	vnsel vm1, $0x4B800000, v62;
	v48 =	vadd.s32 v53, v48  }
0x239: {  	v61 =	vld [tilespmem:$0x1C50];
	v51 =	vand.u32 $0xFFFF0000, v51;
	v59 =	vsub.f32 v45, v58;
	v48 =	vadd.s32 $0x7FFF, v48  }
0x23a: {  	v44 =	vsub.f32 v44, v62;
	v51 =	vmul.f32 v51, v37;
	v48 =	vand.u32 $0xFFFF0000, v48  }
0x23b: {  	v60 =	vshrl.u32 v49, $0x10;
	v48 =	vmul.f32 v48, v38;
	v53 =	vsub.f32 v57, v59  }
0x23c: {  	v41 =	vnsel vm1, $0x4B800000, v41;
	v42 =	vadd.f32 v42, v47;
	v54 =	vand.u32 $0x1, v60  }
0x23d: {  	v55 =	vld [tilespmem:$0x1A00];
	v49 =	vadd.s32 v54, v49;
	v50 =	vadd.f32 v48, v51;
	v44 =	vadd.f32 v53, v44  }
0x23e: {  	v41 =	vadd.f32 v41, v52;
	v63 =	vadd.f32 v61, v36;
	v53 =	vld [tilespmem:$0x1980];
	v49 =	vadd.s32 $0x7FFF, v49  }
0x23f: {  	v62 =	vand.u32 $0xFFFF0000, v49;
	v49 =	vld [tilespmem:$0x1900];
	v52 =	vsub.f32 v50, v51;
	v42 =	vadd.f32 v44, v42  }
0x240: {  	v43 =	vmin.f32 v43, v46;
	v40 =	vadd.f32 v41, v63;
	v47 =	vmul.f32 v62, v39  }
0x241: {  	v57 =	vsub.f32 v50, v52;
	v59 =	vnsel vm1, $0x4B800000, v42;
	v48 =	vsub.f32 v48, v52  }
0x242: {  	v40 =	vmax.f32 v40, $9.999999960e-13;
	v58 =	vadd.f32 v47, v50;
	v41 =	vadd.f32 v59, v45  }
0x243: {  	v62 =	vshrl.u32 v53, $0x10;
	v59 =	vshrl.u32 v55, $0x10;
	v60 =	vnsel vm1, $0x0, v57  }
0x244: {  	v54 =	vand.u32 $0x1, v62;
	v44 =	vsub.f32 v58, v50;
	v61 =	vshrl.u32 v49, $0x10  }
0x245: {  	v45 =	vnsel vm1, $0x4B800000, v58;
	v58 =	vadd.s32 v54, v53;
	v46 =	vand.u32 $0x1, v61  }
0x246: {  	v53 =	vand.u32 $0x1, v59;
	v42 =	vsub.f32 v51, v60;
	v46 =	vadd.s32 v46, v49  }
0x247: {  	v53 =	vadd.s32 v53, v55;
	v49 =	vadd.s32 $0x7FFF, v58;
	v46 =	vadd.s32 $0x7FFF, v46  }
0x248: {  	v63 =	vnsel vm1, $0x4B800000, v44;
	v49 =	vand.u32 $0xFFFF0000, v49;
	v46 =	vand.u32 $0xFFFF0000, v46  }
0x249: {  	v54 =	vld [tilespmem:$0x1C60];
	v53 =	vadd.s32 $0x7FFF, v53;
	v49 =	vmul.f32 v49, v38;
	v46 =	vmul.f32 v46, v37  }
0x24a: {  	v61 =	vnsel vm2, $0x4B800000, v20;
	v60 =	vsub.f32 v45, v63;
	v53 =	vand.u32 $0xFFFF0000, v53  }
0x24b: {  	v44 =	vsub.f32 v47, v44;
	v52 =	vmul.f32 v53, v39;
	v53 =	vadd.f32 v49, v46  }
0x24c: {  	vm2 =	vle.f32 v40, v35;
	v42 =	vadd.f32 v42, v48;
	v50 =	vsub.f32 v50, v60  }
0x24d: {  	v55 =	vld [tilespmem:$0x1910];
	v43 =	vmin.f32 v43, v61;
	v47 =	vsub.f32 v53, v46;
	v62 =	vadd.f32 v52, v53  }
0x24e: {  	v48 =	vld [tilespmem:$0x1990];
	v60 =	vnsel vm2, $0x4B800000, v21;
	v54 =	vadd.f32 v54, v36;
	v44 =	vadd.f32 v50, v44  }
0x24f: {  	v40 =	vmin.f32 v43, v60;
	v63 =	vsub.f32 v53, v47;
	v50 =	vsub.f32 v62, v53  }
0x250: {  	v59 =	vadd.f32 v41, v54;
	v42 =	vadd.f32 v44, v42;
	v51 =	vnsel vm1, $0x4B800000, v62  }
0x251: {  	v61 =	vnsel vm1, $0x0, v63;
	v62 =	vnsel vm1, $0x4B800000, v50;
	v50 =	vsub.f32 v52, v50  }
0x252: {  	v60 =	vshrl.u32 v55, $0x10;
	v43 =	vsub.f32 v46, v61;
	v63 =	vsub.f32 v51, v62  }
0x253: {  	v46 =	vsub.f32 v49, v47;
	v47 =	vld [tilespmem:$0x1A10];
	v61 =	vshrl.u32 v48, $0x10;
	v49 =	vand.u32 $0x1, v60  }
0x254: {  	v57 =	vld [tilespmem:$0x1C80];
	v60 =	vnsel vm1, $0x4B800000, v42;
	v62 =	vand.u32 $0x1, v61;
	v49 =	vadd.s32 v49, v55  }
0x255: {  	v41 =	vadd.f32 v60, v45;
	v44 =	vsub.f32 v53, v63;
	v48 =	vadd.s32 v62, v48  }
0x256: {  	v63 =	vld [tilespmem:$0x1C70];
	v43 =	vadd.f32 v43, v46;
	v56 =	vadd.s32 $0x7FFF, v49;
	v48 =	vadd.s32 $0x7FFF, v48  }
0x257: {  	v46 =	vand.u32 $0xFFFF0000, v56;
	v44 =	vadd.f32 v44, v50;
	v48 =	vand.u32 $0xFFFF0000, v48  }
0x258: {  	v46 =	vmul.f32 v46, v37;
	v50 =	vld [tilespmem:$0x1920];
	v48 =	vmul.f32 v48, v38;
	v58 =	vshrl.u32 v47, $0x10  }
0x259: {  	v45 =	vmax.f32 v59, $9.999999960e-13;
	v49 =	vadd.f32 v57, v36;
	v61 =	vand.u32 $0x1, v58  }
0x25a: {  	v43 =	vadd.f32 v44, v43;
	v42 =	vadd.s32 v61, v47;
	v44 =	vadd.f32 v48, v46  }
0x25b: {  	vm2 =	vle.f32 v45, v35;
	v47 =	vld [tilespmem:$0x19A0];
	v62 =	vadd.f32 v63, v36;
	v42 =	vadd.s32 $0x7FFF, v42  }
0x25c: {  	v43 =	vnsel vm1, $0x4B800000, v43;
	v42 =	vand.u32 $0xFFFF0000, v42;
	v52 =	vsub.f32 v44, v46  }
0x25d: {  	v41 =	vadd.f32 v41, v62;
	v43 =	vadd.f32 v43, v51;
	v61 =	vshrl.u32 v50, $0x10  }
0x25e: {  	v54 =	vld [tilespmem:$0x1A20];
	v42 =	vmul.f32 v42, v39;
	v55 =	vand.u32 $0x1, v61;
	v63 =	vsub.f32 v44, v52  }
0x25f: {  	v50 =	vadd.s32 v55, v50;
	v48 =	vsub.f32 v48, v52;
	v41 =	vmax.f32 v41, $9.999999960e-13  }
0x260: {  	v60 =	vadd.f32 v42, v44;
	v62 =	vshrl.u32 v47, $0x10;
	v50 =	vadd.s32 $0x7FFF, v50  }
0x261: {  	v51 =	vnsel vm1, $0x0, v63;
	v56 =	vand.u32 $0x1, v62;
	v50 =	vand.u32 $0xFFFF0000, v50  }
0x262: {  	v57 =	vsub.f32 v60, v44;
	v47 =	vadd.s32 v56, v47;
	v53 =	vnsel vm1, $0x4B800000, v60  }
0x263: {  	v58 =	vld [tilespmem:$0x1930];
	v50 =	vmul.f32 v50, v37;
	v60 =	vshrl.u32 v54, $0x10;
	v46 =	vsub.f32 v46, v51  }
0x264: {  	v56 =	vld [tilespmem:$0x19B0];
	v47 =	vadd.s32 $0x7FFF, v47;
	v62 =	vand.u32 $0x1, v60;
	v63 =	vnsel vm1, $0x4B800000, v57  }
0x265: {  	v47 =	vand.u32 $0xFFFF0000, v47;
	v57 =	vsub.f32 v42, v57;
	v42 =	vadd.f32 v43, v49  }
0x266: {  	v47 =	vmul.f32 v47, v38;
	v61 =	vsub.f32 v53, v63;
	v63 =	vadd.s32 v62, v54  }
0x267: {  	v46 =	vadd.f32 v46, v48;
	v52 =	vadd.s32 $0x7FFF, v63;
	v42 =	vmax.f32 v42, $9.999999960e-13  }
0x268: {  	v54 =	vadd.f32 v47, v50;
	v44 =	vsub.f32 v44, v61;
	v59 =	vand.u32 $0xFFFF0000, v52  }
0x269: {  	v61 =	vshrl.u32 v58, $0x10;
	v62 =	vshrl.u32 v56, $0x10;
	v43 =	vmul.f32 v59, v39  }
0x26a: {  	v51 =	vand.u32 $0x1, v61;
	v52 =	vand.u32 $0x1, v62;
	v49 =	vsub.f32 v54, v50  }
0x26b: {  	v44 =	vadd.f32 v44, v57;
	v51 =	vadd.s32 v51, v58;
	v52 =	vadd.s32 v52, v56  }
0x26c: {  	v57 =	vld [tilespmem:$0x1A30];
	v63 =	vadd.f32 v43, v54;
	v51 =	vadd.s32 $0x7FFF, v51;
	v52 =	vadd.s32 $0x7FFF, v52  }
0x26d: {  	v60 =	vsub.f32 v54, v49;
	v51 =	vand.u32 $0xFFFF0000, v51;
	v47 =	vsub.f32 v47, v49  }
0x26e: {  	v52 =	vand.u32 $0xFFFF0000, v52;
	v44 =	vadd.f32 v44, v46;
	v56 =	vsub.f32 v63, v54  }
0x26f: {  	v55 =	vnsel vm1, $0x4B800000, v63;
	v51 =	vmul.f32 v51, v37;
	v52 =	vmul.f32 v52, v38  }
0x270: {  	v48 =	vnsel vm1, $0x0, v60;
	v44 =	vnsel vm1, $0x4B800000, v44;
	v60 =	vnsel vm1, $0x4B800000, v56  }
0x271: {  	v48 =	vsub.f32 v50, v48;
	v62 =	vshrl.u32 v57, $0x10;
	v58 =	vadd.f32 v52, v51  }
0x272: {  	v43 =	vsub.f32 v43, v56;
	v56 =	vld [tilespmem:$0x19C0];
	v61 =	vsub.f32 v55, v60;
	v63 =	vand.u32 $0x1, v62  }
0x273: {  	v44 =	vadd.f32 v44, v53;
	v49 =	vadd.s32 v63, v57;
	v47 =	vadd.f32 v48, v47  }
0x274: {  	v50 =	vsub.f32 v54, v61;
	v54 =	vld [tilespmem:$0x1940];
	v60 =	vadd.s32 $0x7FFF, v49;
	v49 =	vsub.f32 v58, v51  }
0x275: {  	v57 =	vnsel vm2, $0x4B800000, v22;
	vm2 =	vle.f32 v41, v35;
	v46 =	vand.u32 $0xFFFF0000, v60  }
0x276: {  	v43 =	vadd.f32 v50, v43;
	v46 =	vmul.f32 v46, v39;
	v61 =	vsub.f32 v58, v49  }
0x277: {  	v57 =	vmin.f32 v40, v57;
	v50 =	vld [tilespmem:$0x1C90];
	v60 =	vshrl.u32 v56, $0x10;
	v49 =	vsub.f32 v52, v49  }
0x278: {  	v43 =	vadd.f32 v43, v47;
	v62 =	vnsel vm1, $0x0, v61;
	v63 =	vadd.f32 v46, v58  }
0x279: {  	v59 =	vshrl.u32 v54, $0x10;
	v45 =	vsub.f32 v51, v62;
	v51 =	vand.u32 $0x1, v60  }
0x27a: {  	v48 =	vand.u32 $0x1, v59;
	v61 =	vsub.f32 v63, v58;
	v47 =	vnsel vm1, $0x4B800000, v63;
	v63 =	vld [tilespmem:$0x1CA0]  }
0x27b: {  	v51 =	vadd.s32 v51, v56;
	v43 =	vnsel vm1, $0x4B800000, v43;
	v48 =	vadd.s32 v48, v54;
	v54 =	vld [tilespmem:$0x1A40]  }
0x27c: {  	v51 =	vadd.s32 $0x7FFF, v51;
	v50 =	vadd.f32 v50, v36;
	v45 =	vadd.f32 v45, v49  }
0x27d: {  	v43 =	vadd.f32 v43, v55;
	v62 =	vnsel vm1, $0x4B800000, v61;
	v48 =	vadd.s32 $0x7FFF, v48  }
0x27e: {  	v51 =	vand.u32 $0xFFFF0000, v51;
	v56 =	vsub.f32 v47, v62;
	v48 =	vand.u32 $0xFFFF0000, v48  }
0x27f: {  	v55 =	vld [tilespmem:$0x19D0];
	v46 =	vsub.f32 v46, v61;
	v51 =	vmul.f32 v51, v38;
	v48 =	vmul.f32 v48, v37  }
0x280: {  	v56 =	vsub.f32 v58, v56;
	v52 =	vadd.f32 v63, v36;
	v60 =	vshrl.u32 v54, $0x10  }
0x281: {  	v44 =	vadd.f32 v44, v50;
	v58 =	vadd.f32 v51, v48;
	v61 =	vand.u32 $0x1, v60  }
0x282: {  	v46 =	vadd.f32 v56, v46;
	v56 =	vld [tilespmem:$0x1A50];
	v40 =	vadd.f32 v43, v52;
	v62 =	vadd.s32 v61, v54  }
0x283: {  	v44 =	vmax.f32 v44, $9.999999960e-13;
	v53 =	vsub.f32 v58, v48;
	v54 =	vld [tilespmem:$0x1950];
	v49 =	vadd.s32 $0x7FFF, v62  }
0x284: {  	v45 =	vadd.f32 v46, v45;
	v62 =	vshrl.u32 v55, $0x10;
	v40 =	vmax.f32 v40, $9.999999960e-13  }
0x285: {  	v49 =	vand.u32 $0xFFFF0000, v49;
	v63 =	vsub.f32 v58, v53;
	v50 =	vand.u32 $0x1, v62  }
0x286: {  	v51 =	vsub.f32 v51, v53;
	v46 =	vmul.f32 v49, v39;
	v52 =	vnsel vm1, $0x4B800000, v45  }
0x287: {  	v50 =	vadd.s32 v50, v55;
	v59 =	vnsel vm1, $0x0, v63;
	v43 =	vadd.f32 v52, v47  }
0x288: {  	v63 =	vshrl.u32 v56, $0x10;
	v50 =	vadd.s32 $0x7FFF, v50;
	v61 =	vshrl.u32 v54, $0x10  }
0x289: {  	v60 =	vadd.f32 v46, v58;
	v45 =	vsub.f32 v48, v59;
	v47 =	vand.u32 $0x1, v61  }
0x28a: {  	v52 =	vand.u32 $0x1, v63;
	v50 =	vand.u32 $0xFFFF0000, v50;
	v47 =	vadd.s32 v47, v54  }
0x28b: {  	v59 =	vld [tilespmem:$0x1CB0];
	v52 =	vadd.s32 v52, v56;
	v49 =	vsub.f32 v60, v58;
	v47 =	vadd.s32 $0x7FFF, v47  }
0x28c: {  	v50 =	vmul.f32 v50, v38;
	v48 =	vnsel vm1, $0x4B800000, v60;
	v47 =	vand.u32 $0xFFFF0000, v47  }
0x28d: {  	v52 =	vadd.s32 $0x7FFF, v52;
	v60 =	vnsel vm1, $0x4B800000, v49;
	v47 =	vmul.f32 v47, v37  }
0x28e: {  	v56 =	vld [tilespmem:$0x1960];
	v45 =	vadd.f32 v45, v51;
	v52 =	vand.u32 $0xFFFF0000, v52;
	v55 =	vsub.f32 v48, v60  }
0x28f: {  	v52 =	vmul.f32 v52, v39;
	v46 =	vsub.f32 v46, v49;
	v53 =	vadd.f32 v50, v47  }
0x290: {  	v62 =	vnsel vm2, $0x4B800000, v23;
	v41 =	vadd.f32 v59, v36;
	v61 =	vsub.f32 v58, v55  }
0x291: {  	v55 =	vmin.f32 v57, v62;
	v57 =	vld [tilespmem:$0x19E0];
	v63 =	vadd.f32 v52, v53;
	v60 =	vsub.f32 v53, v47  }
0x292: {  	vm2 =	vle.f32 v42, v35;
	v41 =	vadd.f32 v43, v41;
	v46 =	vadd.f32 v61, v46  }
0x293: {  	v59 =	vshrl.u32 v56, $0x10;
	v54 =	vsub.f32 v63, v53;
	v61 =	vsub.f32 v53, v60  }
0x294: {  	v43 =	vadd.f32 v46, v45;
	v45 =	vnsel vm1, $0x4B800000, v63;
	v63 =	vnsel vm2, $0x4B800000, v24  }
0x295: {  	v51 =	vand.u32 $0x1, v59;
	v58 =	vsub.f32 v50, v60;
	v50 =	vld [tilespmem:$0x1A60];
	v49 =	vmin.f32 v55, v63  }
0x296: {  	v60 =	vshrl.u32 v57, $0x10;
	v62 =	vnsel vm1, $0x4B800000, v54;
	v42 =	vnsel vm1, $0x0, v61  }
0x297: {  	v63 =	vld [tilespmem:$0x1970];
	v52 =	vsub.f32 v52, v54;
	v61 =	vadd.s32 v51, v56;
	v46 =	vsub.f32 v45, v62  }
0x298: {  	v54 =	vld [tilespmem:$0x19F0];
	v43 =	vnsel vm1, $0x4B800000, v43;
	v42 =	vsub.f32 v47, v42;
	v47 =	vadd.s32 $0x7FFF, v61  }
0x299: {  	v43 =	vadd.f32 v43, v48;
	v47 =	vand.u32 $0xFFFF0000, v47;
	v46 =	vsub.f32 v53, v46  }
0x29a: {  	v53 =	vand.u32 $0x1, v60;
	v42 =	vadd.f32 v42, v58;
	v58 =	vshrl.u32 v50, $0x10  }
0x29b: {  	v47 =	vmul.f32 v47, v37;
	v62 =	vadd.s32 v53, v57;
	v53 =	vand.u32 $0x1, v58  }
0x29c: {  	v60 =	vshrl.u32 v63, $0x10;
	v46 =	vadd.f32 v46, v52;
	v59 =	vadd.s32 v53, v50;
	v50 =	vld [tilespmem:$0x1A70]  }
0x29d: {  	v51 =	vadd.s32 $0x7FFF, v62;
	v53 =	vand.u32 $0x1, v60;
	v61 =	vshrl.u32 v54, $0x10  }
0x29e: {  	v51 =	vand.u32 $0xFFFF0000, v51;
	v52 =	vadd.s32 v53, v63;
	v62 =	vand.u32 $0x1, v61  }
0x29f: {  	v51 =	vmul.f32 v51, v38;
	v42 =	vadd.f32 v46, v42;
	v46 =	vadd.s32 $0x7FFF, v59  }
0x2a0: {  	v53 =	vadd.s32 v62, v54;
	v52 =	vadd.s32 $0x7FFF, v52;
	v46 =	vand.u32 $0xFFFF0000, v46  }
0x2a1: {  	v53 =	vadd.s32 $0x7FFF, v53;
	v52 =	vand.u32 $0xFFFF0000, v52;
	v60 =	vshrl.u32 v50, $0x10  }
0x2a2: {  	v48 =	vadd.f32 v51, v47;
	v46 =	vmul.f32 v46, v39;
	v54 =	vand.u32 $0x1, v60  }
0x2a3: {  	v53 =	vand.u32 $0xFFFF0000, v53;
	v37 =	vmul.f32 v52, v37;
	v50 =	vadd.s32 v54, v50  }
0x2a4: {  	v38 =	vmul.f32 v53, v38;
	v55 =	vsub.f32 v48, v47;
	v50 =	vadd.s32 $0x7FFF, v50  }
0x2a5: {  	v42 =	vnsel vm1, $0x4B800000, v42;
	v61 =	vadd.f32 v46, v48;
	v50 =	vand.u32 $0xFFFF0000, v50  }
0x2a6: {  	v63 =	vsub.f32 v48, v55;
	v39 =	vmul.f32 v50, v39;
	v50 =	vadd.f32 v38, v37  }
0x2a7: {  	v41 =	vmax.f32 v41, $9.999999960e-13;
	v42 =	vadd.f32 v42, v45;
	v52 =	vsub.f32 v61, v48  }
0x2a8: {  	v62 =	vnsel vm1, $0x0, v63;
	v63 =	vsub.f32 v51, v55;
	v51 =	vadd.f32 v39, v50  }
0x2a9: {  	v45 =	vnsel vm1, $0x4B800000, v61;
	v46 =	vsub.f32 v46, v52;
	v47 =	vsub.f32 v47, v62  }
0x2aa: {  	v59 =	vnsel vm1, $0x4B800000, v52;
	v60 =	vsub.f32 v50, v37;
	v62 =	vsub.f32 v51, v50  }
0x2ab: {  	vm2 =	vle.f32 v44, v35;
	v57 =	vld [tilespmem:$0x1CC0];
	v53 =	vsub.f32 v45, v59;
	v44 =	vadd.f32 v47, v63  }
0x2ac: {  	v63 =	vsub.f32 v50, v60;
	v51 =	vnsel vm1, $0x4B800000, v51;
	v58 =	vnsel vm1, $0x4B800000, v62  }
0x2ad: {  	v61 =	vnsel vm2, $0x4B800000, v25;
	v59 =	vld [tilespmem:$0x1CD0];
	v48 =	vsub.f32 v48, v53;
	v53 =	vsub.f32 v51, v58  }
0x2ae: {  	v38 =	vsub.f32 v38, v60;
	v47 =	vnsel vm1, $0x0, v63;
	v39 =	vsub.f32 v39, v62  }
0x2af: {  	vm2 =	vle.f32 v40, v35;
	v37 =	vsub.f32 v37, v47;
	v60 =	vsub.f32 v50, v53  }
0x2b0: {  	v49 =	vmin.f32 v49, v61;
	v46 =	vadd.f32 v48, v46;
	v62 =	vld [tilespmem:$0x1CE0];
	v63 =	vadd.f32 v57, v36  }
0x2b1: {  	v61 =	vnsel vm2, $0x4B800000, v26;
	v37 =	vadd.f32 v37, v38;
	v50 =	vld [tilespmem:$0x1CF0];
	v39 =	vadd.f32 v60, v39  }
0x2b2: {  	vm2 =	vle.f32 v41, v35;
	v44 =	vadd.f32 v46, v44;
	v53 =	vadd.f32 v59, v36  }
0x2b3: {  	v54 =	vnsel vm2, $0x4B800000, v27;
	v47 =	vmin.f32 v49, v61;
	v37 =	vadd.f32 v39, v37  }
0x2b4: {  	v43 =	vadd.f32 v43, v63;
	v56 =	vnsel vm1, $0x4B800000, v44;
	v55 =	vadd.f32 v42, v53  }
0x2b5: {  	v42 =	vadd.f32 v56, v45;
	v38 =	vadd.f32 v62, v36;
	v37 =	vnsel vm1, $0x4B800000, v37  }
0x2b6: {  	v43 =	vmax.f32 v43, $9.999999960e-13;
	v36 =	vadd.f32 v50, v36;
	v37 =	vadd.f32 v37, v51  }
0x2b7: {  	v39 =	vmin.f32 v47, v54;
	v38 =	vadd.f32 v42, v38;
	vm1 =	vle.f32 v43, v35  }
0x2b8: {  	v41 =	vmax.f32 v55, $9.999999960e-13;
	v57 =	vnsel vm1, $0x4B800000, v28;
	v36 =	vadd.f32 v37, v36  }
0x2b9: {  	v38 =	vmax.f32 v38, $9.999999960e-13;
	vm1 =	vle.f32 v41, v35;
	v58 =	vmin.f32 v39, v57  }
0x2ba: {  	v59 =	vnsel vm1, $0x4B800000, v29;
	vm1 =	vle.f32 v38, v35;
	v36 =	vmax.f32 v36, $9.999999960e-13  }
0x2bb: {  	v37 =	vmin.f32 v58, v59;
	v38 =	vnsel vm1, $0x4B800000, v30;
	vm1 =	vle.f32 v36, v35  }
0x2bc: {  	v60 =	vmin.f32 v37, v38;
	v36 =	vnsel vm1, $0x4B800000, v31  }
0x2bd: {  	v35 =	vmin.f32 v60, v36  }
0x2be: {  	(xrf0) =	vmin.scan.msk.f32 $0xffff, v35;
	_ =	sdelay $0x5  }
0x2bf: {  	v35, _, _ =	vpop (xrf0)  }
0x2c0: {  	(v2sf) =	vpush v35, $0xF;
	_ =	sdelay $0xe  }
0x2c1: {  	s29 =	spop (v2sf)  }
0x2c2: {  	s26 =	scvt.f32.s32 s29  }
0x2c3: {  	s30 =	sand.u32 $0xF, s24  }
0x2c4: {  	v61 =	vmov s30;
	s25 =	sadd.s32 s26, s25  }
0x2c5: {  	s31 =	sshrl.u32 s24, $0x4;
	vm1 =	veq.s32 v61, v32;
	v62 =	vmov s25  }
0x2c6: {  	p0 =	seq.s32 s31, $0x0;
	v35 =	vnsel vm1, $0x0, v62  }
0x2c7: {  	v63 =	vpsel !p0, $0x0, v35;
	p0 =	sne.s32 s24, $0x1F  }
.Ltmp0:
0x2c8: {  	_ = 	snop;
	(pc) =	sbr.rel @p0 .LBB2_2-.Ltmp0, $4  }
0x2c9: {  	_ = 	snop  }
0x2ca: {  	p1 =	seq.s32 s31, $0x1  }
0x2cb: {  	s22 =	sadd.s32 $0x80, s22;
	s23 =	sadd.s32 $0x1, s23;
	v35 =	vpsel !p1, $0x0, v35  }
0x2cc: {  	s20 =	sadd.s32 $0x1, s20;
	s21 =	sadd.s32 $0x1, s21;
	s24 =	sadd.s32 $0x1, s24;
	v34 =	vor.u32 v34, v63;
	v33 =	vor.u32 v33, v35  }
0x2cd: {  	s19 =	sadd.s32 $0x1, s19  }
0x2ce: {  	[tilespmem:$0x1D00] =	vst v34;
	p0 =	sne.s32 s19, s9  }
.Ltmp1:
0x2cf: {  	[tilespmem:$0x1D10] =	vst v33;
	(pc) =	sbr.rel @p0 .LBB2_1-.Ltmp1, $4  }
0x2d0: {  	[hbm4b:s8+s3] =	stream.linear.scatter [tilespmem:s18], [sflag:$0x1], $0x20, $0x38;
	[tilespmem:$0x1D80] =	vst v63  }
0x2d1: {  	_ =	swait.ge [sflag:s10], $0x20  }
0x2d2: {  	[sflag:s10] =	ssyncset.done $0x0  }
0x2d3: {  	[sflag:s10] =	ssyncadd.s32 $0xFFFFFFE0  }
0x2d4: {  	_ =	sfence.sel $0x180000  }
0x2d5: {  	[bflag:$0x0] =	sbarrier.arrive $0xFFFF  }
0x2d6: {  	p0 =	sne.s32 s1, $0x0;
	_ =	strace $0x90000047  }
0x2d7: {  	s0 =	sadd.s32 @!p0 $0x100000, s2;
	[bflag:$0x2] =	sbarrier.arrive $0xFFFF  }
0x2d8: {  	[sflag:s0] =	ssyncadd.tile.s32 @!p0 $0x1;
	_ =	shalt  }
.Lfunc_end2:
_tile_overlayer_lowered:
.L_overlay_start_2:
0x2d9: {  	(tag) =	ssettag $0x2  }
0x2da: {  	s0 =	rddreg [dreg:$0x0];
	s2 =	stileid.u32  }
0x2db: {  	s1 =	rddreg [dreg:$0x1];
	p0 =	sne.s32 s2, $0x0  }
0x2dc: {  	s3 =	rddreg [dreg:$0x2];
	[bflag:$0x3] =	sbarrier.arrive $0xFFFF;
	s2 =	simm.s32 @!p0 $0x1C01  }
0x2dd: {  	[timem:s3], [sflag:s2] =	dma.local @!p0 [hbm:s0], s1  }
0x2de: {  	s0 =	simm.s32 @!p0 $0x1  }
0x2df: {  	_ =	swait.ge @!p0 [sflag:s0], s1  }
0x2e0: {  	s1 =	ssub.s32 @!p0 $0x0, s1;
	[sflag:s0] =	ssyncset.done @!p0 $0x0  }
0x2e1: {  	[sflag:s0] =	ssyncadd.s32 @!p0 s1  }
0x2e2: {  	[bflag:$0x3] =	sbarrier.arrive $0xFFFF  }
0x2e3: {  	_ =	shalt  }

</sc_bundles>
